<compile_context>
chip_gen: v7x
topology: tpu7x:2x2x1
jax: 0.10.2.dev20260603
libtpu: 0.0.44.dev20260713+nightly
codegen_flags: <defaults>
</compile_context>

<pallas_src>
import functools

import jax
import jax.numpy as jnp
from jax import lax
from jax.experimental import pallas as pl
from jax.experimental.pallas import tpu as pltpu
from jax.experimental.pallas import tpu_sc as plsc

N = 10000
E = 160000
H = 16
G = 64
NODE_DIM = 128
EDGE_DIM = 16
EPS = 1e-5

NC = 2
NS = 16
NW = NC * NS
CK = 125
CPW = 40
EPW = CPW * CK
KG = 8
N_SH = 10112
NPT = N_SH // NS

_mesh = plsc.VectorSubcoreMesh(core_axis_name="c", subcore_axis_name="s")
_sc_params = pltpu.CompilerParams(use_tc_tiling_on_sc=False)



def _zero_acc(zb, acc, sid):

    def zfill(i, _):
        zb[i] = jnp.zeros((H,), jnp.float32)
        return 0

    lax.fori_loop(0, NPT, zfill, 0)
    pltpu.sync_copy(zb, acc.at[pl.ds(sid * NPT, NPT)])


@functools.partial(
    pl.kernel,
    out_type=[
        jax.ShapeDtypeStruct((E, H), jnp.float32),
        jax.ShapeDtypeStruct((NC, N_SH, H), jnp.float32),
    ],
    mesh=_mesh,
    scratch_types=[
        pltpu.VMEM((CPW, CK), jnp.int32),
        pltpu.VMEM((CPW, CK), jnp.int32),
        pltpu.VMEM((EPW, H), jnp.float32),
        pltpu.VMEM((NPT, H), jnp.float32),
        pltpu.VMEM_SHARED((N_SH, H), jnp.float32),
        pltpu.SemaphoreType.DMA,
        pltpu.SemaphoreType.DMA,
    ],
    compiler_params=_sc_params,
)
def _sc_gather_deg(h_hbm, ei_hbm, hs_hbm, deg_hbm,
                   sidx_v, didx_v, rows_v, zb, acc, sem, dsem):
    cid = lax.axis_index("c")
    sid = lax.axis_index("s")
    wid = cid * NS + sid
    pltpu.sync_copy(ei_hbm.at[0, pl.ds(wid * CPW, CPW)], sidx_v)
    pltpu.sync_copy(ei_hbm.at[1, pl.ds(wid * CPW, CPW)], didx_v)
    _zero_acc(zb, acc, sid)

    def ofill(i, _):
        rows_v[i] = jnp.ones((H,), jnp.float32)
        return 0

    lax.fori_loop(0, CK, ofill, 0)
    plsc.subcore_barrier()

    def group(g, _):
        base = g * KG
        for t in range(KG):
            pltpu.async_copy(rows_v.at[pl.ds(0, CK)],
                             acc.at[didx_v.at[base + t]], dsem, add=True)
        for t in range(KG):
            pltpu.make_async_copy(rows_v.at[pl.ds(0, CK)],
                                  acc.at[didx_v.at[base + t]], dsem).wait()
        return 0

    lax.fori_loop(0, CPW // KG, group, 0)
    plsc.subcore_barrier()
    pltpu.sync_copy(acc.at[pl.ds(sid * NPT, NPT)],
                    deg_hbm.at[cid, pl.ds(sid * NPT, NPT)])

    def ggroup(g, _):
        base = g * KG
        for t in range(KG):
            pltpu.async_copy(h_hbm.at[sidx_v.at[base + t]],
                             rows_v.at[pl.ds((base + t) * CK, CK)], sem)
        for t in range(KG):
            pltpu.make_async_copy(h_hbm.at[sidx_v.at[base + t]],
                                  rows_v.at[pl.ds((base + t) * CK, CK)],
                                  sem).wait()
        return 0

    lax.fori_loop(0, CPW // KG, ggroup, 0)
    pltpu.sync_copy(rows_v, hs_hbm.at[pl.ds(wid * EPW, EPW)])


@functools.partial(
    pl.kernel,
    out_type=jax.ShapeDtypeStruct((E, H), jnp.float32),
    mesh=_mesh,
    scratch_types=[
        pltpu.VMEM((CPW, CK), jnp.int32),
        pltpu.VMEM((EPW, H), jnp.float32),
        pltpu.SemaphoreType.DMA,
        pltpu.SemaphoreType.DMA,
    ],
    compiler_params=_sc_params,
)
def _sc_gather(h_hbm, ei_hbm, out_hbm, idx_v, rows_v, wsem, sem):
    wid = lax.axis_index("c") * NS + lax.axis_index("s")
    pltpu.sync_copy(ei_hbm.at[0, pl.ds(wid * CPW, CPW)], idx_v)

    def group(g, _):
        base = g * KG
        for t in range(KG):
            pltpu.async_copy(h_hbm.at[idx_v.at[base + t]],
                             rows_v.at[pl.ds((base + t) * CK, CK)], sem)
        for t in range(KG):
            pltpu.make_async_copy(h_hbm.at[idx_v.at[base + t]],
                                  rows_v.at[pl.ds((base + t) * CK, CK)],
                                  sem).wait()
        pltpu.async_copy(rows_v.at[pl.ds(base * CK, KG * CK)],
                         out_hbm.at[pl.ds(wid * EPW + base * CK, KG * CK)],
                         wsem)
        return 0

    lax.fori_loop(0, CPW // KG, group, 0)

    def drain(g, _):
        base = g * KG
        pltpu.make_async_copy(
            rows_v.at[pl.ds(base * CK, KG * CK)],
            out_hbm.at[pl.ds(wid * EPW + base * CK, KG * CK)], wsem).wait()
        return 0

    lax.fori_loop(0, CPW // KG, drain, 0)


@functools.partial(
    pl.kernel,
    out_type=jax.ShapeDtypeStruct((NC, N_SH, H), jnp.float32),
    mesh=_mesh,
    scratch_types=[
        pltpu.VMEM((CPW, CK), jnp.int32),
        pltpu.VMEM((EPW, H), jnp.float32),
        pltpu.VMEM((NPT, H), jnp.float32),
        pltpu.VMEM_SHARED((N_SH, H), jnp.float32),
        pltpu.SemaphoreType.DMA,
        pltpu.SemaphoreType.DMA,
    ],
    compiler_params=_sc_params,
)
def _sc_scatter(rows_hbm, ei_hbm, out_hbm, idx_v, rows_v, zb, acc, lsem,
                sem):
    cid = lax.axis_index("c")
    sid = lax.axis_index("s")
    wid = cid * NS + sid
    pltpu.sync_copy(ei_hbm.at[1, pl.ds(wid * CPW, CPW)], idx_v)
    pltpu.async_copy(rows_hbm.at[pl.ds(wid * EPW, KG * CK)],
                     rows_v.at[pl.ds(0, KG * CK)], lsem)
    _zero_acc(zb, acc, sid)
    plsc.subcore_barrier()

    def group(g, _):
        base = g * KG
        pltpu.make_async_copy(
            rows_hbm.at[pl.ds(wid * EPW + base * CK, KG * CK)],
            rows_v.at[pl.ds(base * CK, KG * CK)], lsem).wait()

        @pl.when(g + 1 < CPW // KG)
        def _():
            nb = (g + 1) * KG
            pltpu.async_copy(rows_hbm.at[pl.ds(wid * EPW + nb * CK, KG * CK)],
                             rows_v.at[pl.ds(nb * CK, KG * CK)], lsem)

        for t in range(KG):
            pltpu.async_copy(rows_v.at[pl.ds((base + t) * CK, CK)],
                             acc.at[idx_v.at[base + t]], sem, add=True)
        for t in range(KG):
            pltpu.make_async_copy(rows_v.at[pl.ds((base + t) * CK, CK)],
                                  acc.at[idx_v.at[base + t]], sem).wait()
        return 0

    lax.fori_loop(0, CPW // KG, group, 0)
    plsc.subcore_barrier()
    pltpu.sync_copy(acc.at[pl.ds(sid * NPT, NPT)],
                    out_hbm.at[cid, pl.ds(sid * NPT, NPT)])



_NP = N // 8
_NSP = N_SH // 8
_RE = 6400
_REP = _RE // 8
_EP = E // 8


def _init_body(x_ref, wn_ref, bn_ref, h_ref):
    h_ref[...] = (
        jnp.dot(x_ref[...], wn_ref[...], preferred_element_type=jnp.float32)
        + bn_ref[0:1, :]
    )


def _tc_init(x_p, wn_big, bn_row):
    return pl.pallas_call(
        _init_body,
        out_shape=jax.ShapeDtypeStruct((_NP, 128), jnp.float32),
    )(x_p, wn_big, bn_row)


def _msg_body(hs_ref, ea_ref, wt_ref, r_ref, s_ref, o_ref):
    hs = hs_ref[...].astype(jnp.bfloat16)
    bc = jnp.dot(hs, wt_ref[...], preferred_element_type=jnp.float32)
    b = bc[:, :8 * H * H].astype(jnp.bfloat16)
    bias = bc[:, 8 * H * H:]
    ear = jnp.dot(ea_ref[...].astype(jnp.bfloat16), r_ref[...],
                  preferred_element_type=jnp.float32).astype(jnp.bfloat16)
    z = ear * b
    o_ref[...] = (
        jnp.dot(z, s_ref[...], preferred_element_type=jnp.float32) + bias
    )


def _tc_msg(hs_p, ea_p, wt_cat, r_big, s_big):
    grid = E // _RE
    return pl.pallas_call(
        _msg_body,
        grid=(grid,),
        in_specs=[
            pl.BlockSpec((_REP, 128), lambda i: (i, 0)),
            pl.BlockSpec((_REP, 128), lambda i: (i, 0)),
            pl.BlockSpec((128, 8 * H * H + 128), lambda i: (0, 0)),
            pl.BlockSpec((128, 8 * H * H), lambda i: (0, 0)),
            pl.BlockSpec((8 * H * H, 128), lambda i: (0, 0)),
        ],
        out_specs=pl.BlockSpec((_REP, 128), lambda i: (i, 0)),
        out_shape=jax.ShapeDtypeStruct((_EP, 128), jnp.float32),
    )(hs_p, ea_p, wt_cat, r_big, s_big)


def _new_h(h_ref, ap_ref, dp_ref, wr_ref, v_ref):
    h = h_ref[...]
    deg = jnp.maximum((dp_ref[0] + dp_ref[1])[:_NP], 1.0)
    agg = (ap_ref[0] + ap_ref[1])[:_NP] / deg
    pre = (agg + jnp.dot(h, wr_ref[...], preferred_element_type=jnp.float32))
    out = pre * v_ref[0:1, :] + v_ref[1:2, :]
    return h + jnp.maximum(out, 0.0)


def _update_body(h_ref, ap_ref, dp_ref, wr_ref, v_ref, o_ref):
    o_ref[...] = _new_h(h_ref, ap_ref, dp_ref, wr_ref, v_ref)


def _tc_update(h_p, aggp_p, degp_p, wr_big, vab):
    return pl.pallas_call(
        _update_body,
        out_shape=jax.ShapeDtypeStruct((_NP, 128), jnp.float32),
    )(h_p, aggp_p, degp_p, wr_big, vab)


def _final_body(h_ref, ap_ref, dp_ref, wr_ref, v_ref, b_ref,
                w1_ref, b1_ref, w2_ref, b2_ref, o_ref):
    hn = _new_h(h_ref, ap_ref, dp_ref, wr_ref, v_ref)
    dn = (((0,), (0,)), ((), ()))
    acc = jnp.zeros((G, H), jnp.float32)
    cnt = jnp.zeros((G, H), jnp.float32)
    iota = lax.broadcasted_iota(jnp.int32, (_NP, G), 1)
    for e in range(8):
        onehot = (b_ref[:, e:e + 1] == iota).astype(jnp.float32)
        hslice = hn[:, e * H:(e + 1) * H]
        acc = acc + lax.dot_general(onehot, hslice, dn,
                                    preferred_element_type=jnp.float32)
        cnt = cnt + lax.dot_general(onehot, jnp.ones_like(hslice), dn,
                                    preferred_element_type=jnp.float32)
    pooled = acc / jnp.maximum(cnt, 1.0)
    z = jnp.maximum(
        jnp.dot(pooled, w1_ref[...], preferred_element_type=jnp.float32)
        + b1_ref[0:1, :], 0.0)
    o_ref[...] = (
        jnp.dot(z, w2_ref[...], preferred_element_type=jnp.float32)
        + b2_ref[0:1, 0:1]
    )


def _tc_final(h_p, aggp_p, degp_p, wr_big, vab, batch_p, w1, b1_row, w2,
              b2_row):
    return pl.pallas_call(
        _final_body,
        out_shape=jax.ShapeDtypeStruct((G, 1), jnp.float32),
    )(h_p, aggp_p, degp_p, wr_big, vab, batch_p, w1, b1_row, w2, b2_row)



def kernel(x, edge_index, edge_attr, batch, Wn, bn_, We0, be0, Wr0, br0, g0,
           bt0, We1, be1, Wr1, br1, g1, bt1, We2, be2, Wr2, br2, g2, bt2,
           W1, b1, W2, b2):
    f32 = jnp.float32
    ei = edge_index.reshape(2, NW * CPW, CK)
    eye8 = jnp.eye(8, dtype=f32)

    r_mat = jnp.kron(jnp.eye(H, dtype=f32), jnp.ones((1, H), f32))
    s_mat = jnp.kron(jnp.ones((H, 1), f32), jnp.eye(H, dtype=f32))
    bf16 = jnp.bfloat16
    r_big = jnp.kron(eye8, r_mat).astype(bf16)
    s_big = jnp.kron(eye8, s_mat).astype(bf16)

    scale = 1.0 / jnp.sqrt(1.0 + EPS)
    layers = []
    for (We, be, Wr, br, g, bt) in (
        (We0, be0, Wr0, br0, g0, bt0),
        (We1, be1, Wr1, br1, g1, bt1),
        (We2, be2, Wr2, br2, g2, bt2),
    ):
        wt = We.reshape(H, H, H).transpose(1, 0, 2).reshape(H, H * H)
        wt_cat = jnp.concatenate(
            [jnp.kron(eye8, wt), jnp.kron(eye8, be.reshape(H, H))],
            axis=1).astype(bf16)
        wr_big = jnp.kron(eye8, Wr)
        va = jnp.tile(g * scale, 8)
        vb = jnp.tile(br * g * scale + bt, 8)
        vab = jnp.zeros((8, 128), f32).at[0].set(va).at[1].set(vb)
        layers.append((wt_cat, s_big, wr_big, vab))

    h_p = _tc_init(x.reshape(_NP, 8 * NODE_DIM), jnp.kron(eye8, Wn),
                   jnp.broadcast_to(jnp.tile(bn_, 8), (8, 128)))
    ea_p = edge_attr.reshape(_EP, 128)
    hs, degp = _sc_gather_deg(h_p.reshape(N, H), ei)
    degp_p = degp.reshape(NC, _NSP, 128)

    for li, (wt_cat, s_big_l, wr_big, vab) in enumerate(layers):
        msg_p = _tc_msg(hs.reshape(_EP, 128), ea_p, wt_cat, r_big, s_big_l)
        aggp = _sc_scatter(msg_p.reshape(E, H), ei)
        aggp_p = aggp.reshape(NC, _NSP, 128)
        if li < 2:
            h_p = _tc_update(h_p, aggp_p, degp_p, wr_big, vab)
            hs = _sc_gather(h_p.reshape(N, H), ei)
        else:
            out = _tc_final(h_p, aggp_p, degp_p, wr_big, vab,
                            batch.reshape(_NP, 8), W1,
                            jnp.broadcast_to(b1, (8, 64)), W2,
                            jnp.broadcast_to(b2, (8, 8)))
    return out[:, 0]

# --- scband reference (transcript-rebuilt; emitter-appended) ---
"""Pipeline reference for scband-mpnn-66623532696007 (READ-ONLY COPY).

The authoritative reference and input builder live on the scoring server;
editing this copy changes nothing except your own understanding.
"""

import jax, jax.numpy as jnp
import numpy as np

N = 10000
E = 160000
H = 16
G = 64
NODE_DIM = 128
EDGE_DIM = 16
N_LAYERS = 3
EPS = 1e-5

def setup_inputs(seed: int = 0):
    key = jax.random.key(seed)
    ks = jax.random.split(key, 40)
    inp = {}
    inp["x"] = jax.random.normal(ks[0], (N, NODE_DIM), dtype=jnp.float32)
    inp["edge_index"] = jax.random.randint(ks[1], (2, E), 0, N, dtype=jnp.int32)
    inp["edge_attr"] = jax.random.normal(ks[2], (E, EDGE_DIM), dtype=jnp.float32)
    inp["batch"] = jnp.sort(jax.random.randint(ks[3], (N,), 0, G, dtype=jnp.int32))
    inp["Wn"] = jax.random.normal(ks[4], (NODE_DIM, H), dtype=jnp.float32) * 0.05
    inp["bn_"] = jnp.zeros((H,), dtype=jnp.float32)
    for l in range(N_LAYERS):
        inp["We%d" % l] = jax.random.normal(ks[5 + l], (EDGE_DIM, H * H), dtype=jnp.float32) * 0.05
        inp["be%d" % l] = jnp.zeros((H * H,), dtype=jnp.float32)
        inp["Wr%d" % l] = jax.random.normal(ks[10 + l], (H, H), dtype=jnp.float32) * 0.05
        inp["br%d" % l] = jnp.zeros((H,), dtype=jnp.float32)
        inp["g%d" % l] = jnp.ones((H,), dtype=jnp.float32)
        inp["bt%d" % l] = jnp.zeros((H,), dtype=jnp.float32)
    inp["W1"] = jax.random.normal(ks[20], (H, 64), dtype=jnp.float32) * 0.1
    inp["b1"] = jnp.zeros((64,), dtype=jnp.float32)
    inp["W2"] = jax.random.normal(ks[21], (64, 1), dtype=jnp.float32) * 0.1
    inp["b2"] = jnp.zeros((1,), dtype=jnp.float32)
    return inp

def _forward(x, edge_attr, Wn, bn_, layer_params, W1, b1, W2, b2, edge_index, batch):
    src = edge_index[0]
    dst = edge_index[1]
    h = x @ Wn + bn_
    deg = jnp.zeros((N,), dtype=jnp.float32).at[dst].add(1.0)
    deg = jnp.maximum(deg, 1.0)
    for (We, be, Wr, br, g, bt) in layer_params:
        Wedge = (edge_attr @ We + be).reshape(E, H, H)
        msg = jnp.einsum('ei,eio->eo', h[src], Wedge)
        agg = jnp.zeros((N, H), dtype=jnp.float32).at[dst].add(msg) / deg[:, None]
        out = agg + h @ Wr + br
        out = (out / jnp.sqrt(1.0 + EPS)) * g + bt
        out = jax.nn.relu(out)
        h = h + out
    cnt = jnp.zeros((G,), dtype=jnp.float32).at[batch].add(1.0)
    cnt = jnp.maximum(cnt, 1.0)
    pooled = jnp.zeros((G, H), dtype=jnp.float32).at[batch].add(h) / cnt[:, None]
    z = jax.nn.relu(pooled @ W1 + b1)
    return (z @ W2 + b2).squeeze(-1)

def reference(x, edge_index, edge_attr, batch, Wn, bn_, We0, be0, Wr0, br0, g0, bt0, We1, be1, Wr1, br1, g1, bt1, We2, be2, Wr2, br2, g2, bt2, W1, b1, W2, b2):
    layer_params = [
        (We0, be0, Wr0, br0, g0, bt0),
        (We1, be1, Wr1, br1, g1, bt1),
        (We2, be2, Wr2, br2, g2, bt2),
    ]
    return _forward(x, edge_attr, Wn, bn_, layer_params, W1, b1, W2, b2, edge_index, batch)

if __name__ == "__main__":
    import jax
    _d = setup_inputs()
    print(jax.jit(kernel)(*tuple(_d.values())))

</pallas_src>

<mosaic_0001>
#map = affine_map<(d0, d1) -> (0, 0)>
#map1 = affine_map<(d0, d1) -> (0, 0, 0)>
module attributes {stable_mosaic.version = 14 : i64} {
  func.func @_sc_gather(%arg0: i32, %arg1: i32, %arg2: memref<10000x16xf32, #tpu.memory_space<hbm>>, %arg3: memref<2x1280x125xi32, #tpu.memory_space<hbm>>, %arg4: memref<160000x16xf32, #tpu.memory_space<hbm>>, %arg5: memref<40x125xi32, #tpu.memory_space<vmem>>, %arg6: memref<5000x16xf32, #tpu.memory_space<vmem>>, %arg7: memref<!tpu.dma_semaphore, #tpu.memory_space<semaphore_mem>>, %arg8: memref<!tpu.dma_semaphore, #tpu.memory_space<semaphore_mem>>) attributes {dimension_semantics = [#tpu.dimension_semantics<core_parallel>, #tpu.dimension_semantics<subcore_parallel>], iteration_bounds = array<i64: 2, 16>, scalar_prefetch = 0 : i64, scratch_operands = 4 : i64, tpu.core_type = #tpu.core_type<sc_vector_subcore>, window_params = [{transform_indices = #map}, {transform_indices = #map1}, {transform_indices = #map}]} {
    %mul3A = arith.constant 16 : i32
    %mul3A_0 = arith.muli %arg0, %mul3A : i32
    %add3A = arith.addi %mul3A_0, %arg1 : i32
    %mul3A_1 = arith.constant 40 : i32
    %mul3A_2 = arith.muli %add3A, %mul3A_1 : i32
    %run_scoped3A = arith.constant 0 : i32
    "tpu.region"() ({
      %run_scoped3A_16 = tpu.sem_alloc : memref<!tpu.dma_semaphore, #tpu.memory_space<semaphore_mem>>
      %dma_start3A = arith.constant 0 : i32
      %dma_start3A_17 = tpu.memref_slice %arg3[%run_scoped3A, %mul3A_2, %dma_start3A] : memref<2x1280x125xi32, #tpu.memory_space<hbm>> -> memref<1x40x125xi32, #tpu.memory_space<hbm>>
      %dma_start3A_18 = tpu.memref_squeeze %dma_start3A_17 : memref<1x40x125xi32, #tpu.memory_space<hbm>> -> memref<40x125xi32, #tpu.memory_space<hbm>>
      %dma_start3A_19 = arith.constant 0 : i32
      %dma_start3A_20 = tpu.memref_slice %arg3[%run_scoped3A, %mul3A_2, %dma_start3A_19] : memref<2x1280x125xi32, #tpu.memory_space<hbm>> -> memref<1x40x125xi32, #tpu.memory_space<hbm>>
      %dma_start3A_21 = tpu.memref_squeeze %dma_start3A_20 : memref<1x40x125xi32, #tpu.memory_space<hbm>> -> memref<40x125xi32, #tpu.memory_space<hbm>>
      tpu.enqueue_dma source(%dma_start3A_21 : memref<40x125xi32, #tpu.memory_space<hbm>>) target(%arg5 : memref<40x125xi32, #tpu.memory_space<vmem>>) target_semaphore(%run_scoped3A_16 : memref<!tpu.dma_semaphore, #tpu.memory_space<semaphore_mem>>)
      %dma_wait3A = arith.constant 0 : i32
      %dma_wait3A_22 = tpu.memref_slice %arg3[%run_scoped3A, %mul3A_2, %dma_wait3A] : memref<2x1280x125xi32, #tpu.memory_space<hbm>> -> memref<1x40x125xi32, #tpu.memory_space<hbm>>
      %dma_wait3A_23 = tpu.memref_squeeze %dma_wait3A_22 : memref<1x40x125xi32, #tpu.memory_space<hbm>> -> memref<40x125xi32, #tpu.memory_space<hbm>>
      %dma_wait3A_24 = arith.constant 0 : i32
      %dma_wait3A_25 = tpu.memref_slice %arg3[%run_scoped3A, %mul3A_2, %dma_wait3A_24] : memref<2x1280x125xi32, #tpu.memory_space<hbm>> -> memref<1x40x125xi32, #tpu.memory_space<hbm>>
      %dma_wait3A_26 = tpu.memref_squeeze %dma_wait3A_25 : memref<1x40x125xi32, #tpu.memory_space<hbm>> -> memref<40x125xi32, #tpu.memory_space<hbm>>
      tpu.wait_dma2 semaphore(%run_scoped3A_16 : memref<!tpu.dma_semaphore, #tpu.memory_space<semaphore_mem>>) src(%dma_wait3A_26 : memref<40x125xi32, #tpu.memory_space<hbm>>) dst(%arg5 : memref<40x125xi32, #tpu.memory_space<vmem>>)
      tpu.yield
    }) : () -> ()
    %scan3A = arith.constant 0 : i32
    %scan3A_3 = arith.constant 0 : i32
    %scan3A_4 = arith.constant 5 : i32
    %scan3A_5 = arith.addi %scan3A_3, %scan3A_4 : i32
    %scan3A_6 = arith.constant 1 : i32
    %scan3A_7 = scf.for %scan3A_16 = %scan3A_3 to %scan3A_5 step %scan3A_6 iter_args(%scan3A_17 = %scan3A) -> (i32)  : i32 {
      %mul3A_18 = arith.constant 8 : i32
      %mul3A_19 = arith.muli %scan3A_16, %mul3A_18 : i32
      %add3A_20 = arith.constant 0 : i32
      %add3A_21 = arith.addi %mul3A_19, %add3A_20 : i32
      %add3A_22 = arith.constant 0 : i32
      %add3A_23 = arith.addi %mul3A_19, %add3A_22 : i32
      %mul3A_24 = arith.constant 125 : i32
      %mul3A_25 = arith.muli %add3A_23, %mul3A_24 : i32
      %dma_start3A = arith.constant 0 : i32
      %dma_start3A_26 = tpu.memref_slice %arg6[%mul3A_25, %dma_start3A] : memref<5000x16xf32, #tpu.memory_space<vmem>> -> memref<125x16xf32, #tpu.memory_space<vmem>>
      %dma_start3A_27 = arith.constant 0 : i32
      %dma_start3A_28 = tpu.memref_slice %arg5[%add3A_21, %dma_start3A_27] : memref<40x125xi32, #tpu.memory_space<vmem>> -> memref<1x125xi32, #tpu.memory_space<vmem>>
      %dma_start3A_29 = tpu.memref_squeeze %dma_start3A_28 : memref<1x125xi32, #tpu.memory_space<vmem>> -> memref<125xi32, #tpu.memory_space<vmem>>
      %dma_start3A_30 = arith.constant 0 : i32
      %dma_start3A_31 = arith.constant 0 : i32
      %dma_start3A_32 = tpu.memref_slice %arg2[%dma_start3A_30, %dma_start3A_31] : memref<10000x16xf32, #tpu.memory_space<hbm>> -> memref<10000x16xf32, #tpu.memory_space<hbm>>
      tpu.enqueue_indirect_dma source(%dma_start3A_32 : memref<10000x16xf32, #tpu.memory_space<hbm>>) target(%dma_start3A_26 : memref<125x16xf32, #tpu.memory_space<vmem>>) offsets(%dma_start3A_29 : memref<125xi32, #tpu.memory_space<vmem>>) semaphore(%arg8 : memref<!tpu.dma_semaphore, #tpu.memory_space<semaphore_mem>>)
      %add3A_33 = arith.constant 1 : i32
      %add3A_34 = arith.addi %mul3A_19, %add3A_33 : i32
      %add3A_35 = arith.constant 1 : i32
      %add3A_36 = arith.addi %mul3A_19, %add3A_35 : i32
      %mul3A_37 = arith.constant 125 : i32
      %mul3A_38 = arith.muli %add3A_36, %mul3A_37 : i32
      %dma_start3A_39 = arith.constant 0 : i32
      %dma_start3A_40 = tpu.memref_slice %arg6[%mul3A_38, %dma_start3A_39] : memref<5000x16xf32, #tpu.memory_space<vmem>> -> memref<125x16xf32, #tpu.memory_space<vmem>>
      %dma_start3A_41 = arith.constant 0 : i32
      %dma_start3A_42 = tpu.memref_slice %arg5[%add3A_34, %dma_start3A_41] : memref<40x125xi32, #tpu.memory_space<vmem>> -> memref<1x125xi32, #tpu.memory_space<vmem>>
      %dma_start3A_43 = tpu.memref_squeeze %dma_start3A_42 : memref<1x125xi32, #tpu.memory_space<vmem>> -> memref<125xi32, #tpu.memory_space<vmem>>
      %dma_start3A_44 = arith.constant 0 : i32
      %dma_start3A_45 = arith.constant 0 : i32
      %dma_start3A_46 = tpu.memref_slice %arg2[%dma_start3A_44, %dma_start3A_45] : memref<10000x16xf32, #tpu.memory_space<hbm>> -> memref<10000x16xf32, #tpu.memory_space<hbm>>
      tpu.enqueue_indirect_dma source(%dma_start3A_46 : memref<10000x16xf32, #tpu.memory_space<hbm>>) target(%dma_start3A_40 : memref<125x16xf32, #tpu.memory_space<vmem>>) offsets(%dma_start3A_43 : memref<125xi32, #tpu.memory_space<vmem>>) semaphore(%arg8 : memref<!tpu.dma_semaphore, #tpu.memory_space<semaphore_mem>>)
      %add3A_47 = arith.constant 2 : i32
      %add3A_48 = arith.addi %mul3A_19, %add3A_47 : i32
      %add3A_49 = arith.constant 2 : i32
      %add3A_50 = arith.addi %mul3A_19, %add3A_49 : i32
      %mul3A_51 = arith.constant 125 : i32
      %mul3A_52 = arith.muli %add3A_50, %mul3A_51 : i32
      %dma_start3A_53 = arith.constant 0 : i32
      %dma_start3A_54 = tpu.memref_slice %arg6[%mul3A_52, %dma_start3A_53] : memref<5000x16xf32, #tpu.memory_space<vmem>> -> memref<125x16xf32, #tpu.memory_space<vmem>>
      %dma_start3A_55 = arith.constant 0 : i32
      %dma_start3A_56 = tpu.memref_slice %arg5[%add3A_48, %dma_start3A_55] : memref<40x125xi32, #tpu.memory_space<vmem>> -> memref<1x125xi32, #tpu.memory_space<vmem>>
      %dma_start3A_57 = tpu.memref_squeeze %dma_start3A_56 : memref<1x125xi32, #tpu.memory_space<vmem>> -> memref<125xi32, #tpu.memory_space<vmem>>
      %dma_start3A_58 = arith.constant 0 : i32
      %dma_start3A_59 = arith.constant 0 : i32
      %dma_start3A_60 = tpu.memref_slice %arg2[%dma_start3A_58, %dma_start3A_59] : memref<10000x16xf32, #tpu.memory_space<hbm>> -> memref<10000x16xf32, #tpu.memory_space<hbm>>
      tpu.enqueue_indirect_dma source(%dma_start3A_60 : memref<10000x16xf32, #tpu.memory_space<hbm>>) target(%dma_start3A_54 : memref<125x16xf32, #tpu.memory_space<vmem>>) offsets(%dma_start3A_57 : memref<125xi32, #tpu.memory_space<vmem>>) semaphore(%arg8 : memref<!tpu.dma_semaphore, #tpu.memory_space<semaphore_mem>>)
      %add3A_61 = arith.constant 3 : i32
      %add3A_62 = arith.addi %mul3A_19, %add3A_61 : i32
      %add3A_63 = arith.constant 3 : i32
      %add3A_64 = arith.addi %mul3A_19, %add3A_63 : i32
      %mul3A_65 = arith.constant 125 : i32
      %mul3A_66 = arith.muli %add3A_64, %mul3A_65 : i32
      %dma_start3A_67 = arith.constant 0 : i32
      %dma_start3A_68 = tpu.memref_slice %arg6[%mul3A_66, %dma_start3A_67] : memref<5000x16xf32, #tpu.memory_space<vmem>> -> memref<125x16xf32, #tpu.memory_space<vmem>>
      %dma_start3A_69 = arith.constant 0 : i32
      %dma_start3A_70 = tpu.memref_slice %arg5[%add3A_62, %dma_start3A_69] : memref<40x125xi32, #tpu.memory_space<vmem>> -> memref<1x125xi32, #tpu.memory_space<vmem>>
      %dma_start3A_71 = tpu.memref_squeeze %dma_start3A_70 : memref<1x125xi32, #tpu.memory_space<vmem>> -> memref<125xi32, #tpu.memory_space<vmem>>
      %dma_start3A_72 = arith.constant 0 : i32
      %dma_start3A_73 = arith.constant 0 : i32
      %dma_start3A_74 = tpu.memref_slice %arg2[%dma_start3A_72, %dma_start3A_73] : memref<10000x16xf32, #tpu.memory_space<hbm>> -> memref<10000x16xf32, #tpu.memory_space<hbm>>
      tpu.enqueue_indirect_dma source(%dma_start3A_74 : memref<10000x16xf32, #tpu.memory_space<hbm>>) target(%dma_start3A_68 : memref<125x16xf32, #tpu.memory_space<vmem>>) offsets(%dma_start3A_71 : memref<125xi32, #tpu.memory_space<vmem>>) semaphore(%arg8 : memref<!tpu.dma_semaphore, #tpu.memory_space<semaphore_mem>>)
      %add3A_75 = arith.constant 4 : i32
      %add3A_76 = arith.addi %mul3A_19, %add3A_75 : i32
      %add3A_77 = arith.constant 4 : i32
      %add3A_78 = arith.addi %mul3A_19, %add3A_77 : i32
      %mul3A_79 = arith.constant 125 : i32
      %mul3A_80 = arith.muli %add3A_78, %mul3A_79 : i32
      %dma_start3A_81 = arith.constant 0 : i32
      %dma_start3A_82 = tpu.memref_slice %arg6[%mul3A_80, %dma_start3A_81] : memref<5000x16xf32, #tpu.memory_space<vmem>> -> memref<125x16xf32, #tpu.memory_space<vmem>>
      %dma_start3A_83 = arith.constant 0 : i32
      %dma_start3A_84 = tpu.memref_slice %arg5[%add3A_76, %dma_start3A_83] : memref<40x125xi32, #tpu.memory_space<vmem>> -> memref<1x125xi32, #tpu.memory_space<vmem>>
      %dma_start3A_85 = tpu.memref_squeeze %dma_start3A_84 : memref<1x125xi32, #tpu.memory_space<vmem>> -> memref<125xi32, #tpu.memory_space<vmem>>
      %dma_start3A_86 = arith.constant 0 : i32
      %dma_start3A_87 = arith.constant 0 : i32
      %dma_start3A_88 = tpu.memref_slice %arg2[%dma_start3A_86, %dma_start3A_87] : memref<10000x16xf32, #tpu.memory_space<hbm>> -> memref<10000x16xf32, #tpu.memory_space<hbm>>
      tpu.enqueue_indirect_dma source(%dma_start3A_88 : memref<10000x16xf32, #tpu.memory_space<hbm>>) target(%dma_start3A_82 : memref<125x16xf32, #tpu.memory_space<vmem>>) offsets(%dma_start3A_85 : memref<125xi32, #tpu.memory_space<vmem>>) semaphore(%arg8 : memref<!tpu.dma_semaphore, #tpu.memory_space<semaphore_mem>>)
      %add3A_89 = arith.constant 5 : i32
      %add3A_90 = arith.addi %mul3A_19, %add3A_89 : i32
      %add3A_91 = arith.constant 5 : i32
      %add3A_92 = arith.addi %mul3A_19, %add3A_91 : i32
      %mul3A_93 = arith.constant 125 : i32
      %mul3A_94 = arith.muli %add3A_92, %mul3A_93 : i32
      %dma_start3A_95 = arith.constant 0 : i32
      %dma_start3A_96 = tpu.memref_slice %arg6[%mul3A_94, %dma_start3A_95] : memref<5000x16xf32, #tpu.memory_space<vmem>> -> memref<125x16xf32, #tpu.memory_space<vmem>>
      %dma_start3A_97 = arith.constant 0 : i32
      %dma_start3A_98 = tpu.memref_slice %arg5[%add3A_90, %dma_start3A_97] : memref<40x125xi32, #tpu.memory_space<vmem>> -> memref<1x125xi32, #tpu.memory_space<vmem>>
      %dma_start3A_99 = tpu.memref_squeeze %dma_start3A_98 : memref<1x125xi32, #tpu.memory_space<vmem>> -> memref<125xi32, #tpu.memory_space<vmem>>
      %dma_start3A_100 = arith.constant 0 : i32
      %dma_start3A_101 = arith.constant 0 : i32
      %dma_start3A_102 = tpu.memref_slice %arg2[%dma_start3A_100, %dma_start3A_101] : memref<10000x16xf32, #tpu.memory_space<hbm>> -> memref<10000x16xf32, #tpu.memory_space<hbm>>
      tpu.enqueue_indirect_dma source(%dma_start3A_102 : memref<10000x16xf32, #tpu.memory_space<hbm>>) target(%dma_start3A_96 : memref<125x16xf32, #tpu.memory_space<vmem>>) offsets(%dma_start3A_99 : memref<125xi32, #tpu.memory_space<vmem>>) semaphore(%arg8 : memref<!tpu.dma_semaphore, #tpu.memory_space<semaphore_mem>>)
      %add3A_103 = arith.constant 6 : i32
      %add3A_104 = arith.addi %mul3A_19, %add3A_103 : i32
      %add3A_105 = arith.constant 6 : i32
      %add3A_106 = arith.addi %mul3A_19, %add3A_105 : i32
      %mul3A_107 = arith.constant 125 : i32
      %mul3A_108 = arith.muli %add3A_106, %mul3A_107 : i32
      %dma_start3A_109 = arith.constant 0 : i32
      %dma_start3A_110 = tpu.memref_slice %arg6[%mul3A_108, %dma_start3A_109] : memref<5000x16xf32, #tpu.memory_space<vmem>> -> memref<125x16xf32, #tpu.memory_space<vmem>>
      %dma_start3A_111 = arith.constant 0 : i32
      %dma_start3A_112 = tpu.memref_slice %arg5[%add3A_104, %dma_start3A_111] : memref<40x125xi32, #tpu.memory_space<vmem>> -> memref<1x125xi32, #tpu.memory_space<vmem>>
      %dma_start3A_113 = tpu.memref_squeeze %dma_start3A_112 : memref<1x125xi32, #tpu.memory_space<vmem>> -> memref<125xi32, #tpu.memory_space<vmem>>
      %dma_start3A_114 = arith.constant 0 : i32
      %dma_start3A_115 = arith.constant 0 : i32
      %dma_start3A_116 = tpu.memref_slice %arg2[%dma_start3A_114, %dma_start3A_115] : memref<10000x16xf32, #tpu.memory_space<hbm>> -> memref<10000x16xf32, #tpu.memory_space<hbm>>
      tpu.enqueue_indirect_dma source(%dma_start3A_116 : memref<10000x16xf32, #tpu.memory_space<hbm>>) target(%dma_start3A_110 : memref<125x16xf32, #tpu.memory_space<vmem>>) offsets(%dma_start3A_113 : memref<125xi32, #tpu.memory_space<vmem>>) semaphore(%arg8 : memref<!tpu.dma_semaphore, #tpu.memory_space<semaphore_mem>>)
      %add3A_117 = arith.constant 7 : i32
      %add3A_118 = arith.addi %mul3A_19, %add3A_117 : i32
      %add3A_119 = arith.constant 7 : i32
      %add3A_120 = arith.addi %mul3A_19, %add3A_119 : i32
      %mul3A_121 = arith.constant 125 : i32
      %mul3A_122 = arith.muli %add3A_120, %mul3A_121 : i32
      %dma_start3A_123 = arith.constant 0 : i32
      %dma_start3A_124 = tpu.memref_slice %arg6[%mul3A_122, %dma_start3A_123] : memref<5000x16xf32, #tpu.memory_space<vmem>> -> memref<125x16xf32, #tpu.memory_space<vmem>>
      %dma_start3A_125 = arith.constant 0 : i32
      %dma_start3A_126 = tpu.memref_slice %arg5[%add3A_118, %dma_start3A_125] : memref<40x125xi32, #tpu.memory_space<vmem>> -> memref<1x125xi32, #tpu.memory_space<vmem>>
      %dma_start3A_127 = tpu.memref_squeeze %dma_start3A_126 : memref<1x125xi32, #tpu.memory_space<vmem>> -> memref<125xi32, #tpu.memory_space<vmem>>
      %dma_start3A_128 = arith.constant 0 : i32
      %dma_start3A_129 = arith.constant 0 : i32
      %dma_start3A_130 = tpu.memref_slice %arg2[%dma_start3A_128, %dma_start3A_129] : memref<10000x16xf32, #tpu.memory_space<hbm>> -> memref<10000x16xf32, #tpu.memory_space<hbm>>
      tpu.enqueue_indirect_dma source(%dma_start3A_130 : memref<10000x16xf32, #tpu.memory_space<hbm>>) target(%dma_start3A_124 : memref<125x16xf32, #tpu.memory_space<vmem>>) offsets(%dma_start3A_127 : memref<125xi32, #tpu.memory_space<vmem>>) semaphore(%arg8 : memref<!tpu.dma_semaphore, #tpu.memory_space<semaphore_mem>>)
      %add3A_131 = arith.constant 0 : i32
      %add3A_132 = arith.addi %mul3A_19, %add3A_131 : i32
      %add3A_133 = arith.constant 0 : i32
      %add3A_134 = arith.addi %mul3A_19, %add3A_133 : i32
      %mul3A_135 = arith.constant 125 : i32
      %mul3A_136 = arith.muli %add3A_134, %mul3A_135 : i32
      %dma_wait3A = arith.constant 0 : i32
      %dma_wait3A_137 = tpu.memref_slice %arg6[%mul3A_136, %dma_wait3A] : memref<5000x16xf32, #tpu.memory_space<vmem>> -> memref<125x16xf32, #tpu.memory_space<vmem>>
      %dma_wait3A_138 = arith.constant 0 : i32
      %dma_wait3A_139 = tpu.memref_slice %arg5[%add3A_132, %dma_wait3A_138] : memref<40x125xi32, #tpu.memory_space<vmem>> -> memref<1x125xi32, #tpu.memory_space<vmem>>
      %dma_wait3A_140 = tpu.memref_squeeze %dma_wait3A_139 : memref<1x125xi32, #tpu.memory_space<vmem>> -> memref<125xi32, #tpu.memory_space<vmem>>
      %dma_wait3A_141 = arith.constant 0 : i32
      %dma_wait3A_142 = arith.constant 0 : i32
      %dma_wait3A_143 = tpu.memref_slice %arg2[%dma_wait3A_141, %dma_wait3A_142] : memref<10000x16xf32, #tpu.memory_space<hbm>> -> memref<10000x16xf32, #tpu.memory_space<hbm>>
      tpu.wait_indirect_dma semaphore(%arg8 : memref<!tpu.dma_semaphore, #tpu.memory_space<semaphore_mem>>) src(%dma_wait3A_143 : memref<10000x16xf32, #tpu.memory_space<hbm>>) dst(%dma_wait3A_137 : memref<125x16xf32, #tpu.memory_space<vmem>>)
      %add3A_144 = arith.constant 1 : i32
      %add3A_145 = arith.addi %mul3A_19, %add3A_144 : i32
      %add3A_146 = arith.constant 1 : i32
      %add3A_147 = arith.addi %mul3A_19, %add3A_146 : i32
      %mul3A_148 = arith.constant 125 : i32
      %mul3A_149 = arith.muli %add3A_147, %mul3A_148 : i32
      %dma_wait3A_150 = arith.constant 0 : i32
      %dma_wait3A_151 = tpu.memref_slice %arg6[%mul3A_149, %dma_wait3A_150] : memref<5000x16xf32, #tpu.memory_space<vmem>> -> memref<125x16xf32, #tpu.memory_space<vmem>>
      %dma_wait3A_152 = arith.constant 0 : i32
      %dma_wait3A_153 = tpu.memref_slice %arg5[%add3A_145, %dma_wait3A_152] : memref<40x125xi32, #tpu.memory_space<vmem>> -> memref<1x125xi32, #tpu.memory_space<vmem>>
      %dma_wait3A_154 = tpu.memref_squeeze %dma_wait3A_153 : memref<1x125xi32, #tpu.memory_space<vmem>> -> memref<125xi32, #tpu.memory_space<vmem>>
      %dma_wait3A_155 = arith.constant 0 : i32
      %dma_wait3A_156 = arith.constant 0 : i32
      %dma_wait3A_157 = tpu.memref_slice %arg2[%dma_wait3A_155, %dma_wait3A_156] : memref<10000x16xf32, #tpu.memory_space<hbm>> -> memref<10000x16xf32, #tpu.memory_space<hbm>>
      tpu.wait_indirect_dma semaphore(%arg8 : memref<!tpu.dma_semaphore, #tpu.memory_space<semaphore_mem>>) src(%dma_wait3A_157 : memref<10000x16xf32, #tpu.memory_space<hbm>>) dst(%dma_wait3A_151 : memref<125x16xf32, #tpu.memory_space<vmem>>)
      %add3A_158 = arith.constant 2 : i32
      %add3A_159 = arith.addi %mul3A_19, %add3A_158 : i32
      %add3A_160 = arith.constant 2 : i32
      %add3A_161 = arith.addi %mul3A_19, %add3A_160 : i32
      %mul3A_162 = arith.constant 125 : i32
      %mul3A_163 = arith.muli %add3A_161, %mul3A_162 : i32
      %dma_wait3A_164 = arith.constant 0 : i32
      %dma_wait3A_165 = tpu.memref_slice %arg6[%mul3A_163, %dma_wait3A_164] : memref<5000x16xf32, #tpu.memory_space<vmem>> -> memref<125x16xf32, #tpu.memory_space<vmem>>
      %dma_wait3A_166 = arith.constant 0 : i32
      %dma_wait3A_167 = tpu.memref_slice %arg5[%add3A_159, %dma_wait3A_166] : memref<40x125xi32, #tpu.memory_space<vmem>> -> memref<1x125xi32, #tpu.memory_space<vmem>>
      %dma_wait3A_168 = tpu.memref_squeeze %dma_wait3A_167 : memref<1x125xi32, #tpu.memory_space<vmem>> -> memref<125xi32, #tpu.memory_space<vmem>>
      %dma_wait3A_169 = arith.constant 0 : i32
      %dma_wait3A_170 = arith.constant 0 : i32
      %dma_wait3A_171 = tpu.memref_slice %arg2[%dma_wait3A_169, %dma_wait3A_170] : memref<10000x16xf32, #tpu.memory_space<hbm>> -> memref<10000x16xf32, #tpu.memory_space<hbm>>
      tpu.wait_indirect_dma semaphore(%arg8 : memref<!tpu.dma_semaphore, #tpu.memory_space<semaphore_mem>>) src(%dma_wait3A_171 : memref<10000x16xf32, #tpu.memory_space<hbm>>) dst(%dma_wait3A_165 : memref<125x16xf32, #tpu.memory_space<vmem>>)
      %add3A_172 = arith.constant 3 : i32
      %add3A_173 = arith.addi %mul3A_19, %add3A_172 : i32
      %add3A_174 = arith.constant 3 : i32
      %add3A_175 = arith.addi %mul3A_19, %add3A_174 : i32
      %mul3A_176 = arith.constant 125 : i32
      %mul3A_177 = arith.muli %add3A_175, %mul3A_176 : i32
      %dma_wait3A_178 = arith.constant 0 : i32
      %dma_wait3A_179 = tpu.memref_slice %arg6[%mul3A_177, %dma_wait3A_178] : memref<5000x16xf32, #tpu.memory_space<vmem>> -> memref<125x16xf32, #tpu.memory_space<vmem>>
      %dma_wait3A_180 = arith.constant 0 : i32
      %dma_wait3A_181 = tpu.memref_slice %arg5[%add3A_173, %dma_wait3A_180] : memref<40x125xi32, #tpu.memory_space<vmem>> -> memref<1x125xi32, #tpu.memory_space<vmem>>
      %dma_wait3A_182 = tpu.memref_squeeze %dma_wait3A_181 : memref<1x125xi32, #tpu.memory_space<vmem>> -> memref<125xi32, #tpu.memory_space<vmem>>
      %dma_wait3A_183 = arith.constant 0 : i32
      %dma_wait3A_184 = arith.constant 0 : i32
      %dma_wait3A_185 = tpu.memref_slice %arg2[%dma_wait3A_183, %dma_wait3A_184] : memref<10000x16xf32, #tpu.memory_space<hbm>> -> memref<10000x16xf32, #tpu.memory_space<hbm>>
      tpu.wait_indirect_dma semaphore(%arg8 : memref<!tpu.dma_semaphore, #tpu.memory_space<semaphore_mem>>) src(%dma_wait3A_185 : memref<10000x16xf32, #tpu.memory_space<hbm>>) dst(%dma_wait3A_179 : memref<125x16xf32, #tpu.memory_space<vmem>>)
      %add3A_186 = arith.constant 4 : i32
      %add3A_187 = arith.addi %mul3A_19, %add3A_186 : i32
      %add3A_188 = arith.constant 4 : i32
      %add3A_189 = arith.addi %mul3A_19, %add3A_188 : i32
      %mul3A_190 = arith.constant 125 : i32
      %mul3A_191 = arith.muli %add3A_189, %mul3A_190 : i32
      %dma_wait3A_192 = arith.constant 0 : i32
      %dma_wait3A_193 = tpu.memref_slice %arg6[%mul3A_191, %dma_wait3A_192] : memref<5000x16xf32, #tpu.memory_space<vmem>> -> memref<125x16xf32, #tpu.memory_space<vmem>>
      %dma_wait3A_194 = arith.constant 0 : i32
      %dma_wait3A_195 = tpu.memref_slice %arg5[%add3A_187, %dma_wait3A_194] : memref<40x125xi32, #tpu.memory_space<vmem>> -> memref<1x125xi32, #tpu.memory_space<vmem>>
      %dma_wait3A_196 = tpu.memref_squeeze %dma_wait3A_195 : memref<1x125xi32, #tpu.memory_space<vmem>> -> memref<125xi32, #tpu.memory_space<vmem>>
      %dma_wait3A_197 = arith.constant 0 : i32
      %dma_wait3A_198 = arith.constant 0 : i32
      %dma_wait3A_199 = tpu.memref_slice %arg2[%dma_wait3A_197, %dma_wait3A_198] : memref<10000x16xf32, #tpu.memory_space<hbm>> -> memref<10000x16xf32, #tpu.memory_space<hbm>>
      tpu.wait_indirect_dma semaphore(%arg8 : memref<!tpu.dma_semaphore, #tpu.memory_space<semaphore_mem>>) src(%dma_wait3A_199 : memref<10000x16xf32, #tpu.memory_space<hbm>>) dst(%dma_wait3A_193 : memref<125x16xf32, #tpu.memory_space<vmem>>)
      %add3A_200 = arith.constant 5 : i32
      %add3A_201 = arith.addi %mul3A_19, %add3A_200 : i32
      %add3A_202 = arith.constant 5 : i32
      %add3A_203 = arith.addi %mul3A_19, %add3A_202 : i32
      %mul3A_204 = arith.constant 125 : i32
      %mul3A_205 = arith.muli %add3A_203, %mul3A_204 : i32
      %dma_wait3A_206 = arith.constant 0 : i32
      %dma_wait3A_207 = tpu.memref_slice %arg6[%mul3A_205, %dma_wait3A_206] : memref<5000x16xf32, #tpu.memory_space<vmem>> -> memref<125x16xf32, #tpu.memory_space<vmem>>
      %dma_wait3A_208 = arith.constant 0 : i32
      %dma_wait3A_209 = tpu.memref_slice %arg5[%add3A_201, %dma_wait3A_208] : memref<40x125xi32, #tpu.memory_space<vmem>> -> memref<1x125xi32, #tpu.memory_space<vmem>>
      %dma_wait3A_210 = tpu.memref_squeeze %dma_wait3A_209 : memref<1x125xi32, #tpu.memory_space<vmem>> -> memref<125xi32, #tpu.memory_space<vmem>>
      %dma_wait3A_211 = arith.constant 0 : i32
      %dma_wait3A_212 = arith.constant 0 : i32
      %dma_wait3A_213 = tpu.memref_slice %arg2[%dma_wait3A_211, %dma_wait3A_212] : memref<10000x16xf32, #tpu.memory_space<hbm>> -> memref<10000x16xf32, #tpu.memory_space<hbm>>
      tpu.wait_indirect_dma semaphore(%arg8 : memref<!tpu.dma_semaphore, #tpu.memory_space<semaphore_mem>>) src(%dma_wait3A_213 : memref<10000x16xf32, #tpu.memory_space<hbm>>) dst(%dma_wait3A_207 : memref<125x16xf32, #tpu.memory_space<vmem>>)
      %add3A_214 = arith.constant 6 : i32
      %add3A_215 = arith.addi %mul3A_19, %add3A_214 : i32
      %add3A_216 = arith.constant 6 : i32
      %add3A_217 = arith.addi %mul3A_19, %add3A_216 : i32
      %mul3A_218 = arith.constant 125 : i32
      %mul3A_219 = arith.muli %add3A_217, %mul3A_218 : i32
      %dma_wait3A_220 = arith.constant 0 : i32
      %dma_wait3A_221 = tpu.memref_slice %arg6[%mul3A_219, %dma_wait3A_220] : memref<5000x16xf32, #tpu.memory_space<vmem>> -> memref<125x16xf32, #tpu.memory_space<vmem>>
      %dma_wait3A_222 = arith.constant 0 : i32
      %dma_wait3A_223 = tpu.memref_slice %arg5[%add3A_215, %dma_wait3A_222] : memref<40x125xi32, #tpu.memory_space<vmem>> -> memref<1x125xi32, #tpu.memory_space<vmem>>
      %dma_wait3A_224 = tpu.memref_squeeze %dma_wait3A_223 : memref<1x125xi32, #tpu.memory_space<vmem>> -> memref<125xi32, #tpu.memory_space<vmem>>
      %dma_wait3A_225 = arith.constant 0 : i32
      %dma_wait3A_226 = arith.constant 0 : i32
      %dma_wait3A_227 = tpu.memref_slice %arg2[%dma_wait3A_225, %dma_wait3A_226] : memref<10000x16xf32, #tpu.memory_space<hbm>> -> memref<10000x16xf32, #tpu.memory_space<hbm>>
      tpu.wait_indirect_dma semaphore(%arg8 : memref<!tpu.dma_semaphore, #tpu.memory_space<semaphore_mem>>) src(%dma_wait3A_227 : memref<10000x16xf32, #tpu.memory_space<hbm>>) dst(%dma_wait3A_221 : memref<125x16xf32, #tpu.memory_space<vmem>>)
      %add3A_228 = arith.constant 7 : i32
      %add3A_229 = arith.addi %mul3A_19, %add3A_228 : i32
      %add3A_230 = arith.constant 7 : i32
      %add3A_231 = arith.addi %mul3A_19, %add3A_230 : i32
      %mul3A_232 = arith.constant 125 : i32
      %mul3A_233 = arith.muli %add3A_231, %mul3A_232 : i32
      %dma_wait3A_234 = arith.constant 0 : i32
      %dma_wait3A_235 = tpu.memref_slice %arg6[%mul3A_233, %dma_wait3A_234] : memref<5000x16xf32, #tpu.memory_space<vmem>> -> memref<125x16xf32, #tpu.memory_space<vmem>>
      %dma_wait3A_236 = arith.constant 0 : i32
      %dma_wait3A_237 = tpu.memref_slice %arg5[%add3A_229, %dma_wait3A_236] : memref<40x125xi32, #tpu.memory_space<vmem>> -> memref<1x125xi32, #tpu.memory_space<vmem>>
      %dma_wait3A_238 = tpu.memref_squeeze %dma_wait3A_237 : memref<1x125xi32, #tpu.memory_space<vmem>> -> memref<125xi32, #tpu.memory_space<vmem>>
      %dma_wait3A_239 = arith.constant 0 : i32
      %dma_wait3A_240 = arith.constant 0 : i32
      %dma_wait3A_241 = tpu.memref_slice %arg2[%dma_wait3A_239, %dma_wait3A_240] : memref<10000x16xf32, #tpu.memory_space<hbm>> -> memref<10000x16xf32, #tpu.memory_space<hbm>>
      tpu.wait_indirect_dma semaphore(%arg8 : memref<!tpu.dma_semaphore, #tpu.memory_space<semaphore_mem>>) src(%dma_wait3A_241 : memref<10000x16xf32, #tpu.memory_space<hbm>>) dst(%dma_wait3A_235 : memref<125x16xf32, #tpu.memory_space<vmem>>)
      %mul3A_242 = arith.constant 125 : i32
      %mul3A_243 = arith.muli %mul3A_19, %mul3A_242 : i32
      %mul3A_244 = arith.constant 5000 : i32
      %mul3A_245 = arith.muli %add3A, %mul3A_244 : i32
      %mul3A_246 = arith.constant 125 : i32
      %mul3A_247 = arith.muli %mul3A_19, %mul3A_246 : i32
      %add3A_248 = arith.addi %mul3A_245, %mul3A_247 : i32
      %dma_start3A_249 = arith.constant 0 : i32
      %dma_start3A_250 = tpu.memref_slice %arg6[%mul3A_243, %dma_start3A_249] : memref<5000x16xf32, #tpu.memory_space<vmem>> -> memref<1000x16xf32, #tpu.memory_space<vmem>>
      %dma_start3A_251 = arith.constant 0 : i32
      %dma_start3A_252 = tpu.memref_slice %arg4[%add3A_248, %dma_start3A_251] : memref<160000x16xf32, #tpu.memory_space<hbm>> -> memref<1000x16xf32, #tpu.memory_space<hbm>>
      %dma_start3A_253 = arith.constant 0 : i32
      %dma_start3A_254 = tpu.memref_slice %arg4[%add3A_248, %dma_start3A_253] : memref<160000x16xf32, #tpu.memory_space<hbm>> -> memref<1000x16xf32, #tpu.memory_space<hbm>>
      %dma_start3A_255 = arith.constant 0 : i32
      %dma_start3A_256 = tpu.memref_slice %arg6[%mul3A_243, %dma_start3A_255] : memref<5000x16xf32, #tpu.memory_space<vmem>> -> memref<1000x16xf32, #tpu.memory_space<vmem>>
      tpu.enqueue_dma source(%dma_start3A_256 : memref<1000x16xf32, #tpu.memory_space<vmem>>) target(%dma_start3A_254 : memref<1000x16xf32, #tpu.memory_space<hbm>>) target_semaphore(%arg7 : memref<!tpu.dma_semaphore, #tpu.memory_space<semaphore_mem>>)
      %scan3A_257 = arith.constant 0 : i32
      scf.yield %scan3A_257 : i32
    }
    %scan3A_8 = arith.constant 5 : i32
    %scan3A_9 = arith.constant 0 : i32
    %scan3A_10 = arith.constant 0 : i32
    %scan3A_11 = arith.constant 5 : i32
    %scan3A_12 = arith.addi %scan3A_10, %scan3A_11 : i32
    %scan3A_13 = arith.constant 1 : i32
    %scan3A_14 = scf.for %scan3A_16 = %scan3A_10 to %scan3A_12 step %scan3A_13 iter_args(%scan3A_17 = %scan3A_9) -> (i32)  : i32 {
      %mul3A_18 = arith.constant 8 : i32
      %mul3A_19 = arith.muli %scan3A_16, %mul3A_18 : i32
      %mul3A_20 = arith.constant 125 : i32
      %mul3A_21 = arith.muli %mul3A_19, %mul3A_20 : i32
      %mul3A_22 = arith.constant 5000 : i32
      %mul3A_23 = arith.muli %add3A, %mul3A_22 : i32
      %mul3A_24 = arith.constant 125 : i32
      %mul3A_25 = arith.muli %mul3A_19, %mul3A_24 : i32
      %add3A_26 = arith.addi %mul3A_23, %mul3A_25 : i32
      %dma_wait3A = arith.constant 0 : i32
      %dma_wait3A_27 = tpu.memref_slice %arg6[%mul3A_21, %dma_wait3A] : memref<5000x16xf32, #tpu.memory_space<vmem>> -> memref<1000x16xf32, #tpu.memory_space<vmem>>
      %dma_wait3A_28 = arith.constant 0 : i32
      %dma_wait3A_29 = tpu.memref_slice %arg4[%add3A_26, %dma_wait3A_28] : memref<160000x16xf32, #tpu.memory_space<hbm>> -> memref<1000x16xf32, #tpu.memory_space<hbm>>
      %dma_wait3A_30 = arith.constant 0 : i32
      %dma_wait3A_31 = tpu.memref_slice %arg4[%add3A_26, %dma_wait3A_30] : memref<160000x16xf32, #tpu.memory_space<hbm>> -> memref<1000x16xf32, #tpu.memory_space<hbm>>
      %dma_wait3A_32 = arith.constant 0 : i32
      %dma_wait3A_33 = tpu.memref_slice %arg6[%mul3A_21, %dma_wait3A_32] : memref<5000x16xf32, #tpu.memory_space<vmem>> -> memref<1000x16xf32, #tpu.memory_space<vmem>>
      tpu.wait_dma2 semaphore(%arg7 : memref<!tpu.dma_semaphore, #tpu.memory_space<semaphore_mem>>) src(%dma_wait3A_33 : memref<1000x16xf32, #tpu.memory_space<vmem>>) dst(%dma_wait3A_31 : memref<1000x16xf32, #tpu.memory_space<hbm>>)
      %scan3A_34 = arith.constant 0 : i32
      scf.yield %scan3A_34 : i32
    }
    %scan3A_15 = arith.constant 5 : i32
    return
  }
}

#map = affine_map<(d0, d1) -> (0, 0)>
#map1 = affine_map<(d0, d1) -> (0, 0, 0)>
module attributes {stable_mosaic.version = 14 : i64} {
  func.func @_sc_gather_deg(%arg0: i32, %arg1: i32, %arg2: memref<10000x16xf32, #tpu.memory_space<hbm>>, %arg3: memref<2x1280x125xi32, #tpu.memory_space<hbm>>, %arg4: memref<160000x16xf32, #tpu.memory_space<hbm>>, %arg5: memref<2x10112x16xf32, #tpu.memory_space<hbm>>, %arg6: memref<40x125xi32, #tpu.memory_space<vmem>>, %arg7: memref<40x125xi32, #tpu.memory_space<vmem>>, %arg8: memref<5000x16xf32, #tpu.memory_space<vmem>>, %arg9: memref<632x16xf32, #tpu.memory_space<vmem>>, %arg10: memref<10112x16xf32, #tpu.memory_space<vmem_shared>>, %arg11: memref<!tpu.dma_semaphore, #tpu.memory_space<semaphore_mem>>, %arg12: memref<!tpu.dma_semaphore, #tpu.memory_space<semaphore_mem>>) attributes {dimension_semantics = [#tpu.dimension_semantics<core_parallel>, #tpu.dimension_semantics<subcore_parallel>], iteration_bounds = array<i64: 2, 16>, scalar_prefetch = 0 : i64, scratch_operands = 7 : i64, tpu.core_type = #tpu.core_type<sc_vector_subcore>, window_params = [{transform_indices = #map}, {transform_indices = #map1}, {transform_indices = #map}, {transform_indices = #map1}]} {
    %mul3A = arith.constant 16 : i32
    %mul3A_0 = arith.muli %arg0, %mul3A : i32
    %add3A = arith.addi %mul3A_0, %arg1 : i32
    %mul3A_1 = arith.constant 40 : i32
    %mul3A_2 = arith.muli %add3A, %mul3A_1 : i32
    %run_scoped3A = arith.constant 0 : i32
    "tpu.region"() ({
      %run_scoped3A_42 = tpu.sem_alloc : memref<!tpu.dma_semaphore, #tpu.memory_space<semaphore_mem>>
      %dma_start3A = arith.constant 0 : i32
      %dma_start3A_43 = tpu.memref_slice %arg3[%run_scoped3A, %mul3A_2, %dma_start3A] : memref<2x1280x125xi32, #tpu.memory_space<hbm>> -> memref<1x40x125xi32, #tpu.memory_space<hbm>>
      %dma_start3A_44 = tpu.memref_squeeze %dma_start3A_43 : memref<1x40x125xi32, #tpu.memory_space<hbm>> -> memref<40x125xi32, #tpu.memory_space<hbm>>
      %dma_start3A_45 = arith.constant 0 : i32
      %dma_start3A_46 = tpu.memref_slice %arg3[%run_scoped3A, %mul3A_2, %dma_start3A_45] : memref<2x1280x125xi32, #tpu.memory_space<hbm>> -> memref<1x40x125xi32, #tpu.memory_space<hbm>>
      %dma_start3A_47 = tpu.memref_squeeze %dma_start3A_46 : memref<1x40x125xi32, #tpu.memory_space<hbm>> -> memref<40x125xi32, #tpu.memory_space<hbm>>
      tpu.enqueue_dma source(%dma_start3A_47 : memref<40x125xi32, #tpu.memory_space<hbm>>) target(%arg6 : memref<40x125xi32, #tpu.memory_space<vmem>>) target_semaphore(%run_scoped3A_42 : memref<!tpu.dma_semaphore, #tpu.memory_space<semaphore_mem>>)
      %dma_wait3A = arith.constant 0 : i32
      %dma_wait3A_48 = tpu.memref_slice %arg3[%run_scoped3A, %mul3A_2, %dma_wait3A] : memref<2x1280x125xi32, #tpu.memory_space<hbm>> -> memref<1x40x125xi32, #tpu.memory_space<hbm>>
      %dma_wait3A_49 = tpu.memref_squeeze %dma_wait3A_48 : memref<1x40x125xi32, #tpu.memory_space<hbm>> -> memref<40x125xi32, #tpu.memory_space<hbm>>
      %dma_wait3A_50 = arith.constant 0 : i32
      %dma_wait3A_51 = tpu.memref_slice %arg3[%run_scoped3A, %mul3A_2, %dma_wait3A_50] : memref<2x1280x125xi32, #tpu.memory_space<hbm>> -> memref<1x40x125xi32, #tpu.memory_space<hbm>>
      %dma_wait3A_52 = tpu.memref_squeeze %dma_wait3A_51 : memref<1x40x125xi32, #tpu.memory_space<hbm>> -> memref<40x125xi32, #tpu.memory_space<hbm>>
      tpu.wait_dma2 semaphore(%run_scoped3A_42 : memref<!tpu.dma_semaphore, #tpu.memory_space<semaphore_mem>>) src(%dma_wait3A_52 : memref<40x125xi32, #tpu.memory_space<hbm>>) dst(%arg6 : memref<40x125xi32, #tpu.memory_space<vmem>>)
      tpu.yield
    }) : () -> ()
    %mul3A_3 = arith.constant 40 : i32
    %mul3A_4 = arith.muli %add3A, %mul3A_3 : i32
    %run_scoped3A_5 = arith.constant 1 : i32
    "tpu.region"() ({
      %run_scoped3A_42 = tpu.sem_alloc : memref<!tpu.dma_semaphore, #tpu.memory_space<semaphore_mem>>
      %dma_start3A = arith.constant 0 : i32
      %dma_start3A_43 = tpu.memref_slice %arg3[%run_scoped3A_5, %mul3A_4, %dma_start3A] : memref<2x1280x125xi32, #tpu.memory_space<hbm>> -> memref<1x40x125xi32, #tpu.memory_space<hbm>>
      %dma_start3A_44 = tpu.memref_squeeze %dma_start3A_43 : memref<1x40x125xi32, #tpu.memory_space<hbm>> -> memref<40x125xi32, #tpu.memory_space<hbm>>
      %dma_start3A_45 = arith.constant 0 : i32
      %dma_start3A_46 = tpu.memref_slice %arg3[%run_scoped3A_5, %mul3A_4, %dma_start3A_45] : memref<2x1280x125xi32, #tpu.memory_space<hbm>> -> memref<1x40x125xi32, #tpu.memory_space<hbm>>
      %dma_start3A_47 = tpu.memref_squeeze %dma_start3A_46 : memref<1x40x125xi32, #tpu.memory_space<hbm>> -> memref<40x125xi32, #tpu.memory_space<hbm>>
      tpu.enqueue_dma source(%dma_start3A_47 : memref<40x125xi32, #tpu.memory_space<hbm>>) target(%arg7 : memref<40x125xi32, #tpu.memory_space<vmem>>) target_semaphore(%run_scoped3A_42 : memref<!tpu.dma_semaphore, #tpu.memory_space<semaphore_mem>>)
      %dma_wait3A = arith.constant 0 : i32
      %dma_wait3A_48 = tpu.memref_slice %arg3[%run_scoped3A_5, %mul3A_4, %dma_wait3A] : memref<2x1280x125xi32, #tpu.memory_space<hbm>> -> memref<1x40x125xi32, #tpu.memory_space<hbm>>
      %dma_wait3A_49 = tpu.memref_squeeze %dma_wait3A_48 : memref<1x40x125xi32, #tpu.memory_space<hbm>> -> memref<40x125xi32, #tpu.memory_space<hbm>>
      %dma_wait3A_50 = arith.constant 0 : i32
      %dma_wait3A_51 = tpu.memref_slice %arg3[%run_scoped3A_5, %mul3A_4, %dma_wait3A_50] : memref<2x1280x125xi32, #tpu.memory_space<hbm>> -> memref<1x40x125xi32, #tpu.memory_space<hbm>>
      %dma_wait3A_52 = tpu.memref_squeeze %dma_wait3A_51 : memref<1x40x125xi32, #tpu.memory_space<hbm>> -> memref<40x125xi32, #tpu.memory_space<hbm>>
      tpu.wait_dma2 semaphore(%run_scoped3A_42 : memref<!tpu.dma_semaphore, #tpu.memory_space<semaphore_mem>>) src(%dma_wait3A_52 : memref<40x125xi32, #tpu.memory_space<hbm>>) dst(%arg7 : memref<40x125xi32, #tpu.memory_space<vmem>>)
      tpu.yield
    }) : () -> ()
    %scan3A = arith.constant 0 : i32
    %scan3A_6 = arith.constant 0 : i32
    %scan3A_7 = arith.constant 632 : i32
    %scan3A_8 = arith.addi %scan3A_6, %scan3A_7 : i32
    %scan3A_9 = arith.constant 1 : i32
    %scan3A_10 = scf.for %scan3A_42 = %scan3A_6 to %scan3A_8 step %scan3A_9 iter_args(%scan3A_43 = %scan3A) -> (i32)  : i32 {
      %broadcast_in_dim3A = arith.constant 0.000000e+00 : f32
      %broadcast_in_dim3A_44 = vector.broadcast %broadcast_in_dim3A : f32 to vector<16xf32>
      %swap3A = arith.index_cast %scan3A_42 : i32 to index
      %swap3A_45 = arith.constant 0 : index
      %swap3A_46 = tpu.vector_load %arg9[%swap3A, %swap3A_45] {strides = array<i32>} : memref<632x16xf32, #tpu.memory_space<vmem>>, vector<1x16xf32>,
      %swap3A_47 = vector.shape_cast %swap3A_46 : vector<1x16xf32> to vector<16xf32>
      %swap3A_48 = vector.shape_cast %broadcast_in_dim3A_44 : vector<16xf32> to vector<1x16xf32>
      tpu.vector_store %arg9[%swap3A, %swap3A_45], %swap3A_48 {strides = array<i32>} : memref<632x16xf32, #tpu.memory_space<vmem>>, vector<1x16xf32>,
      %scan3A_49 = arith.constant 0 : i32
      scf.yield %scan3A_49 : i32
    }
    %scan3A_11 = arith.constant 632 : i32
    %mul3A_12 = arith.constant 632 : i32
    %mul3A_13 = arith.muli %arg1, %mul3A_12 : i32
    "tpu.region"() ({
      %run_scoped3A_42 = tpu.sem_alloc : memref<!tpu.dma_semaphore, #tpu.memory_space<semaphore_mem>>
      %dma_start3A = arith.constant 0 : i32
      %dma_start3A_43 = tpu.memref_slice %arg10[%mul3A_13, %dma_start3A] : memref<10112x16xf32, #tpu.memory_space<vmem_shared>> -> memref<632x16xf32, #tpu.memory_space<vmem_shared>>
      %dma_start3A_44 = arith.constant 0 : i32
      %dma_start3A_45 = tpu.memref_slice %arg10[%mul3A_13, %dma_start3A_44] : memref<10112x16xf32, #tpu.memory_space<vmem_shared>> -> memref<632x16xf32, #tpu.memory_space<vmem_shared>>
      tpu.enqueue_dma source(%arg9 : memref<632x16xf32, #tpu.memory_space<vmem>>) target(%dma_start3A_45 : memref<632x16xf32, #tpu.memory_space<vmem_shared>>) target_semaphore(%run_scoped3A_42 : memref<!tpu.dma_semaphore, #tpu.memory_space<semaphore_mem>>)
      %dma_wait3A = arith.constant 0 : i32
      %dma_wait3A_46 = tpu.memref_slice %arg10[%mul3A_13, %dma_wait3A] : memref<10112x16xf32, #tpu.memory_space<vmem_shared>> -> memref<632x16xf32, #tpu.memory_space<vmem_shared>>
      %dma_wait3A_47 = arith.constant 0 : i32
      %dma_wait3A_48 = tpu.memref_slice %arg10[%mul3A_13, %dma_wait3A_47] : memref<10112x16xf32, #tpu.memory_space<vmem_shared>> -> memref<632x16xf32, #tpu.memory_space<vmem_shared>>
      tpu.wait_dma2 semaphore(%run_scoped3A_42 : memref<!tpu.dma_semaphore, #tpu.memory_space<semaphore_mem>>) src(%arg9 : memref<632x16xf32, #tpu.memory_space<vmem>>) dst(%dma_wait3A_48 : memref<632x16xf32, #tpu.memory_space<vmem_shared>>)
      tpu.yield
    }) : () -> ()
    %scan3A_14 = arith.constant 0 : i32
    %scan3A_15 = arith.constant 0 : i32
    %scan3A_16 = arith.constant 125 : i32
    %scan3A_17 = arith.addi %scan3A_15, %scan3A_16 : i32
    %scan3A_18 = arith.constant 1 : i32
    %scan3A_19 = scf.for %scan3A_42 = %scan3A_15 to %scan3A_17 step %scan3A_18 iter_args(%scan3A_43 = %scan3A_14) -> (i32)  : i32 {
      %broadcast_in_dim3A = arith.constant 1.000000e+00 : f32
      %broadcast_in_dim3A_44 = vector.broadcast %broadcast_in_dim3A : f32 to vector<16xf32>
      %swap3A = arith.index_cast %scan3A_42 : i32 to index
      %swap3A_45 = arith.constant 0 : index
      %swap3A_46 = tpu.vector_load %arg8[%swap3A, %swap3A_45] {strides = array<i32>} : memref<5000x16xf32, #tpu.memory_space<vmem>>, vector<1x16xf32>,
      %swap3A_47 = vector.shape_cast %swap3A_46 : vector<1x16xf32> to vector<16xf32>
      %swap3A_48 = vector.shape_cast %broadcast_in_dim3A_44 : vector<16xf32> to vector<1x16xf32>
      tpu.vector_store %arg8[%swap3A, %swap3A_45], %swap3A_48 {strides = array<i32>} : memref<5000x16xf32, #tpu.memory_space<vmem>>, vector<1x16xf32>,
      %scan3A_49 = arith.constant 0 : i32
      scf.yield %scan3A_49 : i32
    }
    %scan3A_20 = arith.constant 125 : i32
    %barrier3A = arith.constant 0 : index
    tpu.barrier barrier_id(%barrier3A)
    %scan3A_21 = arith.constant 0 : i32
    %scan3A_22 = arith.constant 0 : i32
    %scan3A_23 = arith.constant 5 : i32
    %scan3A_24 = arith.addi %scan3A_22, %scan3A_23 : i32
    %scan3A_25 = arith.constant 1 : i32
    %scan3A_26 = scf.for %scan3A_42 = %scan3A_22 to %scan3A_24 step %scan3A_25 iter_args(%scan3A_43 = %scan3A_21) -> (i32)  : i32 {
      %mul3A_44 = arith.constant 8 : i32
      %mul3A_45 = arith.muli %scan3A_42, %mul3A_44 : i32
      %add3A_46 = arith.constant 0 : i32
      %add3A_47 = arith.addi %mul3A_45, %add3A_46 : i32
      %dma_start3A = arith.constant 0 : i32
      %dma_start3A_48 = arith.constant 0 : i32
      %dma_start3A_49 = tpu.memref_slice %arg8[%dma_start3A, %dma_start3A_48] : memref<5000x16xf32, #tpu.memory_space<vmem>> -> memref<125x16xf32, #tpu.memory_space<vmem>>
      %dma_start3A_50 = arith.constant 0 : i32
      %dma_start3A_51 = tpu.memref_slice %arg7[%add3A_47, %dma_start3A_50] : memref<40x125xi32, #tpu.memory_space<vmem>> -> memref<1x125xi32, #tpu.memory_space<vmem>>
      %dma_start3A_52 = tpu.memref_squeeze %dma_start3A_51 : memref<1x125xi32, #tpu.memory_space<vmem>> -> memref<125xi32, #tpu.memory_space<vmem>>
      %dma_start3A_53 = arith.constant 0 : i32
      %dma_start3A_54 = arith.constant 0 : i32
      %dma_start3A_55 = tpu.memref_slice %arg10[%dma_start3A_53, %dma_start3A_54] : memref<10112x16xf32, #tpu.memory_space<vmem_shared>> -> memref<10112x16xf32, #tpu.memory_space<vmem_shared>>
      tpu.enqueue_indirect_dma source(%dma_start3A_49 : memref<125x16xf32, #tpu.memory_space<vmem>>) target(%dma_start3A_55 : memref<10112x16xf32, #tpu.memory_space<vmem_shared>>) offsets(%dma_start3A_52 : memref<125xi32, #tpu.memory_space<vmem>>) semaphore(%arg12 : memref<!tpu.dma_semaphore, #tpu.memory_space<semaphore_mem>>) {add = true}
      %add3A_56 = arith.constant 1 : i32
      %add3A_57 = arith.addi %mul3A_45, %add3A_56 : i32
      %dma_start3A_58 = arith.constant 0 : i32
      %dma_start3A_59 = arith.constant 0 : i32
      %dma_start3A_60 = tpu.memref_slice %arg8[%dma_start3A_58, %dma_start3A_59] : memref<5000x16xf32, #tpu.memory_space<vmem>> -> memref<125x16xf32, #tpu.memory_space<vmem>>
      %dma_start3A_61 = arith.constant 0 : i32
      %dma_start3A_62 = tpu.memref_slice %arg7[%add3A_57, %dma_start3A_61] : memref<40x125xi32, #tpu.memory_space<vmem>> -> memref<1x125xi32, #tpu.memory_space<vmem>>
      %dma_start3A_63 = tpu.memref_squeeze %dma_start3A_62 : memref<1x125xi32, #tpu.memory_space<vmem>> -> memref<125xi32, #tpu.memory_space<vmem>>
      %dma_start3A_64 = arith.constant 0 : i32
      %dma_start3A_65 = arith.constant 0 : i32
      %dma_start3A_66 = tpu.memref_slice %arg10[%dma_start3A_64, %dma_start3A_65] : memref<10112x16xf32, #tpu.memory_space<vmem_shared>> -> memref<10112x16xf32, #tpu.memory_space<vmem_shared>>
      tpu.enqueue_indirect_dma source(%dma_start3A_60 : memref<125x16xf32, #tpu.memory_space<vmem>>) target(%dma_start3A_66 : memref<10112x16xf32, #tpu.memory_space<vmem_shared>>) offsets(%dma_start3A_63 : memref<125xi32, #tpu.memory_space<vmem>>) semaphore(%arg12 : memref<!tpu.dma_semaphore, #tpu.memory_space<semaphore_mem>>) {add = true}
      %add3A_67 = arith.constant 2 : i32
      %add3A_68 = arith.addi %mul3A_45, %add3A_67 : i32
      %dma_start3A_69 = arith.constant 0 : i32
      %dma_start3A_70 = arith.constant 0 : i32
      %dma_start3A_71 = tpu.memref_slice %arg8[%dma_start3A_69, %dma_start3A_70] : memref<5000x16xf32, #tpu.memory_space<vmem>> -> memref<125x16xf32, #tpu.memory_space<vmem>>
      %dma_start3A_72 = arith.constant 0 : i32
      %dma_start3A_73 = tpu.memref_slice %arg7[%add3A_68, %dma_start3A_72] : memref<40x125xi32, #tpu.memory_space<vmem>> -> memref<1x125xi32, #tpu.memory_space<vmem>>
      %dma_start3A_74 = tpu.memref_squeeze %dma_start3A_73 : memref<1x125xi32, #tpu.memory_space<vmem>> -> memref<125xi32, #tpu.memory_space<vmem>>
      %dma_start3A_75 = arith.constant 0 : i32
      %dma_start3A_76 = arith.constant 0 : i32
      %dma_start3A_77 = tpu.memref_slice %arg10[%dma_start3A_75, %dma_start3A_76] : memref<10112x16xf32, #tpu.memory_space<vmem_shared>> -> memref<10112x16xf32, #tpu.memory_space<vmem_shared>>
      tpu.enqueue_indirect_dma source(%dma_start3A_71 : memref<125x16xf32, #tpu.memory_space<vmem>>) target(%dma_start3A_77 : memref<10112x16xf32, #tpu.memory_space<vmem_shared>>) offsets(%dma_start3A_74 : memref<125xi32, #tpu.memory_space<vmem>>) semaphore(%arg12 : memref<!tpu.dma_semaphore, #tpu.memory_space<semaphore_mem>>) {add = true}
      %add3A_78 = arith.constant 3 : i32
      %add3A_79 = arith.addi %mul3A_45, %add3A_78 : i32
      %dma_start3A_80 = arith.constant 0 : i32
      %dma_start3A_81 = arith.constant 0 : i32
      %dma_start3A_82 = tpu.memref_slice %arg8[%dma_start3A_80, %dma_start3A_81] : memref<5000x16xf32, #tpu.memory_space<vmem>> -> memref<125x16xf32, #tpu.memory_space<vmem>>
      %dma_start3A_83 = arith.constant 0 : i32
      %dma_start3A_84 = tpu.memref_slice %arg7[%add3A_79, %dma_start3A_83] : memref<40x125xi32, #tpu.memory_space<vmem>> -> memref<1x125xi32, #tpu.memory_space<vmem>>
      %dma_start3A_85 = tpu.memref_squeeze %dma_start3A_84 : memref<1x125xi32, #tpu.memory_space<vmem>> -> memref<125xi32, #tpu.memory_space<vmem>>
      %dma_start3A_86 = arith.constant 0 : i32
      %dma_start3A_87 = arith.constant 0 : i32
      %dma_start3A_88 = tpu.memref_slice %arg10[%dma_start3A_86, %dma_start3A_87] : memref<10112x16xf32, #tpu.memory_space<vmem_shared>> -> memref<10112x16xf32, #tpu.memory_space<vmem_shared>>
      tpu.enqueue_indirect_dma source(%dma_start3A_82 : memref<125x16xf32, #tpu.memory_space<vmem>>) target(%dma_start3A_88 : memref<10112x16xf32, #tpu.memory_space<vmem_shared>>) offsets(%dma_start3A_85 : memref<125xi32, #tpu.memory_space<vmem>>) semaphore(%arg12 : memref<!tpu.dma_semaphore, #tpu.memory_space<semaphore_mem>>) {add = true}
      %add3A_89 = arith.constant 4 : i32
      %add3A_90 = arith.addi %mul3A_45, %add3A_89 : i32
      %dma_start3A_91 = arith.constant 0 : i32
      %dma_start3A_92 = arith.constant 0 : i32
      %dma_start3A_93 = tpu.memref_slice %arg8[%dma_start3A_91, %dma_start3A_92] : memref<5000x16xf32, #tpu.memory_space<vmem>> -> memref<125x16xf32, #tpu.memory_space<vmem>>
      %dma_start3A_94 = arith.constant 0 : i32
      %dma_start3A_95 = tpu.memref_slice %arg7[%add3A_90, %dma_start3A_94] : memref<40x125xi32, #tpu.memory_space<vmem>> -> memref<1x125xi32, #tpu.memory_space<vmem>>
      %dma_start3A_96 = tpu.memref_squeeze %dma_start3A_95 : memref<1x125xi32, #tpu.memory_space<vmem>> -> memref<125xi32, #tpu.memory_space<vmem>>
      %dma_start3A_97 = arith.constant 0 : i32
      %dma_start3A_98 = arith.constant 0 : i32
      %dma_start3A_99 = tpu.memref_slice %arg10[%dma_start3A_97, %dma_start3A_98] : memref<10112x16xf32, #tpu.memory_space<vmem_shared>> -> memref<10112x16xf32, #tpu.memory_space<vmem_shared>>
      tpu.enqueue_indirect_dma source(%dma_start3A_93 : memref<125x16xf32, #tpu.memory_space<vmem>>) target(%dma_start3A_99 : memref<10112x16xf32, #tpu.memory_space<vmem_shared>>) offsets(%dma_start3A_96 : memref<125xi32, #tpu.memory_space<vmem>>) semaphore(%arg12 : memref<!tpu.dma_semaphore, #tpu.memory_space<semaphore_mem>>) {add = true}
      %add3A_100 = arith.constant 5 : i32
      %add3A_101 = arith.addi %mul3A_45, %add3A_100 : i32
      %dma_start3A_102 = arith.constant 0 : i32
      %dma_start3A_103 = arith.constant 0 : i32
      %dma_start3A_104 = tpu.memref_slice %arg8[%dma_start3A_102, %dma_start3A_103] : memref<5000x16xf32, #tpu.memory_space<vmem>> -> memref<125x16xf32, #tpu.memory_space<vmem>>
      %dma_start3A_105 = arith.constant 0 : i32
      %dma_start3A_106 = tpu.memref_slice %arg7[%add3A_101, %dma_start3A_105] : memref<40x125xi32, #tpu.memory_space<vmem>> -> memref<1x125xi32, #tpu.memory_space<vmem>>
      %dma_start3A_107 = tpu.memref_squeeze %dma_start3A_106 : memref<1x125xi32, #tpu.memory_space<vmem>> -> memref<125xi32, #tpu.memory_space<vmem>>
      %dma_start3A_108 = arith.constant 0 : i32
      %dma_start3A_109 = arith.constant 0 : i32
      %dma_start3A_110 = tpu.memref_slice %arg10[%dma_start3A_108, %dma_start3A_109] : memref<10112x16xf32, #tpu.memory_space<vmem_shared>> -> memref<10112x16xf32, #tpu.memory_space<vmem_shared>>
      tpu.enqueue_indirect_dma source(%dma_start3A_104 : memref<125x16xf32, #tpu.memory_space<vmem>>) target(%dma_start3A_110 : memref<10112x16xf32, #tpu.memory_space<vmem_shared>>) offsets(%dma_start3A_107 : memref<125xi32, #tpu.memory_space<vmem>>) semaphore(%arg12 : memref<!tpu.dma_semaphore, #tpu.memory_space<semaphore_mem>>) {add = true}
      %add3A_111 = arith.constant 6 : i32
      %add3A_112 = arith.addi %mul3A_45, %add3A_111 : i32
      %dma_start3A_113 = arith.constant 0 : i32
      %dma_start3A_114 = arith.constant 0 : i32
      %dma_start3A_115 = tpu.memref_slice %arg8[%dma_start3A_113, %dma_start3A_114] : memref<5000x16xf32, #tpu.memory_space<vmem>> -> memref<125x16xf32, #tpu.memory_space<vmem>>
      %dma_start3A_116 = arith.constant 0 : i32
      %dma_start3A_117 = tpu.memref_slice %arg7[%add3A_112, %dma_start3A_116] : memref<40x125xi32, #tpu.memory_space<vmem>> -> memref<1x125xi32, #tpu.memory_space<vmem>>
      %dma_start3A_118 = tpu.memref_squeeze %dma_start3A_117 : memref<1x125xi32, #tpu.memory_space<vmem>> -> memref<125xi32, #tpu.memory_space<vmem>>
      %dma_start3A_119 = arith.constant 0 : i32
      %dma_start3A_120 = arith.constant 0 : i32
      %dma_start3A_121 = tpu.memref_slice %arg10[%dma_start3A_119, %dma_start3A_120] : memref<10112x16xf32, #tpu.memory_space<vmem_shared>> -> memref<10112x16xf32, #tpu.memory_space<vmem_shared>>
      tpu.enqueue_indirect_dma source(%dma_start3A_115 : memref<125x16xf32, #tpu.memory_space<vmem>>) target(%dma_start3A_121 : memref<10112x16xf32, #tpu.memory_space<vmem_shared>>) offsets(%dma_start3A_118 : memref<125xi32, #tpu.memory_space<vmem>>) semaphore(%arg12 : memref<!tpu.dma_semaphore, #tpu.memory_space<semaphore_mem>>) {add = true}
      %add3A_122 = arith.constant 7 : i32
      %add3A_123 = arith.addi %mul3A_45, %add3A_122 : i32
      %dma_start3A_124 = arith.constant 0 : i32
      %dma_start3A_125 = arith.constant 0 : i32
      %dma_start3A_126 = tpu.memref_slice %arg8[%dma_start3A_124, %dma_start3A_125] : memref<5000x16xf32, #tpu.memory_space<vmem>> -> memref<125x16xf32, #tpu.memory_space<vmem>>
      %dma_start3A_127 = arith.constant 0 : i32
      %dma_start3A_128 = tpu.memref_slice %arg7[%add3A_123, %dma_start3A_127] : memref<40x125xi32, #tpu.memory_space<vmem>> -> memref<1x125xi32, #tpu.memory_space<vmem>>
      %dma_start3A_129 = tpu.memref_squeeze %dma_start3A_128 : memref<1x125xi32, #tpu.memory_space<vmem>> -> memref<125xi32, #tpu.memory_space<vmem>>
      %dma_start3A_130 = arith.constant 0 : i32
      %dma_start3A_131 = arith.constant 0 : i32
      %dma_start3A_132 = tpu.memref_slice %arg10[%dma_start3A_130, %dma_start3A_131] : memref<10112x16xf32, #tpu.memory_space<vmem_shared>> -> memref<10112x16xf32, #tpu.memory_space<vmem_shared>>
      tpu.enqueue_indirect_dma source(%dma_start3A_126 : memref<125x16xf32, #tpu.memory_space<vmem>>) target(%dma_start3A_132 : memref<10112x16xf32, #tpu.memory_space<vmem_shared>>) offsets(%dma_start3A_129 : memref<125xi32, #tpu.memory_space<vmem>>) semaphore(%arg12 : memref<!tpu.dma_semaphore, #tpu.memory_space<semaphore_mem>>) {add = true}
      %add3A_133 = arith.constant 0 : i32
      %add3A_134 = arith.addi %mul3A_45, %add3A_133 : i32
      %dma_wait3A = arith.constant 0 : i32
      %dma_wait3A_135 = arith.constant 0 : i32
      %dma_wait3A_136 = tpu.memref_slice %arg8[%dma_wait3A, %dma_wait3A_135] : memref<5000x16xf32, #tpu.memory_space<vmem>> -> memref<125x16xf32, #tpu.memory_space<vmem>>
      %dma_wait3A_137 = arith.constant 0 : i32
      %dma_wait3A_138 = tpu.memref_slice %arg7[%add3A_134, %dma_wait3A_137] : memref<40x125xi32, #tpu.memory_space<vmem>> -> memref<1x125xi32, #tpu.memory_space<vmem>>
      %dma_wait3A_139 = tpu.memref_squeeze %dma_wait3A_138 : memref<1x125xi32, #tpu.memory_space<vmem>> -> memref<125xi32, #tpu.memory_space<vmem>>
      %dma_wait3A_140 = arith.constant 0 : i32
      %dma_wait3A_141 = arith.constant 0 : i32
      %dma_wait3A_142 = tpu.memref_slice %arg10[%dma_wait3A_140, %dma_wait3A_141] : memref<10112x16xf32, #tpu.memory_space<vmem_shared>> -> memref<10112x16xf32, #tpu.memory_space<vmem_shared>>
      tpu.wait_indirect_dma semaphore(%arg12 : memref<!tpu.dma_semaphore, #tpu.memory_space<semaphore_mem>>) src(%dma_wait3A_136 : memref<125x16xf32, #tpu.memory_space<vmem>>) dst(%dma_wait3A_142 : memref<10112x16xf32, #tpu.memory_space<vmem_shared>>)
      %add3A_143 = arith.constant 1 : i32
      %add3A_144 = arith.addi %mul3A_45, %add3A_143 : i32
      %dma_wait3A_145 = arith.constant 0 : i32
      %dma_wait3A_146 = arith.constant 0 : i32
      %dma_wait3A_147 = tpu.memref_slice %arg8[%dma_wait3A_145, %dma_wait3A_146] : memref<5000x16xf32, #tpu.memory_space<vmem>> -> memref<125x16xf32, #tpu.memory_space<vmem>>
      %dma_wait3A_148 = arith.constant 0 : i32
      %dma_wait3A_149 = tpu.memref_slice %arg7[%add3A_144, %dma_wait3A_148] : memref<40x125xi32, #tpu.memory_space<vmem>> -> memref<1x125xi32, #tpu.memory_space<vmem>>
      %dma_wait3A_150 = tpu.memref_squeeze %dma_wait3A_149 : memref<1x125xi32, #tpu.memory_space<vmem>> -> memref<125xi32, #tpu.memory_space<vmem>>
      %dma_wait3A_151 = arith.constant 0 : i32
      %dma_wait3A_152 = arith.constant 0 : i32
      %dma_wait3A_153 = tpu.memref_slice %arg10[%dma_wait3A_151, %dma_wait3A_152] : memref<10112x16xf32, #tpu.memory_space<vmem_shared>> -> memref<10112x16xf32, #tpu.memory_space<vmem_shared>>
      tpu.wait_indirect_dma semaphore(%arg12 : memref<!tpu.dma_semaphore, #tpu.memory_space<semaphore_mem>>) src(%dma_wait3A_147 : memref<125x16xf32, #tpu.memory_space<vmem>>) dst(%dma_wait3A_153 : memref<10112x16xf32, #tpu.memory_space<vmem_shared>>)
      %add3A_154 = arith.constant 2 : i32
      %add3A_155 = arith.addi %mul3A_45, %add3A_154 : i32
      %dma_wait3A_156 = arith.constant 0 : i32
      %dma_wait3A_157 = arith.constant 0 : i32
      %dma_wait3A_158 = tpu.memref_slice %arg8[%dma_wait3A_156, %dma_wait3A_157] : memref<5000x16xf32, #tpu.memory_space<vmem>> -> memref<125x16xf32, #tpu.memory_space<vmem>>
      %dma_wait3A_159 = arith.constant 0 : i32
      %dma_wait3A_160 = tpu.memref_slice %arg7[%add3A_155, %dma_wait3A_159] : memref<40x125xi32, #tpu.memory_space<vmem>> -> memref<1x125xi32, #tpu.memory_space<vmem>>
      %dma_wait3A_161 = tpu.memref_squeeze %dma_wait3A_160 : memref<1x125xi32, #tpu.memory_space<vmem>> -> memref<125xi32, #tpu.memory_space<vmem>>
      %dma_wait3A_162 = arith.constant 0 : i32
      %dma_wait3A_163 = arith.constant 0 : i32
      %dma_wait3A_164 = tpu.memref_slice %arg10[%dma_wait3A_162, %dma_wait3A_163] : memref<10112x16xf32, #tpu.memory_space<vmem_shared>> -> memref<10112x16xf32, #tpu.memory_space<vmem_shared>>
      tpu.wait_indirect_dma semaphore(%arg12 : memref<!tpu.dma_semaphore, #tpu.memory_space<semaphore_mem>>) src(%dma_wait3A_158 : memref<125x16xf32, #tpu.memory_space<vmem>>) dst(%dma_wait3A_164 : memref<10112x16xf32, #tpu.memory_space<vmem_shared>>)
      %add3A_165 = arith.constant 3 : i32
      %add3A_166 = arith.addi %mul3A_45, %add3A_165 : i32
      %dma_wait3A_167 = arith.constant 0 : i32
      %dma_wait3A_168 = arith.constant 0 : i32
      %dma_wait3A_169 = tpu.memref_slice %arg8[%dma_wait3A_167, %dma_wait3A_168] : memref<5000x16xf32, #tpu.memory_space<vmem>> -> memref<125x16xf32, #tpu.memory_space<vmem>>
      %dma_wait3A_170 = arith.constant 0 : i32
      %dma_wait3A_171 = tpu.memref_slice %arg7[%add3A_166, %dma_wait3A_170] : memref<40x125xi32, #tpu.memory_space<vmem>> -> memref<1x125xi32, #tpu.memory_space<vmem>>
      %dma_wait3A_172 = tpu.memref_squeeze %dma_wait3A_171 : memref<1x125xi32, #tpu.memory_space<vmem>> -> memref<125xi32, #tpu.memory_space<vmem>>
      %dma_wait3A_173 = arith.constant 0 : i32
      %dma_wait3A_174 = arith.constant 0 : i32
      %dma_wait3A_175 = tpu.memref_slice %arg10[%dma_wait3A_173, %dma_wait3A_174] : memref<10112x16xf32, #tpu.memory_space<vmem_shared>> -> memref<10112x16xf32, #tpu.memory_space<vmem_shared>>
      tpu.wait_indirect_dma semaphore(%arg12 : memref<!tpu.dma_semaphore, #tpu.memory_space<semaphore_mem>>) src(%dma_wait3A_169 : memref<125x16xf32, #tpu.memory_space<vmem>>) dst(%dma_wait3A_175 : memref<10112x16xf32, #tpu.memory_space<vmem_shared>>)
      %add3A_176 = arith.constant 4 : i32
      %add3A_177 = arith.addi %mul3A_45, %add3A_176 : i32
      %dma_wait3A_178 = arith.constant 0 : i32
      %dma_wait3A_179 = arith.constant 0 : i32
      %dma_wait3A_180 = tpu.memref_slice %arg8[%dma_wait3A_178, %dma_wait3A_179] : memref<5000x16xf32, #tpu.memory_space<vmem>> -> memref<125x16xf32, #tpu.memory_space<vmem>>
      %dma_wait3A_181 = arith.constant 0 : i32
      %dma_wait3A_182 = tpu.memref_slice %arg7[%add3A_177, %dma_wait3A_181] : memref<40x125xi32, #tpu.memory_space<vmem>> -> memref<1x125xi32, #tpu.memory_space<vmem>>
      %dma_wait3A_183 = tpu.memref_squeeze %dma_wait3A_182 : memref<1x125xi32, #tpu.memory_space<vmem>> -> memref<125xi32, #tpu.memory_space<vmem>>
      %dma_wait3A_184 = arith.constant 0 : i32
      %dma_wait3A_185 = arith.constant 0 : i32
      %dma_wait3A_186 = tpu.memref_slice %arg10[%dma_wait3A_184, %dma_wait3A_185] : memref<10112x16xf32, #tpu.memory_space<vmem_shared>> -> memref<10112x16xf32, #tpu.memory_space<vmem_shared>>
      tpu.wait_indirect_dma semaphore(%arg12 : memref<!tpu.dma_semaphore, #tpu.memory_space<semaphore_mem>>) src(%dma_wait3A_180 : memref<125x16xf32, #tpu.memory_space<vmem>>) dst(%dma_wait3A_186 : memref<10112x16xf32, #tpu.memory_space<vmem_shared>>)
      %add3A_187 = arith.constant 5 : i32
      %add3A_188 = arith.addi %mul3A_45, %add3A_187 : i32
      %dma_wait3A_189 = arith.constant 0 : i32
      %dma_wait3A_190 = arith.constant 0 : i32
      %dma_wait3A_191 = tpu.memref_slice %arg8[%dma_wait3A_189, %dma_wait3A_190] : memref<5000x16xf32, #tpu.memory_space<vmem>> -> memref<125x16xf32, #tpu.memory_space<vmem>>
      %dma_wait3A_192 = arith.constant 0 : i32
      %dma_wait3A_193 = tpu.memref_slice %arg7[%add3A_188, %dma_wait3A_192] : memref<40x125xi32, #tpu.memory_space<vmem>> -> memref<1x125xi32, #tpu.memory_space<vmem>>
      %dma_wait3A_194 = tpu.memref_squeeze %dma_wait3A_193 : memref<1x125xi32, #tpu.memory_space<vmem>> -> memref<125xi32, #tpu.memory_space<vmem>>
      %dma_wait3A_195 = arith.constant 0 : i32
      %dma_wait3A_196 = arith.constant 0 : i32
      %dma_wait3A_197 = tpu.memref_slice %arg10[%dma_wait3A_195, %dma_wait3A_196] : memref<10112x16xf32, #tpu.memory_space<vmem_shared>> -> memref<10112x16xf32, #tpu.memory_space<vmem_shared>>
      tpu.wait_indirect_dma semaphore(%arg12 : memref<!tpu.dma_semaphore, #tpu.memory_space<semaphore_mem>>) src(%dma_wait3A_191 : memref<125x16xf32, #tpu.memory_space<vmem>>) dst(%dma_wait3A_197 : memref<10112x16xf32, #tpu.memory_space<vmem_shared>>)
      %add3A_198 = arith.constant 6 : i32
      %add3A_199 = arith.addi %mul3A_45, %add3A_198 : i32
      %dma_wait3A_200 = arith.constant 0 : i32
      %dma_wait3A_201 = arith.constant 0 : i32
      %dma_wait3A_202 = tpu.memref_slice %arg8[%dma_wait3A_200, %dma_wait3A_201] : memref<5000x16xf32, #tpu.memory_space<vmem>> -> memref<125x16xf32, #tpu.memory_space<vmem>>
      %dma_wait3A_203 = arith.constant 0 : i32
      %dma_wait3A_204 = tpu.memref_slice %arg7[%add3A_199, %dma_wait3A_203] : memref<40x125xi32, #tpu.memory_space<vmem>> -> memref<1x125xi32, #tpu.memory_space<vmem>>
      %dma_wait3A_205 = tpu.memref_squeeze %dma_wait3A_204 : memref<1x125xi32, #tpu.memory_space<vmem>> -> memref<125xi32, #tpu.memory_space<vmem>>
      %dma_wait3A_206 = arith.constant 0 : i32
      %dma_wait3A_207 = arith.constant 0 : i32
      %dma_wait3A_208 = tpu.memref_slice %arg10[%dma_wait3A_206, %dma_wait3A_207] : memref<10112x16xf32, #tpu.memory_space<vmem_shared>> -> memref<10112x16xf32, #tpu.memory_space<vmem_shared>>
      tpu.wait_indirect_dma semaphore(%arg12 : memref<!tpu.dma_semaphore, #tpu.memory_space<semaphore_mem>>) src(%dma_wait3A_202 : memref<125x16xf32, #tpu.memory_space<vmem>>) dst(%dma_wait3A_208 : memref<10112x16xf32, #tpu.memory_space<vmem_shared>>)
      %add3A_209 = arith.constant 7 : i32
      %add3A_210 = arith.addi %mul3A_45, %add3A_209 : i32
      %dma_wait3A_211 = arith.constant 0 : i32
      %dma_wait3A_212 = arith.constant 0 : i32
      %dma_wait3A_213 = tpu.memref_slice %arg8[%dma_wait3A_211, %dma_wait3A_212] : memref<5000x16xf32, #tpu.memory_space<vmem>> -> memref<125x16xf32, #tpu.memory_space<vmem>>
      %dma_wait3A_214 = arith.constant 0 : i32
      %dma_wait3A_215 = tpu.memref_slice %arg7[%add3A_210, %dma_wait3A_214] : memref<40x125xi32, #tpu.memory_space<vmem>> -> memref<1x125xi32, #tpu.memory_space<vmem>>
      %dma_wait3A_216 = tpu.memref_squeeze %dma_wait3A_215 : memref<1x125xi32, #tpu.memory_space<vmem>> -> memref<125xi32, #tpu.memory_space<vmem>>
      %dma_wait3A_217 = arith.constant 0 : i32
      %dma_wait3A_218 = arith.constant 0 : i32
      %dma_wait3A_219 = tpu.memref_slice %arg10[%dma_wait3A_217, %dma_wait3A_218] : memref<10112x16xf32, #tpu.memory_space<vmem_shared>> -> memref<10112x16xf32, #tpu.memory_space<vmem_shared>>
      tpu.wait_indirect_dma semaphore(%arg12 : memref<!tpu.dma_semaphore, #tpu.memory_space<semaphore_mem>>) src(%dma_wait3A_213 : memref<125x16xf32, #tpu.memory_space<vmem>>) dst(%dma_wait3A_219 : memref<10112x16xf32, #tpu.memory_space<vmem_shared>>)
      %scan3A_220 = arith.constant 0 : i32
      scf.yield %scan3A_220 : i32
    }
    %scan3A_27 = arith.constant 5 : i32
    %barrier3A_28 = arith.constant 0 : index
    tpu.barrier barrier_id(%barrier3A_28)
    %mul3A_29 = arith.constant 632 : i32
    %mul3A_30 = arith.muli %arg1, %mul3A_29 : i32
    %mul3A_31 = arith.constant 632 : i32
    %mul3A_32 = arith.muli %arg1, %mul3A_31 : i32
    "tpu.region"() ({
      %run_scoped3A_42 = tpu.sem_alloc : memref<!tpu.dma_semaphore, #tpu.memory_space<semaphore_mem>>
      %dma_start3A = arith.constant 0 : i32
      %dma_start3A_43 = tpu.memref_slice %arg5[%arg0, %mul3A_32, %dma_start3A] : memref<2x10112x16xf32, #tpu.memory_space<hbm>> -> memref<1x632x16xf32, #tpu.memory_space<hbm>>
      %dma_start3A_44 = tpu.memref_squeeze %dma_start3A_43 : memref<1x632x16xf32, #tpu.memory_space<hbm>> -> memref<632x16xf32, #tpu.memory_space<hbm>>
      %dma_start3A_45 = arith.constant 0 : i32
      %dma_start3A_46 = tpu.memref_slice %arg10[%mul3A_30, %dma_start3A_45] : memref<10112x16xf32, #tpu.memory_space<vmem_shared>> -> memref<632x16xf32, #tpu.memory_space<vmem_shared>>
      tpu.enqueue_dma source(%dma_start3A_46 : memref<632x16xf32, #tpu.memory_space<vmem_shared>>) target(%dma_start3A_44 : memref<632x16xf32, #tpu.memory_space<hbm>>) target_semaphore(%run_scoped3A_42 : memref<!tpu.dma_semaphore, #tpu.memory_space<semaphore_mem>>)
      %dma_wait3A = arith.constant 0 : i32
      %dma_wait3A_47 = tpu.memref_slice %arg5[%arg0, %mul3A_32, %dma_wait3A] : memref<2x10112x16xf32, #tpu.memory_space<hbm>> -> memref<1x632x16xf32, #tpu.memory_space<hbm>>
      %dma_wait3A_48 = tpu.memref_squeeze %dma_wait3A_47 : memref<1x632x16xf32, #tpu.memory_space<hbm>> -> memref<632x16xf32, #tpu.memory_space<hbm>>
      %dma_wait3A_49 = arith.constant 0 : i32
      %dma_wait3A_50 = tpu.memref_slice %arg10[%mul3A_30, %dma_wait3A_49] : memref<10112x16xf32, #tpu.memory_space<vmem_shared>> -> memref<632x16xf32, #tpu.memory_space<vmem_shared>>
      tpu.wait_dma2 semaphore(%run_scoped3A_42 : memref<!tpu.dma_semaphore, #tpu.memory_space<semaphore_mem>>) src(%dma_wait3A_50 : memref<632x16xf32, #tpu.memory_space<vmem_shared>>) dst(%dma_wait3A_48 : memref<632x16xf32, #tpu.memory_space<hbm>>)
      tpu.yield
    }) : () -> ()
    %scan3A_33 = arith.constant 0 : i32
    %scan3A_34 = arith.constant 0 : i32
    %scan3A_35 = arith.constant 5 : i32
    %scan3A_36 = arith.addi %scan3A_34, %scan3A_35 : i32
    %scan3A_37 = arith.constant 1 : i32
    %scan3A_38 = scf.for %scan3A_42 = %scan3A_34 to %scan3A_36 step %scan3A_37 iter_args(%scan3A_43 = %scan3A_33) -> (i32)  : i32 {
      %mul3A_44 = arith.constant 8 : i32
      %mul3A_45 = arith.muli %scan3A_42, %mul3A_44 : i32
      %add3A_46 = arith.constant 0 : i32
      %add3A_47 = arith.addi %mul3A_45, %add3A_46 : i32
      %add3A_48 = arith.constant 0 : i32
      %add3A_49 = arith.addi %mul3A_45, %add3A_48 : i32
      %mul3A_50 = arith.constant 125 : i32
      %mul3A_51 = arith.muli %add3A_49, %mul3A_50 : i32
      %dma_start3A = arith.constant 0 : i32
      %dma_start3A_52 = tpu.memref_slice %arg8[%mul3A_51, %dma_start3A] : memref<5000x16xf32, #tpu.memory_space<vmem>> -> memref<125x16xf32, #tpu.memory_space<vmem>>
      %dma_start3A_53 = arith.constant 0 : i32
      %dma_start3A_54 = tpu.memref_slice %arg6[%add3A_47, %dma_start3A_53] : memref<40x125xi32, #tpu.memory_space<vmem>> -> memref<1x125xi32, #tpu.memory_space<vmem>>
      %dma_start3A_55 = tpu.memref_squeeze %dma_start3A_54 : memref<1x125xi32, #tpu.memory_space<vmem>> -> memref<125xi32, #tpu.memory_space<vmem>>
      %dma_start3A_56 = arith.constant 0 : i32
      %dma_start3A_57 = arith.constant 0 : i32
      %dma_start3A_58 = tpu.memref_slice %arg2[%dma_start3A_56, %dma_start3A_57] : memref<10000x16xf32, #tpu.memory_space<hbm>> -> memref<10000x16xf32, #tpu.memory_space<hbm>>
      tpu.enqueue_indirect_dma source(%dma_start3A_58 : memref<10000x16xf32, #tpu.memory_space<hbm>>) target(%dma_start3A_52 : memref<125x16xf32, #tpu.memory_space<vmem>>) offsets(%dma_start3A_55 : memref<125xi32, #tpu.memory_space<vmem>>) semaphore(%arg11 : memref<!tpu.dma_semaphore, #tpu.memory_space<semaphore_mem>>)
      %add3A_59 = arith.constant 1 : i32
      %add3A_60 = arith.addi %mul3A_45, %add3A_59 : i32
      %add3A_61 = arith.constant 1 : i32
      %add3A_62 = arith.addi %mul3A_45, %add3A_61 : i32
      %mul3A_63 = arith.constant 125 : i32
      %mul3A_64 = arith.muli %add3A_62, %mul3A_63 : i32
      %dma_start3A_65 = arith.constant 0 : i32
      %dma_start3A_66 = tpu.memref_slice %arg8[%mul3A_64, %dma_start3A_65] : memref<5000x16xf32, #tpu.memory_space<vmem>> -> memref<125x16xf32, #tpu.memory_space<vmem>>
      %dma_start3A_67 = arith.constant 0 : i32
      %dma_start3A_68 = tpu.memref_slice %arg6[%add3A_60, %dma_start3A_67] : memref<40x125xi32, #tpu.memory_space<vmem>> -> memref<1x125xi32, #tpu.memory_space<vmem>>
      %dma_start3A_69 = tpu.memref_squeeze %dma_start3A_68 : memref<1x125xi32, #tpu.memory_space<vmem>> -> memref<125xi32, #tpu.memory_space<vmem>>
      %dma_start3A_70 = arith.constant 0 : i32
      %dma_start3A_71 = arith.constant 0 : i32
      %dma_start3A_72 = tpu.memref_slice %arg2[%dma_start3A_70, %dma_start3A_71] : memref<10000x16xf32, #tpu.memory_space<hbm>> -> memref<10000x16xf32, #tpu.memory_space<hbm>>
      tpu.enqueue_indirect_dma source(%dma_start3A_72 : memref<10000x16xf32, #tpu.memory_space<hbm>>) target(%dma_start3A_66 : memref<125x16xf32, #tpu.memory_space<vmem>>) offsets(%dma_start3A_69 : memref<125xi32, #tpu.memory_space<vmem>>) semaphore(%arg11 : memref<!tpu.dma_semaphore, #tpu.memory_space<semaphore_mem>>)
      %add3A_73 = arith.constant 2 : i32
      %add3A_74 = arith.addi %mul3A_45, %add3A_73 : i32
      %add3A_75 = arith.constant 2 : i32
      %add3A_76 = arith.addi %mul3A_45, %add3A_75 : i32
      %mul3A_77 = arith.constant 125 : i32
      %mul3A_78 = arith.muli %add3A_76, %mul3A_77 : i32
      %dma_start3A_79 = arith.constant 0 : i32
      %dma_start3A_80 = tpu.memref_slice %arg8[%mul3A_78, %dma_start3A_79] : memref<5000x16xf32, #tpu.memory_space<vmem>> -> memref<125x16xf32, #tpu.memory_space<vmem>>
      %dma_start3A_81 = arith.constant 0 : i32
      %dma_start3A_82 = tpu.memref_slice %arg6[%add3A_74, %dma_start3A_81] : memref<40x125xi32, #tpu.memory_space<vmem>> -> memref<1x125xi32, #tpu.memory_space<vmem>>
      %dma_start3A_83 = tpu.memref_squeeze %dma_start3A_82 : memref<1x125xi32, #tpu.memory_space<vmem>> -> memref<125xi32, #tpu.memory_space<vmem>>
      %dma_start3A_84 = arith.constant 0 : i32
      %dma_start3A_85 = arith.constant 0 : i32
      %dma_start3A_86 = tpu.memref_slice %arg2[%dma_start3A_84, %dma_start3A_85] : memref<10000x16xf32, #tpu.memory_space<hbm>> -> memref<10000x16xf32, #tpu.memory_space<hbm>>
      tpu.enqueue_indirect_dma source(%dma_start3A_86 : memref<10000x16xf32, #tpu.memory_space<hbm>>) target(%dma_start3A_80 : memref<125x16xf32, #tpu.memory_space<vmem>>) offsets(%dma_start3A_83 : memref<125xi32, #tpu.memory_space<vmem>>) semaphore(%arg11 : memref<!tpu.dma_semaphore, #tpu.memory_space<semaphore_mem>>)
      %add3A_87 = arith.constant 3 : i32
      %add3A_88 = arith.addi %mul3A_45, %add3A_87 : i32
      %add3A_89 = arith.constant 3 : i32
      %add3A_90 = arith.addi %mul3A_45, %add3A_89 : i32
      %mul3A_91 = arith.constant 125 : i32
      %mul3A_92 = arith.muli %add3A_90, %mul3A_91 : i32
      %dma_start3A_93 = arith.constant 0 : i32
      %dma_start3A_94 = tpu.memref_slice %arg8[%mul3A_92, %dma_start3A_93] : memref<5000x16xf32, #tpu.memory_space<vmem>> -> memref<125x16xf32, #tpu.memory_space<vmem>>
      %dma_start3A_95 = arith.constant 0 : i32
      %dma_start3A_96 = tpu.memref_slice %arg6[%add3A_88, %dma_start3A_95] : memref<40x125xi32, #tpu.memory_space<vmem>> -> memref<1x125xi32, #tpu.memory_space<vmem>>
      %dma_start3A_97 = tpu.memref_squeeze %dma_start3A_96 : memref<1x125xi32, #tpu.memory_space<vmem>> -> memref<125xi32, #tpu.memory_space<vmem>>
      %dma_start3A_98 = arith.constant 0 : i32
      %dma_start3A_99 = arith.constant 0 : i32
      %dma_start3A_100 = tpu.memref_slice %arg2[%dma_start3A_98, %dma_start3A_99] : memref<10000x16xf32, #tpu.memory_space<hbm>> -> memref<10000x16xf32, #tpu.memory_space<hbm>>
      tpu.enqueue_indirect_dma source(%dma_start3A_100 : memref<10000x16xf32, #tpu.memory_space<hbm>>) target(%dma_start3A_94 : memref<125x16xf32, #tpu.memory_space<vmem>>) offsets(%dma_start3A_97 : memref<125xi32, #tpu.memory_space<vmem>>) semaphore(%arg11 : memref<!tpu.dma_semaphore, #tpu.memory_space<semaphore_mem>>)
      %add3A_101 = arith.constant 4 : i32
      %add3A_102 = arith.addi %mul3A_45, %add3A_101 : i32
      %add3A_103 = arith.constant 4 : i32
      %add3A_104 = arith.addi %mul3A_45, %add3A_103 : i32
      %mul3A_105 = arith.constant 125 : i32
      %mul3A_106 = arith.muli %add3A_104, %mul3A_105 : i32
      %dma_start3A_107 = arith.constant 0 : i32
      %dma_start3A_108 = tpu.memref_slice %arg8[%mul3A_106, %dma_start3A_107] : memref<5000x16xf32, #tpu.memory_space<vmem>> -> memref<125x16xf32, #tpu.memory_space<vmem>>
      %dma_start3A_109 = arith.constant 0 : i32
      %dma_start3A_110 = tpu.memref_slice %arg6[%add3A_102, %dma_start3A_109] : memref<40x125xi32, #tpu.memory_space<vmem>> -> memref<1x125xi32, #tpu.memory_space<vmem>>
      %dma_start3A_111 = tpu.memref_squeeze %dma_start3A_110 : memref<1x125xi32, #tpu.memory_space<vmem>> -> memref<125xi32, #tpu.memory_space<vmem>>
      %dma_start3A_112 = arith.constant 0 : i32
      %dma_start3A_113 = arith.constant 0 : i32
      %dma_start3A_114 = tpu.memref_slice %arg2[%dma_start3A_112, %dma_start3A_113] : memref<10000x16xf32, #tpu.memory_space<hbm>> -> memref<10000x16xf32, #tpu.memory_space<hbm>>
      tpu.enqueue_indirect_dma source(%dma_start3A_114 : memref<10000x16xf32, #tpu.memory_space<hbm>>) target(%dma_start3A_108 : memref<125x16xf32, #tpu.memory_space<vmem>>) offsets(%dma_start3A_111 : memref<125xi32, #tpu.memory_space<vmem>>) semaphore(%arg11 : memref<!tpu.dma_semaphore, #tpu.memory_space<semaphore_mem>>)
      %add3A_115 = arith.constant 5 : i32
      %add3A_116 = arith.addi %mul3A_45, %add3A_115 : i32
      %add3A_117 = arith.constant 5 : i32
      %add3A_118 = arith.addi %mul3A_45, %add3A_117 : i32
      %mul3A_119 = arith.constant 125 : i32
      %mul3A_120 = arith.muli %add3A_118, %mul3A_119 : i32
      %dma_start3A_121 = arith.constant 0 : i32
      %dma_start3A_122 = tpu.memref_slice %arg8[%mul3A_120, %dma_start3A_121] : memref<5000x16xf32, #tpu.memory_space<vmem>> -> memref<125x16xf32, #tpu.memory_space<vmem>>
      %dma_start3A_123 = arith.constant 0 : i32
      %dma_start3A_124 = tpu.memref_slice %arg6[%add3A_116, %dma_start3A_123] : memref<40x125xi32, #tpu.memory_space<vmem>> -> memref<1x125xi32, #tpu.memory_space<vmem>>
      %dma_start3A_125 = tpu.memref_squeeze %dma_start3A_124 : memref<1x125xi32, #tpu.memory_space<vmem>> -> memref<125xi32, #tpu.memory_space<vmem>>
      %dma_start3A_126 = arith.constant 0 : i32
      %dma_start3A_127 = arith.constant 0 : i32
      %dma_start3A_128 = tpu.memref_slice %arg2[%dma_start3A_126, %dma_start3A_127] : memref<10000x16xf32, #tpu.memory_space<hbm>> -> memref<10000x16xf32, #tpu.memory_space<hbm>>
      tpu.enqueue_indirect_dma source(%dma_start3A_128 : memref<10000x16xf32, #tpu.memory_space<hbm>>) target(%dma_start3A_122 : memref<125x16xf32, #tpu.memory_space<vmem>>) offsets(%dma_start3A_125 : memref<125xi32, #tpu.memory_space<vmem>>) semaphore(%arg11 : memref<!tpu.dma_semaphore, #tpu.memory_space<semaphore_mem>>)
      %add3A_129 = arith.constant 6 : i32
      %add3A_130 = arith.addi %mul3A_45, %add3A_129 : i32
      %add3A_131 = arith.constant 6 : i32
      %add3A_132 = arith.addi %mul3A_45, %add3A_131 : i32
      %mul3A_133 = arith.constant 125 : i32
      %mul3A_134 = arith.muli %add3A_132, %mul3A_133 : i32
      %dma_start3A_135 = arith.constant 0 : i32
      %dma_start3A_136 = tpu.memref_slice %arg8[%mul3A_134, %dma_start3A_135] : memref<5000x16xf32, #tpu.memory_space<vmem>> -> memref<125x16xf32, #tpu.memory_space<vmem>>
      %dma_start3A_137 = arith.constant 0 : i32
      %dma_start3A_138 = tpu.memref_slice %arg6[%add3A_130, %dma_start3A_137] : memref<40x125xi32, #tpu.memory_space<vmem>> -> memref<1x125xi32, #tpu.memory_space<vmem>>
      %dma_start3A_139 = tpu.memref_squeeze %dma_start3A_138 : memref<1x125xi32, #tpu.memory_space<vmem>> -> memref<125xi32, #tpu.memory_space<vmem>>
      %dma_start3A_140 = arith.constant 0 : i32
      %dma_start3A_141 = arith.constant 0 : i32
      %dma_start3A_142 = tpu.memref_slice %arg2[%dma_start3A_140, %dma_start3A_141] : memref<10000x16xf32, #tpu.memory_space<hbm>> -> memref<10000x16xf32, #tpu.memory_space<hbm>>
      tpu.enqueue_indirect_dma source(%dma_start3A_142 : memref<10000x16xf32, #tpu.memory_space<hbm>>) target(%dma_start3A_136 : memref<125x16xf32, #tpu.memory_space<vmem>>) offsets(%dma_start3A_139 : memref<125xi32, #tpu.memory_space<vmem>>) semaphore(%arg11 : memref<!tpu.dma_semaphore, #tpu.memory_space<semaphore_mem>>)
      %add3A_143 = arith.constant 7 : i32
      %add3A_144 = arith.addi %mul3A_45, %add3A_143 : i32
      %add3A_145 = arith.constant 7 : i32
      %add3A_146 = arith.addi %mul3A_45, %add3A_145 : i32
      %mul3A_147 = arith.constant 125 : i32
      %mul3A_148 = arith.muli %add3A_146, %mul3A_147 : i32
      %dma_start3A_149 = arith.constant 0 : i32
      %dma_start3A_150 = tpu.memref_slice %arg8[%mul3A_148, %dma_start3A_149] : memref<5000x16xf32, #tpu.memory_space<vmem>> -> memref<125x16xf32, #tpu.memory_space<vmem>>
      %dma_start3A_151 = arith.constant 0 : i32
      %dma_start3A_152 = tpu.memref_slice %arg6[%add3A_144, %dma_start3A_151] : memref<40x125xi32, #tpu.memory_space<vmem>> -> memref<1x125xi32, #tpu.memory_space<vmem>>
      %dma_start3A_153 = tpu.memref_squeeze %dma_start3A_152 : memref<1x125xi32, #tpu.memory_space<vmem>> -> memref<125xi32, #tpu.memory_space<vmem>>
      %dma_start3A_154 = arith.constant 0 : i32
      %dma_start3A_155 = arith.constant 0 : i32
      %dma_start3A_156 = tpu.memref_slice %arg2[%dma_start3A_154, %dma_start3A_155] : memref<10000x16xf32, #tpu.memory_space<hbm>> -> memref<10000x16xf32, #tpu.memory_space<hbm>>
      tpu.enqueue_indirect_dma source(%dma_start3A_156 : memref<10000x16xf32, #tpu.memory_space<hbm>>) target(%dma_start3A_150 : memref<125x16xf32, #tpu.memory_space<vmem>>) offsets(%dma_start3A_153 : memref<125xi32, #tpu.memory_space<vmem>>) semaphore(%arg11 : memref<!tpu.dma_semaphore, #tpu.memory_space<semaphore_mem>>)
      %add3A_157 = arith.constant 0 : i32
      %add3A_158 = arith.addi %mul3A_45, %add3A_157 : i32
      %add3A_159 = arith.constant 0 : i32
      %add3A_160 = arith.addi %mul3A_45, %add3A_159 : i32
      %mul3A_161 = arith.constant 125 : i32
      %mul3A_162 = arith.muli %add3A_160, %mul3A_161 : i32
      %dma_wait3A = arith.constant 0 : i32
      %dma_wait3A_163 = tpu.memref_slice %arg8[%mul3A_162, %dma_wait3A] : memref<5000x16xf32, #tpu.memory_space<vmem>> -> memref<125x16xf32, #tpu.memory_space<vmem>>
      %dma_wait3A_164 = arith.constant 0 : i32
      %dma_wait3A_165 = tpu.memref_slice %arg6[%add3A_158, %dma_wait3A_164] : memref<40x125xi32, #tpu.memory_space<vmem>> -> memref<1x125xi32, #tpu.memory_space<vmem>>
      %dma_wait3A_166 = tpu.memref_squeeze %dma_wait3A_165 : memref<1x125xi32, #tpu.memory_space<vmem>> -> memref<125xi32, #tpu.memory_space<vmem>>
      %dma_wait3A_167 = arith.constant 0 : i32
      %dma_wait3A_168 = arith.constant 0 : i32
      %dma_wait3A_169 = tpu.memref_slice %arg2[%dma_wait3A_167, %dma_wait3A_168] : memref<10000x16xf32, #tpu.memory_space<hbm>> -> memref<10000x16xf32, #tpu.memory_space<hbm>>
      tpu.wait_indirect_dma semaphore(%arg11 : memref<!tpu.dma_semaphore, #tpu.memory_space<semaphore_mem>>) src(%dma_wait3A_169 : memref<10000x16xf32, #tpu.memory_space<hbm>>) dst(%dma_wait3A_163 : memref<125x16xf32, #tpu.memory_space<vmem>>)
      %add3A_170 = arith.constant 1 : i32
      %add3A_171 = arith.addi %mul3A_45, %add3A_170 : i32
      %add3A_172 = arith.constant 1 : i32
      %add3A_173 = arith.addi %mul3A_45, %add3A_172 : i32
      %mul3A_174 = arith.constant 125 : i32
      %mul3A_175 = arith.muli %add3A_173, %mul3A_174 : i32
      %dma_wait3A_176 = arith.constant 0 : i32
      %dma_wait3A_177 = tpu.memref_slice %arg8[%mul3A_175, %dma_wait3A_176] : memref<5000x16xf32, #tpu.memory_space<vmem>> -> memref<125x16xf32, #tpu.memory_space<vmem>>
      %dma_wait3A_178 = arith.constant 0 : i32
      %dma_wait3A_179 = tpu.memref_slice %arg6[%add3A_171, %dma_wait3A_178] : memref<40x125xi32, #tpu.memory_space<vmem>> -> memref<1x125xi32, #tpu.memory_space<vmem>>
      %dma_wait3A_180 = tpu.memref_squeeze %dma_wait3A_179 : memref<1x125xi32, #tpu.memory_space<vmem>> -> memref<125xi32, #tpu.memory_space<vmem>>
      %dma_wait3A_181 = arith.constant 0 : i32
      %dma_wait3A_182 = arith.constant 0 : i32
      %dma_wait3A_183 = tpu.memref_slice %arg2[%dma_wait3A_181, %dma_wait3A_182] : memref<10000x16xf32, #tpu.memory_space<hbm>> -> memref<10000x16xf32, #tpu.memory_space<hbm>>
      tpu.wait_indirect_dma semaphore(%arg11 : memref<!tpu.dma_semaphore, #tpu.memory_space<semaphore_mem>>) src(%dma_wait3A_183 : memref<10000x16xf32, #tpu.memory_space<hbm>>) dst(%dma_wait3A_177 : memref<125x16xf32, #tpu.memory_space<vmem>>)
      %add3A_184 = arith.constant 2 : i32
      %add3A_185 = arith.addi %mul3A_45, %add3A_184 : i32
      %add3A_186 = arith.constant 2 : i32
      %add3A_187 = arith.addi %mul3A_45, %add3A_186 : i32
      %mul3A_188 = arith.constant 125 : i32
      %mul3A_189 = arith.muli %add3A_187, %mul3A_188 : i32
      %dma_wait3A_190 = arith.constant 0 : i32
      %dma_wait3A_191 = tpu.memref_slice %arg8[%mul3A_189, %dma_wait3A_190] : memref<5000x16xf32, #tpu.memory_space<vmem>> -> memref<125x16xf32, #tpu.memory_space<vmem>>
      %dma_wait3A_192 = arith.constant 0 : i32
      %dma_wait3A_193 = tpu.memref_slice %arg6[%add3A_185, %dma_wait3A_192] : memref<40x125xi32, #tpu.memory_space<vmem>> -> memref<1x125xi32, #tpu.memory_space<vmem>>
      %dma_wait3A_194 = tpu.memref_squeeze %dma_wait3A_193 : memref<1x125xi32, #tpu.memory_space<vmem>> -> memref<125xi32, #tpu.memory_space<vmem>>
      %dma_wait3A_195 = arith.constant 0 : i32
      %dma_wait3A_196 = arith.constant 0 : i32
      %dma_wait3A_197 = tpu.memref_slice %arg2[%dma_wait3A_195, %dma_wait3A_196] : memref<10000x16xf32, #tpu.memory_space<hbm>> -> memref<10000x16xf32, #tpu.memory_space<hbm>>
      tpu.wait_indirect_dma semaphore(%arg11 : memref<!tpu.dma_semaphore, #tpu.memory_space<semaphore_mem>>) src(%dma_wait3A_197 : memref<10000x16xf32, #tpu.memory_space<hbm>>) dst(%dma_wait3A_191 : memref<125x16xf32, #tpu.memory_space<vmem>>)
      %add3A_198 = arith.constant 3 : i32
      %add3A_199 = arith.addi %mul3A_45, %add3A_198 : i32
      %add3A_200 = arith.constant 3 : i32
      %add3A_201 = arith.addi %mul3A_45, %add3A_200 : i32
      %mul3A_202 = arith.constant 125 : i32
      %mul3A_203 = arith.muli %add3A_201, %mul3A_202 : i32
      %dma_wait3A_204 = arith.constant 0 : i32
      %dma_wait3A_205 = tpu.memref_slice %arg8[%mul3A_203, %dma_wait3A_204] : memref<5000x16xf32, #tpu.memory_space<vmem>> -> memref<125x16xf32, #tpu.memory_space<vmem>>
      %dma_wait3A_206 = arith.constant 0 : i32
      %dma_wait3A_207 = tpu.memref_slice %arg6[%add3A_199, %dma_wait3A_206] : memref<40x125xi32, #tpu.memory_space<vmem>> -> memref<1x125xi32, #tpu.memory_space<vmem>>
      %dma_wait3A_208 = tpu.memref_squeeze %dma_wait3A_207 : memref<1x125xi32, #tpu.memory_space<vmem>> -> memref<125xi32, #tpu.memory_space<vmem>>
      %dma_wait3A_209 = arith.constant 0 : i32
      %dma_wait3A_210 = arith.constant 0 : i32
      %dma_wait3A_211 = tpu.memref_slice %arg2[%dma_wait3A_209, %dma_wait3A_210] : memref<10000x16xf32, #tpu.memory_space<hbm>> -> memref<10000x16xf32, #tpu.memory_space<hbm>>
      tpu.wait_indirect_dma semaphore(%arg11 : memref<!tpu.dma_semaphore, #tpu.memory_space<semaphore_mem>>) src(%dma_wait3A_211 : memref<10000x16xf32, #tpu.memory_space<hbm>>) dst(%dma_wait3A_205 : memref<125x16xf32, #tpu.memory_space<vmem>>)
      %add3A_212 = arith.constant 4 : i32
      %add3A_213 = arith.addi %mul3A_45, %add3A_212 : i32
      %add3A_214 = arith.constant 4 : i32
      %add3A_215 = arith.addi %mul3A_45, %add3A_214 : i32
      %mul3A_216 = arith.constant 125 : i32
      %mul3A_217 = arith.muli %add3A_215, %mul3A_216 : i32
      %dma_wait3A_218 = arith.constant 0 : i32
      %dma_wait3A_219 = tpu.memref_slice %arg8[%mul3A_217, %dma_wait3A_218] : memref<5000x16xf32, #tpu.memory_space<vmem>> -> memref<125x16xf32, #tpu.memory_space<vmem>>
      %dma_wait3A_220 = arith.constant 0 : i32
      %dma_wait3A_221 = tpu.memref_slice %arg6[%add3A_213, %dma_wait3A_220] : memref<40x125xi32, #tpu.memory_space<vmem>> -> memref<1x125xi32, #tpu.memory_space<vmem>>
      %dma_wait3A_222 = tpu.memref_squeeze %dma_wait3A_221 : memref<1x125xi32, #tpu.memory_space<vmem>> -> memref<125xi32, #tpu.memory_space<vmem>>
      %dma_wait3A_223 = arith.constant 0 : i32
      %dma_wait3A_224 = arith.constant 0 : i32
      %dma_wait3A_225 = tpu.memref_slice %arg2[%dma_wait3A_223, %dma_wait3A_224] : memref<10000x16xf32, #tpu.memory_space<hbm>> -> memref<10000x16xf32, #tpu.memory_space<hbm>>
      tpu.wait_indirect_dma semaphore(%arg11 : memref<!tpu.dma_semaphore, #tpu.memory_space<semaphore_mem>>) src(%dma_wait3A_225 : memref<10000x16xf32, #tpu.memory_space<hbm>>) dst(%dma_wait3A_219 : memref<125x16xf32, #tpu.memory_space<vmem>>)
      %add3A_226 = arith.constant 5 : i32
      %add3A_227 = arith.addi %mul3A_45, %add3A_226 : i32
      %add3A_228 = arith.constant 5 : i32
      %add3A_229 = arith.addi %mul3A_45, %add3A_228 : i32
      %mul3A_230 = arith.constant 125 : i32
      %mul3A_231 = arith.muli %add3A_229, %mul3A_230 : i32
      %dma_wait3A_232 = arith.constant 0 : i32
      %dma_wait3A_233 = tpu.memref_slice %arg8[%mul3A_231, %dma_wait3A_232] : memref<5000x16xf32, #tpu.memory_space<vmem>> -> memref<125x16xf32, #tpu.memory_space<vmem>>
      %dma_wait3A_234 = arith.constant 0 : i32
      %dma_wait3A_235 = tpu.memref_slice %arg6[%add3A_227, %dma_wait3A_234] : memref<40x125xi32, #tpu.memory_space<vmem>> -> memref<1x125xi32, #tpu.memory_space<vmem>>
      %dma_wait3A_236 = tpu.memref_squeeze %dma_wait3A_235 : memref<1x125xi32, #tpu.memory_space<vmem>> -> memref<125xi32, #tpu.memory_space<vmem>>
      %dma_wait3A_237 = arith.constant 0 : i32
      %dma_wait3A_238 = arith.constant 0 : i32
      %dma_wait3A_239 = tpu.memref_slice %arg2[%dma_wait3A_237, %dma_wait3A_238] : memref<10000x16xf32, #tpu.memory_space<hbm>> -> memref<10000x16xf32, #tpu.memory_space<hbm>>
      tpu.wait_indirect_dma semaphore(%arg11 : memref<!tpu.dma_semaphore, #tpu.memory_space<semaphore_mem>>) src(%dma_wait3A_239 : memref<10000x16xf32, #tpu.memory_space<hbm>>) dst(%dma_wait3A_233 : memref<125x16xf32, #tpu.memory_space<vmem>>)
      %add3A_240 = arith.constant 6 : i32
      %add3A_241 = arith.addi %mul3A_45, %add3A_240 : i32
      %add3A_242 = arith.constant 6 : i32
      %add3A_243 = arith.addi %mul3A_45, %add3A_242 : i32
      %mul3A_244 = arith.constant 125 : i32
      %mul3A_245 = arith.muli %add3A_243, %mul3A_244 : i32
      %dma_wait3A_246 = arith.constant 0 : i32
      %dma_wait3A_247 = tpu.memref_slice %arg8[%mul3A_245, %dma_wait3A_246] : memref<5000x16xf32, #tpu.memory_space<vmem>> -> memref<125x16xf32, #tpu.memory_space<vmem>>
      %dma_wait3A_248 = arith.constant 0 : i32
      %dma_wait3A_249 = tpu.memref_slice %arg6[%add3A_241, %dma_wait3A_248] : memref<40x125xi32, #tpu.memory_space<vmem>> -> memref<1x125xi32, #tpu.memory_space<vmem>>
      %dma_wait3A_250 = tpu.memref_squeeze %dma_wait3A_249 : memref<1x125xi32, #tpu.memory_space<vmem>> -> memref<125xi32, #tpu.memory_space<vmem>>
      %dma_wait3A_251 = arith.constant 0 : i32
      %dma_wait3A_252 = arith.constant 0 : i32
      %dma_wait3A_253 = tpu.memref_slice %arg2[%dma_wait3A_251, %dma_wait3A_252] : memref<10000x16xf32, #tpu.memory_space<hbm>> -> memref<10000x16xf32, #tpu.memory_space<hbm>>
      tpu.wait_indirect_dma semaphore(%arg11 : memref<!tpu.dma_semaphore, #tpu.memory_space<semaphore_mem>>) src(%dma_wait3A_253 : memref<10000x16xf32, #tpu.memory_space<hbm>>) dst(%dma_wait3A_247 : memref<125x16xf32, #tpu.memory_space<vmem>>)
      %add3A_254 = arith.constant 7 : i32
      %add3A_255 = arith.addi %mul3A_45, %add3A_254 : i32
      %add3A_256 = arith.constant 7 : i32
      %add3A_257 = arith.addi %mul3A_45, %add3A_256 : i32
      %mul3A_258 = arith.constant 125 : i32
      %mul3A_259 = arith.muli %add3A_257, %mul3A_258 : i32
      %dma_wait3A_260 = arith.constant 0 : i32
      %dma_wait3A_261 = tpu.memref_slice %arg8[%mul3A_259, %dma_wait3A_260] : memref<5000x16xf32, #tpu.memory_space<vmem>> -> memref<125x16xf32, #tpu.memory_space<vmem>>
      %dma_wait3A_262 = arith.constant 0 : i32
      %dma_wait3A_263 = tpu.memref_slice %arg6[%add3A_255, %dma_wait3A_262] : memref<40x125xi32, #tpu.memory_space<vmem>> -> memref<1x125xi32, #tpu.memory_space<vmem>>
      %dma_wait3A_264 = tpu.memref_squeeze %dma_wait3A_263 : memref<1x125xi32, #tpu.memory_space<vmem>> -> memref<125xi32, #tpu.memory_space<vmem>>
      %dma_wait3A_265 = arith.constant 0 : i32
      %dma_wait3A_266 = arith.constant 0 : i32
      %dma_wait3A_267 = tpu.memref_slice %arg2[%dma_wait3A_265, %dma_wait3A_266] : memref<10000x16xf32, #tpu.memory_space<hbm>> -> memref<10000x16xf32, #tpu.memory_space<hbm>>
      tpu.wait_indirect_dma semaphore(%arg11 : memref<!tpu.dma_semaphore, #tpu.memory_space<semaphore_mem>>) src(%dma_wait3A_267 : memref<10000x16xf32, #tpu.memory_space<hbm>>) dst(%dma_wait3A_261 : memref<125x16xf32, #tpu.memory_space<vmem>>)
      %scan3A_268 = arith.constant 0 : i32
      scf.yield %scan3A_268 : i32
    }
    %scan3A_39 = arith.constant 5 : i32
    %mul3A_40 = arith.constant 5000 : i32
    %mul3A_41 = arith.muli %add3A, %mul3A_40 : i32
    "tpu.region"() ({
      %run_scoped3A_42 = tpu.sem_alloc : memref<!tpu.dma_semaphore, #tpu.memory_space<semaphore_mem>>
      %dma_start3A = arith.constant 0 : i32
      %dma_start3A_43 = tpu.memref_slice %arg4[%mul3A_41, %dma_start3A] : memref<160000x16xf32, #tpu.memory_space<hbm>> -> memref<5000x16xf32, #tpu.memory_space<hbm>>
      %dma_start3A_44 = arith.constant 0 : i32
      %dma_start3A_45 = tpu.memref_slice %arg4[%mul3A_41, %dma_start3A_44] : memref<160000x16xf32, #tpu.memory_space<hbm>> -> memref<5000x16xf32, #tpu.memory_space<hbm>>
      tpu.enqueue_dma source(%arg8 : memref<5000x16xf32, #tpu.memory_space<vmem>>) target(%dma_start3A_45 : memref<5000x16xf32, #tpu.memory_space<hbm>>) target_semaphore(%run_scoped3A_42 : memref<!tpu.dma_semaphore, #tpu.memory_space<semaphore_mem>>)
      %dma_wait3A = arith.constant 0 : i32
      %dma_wait3A_46 = tpu.memref_slice %arg4[%mul3A_41, %dma_wait3A] : memref<160000x16xf32, #tpu.memory_space<hbm>> -> memref<5000x16xf32, #tpu.memory_space<hbm>>
      %dma_wait3A_47 = arith.constant 0 : i32
      %dma_wait3A_48 = tpu.memref_slice %arg4[%mul3A_41, %dma_wait3A_47] : memref<160000x16xf32, #tpu.memory_space<hbm>> -> memref<5000x16xf32, #tpu.memory_space<hbm>>
      tpu.wait_dma2 semaphore(%run_scoped3A_42 : memref<!tpu.dma_semaphore, #tpu.memory_space<semaphore_mem>>) src(%arg8 : memref<5000x16xf32, #tpu.memory_space<vmem>>) dst(%dma_wait3A_48 : memref<5000x16xf32, #tpu.memory_space<hbm>>)
      tpu.yield
    }) : () -> ()
    return
  }
}

#map = affine_map<(d0, d1) -> (0, 0)>
#map1 = affine_map<(d0, d1) -> (0, 0, 0)>
module attributes {stable_mosaic.version = 14 : i64} {
  func.func @_sc_scatter(%arg0: i32, %arg1: i32, %arg2: memref<160000x16xf32, #tpu.memory_space<hbm>>, %arg3: memref<2x1280x125xi32, #tpu.memory_space<hbm>>, %arg4: memref<2x10112x16xf32, #tpu.memory_space<hbm>>, %arg5: memref<40x125xi32, #tpu.memory_space<vmem>>, %arg6: memref<5000x16xf32, #tpu.memory_space<vmem>>, %arg7: memref<632x16xf32, #tpu.memory_space<vmem>>, %arg8: memref<10112x16xf32, #tpu.memory_space<vmem_shared>>, %arg9: memref<!tpu.dma_semaphore, #tpu.memory_space<semaphore_mem>>, %arg10: memref<!tpu.dma_semaphore, #tpu.memory_space<semaphore_mem>>) attributes {dimension_semantics = [#tpu.dimension_semantics<core_parallel>, #tpu.dimension_semantics<subcore_parallel>], iteration_bounds = array<i64: 2, 16>, scalar_prefetch = 0 : i64, scratch_operands = 6 : i64, tpu.core_type = #tpu.core_type<sc_vector_subcore>, window_params = [{transform_indices = #map}, {transform_indices = #map1}, {transform_indices = #map1}]} {
    %mul3A = arith.constant 16 : i32
    %mul3A_0 = arith.muli %arg0, %mul3A : i32
    %add3A = arith.addi %mul3A_0, %arg1 : i32
    %mul3A_1 = arith.constant 40 : i32
    %mul3A_2 = arith.muli %add3A, %mul3A_1 : i32
    %run_scoped3A = arith.constant 1 : i32
    "tpu.region"() ({
      %run_scoped3A_34 = tpu.sem_alloc : memref<!tpu.dma_semaphore, #tpu.memory_space<semaphore_mem>>
      %dma_start3A_35 = arith.constant 0 : i32
      %dma_start3A_36 = tpu.memref_slice %arg3[%run_scoped3A, %mul3A_2, %dma_start3A_35] : memref<2x1280x125xi32, #tpu.memory_space<hbm>> -> memref<1x40x125xi32, #tpu.memory_space<hbm>>
      %dma_start3A_37 = tpu.memref_squeeze %dma_start3A_36 : memref<1x40x125xi32, #tpu.memory_space<hbm>> -> memref<40x125xi32, #tpu.memory_space<hbm>>
      %dma_start3A_38 = arith.constant 0 : i32
      %dma_start3A_39 = tpu.memref_slice %arg3[%run_scoped3A, %mul3A_2, %dma_start3A_38] : memref<2x1280x125xi32, #tpu.memory_space<hbm>> -> memref<1x40x125xi32, #tpu.memory_space<hbm>>
      %dma_start3A_40 = tpu.memref_squeeze %dma_start3A_39 : memref<1x40x125xi32, #tpu.memory_space<hbm>> -> memref<40x125xi32, #tpu.memory_space<hbm>>
      tpu.enqueue_dma source(%dma_start3A_40 : memref<40x125xi32, #tpu.memory_space<hbm>>) target(%arg5 : memref<40x125xi32, #tpu.memory_space<vmem>>) target_semaphore(%run_scoped3A_34 : memref<!tpu.dma_semaphore, #tpu.memory_space<semaphore_mem>>)
      %dma_wait3A = arith.constant 0 : i32
      %dma_wait3A_41 = tpu.memref_slice %arg3[%run_scoped3A, %mul3A_2, %dma_wait3A] : memref<2x1280x125xi32, #tpu.memory_space<hbm>> -> memref<1x40x125xi32, #tpu.memory_space<hbm>>
      %dma_wait3A_42 = tpu.memref_squeeze %dma_wait3A_41 : memref<1x40x125xi32, #tpu.memory_space<hbm>> -> memref<40x125xi32, #tpu.memory_space<hbm>>
      %dma_wait3A_43 = arith.constant 0 : i32
      %dma_wait3A_44 = tpu.memref_slice %arg3[%run_scoped3A, %mul3A_2, %dma_wait3A_43] : memref<2x1280x125xi32, #tpu.memory_space<hbm>> -> memref<1x40x125xi32, #tpu.memory_space<hbm>>
      %dma_wait3A_45 = tpu.memref_squeeze %dma_wait3A_44 : memref<1x40x125xi32, #tpu.memory_space<hbm>> -> memref<40x125xi32, #tpu.memory_space<hbm>>
      tpu.wait_dma2 semaphore(%run_scoped3A_34 : memref<!tpu.dma_semaphore, #tpu.memory_space<semaphore_mem>>) src(%dma_wait3A_45 : memref<40x125xi32, #tpu.memory_space<hbm>>) dst(%arg5 : memref<40x125xi32, #tpu.memory_space<vmem>>)
      tpu.yield
    }) : () -> ()
    %mul3A_3 = arith.constant 5000 : i32
    %mul3A_4 = arith.muli %add3A, %mul3A_3 : i32
    %dma_start3A = arith.constant 0 : i32
    %dma_start3A_5 = arith.constant 0 : i32
    %dma_start3A_6 = tpu.memref_slice %arg6[%dma_start3A, %dma_start3A_5] : memref<5000x16xf32, #tpu.memory_space<vmem>> -> memref<1000x16xf32, #tpu.memory_space<vmem>>
    %dma_start3A_7 = arith.constant 0 : i32
    %dma_start3A_8 = tpu.memref_slice %arg2[%mul3A_4, %dma_start3A_7] : memref<160000x16xf32, #tpu.memory_space<hbm>> -> memref<1000x16xf32, #tpu.memory_space<hbm>>
    %dma_start3A_9 = arith.constant 0 : i32
    %dma_start3A_10 = arith.constant 0 : i32
    %dma_start3A_11 = tpu.memref_slice %arg6[%dma_start3A_9, %dma_start3A_10] : memref<5000x16xf32, #tpu.memory_space<vmem>> -> memref<1000x16xf32, #tpu.memory_space<vmem>>
    %dma_start3A_12 = arith.constant 0 : i32
    %dma_start3A_13 = tpu.memref_slice %arg2[%mul3A_4, %dma_start3A_12] : memref<160000x16xf32, #tpu.memory_space<hbm>> -> memref<1000x16xf32, #tpu.memory_space<hbm>>
    tpu.enqueue_dma source(%dma_start3A_13 : memref<1000x16xf32, #tpu.memory_space<hbm>>) target(%dma_start3A_11 : memref<1000x16xf32, #tpu.memory_space<vmem>>) target_semaphore(%arg9 : memref<!tpu.dma_semaphore, #tpu.memory_space<semaphore_mem>>)
    %scan3A = arith.constant 0 : i32
    %scan3A_14 = arith.constant 0 : i32
    %scan3A_15 = arith.constant 632 : i32
    %scan3A_16 = arith.addi %scan3A_14, %scan3A_15 : i32
    %scan3A_17 = arith.constant 1 : i32
    %scan3A_18 = scf.for %scan3A_34 = %scan3A_14 to %scan3A_16 step %scan3A_17 iter_args(%scan3A_35 = %scan3A) -> (i32)  : i32 {
      %broadcast_in_dim3A = arith.constant 0.000000e+00 : f32
      %broadcast_in_dim3A_36 = vector.broadcast %broadcast_in_dim3A : f32 to vector<16xf32>
      %swap3A = arith.index_cast %scan3A_34 : i32 to index
      %swap3A_37 = arith.constant 0 : index
      %swap3A_38 = tpu.vector_load %arg7[%swap3A, %swap3A_37] {strides = array<i32>} : memref<632x16xf32, #tpu.memory_space<vmem>>, vector<1x16xf32>,
      %swap3A_39 = vector.shape_cast %swap3A_38 : vector<1x16xf32> to vector<16xf32>
      %swap3A_40 = vector.shape_cast %broadcast_in_dim3A_36 : vector<16xf32> to vector<1x16xf32>
      tpu.vector_store %arg7[%swap3A, %swap3A_37], %swap3A_40 {strides = array<i32>} : memref<632x16xf32, #tpu.memory_space<vmem>>, vector<1x16xf32>,
      %scan3A_41 = arith.constant 0 : i32
      scf.yield %scan3A_41 : i32
    }
    %scan3A_19 = arith.constant 632 : i32
    %mul3A_20 = arith.constant 632 : i32
    %mul3A_21 = arith.muli %arg1, %mul3A_20 : i32
    "tpu.region"() ({
      %run_scoped3A_34 = tpu.sem_alloc : memref<!tpu.dma_semaphore, #tpu.memory_space<semaphore_mem>>
      %dma_start3A_35 = arith.constant 0 : i32
      %dma_start3A_36 = tpu.memref_slice %arg8[%mul3A_21, %dma_start3A_35] : memref<10112x16xf32, #tpu.memory_space<vmem_shared>> -> memref<632x16xf32, #tpu.memory_space<vmem_shared>>
      %dma_start3A_37 = arith.constant 0 : i32
      %dma_start3A_38 = tpu.memref_slice %arg8[%mul3A_21, %dma_start3A_37] : memref<10112x16xf32, #tpu.memory_space<vmem_shared>> -> memref<632x16xf32, #tpu.memory_space<vmem_shared>>
      tpu.enqueue_dma source(%arg7 : memref<632x16xf32, #tpu.memory_space<vmem>>) target(%dma_start3A_38 : memref<632x16xf32, #tpu.memory_space<vmem_shared>>) target_semaphore(%run_scoped3A_34 : memref<!tpu.dma_semaphore, #tpu.memory_space<semaphore_mem>>)
      %dma_wait3A = arith.constant 0 : i32
      %dma_wait3A_39 = tpu.memref_slice %arg8[%mul3A_21, %dma_wait3A] : memref<10112x16xf32, #tpu.memory_space<vmem_shared>> -> memref<632x16xf32, #tpu.memory_space<vmem_shared>>
      %dma_wait3A_40 = arith.constant 0 : i32
      %dma_wait3A_41 = tpu.memref_slice %arg8[%mul3A_21, %dma_wait3A_40] : memref<10112x16xf32, #tpu.memory_space<vmem_shared>> -> memref<632x16xf32, #tpu.memory_space<vmem_shared>>
      tpu.wait_dma2 semaphore(%run_scoped3A_34 : memref<!tpu.dma_semaphore, #tpu.memory_space<semaphore_mem>>) src(%arg7 : memref<632x16xf32, #tpu.memory_space<vmem>>) dst(%dma_wait3A_41 : memref<632x16xf32, #tpu.memory_space<vmem_shared>>)
      tpu.yield
    }) : () -> ()
    %barrier3A = arith.constant 0 : index
    tpu.barrier barrier_id(%barrier3A)
    %scan3A_22 = arith.constant 0 : i32
    %scan3A_23 = arith.constant 0 : i32
    %scan3A_24 = arith.constant 5 : i32
    %scan3A_25 = arith.addi %scan3A_23, %scan3A_24 : i32
    %scan3A_26 = arith.constant 1 : i32
    %scan3A_27 = scf.for %scan3A_34 = %scan3A_23 to %scan3A_25 step %scan3A_26 iter_args(%scan3A_35 = %scan3A_22) -> (i32)  : i32 {
      %mul3A_36 = arith.constant 8 : i32
      %mul3A_37 = arith.muli %scan3A_34, %mul3A_36 : i32
      %mul3A_38 = arith.constant 5000 : i32
      %mul3A_39 = arith.muli %add3A, %mul3A_38 : i32
      %mul3A_40 = arith.constant 125 : i32
      %mul3A_41 = arith.muli %mul3A_37, %mul3A_40 : i32
      %add3A_42 = arith.addi %mul3A_39, %mul3A_41 : i32
      %mul3A_43 = arith.constant 125 : i32
      %mul3A_44 = arith.muli %mul3A_37, %mul3A_43 : i32
      %dma_wait3A = arith.constant 0 : i32
      %dma_wait3A_45 = tpu.memref_slice %arg6[%mul3A_44, %dma_wait3A] : memref<5000x16xf32, #tpu.memory_space<vmem>> -> memref<1000x16xf32, #tpu.memory_space<vmem>>
      %dma_wait3A_46 = arith.constant 0 : i32
      %dma_wait3A_47 = tpu.memref_slice %arg2[%add3A_42, %dma_wait3A_46] : memref<160000x16xf32, #tpu.memory_space<hbm>> -> memref<1000x16xf32, #tpu.memory_space<hbm>>
      %dma_wait3A_48 = arith.constant 0 : i32
      %dma_wait3A_49 = tpu.memref_slice %arg6[%mul3A_44, %dma_wait3A_48] : memref<5000x16xf32, #tpu.memory_space<vmem>> -> memref<1000x16xf32, #tpu.memory_space<vmem>>
      %dma_wait3A_50 = arith.constant 0 : i32
      %dma_wait3A_51 = tpu.memref_slice %arg2[%add3A_42, %dma_wait3A_50] : memref<160000x16xf32, #tpu.memory_space<hbm>> -> memref<1000x16xf32, #tpu.memory_space<hbm>>
      tpu.wait_dma2 semaphore(%arg9 : memref<!tpu.dma_semaphore, #tpu.memory_space<semaphore_mem>>) src(%dma_wait3A_51 : memref<1000x16xf32, #tpu.memory_space<hbm>>) dst(%dma_wait3A_49 : memref<1000x16xf32, #tpu.memory_space<vmem>>)
      %add3A_52 = arith.constant 1 : i32
      %add3A_53 = arith.addi %scan3A_34, %add3A_52 : i32
      %lt3A = arith.constant 5 : i32
      %lt3A_54 = arith.cmpi slt, %add3A_53, %lt3A : i32
      %convert_element_type3A = arith.extui %lt3A_54 : i1 to i32
      %cond3A = arith.constant 0 : i32
      %cond3A_55 = arith.cmpi ne, %convert_element_type3A, %cond3A : i32
      scf.if %cond3A_55 {
        %add3A_281 = arith.constant 1 : i32
        %add3A_282 = arith.addi %scan3A_34, %add3A_281 : i32
        %mul3A_283 = arith.constant 8 : i32
        %mul3A_284 = arith.muli %add3A_282, %mul3A_283 : i32
        %mul3A_285 = arith.constant 5000 : i32
        %mul3A_286 = arith.muli %add3A, %mul3A_285 : i32
        %mul3A_287 = arith.constant 125 : i32
        %mul3A_288 = arith.muli %mul3A_284, %mul3A_287 : i32
        %add3A_289 = arith.addi %mul3A_286, %mul3A_288 : i32
        %mul3A_290 = arith.constant 125 : i32
        %mul3A_291 = arith.muli %mul3A_284, %mul3A_290 : i32
        %dma_start3A_292 = arith.constant 0 : i32
        %dma_start3A_293 = tpu.memref_slice %arg6[%mul3A_291, %dma_start3A_292] : memref<5000x16xf32, #tpu.memory_space<vmem>> -> memref<1000x16xf32, #tpu.memory_space<vmem>>
        %dma_start3A_294 = arith.constant 0 : i32
        %dma_start3A_295 = tpu.memref_slice %arg2[%add3A_289, %dma_start3A_294] : memref<160000x16xf32, #tpu.memory_space<hbm>> -> memref<1000x16xf32, #tpu.memory_space<hbm>>
        %dma_start3A_296 = arith.constant 0 : i32
        %dma_start3A_297 = tpu.memref_slice %arg6[%mul3A_291, %dma_start3A_296] : memref<5000x16xf32, #tpu.memory_space<vmem>> -> memref<1000x16xf32, #tpu.memory_space<vmem>>
        %dma_start3A_298 = arith.constant 0 : i32
        %dma_start3A_299 = tpu.memref_slice %arg2[%add3A_289, %dma_start3A_298] : memref<160000x16xf32, #tpu.memory_space<hbm>> -> memref<1000x16xf32, #tpu.memory_space<hbm>>
        tpu.enqueue_dma source(%dma_start3A_299 : memref<1000x16xf32, #tpu.memory_space<hbm>>) target(%dma_start3A_297 : memref<1000x16xf32, #tpu.memory_space<vmem>>) target_semaphore(%arg9 : memref<!tpu.dma_semaphore, #tpu.memory_space<semaphore_mem>>)
      } else {
      }
      %add3A_56 = arith.constant 0 : i32
      %add3A_57 = arith.addi %mul3A_37, %add3A_56 : i32
      %mul3A_58 = arith.constant 125 : i32
      %mul3A_59 = arith.muli %add3A_57, %mul3A_58 : i32
      %add3A_60 = arith.constant 0 : i32
      %add3A_61 = arith.addi %mul3A_37, %add3A_60 : i32
      %dma_start3A_62 = arith.constant 0 : i32
      %dma_start3A_63 = tpu.memref_slice %arg6[%mul3A_59, %dma_start3A_62] : memref<5000x16xf32, #tpu.memory_space<vmem>> -> memref<125x16xf32, #tpu.memory_space<vmem>>
      %dma_start3A_64 = arith.constant 0 : i32
      %dma_start3A_65 = tpu.memref_slice %arg5[%add3A_61, %dma_start3A_64] : memref<40x125xi32, #tpu.memory_space<vmem>> -> memref<1x125xi32, #tpu.memory_space<vmem>>
      %dma_start3A_66 = tpu.memref_squeeze %dma_start3A_65 : memref<1x125xi32, #tpu.memory_space<vmem>> -> memref<125xi32, #tpu.memory_space<vmem>>
      %dma_start3A_67 = arith.constant 0 : i32
      %dma_start3A_68 = arith.constant 0 : i32
      %dma_start3A_69 = tpu.memref_slice %arg8[%dma_start3A_67, %dma_start3A_68] : memref<10112x16xf32, #tpu.memory_space<vmem_shared>> -> memref<10112x16xf32, #tpu.memory_space<vmem_shared>>
      tpu.enqueue_indirect_dma source(%dma_start3A_63 : memref<125x16xf32, #tpu.memory_space<vmem>>) target(%dma_start3A_69 : memref<10112x16xf32, #tpu.memory_space<vmem_shared>>) offsets(%dma_start3A_66 : memref<125xi32, #tpu.memory_space<vmem>>) semaphore(%arg10 : memref<!tpu.dma_semaphore, #tpu.memory_space<semaphore_mem>>) {add = true}
      %add3A_70 = arith.constant 1 : i32
      %add3A_71 = arith.addi %mul3A_37, %add3A_70 : i32
      %mul3A_72 = arith.constant 125 : i32
      %mul3A_73 = arith.muli %add3A_71, %mul3A_72 : i32
      %add3A_74 = arith.constant 1 : i32
      %add3A_75 = arith.addi %mul3A_37, %add3A_74 : i32
      %dma_start3A_76 = arith.constant 0 : i32
      %dma_start3A_77 = tpu.memref_slice %arg6[%mul3A_73, %dma_start3A_76] : memref<5000x16xf32, #tpu.memory_space<vmem>> -> memref<125x16xf32, #tpu.memory_space<vmem>>
      %dma_start3A_78 = arith.constant 0 : i32
      %dma_start3A_79 = tpu.memref_slice %arg5[%add3A_75, %dma_start3A_78] : memref<40x125xi32, #tpu.memory_space<vmem>> -> memref<1x125xi32, #tpu.memory_space<vmem>>
      %dma_start3A_80 = tpu.memref_squeeze %dma_start3A_79 : memref<1x125xi32, #tpu.memory_space<vmem>> -> memref<125xi32, #tpu.memory_space<vmem>>
      %dma_start3A_81 = arith.constant 0 : i32
      %dma_start3A_82 = arith.constant 0 : i32
      %dma_start3A_83 = tpu.memref_slice %arg8[%dma_start3A_81, %dma_start3A_82] : memref<10112x16xf32, #tpu.memory_space<vmem_shared>> -> memref<10112x16xf32, #tpu.memory_space<vmem_shared>>
      tpu.enqueue_indirect_dma source(%dma_start3A_77 : memref<125x16xf32, #tpu.memory_space<vmem>>) target(%dma_start3A_83 : memref<10112x16xf32, #tpu.memory_space<vmem_shared>>) offsets(%dma_start3A_80 : memref<125xi32, #tpu.memory_space<vmem>>) semaphore(%arg10 : memref<!tpu.dma_semaphore, #tpu.memory_space<semaphore_mem>>) {add = true}
      %add3A_84 = arith.constant 2 : i32
      %add3A_85 = arith.addi %mul3A_37, %add3A_84 : i32
      %mul3A_86 = arith.constant 125 : i32
      %mul3A_87 = arith.muli %add3A_85, %mul3A_86 : i32
      %add3A_88 = arith.constant 2 : i32
      %add3A_89 = arith.addi %mul3A_37, %add3A_88 : i32
      %dma_start3A_90 = arith.constant 0 : i32
      %dma_start3A_91 = tpu.memref_slice %arg6[%mul3A_87, %dma_start3A_90] : memref<5000x16xf32, #tpu.memory_space<vmem>> -> memref<125x16xf32, #tpu.memory_space<vmem>>
      %dma_start3A_92 = arith.constant 0 : i32
      %dma_start3A_93 = tpu.memref_slice %arg5[%add3A_89, %dma_start3A_92] : memref<40x125xi32, #tpu.memory_space<vmem>> -> memref<1x125xi32, #tpu.memory_space<vmem>>
      %dma_start3A_94 = tpu.memref_squeeze %dma_start3A_93 : memref<1x125xi32, #tpu.memory_space<vmem>> -> memref<125xi32, #tpu.memory_space<vmem>>
      %dma_start3A_95 = arith.constant 0 : i32
      %dma_start3A_96 = arith.constant 0 : i32
      %dma_start3A_97 = tpu.memref_slice %arg8[%dma_start3A_95, %dma_start3A_96] : memref<10112x16xf32, #tpu.memory_space<vmem_shared>> -> memref<10112x16xf32, #tpu.memory_space<vmem_shared>>
      tpu.enqueue_indirect_dma source(%dma_start3A_91 : memref<125x16xf32, #tpu.memory_space<vmem>>) target(%dma_start3A_97 : memref<10112x16xf32, #tpu.memory_space<vmem_shared>>) offsets(%dma_start3A_94 : memref<125xi32, #tpu.memory_space<vmem>>) semaphore(%arg10 : memref<!tpu.dma_semaphore, #tpu.memory_space<semaphore_mem>>) {add = true}
      %add3A_98 = arith.constant 3 : i32
      %add3A_99 = arith.addi %mul3A_37, %add3A_98 : i32
      %mul3A_100 = arith.constant 125 : i32
      %mul3A_101 = arith.muli %add3A_99, %mul3A_100 : i32
      %add3A_102 = arith.constant 3 : i32
      %add3A_103 = arith.addi %mul3A_37, %add3A_102 : i32
      %dma_start3A_104 = arith.constant 0 : i32
      %dma_start3A_105 = tpu.memref_slice %arg6[%mul3A_101, %dma_start3A_104] : memref<5000x16xf32, #tpu.memory_space<vmem>> -> memref<125x16xf32, #tpu.memory_space<vmem>>
      %dma_start3A_106 = arith.constant 0 : i32
      %dma_start3A_107 = tpu.memref_slice %arg5[%add3A_103, %dma_start3A_106] : memref<40x125xi32, #tpu.memory_space<vmem>> -> memref<1x125xi32, #tpu.memory_space<vmem>>
      %dma_start3A_108 = tpu.memref_squeeze %dma_start3A_107 : memref<1x125xi32, #tpu.memory_space<vmem>> -> memref<125xi32, #tpu.memory_space<vmem>>
      %dma_start3A_109 = arith.constant 0 : i32
      %dma_start3A_110 = arith.constant 0 : i32
      %dma_start3A_111 = tpu.memref_slice %arg8[%dma_start3A_109, %dma_start3A_110] : memref<10112x16xf32, #tpu.memory_space<vmem_shared>> -> memref<10112x16xf32, #tpu.memory_space<vmem_shared>>
      tpu.enqueue_indirect_dma source(%dma_start3A_105 : memref<125x16xf32, #tpu.memory_space<vmem>>) target(%dma_start3A_111 : memref<10112x16xf32, #tpu.memory_space<vmem_shared>>) offsets(%dma_start3A_108 : memref<125xi32, #tpu.memory_space<vmem>>) semaphore(%arg10 : memref<!tpu.dma_semaphore, #tpu.memory_space<semaphore_mem>>) {add = true}
      %add3A_112 = arith.constant 4 : i32
      %add3A_113 = arith.addi %mul3A_37, %add3A_112 : i32
      %mul3A_114 = arith.constant 125 : i32
      %mul3A_115 = arith.muli %add3A_113, %mul3A_114 : i32
      %add3A_116 = arith.constant 4 : i32
      %add3A_117 = arith.addi %mul3A_37, %add3A_116 : i32
      %dma_start3A_118 = arith.constant 0 : i32
      %dma_start3A_119 = tpu.memref_slice %arg6[%mul3A_115, %dma_start3A_118] : memref<5000x16xf32, #tpu.memory_space<vmem>> -> memref<125x16xf32, #tpu.memory_space<vmem>>
      %dma_start3A_120 = arith.constant 0 : i32
      %dma_start3A_121 = tpu.memref_slice %arg5[%add3A_117, %dma_start3A_120] : memref<40x125xi32, #tpu.memory_space<vmem>> -> memref<1x125xi32, #tpu.memory_space<vmem>>
      %dma_start3A_122 = tpu.memref_squeeze %dma_start3A_121 : memref<1x125xi32, #tpu.memory_space<vmem>> -> memref<125xi32, #tpu.memory_space<vmem>>
      %dma_start3A_123 = arith.constant 0 : i32
      %dma_start3A_124 = arith.constant 0 : i32
      %dma_start3A_125 = tpu.memref_slice %arg8[%dma_start3A_123, %dma_start3A_124] : memref<10112x16xf32, #tpu.memory_space<vmem_shared>> -> memref<10112x16xf32, #tpu.memory_space<vmem_shared>>
      tpu.enqueue_indirect_dma source(%dma_start3A_119 : memref<125x16xf32, #tpu.memory_space<vmem>>) target(%dma_start3A_125 : memref<10112x16xf32, #tpu.memory_space<vmem_shared>>) offsets(%dma_start3A_122 : memref<125xi32, #tpu.memory_space<vmem>>) semaphore(%arg10 : memref<!tpu.dma_semaphore, #tpu.memory_space<semaphore_mem>>) {add = true}
      %add3A_126 = arith.constant 5 : i32
      %add3A_127 = arith.addi %mul3A_37, %add3A_126 : i32
      %mul3A_128 = arith.constant 125 : i32
      %mul3A_129 = arith.muli %add3A_127, %mul3A_128 : i32
      %add3A_130 = arith.constant 5 : i32
      %add3A_131 = arith.addi %mul3A_37, %add3A_130 : i32
      %dma_start3A_132 = arith.constant 0 : i32
      %dma_start3A_133 = tpu.memref_slice %arg6[%mul3A_129, %dma_start3A_132] : memref<5000x16xf32, #tpu.memory_space<vmem>> -> memref<125x16xf32, #tpu.memory_space<vmem>>
      %dma_start3A_134 = arith.constant 0 : i32
      %dma_start3A_135 = tpu.memref_slice %arg5[%add3A_131, %dma_start3A_134] : memref<40x125xi32, #tpu.memory_space<vmem>> -> memref<1x125xi32, #tpu.memory_space<vmem>>
      %dma_start3A_136 = tpu.memref_squeeze %dma_start3A_135 : memref<1x125xi32, #tpu.memory_space<vmem>> -> memref<125xi32, #tpu.memory_space<vmem>>
      %dma_start3A_137 = arith.constant 0 : i32
      %dma_start3A_138 = arith.constant 0 : i32
      %dma_start3A_139 = tpu.memref_slice %arg8[%dma_start3A_137, %dma_start3A_138] : memref<10112x16xf32, #tpu.memory_space<vmem_shared>> -> memref<10112x16xf32, #tpu.memory_space<vmem_shared>>
      tpu.enqueue_indirect_dma source(%dma_start3A_133 : memref<125x16xf32, #tpu.memory_space<vmem>>) target(%dma_start3A_139 : memref<10112x16xf32, #tpu.memory_space<vmem_shared>>) offsets(%dma_start3A_136 : memref<125xi32, #tpu.memory_space<vmem>>) semaphore(%arg10 : memref<!tpu.dma_semaphore, #tpu.memory_space<semaphore_mem>>) {add = true}
      %add3A_140 = arith.constant 6 : i32
      %add3A_141 = arith.addi %mul3A_37, %add3A_140 : i32
      %mul3A_142 = arith.constant 125 : i32
      %mul3A_143 = arith.muli %add3A_141, %mul3A_142 : i32
      %add3A_144 = arith.constant 6 : i32
      %add3A_145 = arith.addi %mul3A_37, %add3A_144 : i32
      %dma_start3A_146 = arith.constant 0 : i32
      %dma_start3A_147 = tpu.memref_slice %arg6[%mul3A_143, %dma_start3A_146] : memref<5000x16xf32, #tpu.memory_space<vmem>> -> memref<125x16xf32, #tpu.memory_space<vmem>>
      %dma_start3A_148 = arith.constant 0 : i32
      %dma_start3A_149 = tpu.memref_slice %arg5[%add3A_145, %dma_start3A_148] : memref<40x125xi32, #tpu.memory_space<vmem>> -> memref<1x125xi32, #tpu.memory_space<vmem>>
      %dma_start3A_150 = tpu.memref_squeeze %dma_start3A_149 : memref<1x125xi32, #tpu.memory_space<vmem>> -> memref<125xi32, #tpu.memory_space<vmem>>
      %dma_start3A_151 = arith.constant 0 : i32
      %dma_start3A_152 = arith.constant 0 : i32
      %dma_start3A_153 = tpu.memref_slice %arg8[%dma_start3A_151, %dma_start3A_152] : memref<10112x16xf32, #tpu.memory_space<vmem_shared>> -> memref<10112x16xf32, #tpu.memory_space<vmem_shared>>
      tpu.enqueue_indirect_dma source(%dma_start3A_147 : memref<125x16xf32, #tpu.memory_space<vmem>>) target(%dma_start3A_153 : memref<10112x16xf32, #tpu.memory_space<vmem_shared>>) offsets(%dma_start3A_150 : memref<125xi32, #tpu.memory_space<vmem>>) semaphore(%arg10 : memref<!tpu.dma_semaphore, #tpu.memory_space<semaphore_mem>>) {add = true}
      %add3A_154 = arith.constant 7 : i32
      %add3A_155 = arith.addi %mul3A_37, %add3A_154 : i32
      %mul3A_156 = arith.constant 125 : i32
      %mul3A_157 = arith.muli %add3A_155, %mul3A_156 : i32
      %add3A_158 = arith.constant 7 : i32
      %add3A_159 = arith.addi %mul3A_37, %add3A_158 : i32
      %dma_start3A_160 = arith.constant 0 : i32
      %dma_start3A_161 = tpu.memref_slice %arg6[%mul3A_157, %dma_start3A_160] : memref<5000x16xf32, #tpu.memory_space<vmem>> -> memref<125x16xf32, #tpu.memory_space<vmem>>
      %dma_start3A_162 = arith.constant 0 : i32
      %dma_start3A_163 = tpu.memref_slice %arg5[%add3A_159, %dma_start3A_162] : memref<40x125xi32, #tpu.memory_space<vmem>> -> memref<1x125xi32, #tpu.memory_space<vmem>>
      %dma_start3A_164 = tpu.memref_squeeze %dma_start3A_163 : memref<1x125xi32, #tpu.memory_space<vmem>> -> memref<125xi32, #tpu.memory_space<vmem>>
      %dma_start3A_165 = arith.constant 0 : i32
      %dma_start3A_166 = arith.constant 0 : i32
      %dma_start3A_167 = tpu.memref_slice %arg8[%dma_start3A_165, %dma_start3A_166] : memref<10112x16xf32, #tpu.memory_space<vmem_shared>> -> memref<10112x16xf32, #tpu.memory_space<vmem_shared>>
      tpu.enqueue_indirect_dma source(%dma_start3A_161 : memref<125x16xf32, #tpu.memory_space<vmem>>) target(%dma_start3A_167 : memref<10112x16xf32, #tpu.memory_space<vmem_shared>>) offsets(%dma_start3A_164 : memref<125xi32, #tpu.memory_space<vmem>>) semaphore(%arg10 : memref<!tpu.dma_semaphore, #tpu.memory_space<semaphore_mem>>) {add = true}
      %add3A_168 = arith.constant 0 : i32
      %add3A_169 = arith.addi %mul3A_37, %add3A_168 : i32
      %mul3A_170 = arith.constant 125 : i32
      %mul3A_171 = arith.muli %add3A_169, %mul3A_170 : i32
      %add3A_172 = arith.constant 0 : i32
      %add3A_173 = arith.addi %mul3A_37, %add3A_172 : i32
      %dma_wait3A_174 = arith.constant 0 : i32
      %dma_wait3A_175 = tpu.memref_slice %arg6[%mul3A_171, %dma_wait3A_174] : memref<5000x16xf32, #tpu.memory_space<vmem>> -> memref<125x16xf32, #tpu.memory_space<vmem>>
      %dma_wait3A_176 = arith.constant 0 : i32
      %dma_wait3A_177 = tpu.memref_slice %arg5[%add3A_173, %dma_wait3A_176] : memref<40x125xi32, #tpu.memory_space<vmem>> -> memref<1x125xi32, #tpu.memory_space<vmem>>
      %dma_wait3A_178 = tpu.memref_squeeze %dma_wait3A_177 : memref<1x125xi32, #tpu.memory_space<vmem>> -> memref<125xi32, #tpu.memory_space<vmem>>
      %dma_wait3A_179 = arith.constant 0 : i32
      %dma_wait3A_180 = arith.constant 0 : i32
      %dma_wait3A_181 = tpu.memref_slice %arg8[%dma_wait3A_179, %dma_wait3A_180] : memref<10112x16xf32, #tpu.memory_space<vmem_shared>> -> memref<10112x16xf32, #tpu.memory_space<vmem_shared>>
      tpu.wait_indirect_dma semaphore(%arg10 : memref<!tpu.dma_semaphore, #tpu.memory_space<semaphore_mem>>) src(%dma_wait3A_175 : memref<125x16xf32, #tpu.memory_space<vmem>>) dst(%dma_wait3A_181 : memref<10112x16xf32, #tpu.memory_space<vmem_shared>>)
      %add3A_182 = arith.constant 1 : i32
      %add3A_183 = arith.addi %mul3A_37, %add3A_182 : i32
      %mul3A_184 = arith.constant 125 : i32
      %mul3A_185 = arith.muli %add3A_183, %mul3A_184 : i32
      %add3A_186 = arith.constant 1 : i32
      %add3A_187 = arith.addi %mul3A_37, %add3A_186 : i32
      %dma_wait3A_188 = arith.constant 0 : i32
      %dma_wait3A_189 = tpu.memref_slice %arg6[%mul3A_185, %dma_wait3A_188] : memref<5000x16xf32, #tpu.memory_space<vmem>> -> memref<125x16xf32, #tpu.memory_space<vmem>>
      %dma_wait3A_190 = arith.constant 0 : i32
      %dma_wait3A_191 = tpu.memref_slice %arg5[%add3A_187, %dma_wait3A_190] : memref<40x125xi32, #tpu.memory_space<vmem>> -> memref<1x125xi32, #tpu.memory_space<vmem>>
      %dma_wait3A_192 = tpu.memref_squeeze %dma_wait3A_191 : memref<1x125xi32, #tpu.memory_space<vmem>> -> memref<125xi32, #tpu.memory_space<vmem>>
      %dma_wait3A_193 = arith.constant 0 : i32
      %dma_wait3A_194 = arith.constant 0 : i32
      %dma_wait3A_195 = tpu.memref_slice %arg8[%dma_wait3A_193, %dma_wait3A_194] : memref<10112x16xf32, #tpu.memory_space<vmem_shared>> -> memref<10112x16xf32, #tpu.memory_space<vmem_shared>>
      tpu.wait_indirect_dma semaphore(%arg10 : memref<!tpu.dma_semaphore, #tpu.memory_space<semaphore_mem>>) src(%dma_wait3A_189 : memref<125x16xf32, #tpu.memory_space<vmem>>) dst(%dma_wait3A_195 : memref<10112x16xf32, #tpu.memory_space<vmem_shared>>)
      %add3A_196 = arith.constant 2 : i32
      %add3A_197 = arith.addi %mul3A_37, %add3A_196 : i32
      %mul3A_198 = arith.constant 125 : i32
      %mul3A_199 = arith.muli %add3A_197, %mul3A_198 : i32
      %add3A_200 = arith.constant 2 : i32
      %add3A_201 = arith.addi %mul3A_37, %add3A_200 : i32
      %dma_wait3A_202 = arith.constant 0 : i32
      %dma_wait3A_203 = tpu.memref_slice %arg6[%mul3A_199, %dma_wait3A_202] : memref<5000x16xf32, #tpu.memory_space<vmem>> -> memref<125x16xf32, #tpu.memory_space<vmem>>
      %dma_wait3A_204 = arith.constant 0 : i32
      %dma_wait3A_205 = tpu.memref_slice %arg5[%add3A_201, %dma_wait3A_204] : memref<40x125xi32, #tpu.memory_space<vmem>> -> memref<1x125xi32, #tpu.memory_space<vmem>>
      %dma_wait3A_206 = tpu.memref_squeeze %dma_wait3A_205 : memref<1x125xi32, #tpu.memory_space<vmem>> -> memref<125xi32, #tpu.memory_space<vmem>>
      %dma_wait3A_207 = arith.constant 0 : i32
      %dma_wait3A_208 = arith.constant 0 : i32
      %dma_wait3A_209 = tpu.memref_slice %arg8[%dma_wait3A_207, %dma_wait3A_208] : memref<10112x16xf32, #tpu.memory_space<vmem_shared>> -> memref<10112x16xf32, #tpu.memory_space<vmem_shared>>
      tpu.wait_indirect_dma semaphore(%arg10 : memref<!tpu.dma_semaphore, #tpu.memory_space<semaphore_mem>>) src(%dma_wait3A_203 : memref<125x16xf32, #tpu.memory_space<vmem>>) dst(%dma_wait3A_209 : memref<10112x16xf32, #tpu.memory_space<vmem_shared>>)
      %add3A_210 = arith.constant 3 : i32
      %add3A_211 = arith.addi %mul3A_37, %add3A_210 : i32
      %mul3A_212 = arith.constant 125 : i32
      %mul3A_213 = arith.muli %add3A_211, %mul3A_212 : i32
      %add3A_214 = arith.constant 3 : i32
      %add3A_215 = arith.addi %mul3A_37, %add3A_214 : i32
      %dma_wait3A_216 = arith.constant 0 : i32
      %dma_wait3A_217 = tpu.memref_slice %arg6[%mul3A_213, %dma_wait3A_216] : memref<5000x16xf32, #tpu.memory_space<vmem>> -> memref<125x16xf32, #tpu.memory_space<vmem>>
      %dma_wait3A_218 = arith.constant 0 : i32
      %dma_wait3A_219 = tpu.memref_slice %arg5[%add3A_215, %dma_wait3A_218] : memref<40x125xi32, #tpu.memory_space<vmem>> -> memref<1x125xi32, #tpu.memory_space<vmem>>
      %dma_wait3A_220 = tpu.memref_squeeze %dma_wait3A_219 : memref<1x125xi32, #tpu.memory_space<vmem>> -> memref<125xi32, #tpu.memory_space<vmem>>
      %dma_wait3A_221 = arith.constant 0 : i32
      %dma_wait3A_222 = arith.constant 0 : i32
      %dma_wait3A_223 = tpu.memref_slice %arg8[%dma_wait3A_221, %dma_wait3A_222] : memref<10112x16xf32, #tpu.memory_space<vmem_shared>> -> memref<10112x16xf32, #tpu.memory_space<vmem_shared>>
      tpu.wait_indirect_dma semaphore(%arg10 : memref<!tpu.dma_semaphore, #tpu.memory_space<semaphore_mem>>) src(%dma_wait3A_217 : memref<125x16xf32, #tpu.memory_space<vmem>>) dst(%dma_wait3A_223 : memref<10112x16xf32, #tpu.memory_space<vmem_shared>>)
      %add3A_224 = arith.constant 4 : i32
      %add3A_225 = arith.addi %mul3A_37, %add3A_224 : i32
      %mul3A_226 = arith.constant 125 : i32
      %mul3A_227 = arith.muli %add3A_225, %mul3A_226 : i32
      %add3A_228 = arith.constant 4 : i32
      %add3A_229 = arith.addi %mul3A_37, %add3A_228 : i32
      %dma_wait3A_230 = arith.constant 0 : i32
      %dma_wait3A_231 = tpu.memref_slice %arg6[%mul3A_227, %dma_wait3A_230] : memref<5000x16xf32, #tpu.memory_space<vmem>> -> memref<125x16xf32, #tpu.memory_space<vmem>>
      %dma_wait3A_232 = arith.constant 0 : i32
      %dma_wait3A_233 = tpu.memref_slice %arg5[%add3A_229, %dma_wait3A_232] : memref<40x125xi32, #tpu.memory_space<vmem>> -> memref<1x125xi32, #tpu.memory_space<vmem>>
      %dma_wait3A_234 = tpu.memref_squeeze %dma_wait3A_233 : memref<1x125xi32, #tpu.memory_space<vmem>> -> memref<125xi32, #tpu.memory_space<vmem>>
      %dma_wait3A_235 = arith.constant 0 : i32
      %dma_wait3A_236 = arith.constant 0 : i32
      %dma_wait3A_237 = tpu.memref_slice %arg8[%dma_wait3A_235, %dma_wait3A_236] : memref<10112x16xf32, #tpu.memory_space<vmem_shared>> -> memref<10112x16xf32, #tpu.memory_space<vmem_shared>>
      tpu.wait_indirect_dma semaphore(%arg10 : memref<!tpu.dma_semaphore, #tpu.memory_space<semaphore_mem>>) src(%dma_wait3A_231 : memref<125x16xf32, #tpu.memory_space<vmem>>) dst(%dma_wait3A_237 : memref<10112x16xf32, #tpu.memory_space<vmem_shared>>)
      %add3A_238 = arith.constant 5 : i32
      %add3A_239 = arith.addi %mul3A_37, %add3A_238 : i32
      %mul3A_240 = arith.constant 125 : i32
      %mul3A_241 = arith.muli %add3A_239, %mul3A_240 : i32
      %add3A_242 = arith.constant 5 : i32
      %add3A_243 = arith.addi %mul3A_37, %add3A_242 : i32
      %dma_wait3A_244 = arith.constant 0 : i32
      %dma_wait3A_245 = tpu.memref_slice %arg6[%mul3A_241, %dma_wait3A_244] : memref<5000x16xf32, #tpu.memory_space<vmem>> -> memref<125x16xf32, #tpu.memory_space<vmem>>
      %dma_wait3A_246 = arith.constant 0 : i32
      %dma_wait3A_247 = tpu.memref_slice %arg5[%add3A_243, %dma_wait3A_246] : memref<40x125xi32, #tpu.memory_space<vmem>> -> memref<1x125xi32, #tpu.memory_space<vmem>>
      %dma_wait3A_248 = tpu.memref_squeeze %dma_wait3A_247 : memref<1x125xi32, #tpu.memory_space<vmem>> -> memref<125xi32, #tpu.memory_space<vmem>>
      %dma_wait3A_249 = arith.constant 0 : i32
      %dma_wait3A_250 = arith.constant 0 : i32
      %dma_wait3A_251 = tpu.memref_slice %arg8[%dma_wait3A_249, %dma_wait3A_250] : memref<10112x16xf32, #tpu.memory_space<vmem_shared>> -> memref<10112x16xf32, #tpu.memory_space<vmem_shared>>
      tpu.wait_indirect_dma semaphore(%arg10 : memref<!tpu.dma_semaphore, #tpu.memory_space<semaphore_mem>>) src(%dma_wait3A_245 : memref<125x16xf32, #tpu.memory_space<vmem>>) dst(%dma_wait3A_251 : memref<10112x16xf32, #tpu.memory_space<vmem_shared>>)
      %add3A_252 = arith.constant 6 : i32
      %add3A_253 = arith.addi %mul3A_37, %add3A_252 : i32
      %mul3A_254 = arith.constant 125 : i32
      %mul3A_255 = arith.muli %add3A_253, %mul3A_254 : i32
      %add3A_256 = arith.constant 6 : i32
      %add3A_257 = arith.addi %mul3A_37, %add3A_256 : i32
      %dma_wait3A_258 = arith.constant 0 : i32
      %dma_wait3A_259 = tpu.memref_slice %arg6[%mul3A_255, %dma_wait3A_258] : memref<5000x16xf32, #tpu.memory_space<vmem>> -> memref<125x16xf32, #tpu.memory_space<vmem>>
      %dma_wait3A_260 = arith.constant 0 : i32
      %dma_wait3A_261 = tpu.memref_slice %arg5[%add3A_257, %dma_wait3A_260] : memref<40x125xi32, #tpu.memory_space<vmem>> -> memref<1x125xi32, #tpu.memory_space<vmem>>
      %dma_wait3A_262 = tpu.memref_squeeze %dma_wait3A_261 : memref<1x125xi32, #tpu.memory_space<vmem>> -> memref<125xi32, #tpu.memory_space<vmem>>
      %dma_wait3A_263 = arith.constant 0 : i32
      %dma_wait3A_264 = arith.constant 0 : i32
      %dma_wait3A_265 = tpu.memref_slice %arg8[%dma_wait3A_263, %dma_wait3A_264] : memref<10112x16xf32, #tpu.memory_space<vmem_shared>> -> memref<10112x16xf32, #tpu.memory_space<vmem_shared>>
      tpu.wait_indirect_dma semaphore(%arg10 : memref<!tpu.dma_semaphore, #tpu.memory_space<semaphore_mem>>) src(%dma_wait3A_259 : memref<125x16xf32, #tpu.memory_space<vmem>>) dst(%dma_wait3A_265 : memref<10112x16xf32, #tpu.memory_space<vmem_shared>>)
      %add3A_266 = arith.constant 7 : i32
      %add3A_267 = arith.addi %mul3A_37, %add3A_266 : i32
      %mul3A_268 = arith.constant 125 : i32
      %mul3A_269 = arith.muli %add3A_267, %mul3A_268 : i32
      %add3A_270 = arith.constant 7 : i32
      %add3A_271 = arith.addi %mul3A_37, %add3A_270 : i32
      %dma_wait3A_272 = arith.constant 0 : i32
      %dma_wait3A_273 = tpu.memref_slice %arg6[%mul3A_269, %dma_wait3A_272] : memref<5000x16xf32, #tpu.memory_space<vmem>> -> memref<125x16xf32, #tpu.memory_space<vmem>>
      %dma_wait3A_274 = arith.constant 0 : i32
      %dma_wait3A_275 = tpu.memref_slice %arg5[%add3A_271, %dma_wait3A_274] : memref<40x125xi32, #tpu.memory_space<vmem>> -> memref<1x125xi32, #tpu.memory_space<vmem>>
      %dma_wait3A_276 = tpu.memref_squeeze %dma_wait3A_275 : memref<1x125xi32, #tpu.memory_space<vmem>> -> memref<125xi32, #tpu.memory_space<vmem>>
      %dma_wait3A_277 = arith.constant 0 : i32
      %dma_wait3A_278 = arith.constant 0 : i32
      %dma_wait3A_279 = tpu.memref_slice %arg8[%dma_wait3A_277, %dma_wait3A_278] : memref<10112x16xf32, #tpu.memory_space<vmem_shared>> -> memref<10112x16xf32, #tpu.memory_space<vmem_shared>>
      tpu.wait_indirect_dma semaphore(%arg10 : memref<!tpu.dma_semaphore, #tpu.memory_space<semaphore_mem>>) src(%dma_wait3A_273 : memref<125x16xf32, #tpu.memory_space<vmem>>) dst(%dma_wait3A_279 : memref<10112x16xf32, #tpu.memory_space<vmem_shared>>)
      %scan3A_280 = arith.constant 0 : i32
      scf.yield %scan3A_280 : i32
    }
    %scan3A_28 = arith.constant 5 : i32
    %barrier3A_29 = arith.constant 0 : index
    tpu.barrier barrier_id(%barrier3A_29)
    %mul3A_30 = arith.constant 632 : i32
    %mul3A_31 = arith.muli %arg1, %mul3A_30 : i32
    %mul3A_32 = arith.constant 632 : i32
    %mul3A_33 = arith.muli %arg1, %mul3A_32 : i32
    "tpu.region"() ({
      %run_scoped3A_34 = tpu.sem_alloc : memref<!tpu.dma_semaphore, #tpu.memory_space<semaphore_mem>>
      %dma_start3A_35 = arith.constant 0 : i32
      %dma_start3A_36 = tpu.memref_slice %arg4[%arg0, %mul3A_33, %dma_start3A_35] : memref<2x10112x16xf32, #tpu.memory_space<hbm>> -> memref<1x632x16xf32, #tpu.memory_space<hbm>>
      %dma_start3A_37 = tpu.memref_squeeze %dma_start3A_36 : memref<1x632x16xf32, #tpu.memory_space<hbm>> -> memref<632x16xf32, #tpu.memory_space<hbm>>
      %dma_start3A_38 = arith.constant 0 : i32
      %dma_start3A_39 = tpu.memref_slice %arg8[%mul3A_31, %dma_start3A_38] : memref<10112x16xf32, #tpu.memory_space<vmem_shared>> -> memref<632x16xf32, #tpu.memory_space<vmem_shared>>
      tpu.enqueue_dma source(%dma_start3A_39 : memref<632x16xf32, #tpu.memory_space<vmem_shared>>) target(%dma_start3A_37 : memref<632x16xf32, #tpu.memory_space<hbm>>) target_semaphore(%run_scoped3A_34 : memref<!tpu.dma_semaphore, #tpu.memory_space<semaphore_mem>>)
      %dma_wait3A = arith.constant 0 : i32
      %dma_wait3A_40 = tpu.memref_slice %arg4[%arg0, %mul3A_33, %dma_wait3A] : memref<2x10112x16xf32, #tpu.memory_space<hbm>> -> memref<1x632x16xf32, #tpu.memory_space<hbm>>
      %dma_wait3A_41 = tpu.memref_squeeze %dma_wait3A_40 : memref<1x632x16xf32, #tpu.memory_space<hbm>> -> memref<632x16xf32, #tpu.memory_space<hbm>>
      %dma_wait3A_42 = arith.constant 0 : i32
      %dma_wait3A_43 = tpu.memref_slice %arg8[%mul3A_31, %dma_wait3A_42] : memref<10112x16xf32, #tpu.memory_space<vmem_shared>> -> memref<632x16xf32, #tpu.memory_space<vmem_shared>>
      tpu.wait_dma2 semaphore(%run_scoped3A_34 : memref<!tpu.dma_semaphore, #tpu.memory_space<semaphore_mem>>) src(%dma_wait3A_43 : memref<632x16xf32, #tpu.memory_space<vmem_shared>>) dst(%dma_wait3A_41 : memref<632x16xf32, #tpu.memory_space<hbm>>)
      tpu.yield
    }) : () -> ()
    return
  }
}

#map = affine_map<(d0, d1) -> (0, 0)>
#map1 = affine_map<(d0, d1) -> (0, 0, 0)>
module attributes {stable_mosaic.version = 14 : i64} {
  func.func @_sc_scatter(%arg0: i32, %arg1: i32, %arg2: memref<160000x16xf32, #tpu.memory_space<hbm>>, %arg3: memref<2x1280x125xi32, #tpu.memory_space<hbm>>, %arg4: memref<2x10112x16xf32, #tpu.memory_space<hbm>>, %arg5: memref<40x125xi32, #tpu.memory_space<vmem>>, %arg6: memref<5000x16xf32, #tpu.memory_space<vmem>>, %arg7: memref<632x16xf32, #tpu.memory_space<vmem>>, %arg8: memref<10112x16xf32, #tpu.memory_space<vmem_shared>>, %arg9: memref<!tpu.dma_semaphore, #tpu.memory_space<semaphore_mem>>, %arg10: memref<!tpu.dma_semaphore, #tpu.memory_space<semaphore_mem>>) attributes {dimension_semantics = [#tpu.dimension_semantics<core_parallel>, #tpu.dimension_semantics<subcore_parallel>], iteration_bounds = array<i64: 2, 16>, scalar_prefetch = 0 : i64, scratch_operands = 6 : i64, tpu.core_type = #tpu.core_type<sc_vector_subcore>, window_params = [{transform_indices = #map}, {transform_indices = #map1}, {transform_indices = #map1}]} {
    %mul3A = arith.constant 16 : i32
    %mul3A_0 = arith.muli %arg0, %mul3A : i32
    %add3A = arith.addi %mul3A_0, %arg1 : i32
    %mul3A_1 = arith.constant 40 : i32
    %mul3A_2 = arith.muli %add3A, %mul3A_1 : i32
    %run_scoped3A = arith.constant 1 : i32
    "tpu.region"() ({
      %run_scoped3A_34 = tpu.sem_alloc : memref<!tpu.dma_semaphore, #tpu.memory_space<semaphore_mem>>
      %dma_start3A_35 = arith.constant 0 : i32
      %dma_start3A_36 = tpu.memref_slice %arg3[%run_scoped3A, %mul3A_2, %dma_start3A_35] : memref<2x1280x125xi32, #tpu.memory_space<hbm>> -> memref<1x40x125xi32, #tpu.memory_space<hbm>>
      %dma_start3A_37 = tpu.memref_squeeze %dma_start3A_36 : memref<1x40x125xi32, #tpu.memory_space<hbm>> -> memref<40x125xi32, #tpu.memory_space<hbm>>
      %dma_start3A_38 = arith.constant 0 : i32
      %dma_start3A_39 = tpu.memref_slice %arg3[%run_scoped3A, %mul3A_2, %dma_start3A_38] : memref<2x1280x125xi32, #tpu.memory_space<hbm>> -> memref<1x40x125xi32, #tpu.memory_space<hbm>>
      %dma_start3A_40 = tpu.memref_squeeze %dma_start3A_39 : memref<1x40x125xi32, #tpu.memory_space<hbm>> -> memref<40x125xi32, #tpu.memory_space<hbm>>
      tpu.enqueue_dma source(%dma_start3A_40 : memref<40x125xi32, #tpu.memory_space<hbm>>) target(%arg5 : memref<40x125xi32, #tpu.memory_space<vmem>>) target_semaphore(%run_scoped3A_34 : memref<!tpu.dma_semaphore, #tpu.memory_space<semaphore_mem>>)
      %dma_wait3A = arith.constant 0 : i32
      %dma_wait3A_41 = tpu.memref_slice %arg3[%run_scoped3A, %mul3A_2, %dma_wait3A] : memref<2x1280x125xi32, #tpu.memory_space<hbm>> -> memref<1x40x125xi32, #tpu.memory_space<hbm>>
      %dma_wait3A_42 = tpu.memref_squeeze %dma_wait3A_41 : memref<1x40x125xi32, #tpu.memory_space<hbm>> -> memref<40x125xi32, #tpu.memory_space<hbm>>
      %dma_wait3A_43 = arith.constant 0 : i32
      %dma_wait3A_44 = tpu.memref_slice %arg3[%run_scoped3A, %mul3A_2, %dma_wait3A_43] : memref<2x1280x125xi32, #tpu.memory_space<hbm>> -> memref<1x40x125xi32, #tpu.memory_space<hbm>>
      %dma_wait3A_45 = tpu.memref_squeeze %dma_wait3A_44 : memref<1x40x125xi32, #tpu.memory_space<hbm>> -> memref<40x125xi32, #tpu.memory_space<hbm>>
      tpu.wait_dma2 semaphore(%run_scoped3A_34 : memref<!tpu.dma_semaphore, #tpu.memory_space<semaphore_mem>>) src(%dma_wait3A_45 : memref<40x125xi32, #tpu.memory_space<hbm>>) dst(%arg5 : memref<40x125xi32, #tpu.memory_space<vmem>>)
      tpu.yield
    }) : () -> ()
    %mul3A_3 = arith.constant 5000 : i32
    %mul3A_4 = arith.muli %add3A, %mul3A_3 : i32
    %dma_start3A = arith.constant 0 : i32
    %dma_start3A_5 = arith.constant 0 : i32
    %dma_start3A_6 = tpu.memref_slice %arg6[%dma_start3A, %dma_start3A_5] : memref<5000x16xf32, #tpu.memory_space<vmem>> -> memref<1000x16xf32, #tpu.memory_space<vmem>>
    %dma_start3A_7 = arith.constant 0 : i32
    %dma_start3A_8 = tpu.memref_slice %arg2[%mul3A_4, %dma_start3A_7] : memref<160000x16xf32, #tpu.memory_space<hbm>> -> memref<1000x16xf32, #tpu.memory_space<hbm>>
    %dma_start3A_9 = arith.constant 0 : i32
    %dma_start3A_10 = arith.constant 0 : i32
    %dma_start3A_11 = tpu.memref_slice %arg6[%dma_start3A_9, %dma_start3A_10] : memref<5000x16xf32, #tpu.memory_space<vmem>> -> memref<1000x16xf32, #tpu.memory_space<vmem>>
    %dma_start3A_12 = arith.constant 0 : i32
    %dma_start3A_13 = tpu.memref_slice %arg2[%mul3A_4, %dma_start3A_12] : memref<160000x16xf32, #tpu.memory_space<hbm>> -> memref<1000x16xf32, #tpu.memory_space<hbm>>
    tpu.enqueue_dma source(%dma_start3A_13 : memref<1000x16xf32, #tpu.memory_space<hbm>>) target(%dma_start3A_11 : memref<1000x16xf32, #tpu.memory_space<vmem>>) target_semaphore(%arg9 : memref<!tpu.dma_semaphore, #tpu.memory_space<semaphore_mem>>)
    %scan3A = arith.constant 0 : i32
    %scan3A_14 = arith.constant 0 : i32
    %scan3A_15 = arith.constant 632 : i32
    %scan3A_16 = arith.addi %scan3A_14, %scan3A_15 : i32
    %scan3A_17 = arith.constant 1 : i32
    %scan3A_18 = scf.for %scan3A_34 = %scan3A_14 to %scan3A_16 step %scan3A_17 iter_args(%scan3A_35 = %scan3A) -> (i32)  : i32 {
      %broadcast_in_dim3A = arith.constant 0.000000e+00 : f32
      %broadcast_in_dim3A_36 = vector.broadcast %broadcast_in_dim3A : f32 to vector<16xf32>
      %swap3A = arith.index_cast %scan3A_34 : i32 to index
      %swap3A_37 = arith.constant 0 : index
      %swap3A_38 = tpu.vector_load %arg7[%swap3A, %swap3A_37] {strides = array<i32>} : memref<632x16xf32, #tpu.memory_space<vmem>>, vector<1x16xf32>,
      %swap3A_39 = vector.shape_cast %swap3A_38 : vector<1x16xf32> to vector<16xf32>
      %swap3A_40 = vector.shape_cast %broadcast_in_dim3A_36 : vector<16xf32> to vector<1x16xf32>
      tpu.vector_store %arg7[%swap3A, %swap3A_37], %swap3A_40 {strides = array<i32>} : memref<632x16xf32, #tpu.memory_space<vmem>>, vector<1x16xf32>,
      %scan3A_41 = arith.constant 0 : i32
      scf.yield %scan3A_41 : i32
    }
    %scan3A_19 = arith.constant 632 : i32
    %mul3A_20 = arith.constant 632 : i32
    %mul3A_21 = arith.muli %arg1, %mul3A_20 : i32
    "tpu.region"() ({
      %run_scoped3A_34 = tpu.sem_alloc : memref<!tpu.dma_semaphore, #tpu.memory_space<semaphore_mem>>
      %dma_start3A_35 = arith.constant 0 : i32
      %dma_start3A_36 = tpu.memref_slice %arg8[%mul3A_21, %dma_start3A_35] : memref<10112x16xf32, #tpu.memory_space<vmem_shared>> -> memref<632x16xf32, #tpu.memory_space<vmem_shared>>
      %dma_start3A_37 = arith.constant 0 : i32
      %dma_start3A_38 = tpu.memref_slice %arg8[%mul3A_21, %dma_start3A_37] : memref<10112x16xf32, #tpu.memory_space<vmem_shared>> -> memref<632x16xf32, #tpu.memory_space<vmem_shared>>
      tpu.enqueue_dma source(%arg7 : memref<632x16xf32, #tpu.memory_space<vmem>>) target(%dma_start3A_38 : memref<632x16xf32, #tpu.memory_space<vmem_shared>>) target_semaphore(%run_scoped3A_34 : memref<!tpu.dma_semaphore, #tpu.memory_space<semaphore_mem>>)
      %dma_wait3A = arith.constant 0 : i32
      %dma_wait3A_39 = tpu.memref_slice %arg8[%mul3A_21, %dma_wait3A] : memref<10112x16xf32, #tpu.memory_space<vmem_shared>> -> memref<632x16xf32, #tpu.memory_space<vmem_shared>>
      %dma_wait3A_40 = arith.constant 0 : i32
      %dma_wait3A_41 = tpu.memref_slice %arg8[%mul3A_21, %dma_wait3A_40] : memref<10112x16xf32, #tpu.memory_space<vmem_shared>> -> memref<632x16xf32, #tpu.memory_space<vmem_shared>>
      tpu.wait_dma2 semaphore(%run_scoped3A_34 : memref<!tpu.dma_semaphore, #tpu.memory_space<semaphore_mem>>) src(%arg7 : memref<632x16xf32, #tpu.memory_space<vmem>>) dst(%dma_wait3A_41 : memref<632x16xf32, #tpu.memory_space<vmem_shared>>)
      tpu.yield
    }) : () -> ()
    %barrier3A = arith.constant 0 : index
    tpu.barrier barrier_id(%barrier3A)
    %scan3A_22 = arith.constant 0 : i32
    %scan3A_23 = arith.constant 0 : i32
    %scan3A_24 = arith.constant 5 : i32
    %scan3A_25 = arith.addi %scan3A_23, %scan3A_24 : i32
    %scan3A_26 = arith.constant 1 : i32
    %scan3A_27 = scf.for %scan3A_34 = %scan3A_23 to %scan3A_25 step %scan3A_26 iter_args(%scan3A_35 = %scan3A_22) -> (i32)  : i32 {
      %mul3A_36 = arith.constant 8 : i32
      %mul3A_37 = arith.muli %scan3A_34, %mul3A_36 : i32
      %mul3A_38 = arith.constant 5000 : i32
      %mul3A_39 = arith.muli %add3A, %mul3A_38 : i32
      %mul3A_40 = arith.constant 125 : i32
      %mul3A_41 = arith.muli %mul3A_37, %mul3A_40 : i32
      %add3A_42 = arith.addi %mul3A_39, %mul3A_41 : i32
      %mul3A_43 = arith.constant 125 : i32
      %mul3A_44 = arith.muli %mul3A_37, %mul3A_43 : i32
      %dma_wait3A = arith.constant 0 : i32
      %dma_wait3A_45 = tpu.memref_slice %arg6[%mul3A_44, %dma_wait3A] : memref<5000x16xf32, #tpu.memory_space<vmem>> -> memref<1000x16xf32, #tpu.memory_space<vmem>>
      %dma_wait3A_46 = arith.constant 0 : i32
      %dma_wait3A_47 = tpu.memref_slice %arg2[%add3A_42, %dma_wait3A_46] : memref<160000x16xf32, #tpu.memory_space<hbm>> -> memref<1000x16xf32, #tpu.memory_space<hbm>>
      %dma_wait3A_48 = arith.constant 0 : i32
      %dma_wait3A_49 = tpu.memref_slice %arg6[%mul3A_44, %dma_wait3A_48] : memref<5000x16xf32, #tpu.memory_space<vmem>> -> memref<1000x16xf32, #tpu.memory_space<vmem>>
      %dma_wait3A_50 = arith.constant 0 : i32
      %dma_wait3A_51 = tpu.memref_slice %arg2[%add3A_42, %dma_wait3A_50] : memref<160000x16xf32, #tpu.memory_space<hbm>> -> memref<1000x16xf32, #tpu.memory_space<hbm>>
      tpu.wait_dma2 semaphore(%arg9 : memref<!tpu.dma_semaphore, #tpu.memory_space<semaphore_mem>>) src(%dma_wait3A_51 : memref<1000x16xf32, #tpu.memory_space<hbm>>) dst(%dma_wait3A_49 : memref<1000x16xf32, #tpu.memory_space<vmem>>)
      %add3A_52 = arith.constant 1 : i32
      %add3A_53 = arith.addi %scan3A_34, %add3A_52 : i32
      %lt3A = arith.constant 5 : i32
      %lt3A_54 = arith.cmpi slt, %add3A_53, %lt3A : i32
      %convert_element_type3A = arith.extui %lt3A_54 : i1 to i32
      %cond3A = arith.constant 0 : i32
      %cond3A_55 = arith.cmpi ne, %convert_element_type3A, %cond3A : i32
      scf.if %cond3A_55 {
        %add3A_281 = arith.constant 1 : i32
        %add3A_282 = arith.addi %scan3A_34, %add3A_281 : i32
        %mul3A_283 = arith.constant 8 : i32
        %mul3A_284 = arith.muli %add3A_282, %mul3A_283 : i32
        %mul3A_285 = arith.constant 5000 : i32
        %mul3A_286 = arith.muli %add3A, %mul3A_285 : i32
        %mul3A_287 = arith.constant 125 : i32
        %mul3A_288 = arith.muli %mul3A_284, %mul3A_287 : i32
        %add3A_289 = arith.addi %mul3A_286, %mul3A_288 : i32
        %mul3A_290 = arith.constant 125 : i32
        %mul3A_291 = arith.muli %mul3A_284, %mul3A_290 : i32
        %dma_start3A_292 = arith.constant 0 : i32
        %dma_start3A_293 = tpu.memref_slice %arg6[%mul3A_291, %dma_start3A_292] : memref<5000x16xf32, #tpu.memory_space<vmem>> -> memref<1000x16xf32, #tpu.memory_space<vmem>>
        %dma_start3A_294 = arith.constant 0 : i32
        %dma_start3A_295 = tpu.memref_slice %arg2[%add3A_289, %dma_start3A_294] : memref<160000x16xf32, #tpu.memory_space<hbm>> -> memref<1000x16xf32, #tpu.memory_space<hbm>>
        %dma_start3A_296 = arith.constant 0 : i32
        %dma_start3A_297 = tpu.memref_slice %arg6[%mul3A_291, %dma_start3A_296] : memref<5000x16xf32, #tpu.memory_space<vmem>> -> memref<1000x16xf32, #tpu.memory_space<vmem>>
        %dma_start3A_298 = arith.constant 0 : i32
        %dma_start3A_299 = tpu.memref_slice %arg2[%add3A_289, %dma_start3A_298] : memref<160000x16xf32, #tpu.memory_space<hbm>> -> memref<1000x16xf32, #tpu.memory_space<hbm>>
        tpu.enqueue_dma source(%dma_start3A_299 : memref<1000x16xf32, #tpu.memory_space<hbm>>) target(%dma_start3A_297 : memref<1000x16xf32, #tpu.memory_space<vmem>>) target_semaphore(%arg9 : memref<!tpu.dma_semaphore, #tpu.memory_space<semaphore_mem>>)
      } else {
      }
      %add3A_56 = arith.constant 0 : i32
      %add3A_57 = arith.addi %mul3A_37, %add3A_56 : i32
      %mul3A_58 = arith.constant 125 : i32
      %mul3A_59 = arith.muli %add3A_57, %mul3A_58 : i32
      %add3A_60 = arith.constant 0 : i32
      %add3A_61 = arith.addi %mul3A_37, %add3A_60 : i32
      %dma_start3A_62 = arith.constant 0 : i32
      %dma_start3A_63 = tpu.memref_slice %arg6[%mul3A_59, %dma_start3A_62] : memref<5000x16xf32, #tpu.memory_space<vmem>> -> memref<125x16xf32, #tpu.memory_space<vmem>>
      %dma_start3A_64 = arith.constant 0 : i32
      %dma_start3A_65 = tpu.memref_slice %arg5[%add3A_61, %dma_start3A_64] : memref<40x125xi32, #tpu.memory_space<vmem>> -> memref<1x125xi32, #tpu.memory_space<vmem>>
      %dma_start3A_66 = tpu.memref_squeeze %dma_start3A_65 : memref<1x125xi32, #tpu.memory_space<vmem>> -> memref<125xi32, #tpu.memory_space<vmem>>
      %dma_start3A_67 = arith.constant 0 : i32
      %dma_start3A_68 = arith.constant 0 : i32
      %dma_start3A_69 = tpu.memref_slice %arg8[%dma_start3A_67, %dma_start3A_68] : memref<10112x16xf32, #tpu.memory_space<vmem_shared>> -> memref<10112x16xf32, #tpu.memory_space<vmem_shared>>
      tpu.enqueue_indirect_dma source(%dma_start3A_63 : memref<125x16xf32, #tpu.memory_space<vmem>>) target(%dma_start3A_69 : memref<10112x16xf32, #tpu.memory_space<vmem_shared>>) offsets(%dma_start3A_66 : memref<125xi32, #tpu.memory_space<vmem>>) semaphore(%arg10 : memref<!tpu.dma_semaphore, #tpu.memory_space<semaphore_mem>>) {add = true}
      %add3A_70 = arith.constant 1 : i32
      %add3A_71 = arith.addi %mul3A_37, %add3A_70 : i32
      %mul3A_72 = arith.constant 125 : i32
      %mul3A_73 = arith.muli %add3A_71, %mul3A_72 : i32
      %add3A_74 = arith.constant 1 : i32
      %add3A_75 = arith.addi %mul3A_37, %add3A_74 : i32
      %dma_start3A_76 = arith.constant 0 : i32
      %dma_start3A_77 = tpu.memref_slice %arg6[%mul3A_73, %dma_start3A_76] : memref<5000x16xf32, #tpu.memory_space<vmem>> -> memref<125x16xf32, #tpu.memory_space<vmem>>
      %dma_start3A_78 = arith.constant 0 : i32
      %dma_start3A_79 = tpu.memref_slice %arg5[%add3A_75, %dma_start3A_78] : memref<40x125xi32, #tpu.memory_space<vmem>> -> memref<1x125xi32, #tpu.memory_space<vmem>>
      %dma_start3A_80 = tpu.memref_squeeze %dma_start3A_79 : memref<1x125xi32, #tpu.memory_space<vmem>> -> memref<125xi32, #tpu.memory_space<vmem>>
      %dma_start3A_81 = arith.constant 0 : i32
      %dma_start3A_82 = arith.constant 0 : i32
      %dma_start3A_83 = tpu.memref_slice %arg8[%dma_start3A_81, %dma_start3A_82] : memref<10112x16xf32, #tpu.memory_space<vmem_shared>> -> memref<10112x16xf32, #tpu.memory_space<vmem_shared>>
      tpu.enqueue_indirect_dma source(%dma_start3A_77 : memref<125x16xf32, #tpu.memory_space<vmem>>) target(%dma_start3A_83 : memref<10112x16xf32, #tpu.memory_space<vmem_shared>>) offsets(%dma_start3A_80 : memref<125xi32, #tpu.memory_space<vmem>>) semaphore(%arg10 : memref<!tpu.dma_semaphore, #tpu.memory_space<semaphore_mem>>) {add = true}
      %add3A_84 = arith.constant 2 : i32
      %add3A_85 = arith.addi %mul3A_37, %add3A_84 : i32
      %mul3A_86 = arith.constant 125 : i32
      %mul3A_87 = arith.muli %add3A_85, %mul3A_86 : i32
      %add3A_88 = arith.constant 2 : i32
      %add3A_89 = arith.addi %mul3A_37, %add3A_88 : i32
      %dma_start3A_90 = arith.constant 0 : i32
      %dma_start3A_91 = tpu.memref_slice %arg6[%mul3A_87, %dma_start3A_90] : memref<5000x16xf32, #tpu.memory_space<vmem>> -> memref<125x16xf32, #tpu.memory_space<vmem>>
      %dma_start3A_92 = arith.constant 0 : i32
      %dma_start3A_93 = tpu.memref_slice %arg5[%add3A_89, %dma_start3A_92] : memref<40x125xi32, #tpu.memory_space<vmem>> -> memref<1x125xi32, #tpu.memory_space<vmem>>
      %dma_start3A_94 = tpu.memref_squeeze %dma_start3A_93 : memref<1x125xi32, #tpu.memory_space<vmem>> -> memref<125xi32, #tpu.memory_space<vmem>>
      %dma_start3A_95 = arith.constant 0 : i32
      %dma_start3A_96 = arith.constant 0 : i32
      %dma_start3A_97 = tpu.memref_slice %arg8[%dma_start3A_95, %dma_start3A_96] : memref<10112x16xf32, #tpu.memory_space<vmem_shared>> -> memref<10112x16xf32, #tpu.memory_space<vmem_shared>>
      tpu.enqueue_indirect_dma source(%dma_start3A_91 : memref<125x16xf32, #tpu.memory_space<vmem>>) target(%dma_start3A_97 : memref<10112x16xf32, #tpu.memory_space<vmem_shared>>) offsets(%dma_start3A_94 : memref<125xi32, #tpu.memory_space<vmem>>) semaphore(%arg10 : memref<!tpu.dma_semaphore, #tpu.memory_space<semaphore_mem>>) {add = true}
      %add3A_98 = arith.constant 3 : i32
      %add3A_99 = arith.addi %mul3A_37, %add3A_98 : i32
      %mul3A_100 = arith.constant 125 : i32
      %mul3A_101 = arith.muli %add3A_99, %mul3A_100 : i32
      %add3A_102 = arith.constant 3 : i32
      %add3A_103 = arith.addi %mul3A_37, %add3A_102 : i32
      %dma_start3A_104 = arith.constant 0 : i32
      %dma_start3A_105 = tpu.memref_slice %arg6[%mul3A_101, %dma_start3A_104] : memref<5000x16xf32, #tpu.memory_space<vmem>> -> memref<125x16xf32, #tpu.memory_space<vmem>>
      %dma_start3A_106 = arith.constant 0 : i32
      %dma_start3A_107 = tpu.memref_slice %arg5[%add3A_103, %dma_start3A_106] : memref<40x125xi32, #tpu.memory_space<vmem>> -> memref<1x125xi32, #tpu.memory_space<vmem>>
      %dma_start3A_108 = tpu.memref_squeeze %dma_start3A_107 : memref<1x125xi32, #tpu.memory_space<vmem>> -> memref<125xi32, #tpu.memory_space<vmem>>
      %dma_start3A_109 = arith.constant 0 : i32
      %dma_start3A_110 = arith.constant 0 : i32
      %dma_start3A_111 = tpu.memref_slice %arg8[%dma_start3A_109, %dma_start3A_110] : memref<10112x16xf32, #tpu.memory_space<vmem_shared>> -> memref<10112x16xf32, #tpu.memory_space<vmem_shared>>
      tpu.enqueue_indirect_dma source(%dma_start3A_105 : memref<125x16xf32, #tpu.memory_space<vmem>>) target(%dma_start3A_111 : memref<10112x16xf32, #tpu.memory_space<vmem_shared>>) offsets(%dma_start3A_108 : memref<125xi32, #tpu.memory_space<vmem>>) semaphore(%arg10 : memref<!tpu.dma_semaphore, #tpu.memory_space<semaphore_mem>>) {add = true}
      %add3A_112 = arith.constant 4 : i32
      %add3A_113 = arith.addi %mul3A_37, %add3A_112 : i32
      %mul3A_114 = arith.constant 125 : i32
      %mul3A_115 = arith.muli %add3A_113, %mul3A_114 : i32
      %add3A_116 = arith.constant 4 : i32
      %add3A_117 = arith.addi %mul3A_37, %add3A_116 : i32
      %dma_start3A_118 = arith.constant 0 : i32
      %dma_start3A_119 = tpu.memref_slice %arg6[%mul3A_115, %dma_start3A_118] : memref<5000x16xf32, #tpu.memory_space<vmem>> -> memref<125x16xf32, #tpu.memory_space<vmem>>
      %dma_start3A_120 = arith.constant 0 : i32
      %dma_start3A_121 = tpu.memref_slice %arg5[%add3A_117, %dma_start3A_120] : memref<40x125xi32, #tpu.memory_space<vmem>> -> memref<1x125xi32, #tpu.memory_space<vmem>>
      %dma_start3A_122 = tpu.memref_squeeze %dma_start3A_121 : memref<1x125xi32, #tpu.memory_space<vmem>> -> memref<125xi32, #tpu.memory_space<vmem>>
      %dma_start3A_123 = arith.constant 0 : i32
      %dma_start3A_124 = arith.constant 0 : i32
      %dma_start3A_125 = tpu.memref_slice %arg8[%dma_start3A_123, %dma_start3A_124] : memref<10112x16xf32, #tpu.memory_space<vmem_shared>> -> memref<10112x16xf32, #tpu.memory_space<vmem_shared>>
      tpu.enqueue_indirect_dma source(%dma_start3A_119 : memref<125x16xf32, #tpu.memory_space<vmem>>) target(%dma_start3A_125 : memref<10112x16xf32, #tpu.memory_space<vmem_shared>>) offsets(%dma_start3A_122 : memref<125xi32, #tpu.memory_space<vmem>>) semaphore(%arg10 : memref<!tpu.dma_semaphore, #tpu.memory_space<semaphore_mem>>) {add = true}
      %add3A_126 = arith.constant 5 : i32
      %add3A_127 = arith.addi %mul3A_37, %add3A_126 : i32
      %mul3A_128 = arith.constant 125 : i32
      %mul3A_129 = arith.muli %add3A_127, %mul3A_128 : i32
      %add3A_130 = arith.constant 5 : i32
      %add3A_131 = arith.addi %mul3A_37, %add3A_130 : i32
      %dma_start3A_132 = arith.constant 0 : i32
      %dma_start3A_133 = tpu.memref_slice %arg6[%mul3A_129, %dma_start3A_132] : memref<5000x16xf32, #tpu.memory_space<vmem>> -> memref<125x16xf32, #tpu.memory_space<vmem>>
      %dma_start3A_134 = arith.constant 0 : i32
      %dma_start3A_135 = tpu.memref_slice %arg5[%add3A_131, %dma_start3A_134] : memref<40x125xi32, #tpu.memory_space<vmem>> -> memref<1x125xi32, #tpu.memory_space<vmem>>
      %dma_start3A_136 = tpu.memref_squeeze %dma_start3A_135 : memref<1x125xi32, #tpu.memory_space<vmem>> -> memref<125xi32, #tpu.memory_space<vmem>>
      %dma_start3A_137 = arith.constant 0 : i32
      %dma_start3A_138 = arith.constant 0 : i32
      %dma_start3A_139 = tpu.memref_slice %arg8[%dma_start3A_137, %dma_start3A_138] : memref<10112x16xf32, #tpu.memory_space<vmem_shared>> -> memref<10112x16xf32, #tpu.memory_space<vmem_shared>>
      tpu.enqueue_indirect_dma source(%dma_start3A_133 : memref<125x16xf32, #tpu.memory_space<vmem>>) target(%dma_start3A_139 : memref<10112x16xf32, #tpu.memory_space<vmem_shared>>) offsets(%dma_start3A_136 : memref<125xi32, #tpu.memory_space<vmem>>) semaphore(%arg10 : memref<!tpu.dma_semaphore, #tpu.memory_space<semaphore_mem>>) {add = true}
      %add3A_140 = arith.constant 6 : i32
      %add3A_141 = arith.addi %mul3A_37, %add3A_140 : i32
      %mul3A_142 = arith.constant 125 : i32
      %mul3A_143 = arith.muli %add3A_141, %mul3A_142 : i32
      %add3A_144 = arith.constant 6 : i32
      %add3A_145 = arith.addi %mul3A_37, %add3A_144 : i32
      %dma_start3A_146 = arith.constant 0 : i32
      %dma_start3A_147 = tpu.memref_slice %arg6[%mul3A_143, %dma_start3A_146] : memref<5000x16xf32, #tpu.memory_space<vmem>> -> memref<125x16xf32, #tpu.memory_space<vmem>>
      %dma_start3A_148 = arith.constant 0 : i32
      %dma_start3A_149 = tpu.memref_slice %arg5[%add3A_145, %dma_start3A_148] : memref<40x125xi32, #tpu.memory_space<vmem>> -> memref<1x125xi32, #tpu.memory_space<vmem>>
      %dma_start3A_150 = tpu.memref_squeeze %dma_start3A_149 : memref<1x125xi32, #tpu.memory_space<vmem>> -> memref<125xi32, #tpu.memory_space<vmem>>
      %dma_start3A_151 = arith.constant 0 : i32
      %dma_start3A_152 = arith.constant 0 : i32
      %dma_start3A_153 = tpu.memref_slice %arg8[%dma_start3A_151, %dma_start3A_152] : memref<10112x16xf32, #tpu.memory_space<vmem_shared>> -> memref<10112x16xf32, #tpu.memory_space<vmem_shared>>
      tpu.enqueue_indirect_dma source(%dma_start3A_147 : memref<125x16xf32, #tpu.memory_space<vmem>>) target(%dma_start3A_153 : memref<10112x16xf32, #tpu.memory_space<vmem_shared>>) offsets(%dma_start3A_150 : memref<125xi32, #tpu.memory_space<vmem>>) semaphore(%arg10 : memref<!tpu.dma_semaphore, #tpu.memory_space<semaphore_mem>>) {add = true}
      %add3A_154 = arith.constant 7 : i32
      %add3A_155 = arith.addi %mul3A_37, %add3A_154 : i32
      %mul3A_156 = arith.constant 125 : i32
      %mul3A_157 = arith.muli %add3A_155, %mul3A_156 : i32
      %add3A_158 = arith.constant 7 : i32
      %add3A_159 = arith.addi %mul3A_37, %add3A_158 : i32
      %dma_start3A_160 = arith.constant 0 : i32
      %dma_start3A_161 = tpu.memref_slice %arg6[%mul3A_157, %dma_start3A_160] : memref<5000x16xf32, #tpu.memory_space<vmem>> -> memref<125x16xf32, #tpu.memory_space<vmem>>
      %dma_start3A_162 = arith.constant 0 : i32
      %dma_start3A_163 = tpu.memref_slice %arg5[%add3A_159, %dma_start3A_162] : memref<40x125xi32, #tpu.memory_space<vmem>> -> memref<1x125xi32, #tpu.memory_space<vmem>>
      %dma_start3A_164 = tpu.memref_squeeze %dma_start3A_163 : memref<1x125xi32, #tpu.memory_space<vmem>> -> memref<125xi32, #tpu.memory_space<vmem>>
      %dma_start3A_165 = arith.constant 0 : i32
      %dma_start3A_166 = arith.constant 0 : i32
      %dma_start3A_167 = tpu.memref_slice %arg8[%dma_start3A_165, %dma_start3A_166] : memref<10112x16xf32, #tpu.memory_space<vmem_shared>> -> memref<10112x16xf32, #tpu.memory_space<vmem_shared>>
      tpu.enqueue_indirect_dma source(%dma_start3A_161 : memref<125x16xf32, #tpu.memory_space<vmem>>) target(%dma_start3A_167 : memref<10112x16xf32, #tpu.memory_space<vmem_shared>>) offsets(%dma_start3A_164 : memref<125xi32, #tpu.memory_space<vmem>>) semaphore(%arg10 : memref<!tpu.dma_semaphore, #tpu.memory_space<semaphore_mem>>) {add = true}
      %add3A_168 = arith.constant 0 : i32
      %add3A_169 = arith.addi %mul3A_37, %add3A_168 : i32
      %mul3A_170 = arith.constant 125 : i32
      %mul3A_171 = arith.muli %add3A_169, %mul3A_170 : i32
      %add3A_172 = arith.constant 0 : i32
      %add3A_173 = arith.addi %mul3A_37, %add3A_172 : i32
      %dma_wait3A_174 = arith.constant 0 : i32
      %dma_wait3A_175 = tpu.memref_slice %arg6[%mul3A_171, %dma_wait3A_174] : memref<5000x16xf32, #tpu.memory_space<vmem>> -> memref<125x16xf32, #tpu.memory_space<vmem>>
      %dma_wait3A_176 = arith.constant 0 : i32
      %dma_wait3A_177 = tpu.memref_slice %arg5[%add3A_173, %dma_wait3A_176] : memref<40x125xi32, #tpu.memory_space<vmem>> -> memref<1x125xi32, #tpu.memory_space<vmem>>
      %dma_wait3A_178 = tpu.memref_squeeze %dma_wait3A_177 : memref<1x125xi32, #tpu.memory_space<vmem>> -> memref<125xi32, #tpu.memory_space<vmem>>
      %dma_wait3A_179 = arith.constant 0 : i32
      %dma_wait3A_180 = arith.constant 0 : i32
      %dma_wait3A_181 = tpu.memref_slice %arg8[%dma_wait3A_179, %dma_wait3A_180] : memref<10112x16xf32, #tpu.memory_space<vmem_shared>> -> memref<10112x16xf32, #tpu.memory_space<vmem_shared>>
      tpu.wait_indirect_dma semaphore(%arg10 : memref<!tpu.dma_semaphore, #tpu.memory_space<semaphore_mem>>) src(%dma_wait3A_175 : memref<125x16xf32, #tpu.memory_space<vmem>>) dst(%dma_wait3A_181 : memref<10112x16xf32, #tpu.memory_space<vmem_shared>>)
      %add3A_182 = arith.constant 1 : i32
      %add3A_183 = arith.addi %mul3A_37, %add3A_182 : i32
      %mul3A_184 = arith.constant 125 : i32
      %mul3A_185 = arith.muli %add3A_183, %mul3A_184 : i32
      %add3A_186 = arith.constant 1 : i32
      %add3A_187 = arith.addi %mul3A_37, %add3A_186 : i32
      %dma_wait3A_188 = arith.constant 0 : i32
      %dma_wait3A_189 = tpu.memref_slice %arg6[%mul3A_185, %dma_wait3A_188] : memref<5000x16xf32, #tpu.memory_space<vmem>> -> memref<125x16xf32, #tpu.memory_space<vmem>>
      %dma_wait3A_190 = arith.constant 0 : i32
      %dma_wait3A_191 = tpu.memref_slice %arg5[%add3A_187, %dma_wait3A_190] : memref<40x125xi32, #tpu.memory_space<vmem>> -> memref<1x125xi32, #tpu.memory_space<vmem>>
      %dma_wait3A_192 = tpu.memref_squeeze %dma_wait3A_191 : memref<1x125xi32, #tpu.memory_space<vmem>> -> memref<125xi32, #tpu.memory_space<vmem>>
      %dma_wait3A_193 = arith.constant 0 : i32
      %dma_wait3A_194 = arith.constant 0 : i32
      %dma_wait3A_195 = tpu.memref_slice %arg8[%dma_wait3A_193, %dma_wait3A_194] : memref<10112x16xf32, #tpu.memory_space<vmem_shared>> -> memref<10112x16xf32, #tpu.memory_space<vmem_shared>>
      tpu.wait_indirect_dma semaphore(%arg10 : memref<!tpu.dma_semaphore, #tpu.memory_space<semaphore_mem>>) src(%dma_wait3A_189 : memref<125x16xf32, #tpu.memory_space<vmem>>) dst(%dma_wait3A_195 : memref<10112x16xf32, #tpu.memory_space<vmem_shared>>)
      %add3A_196 = arith.constant 2 : i32
      %add3A_197 = arith.addi %mul3A_37, %add3A_196 : i32
      %mul3A_198 = arith.constant 125 : i32
      %mul3A_199 = arith.muli %add3A_197, %mul3A_198 : i32
      %add3A_200 = arith.constant 2 : i32
      %add3A_201 = arith.addi %mul3A_37, %add3A_200 : i32
      %dma_wait3A_202 = arith.constant 0 : i32
      %dma_wait3A_203 = tpu.memref_slice %arg6[%mul3A_199, %dma_wait3A_202] : memref<5000x16xf32, #tpu.memory_space<vmem>> -> memref<125x16xf32, #tpu.memory_space<vmem>>
      %dma_wait3A_204 = arith.constant 0 : i32
      %dma_wait3A_205 = tpu.memref_slice %arg5[%add3A_201, %dma_wait3A_204] : memref<40x125xi32, #tpu.memory_space<vmem>> -> memref<1x125xi32, #tpu.memory_space<vmem>>
      %dma_wait3A_206 = tpu.memref_squeeze %dma_wait3A_205 : memref<1x125xi32, #tpu.memory_space<vmem>> -> memref<125xi32, #tpu.memory_space<vmem>>
      %dma_wait3A_207 = arith.constant 0 : i32
      %dma_wait3A_208 = arith.constant 0 : i32
      %dma_wait3A_209 = tpu.memref_slice %arg8[%dma_wait3A_207, %dma_wait3A_208] : memref<10112x16xf32, #tpu.memory_space<vmem_shared>> -> memref<10112x16xf32, #tpu.memory_space<vmem_shared>>
      tpu.wait_indirect_dma semaphore(%arg10 : memref<!tpu.dma_semaphore, #tpu.memory_space<semaphore_mem>>) src(%dma_wait3A_203 : memref<125x16xf32, #tpu.memory_space<vmem>>) dst(%dma_wait3A_209 : memref<10112x16xf32, #tpu.memory_space<vmem_shared>>)
      %add3A_210 = arith.constant 3 : i32
      %add3A_211 = arith.addi %mul3A_37, %add3A_210 : i32
      %mul3A_212 = arith.constant 125 : i32
      %mul3A_213 = arith.muli %add3A_211, %mul3A_212 : i32
      %add3A_214 = arith.constant 3 : i32
      %add3A_215 = arith.addi %mul3A_37, %add3A_214 : i32
      %dma_wait3A_216 = arith.constant 0 : i32
      %dma_wait3A_217 = tpu.memref_slice %arg6[%mul3A_213, %dma_wait3A_216] : memref<5000x16xf32, #tpu.memory_space<vmem>> -> memref<125x16xf32, #tpu.memory_space<vmem>>
      %dma_wait3A_218 = arith.constant 0 : i32
      %dma_wait3A_219 = tpu.memref_slice %arg5[%add3A_215, %dma_wait3A_218] : memref<40x125xi32, #tpu.memory_space<vmem>> -> memref<1x125xi32, #tpu.memory_space<vmem>>
      %dma_wait3A_220 = tpu.memref_squeeze %dma_wait3A_219 : memref<1x125xi32, #tpu.memory_space<vmem>> -> memref<125xi32, #tpu.memory_space<vmem>>
      %dma_wait3A_221 = arith.constant 0 : i32
      %dma_wait3A_222 = arith.constant 0 : i32
      %dma_wait3A_223 = tpu.memref_slice %arg8[%dma_wait3A_221, %dma_wait3A_222] : memref<10112x16xf32, #tpu.memory_space<vmem_shared>> -> memref<10112x16xf32, #tpu.memory_space<vmem_shared>>
      tpu.wait_indirect_dma semaphore(%arg10 : memref<!tpu.dma_semaphore, #tpu.memory_space<semaphore_mem>>) src(%dma_wait3A_217 : memref<125x16xf32, #tpu.memory_space<vmem>>) dst(%dma_wait3A_223 : memref<10112x16xf32, #tpu.memory_space<vmem_shared>>)
      %add3A_224 = arith.constant 4 : i32
      %add3A_225 = arith.addi %mul3A_37, %add3A_224 : i32
      %mul3A_226 = arith.constant 125 : i32
      %mul3A_227 = arith.muli %add3A_225, %mul3A_226 : i32
      %add3A_228 = arith.constant 4 : i32
      %add3A_229 = arith.addi %mul3A_37, %add3A_228 : i32
      %dma_wait3A_230 = arith.constant 0 : i32
      %dma_wait3A_231 = tpu.memref_slice %arg6[%mul3A_227, %dma_wait3A_230] : memref<5000x16xf32, #tpu.memory_space<vmem>> -> memref<125x16xf32, #tpu.memory_space<vmem>>
      %dma_wait3A_232 = arith.constant 0 : i32
      %dma_wait3A_233 = tpu.memref_slice %arg5[%add3A_229, %dma_wait3A_232] : memref<40x125xi32, #tpu.memory_space<vmem>> -> memref<1x125xi32, #tpu.memory_space<vmem>>
      %dma_wait3A_234 = tpu.memref_squeeze %dma_wait3A_233 : memref<1x125xi32, #tpu.memory_space<vmem>> -> memref<125xi32, #tpu.memory_space<vmem>>
      %dma_wait3A_235 = arith.constant 0 : i32
      %dma_wait3A_236 = arith.constant 0 : i32
      %dma_wait3A_237 = tpu.memref_slice %arg8[%dma_wait3A_235, %dma_wait3A_236] : memref<10112x16xf32, #tpu.memory_space<vmem_shared>> -> memref<10112x16xf32, #tpu.memory_space<vmem_shared>>
      tpu.wait_indirect_dma semaphore(%arg10 : memref<!tpu.dma_semaphore, #tpu.memory_space<semaphore_mem>>) src(%dma_wait3A_231 : memref<125x16xf32, #tpu.memory_space<vmem>>) dst(%dma_wait3A_237 : memref<10112x16xf32, #tpu.memory_space<vmem_shared>>)
      %add3A_238 = arith.constant 5 : i32
      %add3A_239 = arith.addi %mul3A_37, %add3A_238 : i32
      %mul3A_240 = arith.constant 125 : i32
      %mul3A_241 = arith.muli %add3A_239, %mul3A_240 : i32
      %add3A_242 = arith.constant 5 : i32
      %add3A_243 = arith.addi %mul3A_37, %add3A_242 : i32
      %dma_wait3A_244 = arith.constant 0 : i32
      %dma_wait3A_245 = tpu.memref_slice %arg6[%mul3A_241, %dma_wait3A_244] : memref<5000x16xf32, #tpu.memory_space<vmem>> -> memref<125x16xf32, #tpu.memory_space<vmem>>
      %dma_wait3A_246 = arith.constant 0 : i32
      %dma_wait3A_247 = tpu.memref_slice %arg5[%add3A_243, %dma_wait3A_246] : memref<40x125xi32, #tpu.memory_space<vmem>> -> memref<1x125xi32, #tpu.memory_space<vmem>>
      %dma_wait3A_248 = tpu.memref_squeeze %dma_wait3A_247 : memref<1x125xi32, #tpu.memory_space<vmem>> -> memref<125xi32, #tpu.memory_space<vmem>>
      %dma_wait3A_249 = arith.constant 0 : i32
      %dma_wait3A_250 = arith.constant 0 : i32
      %dma_wait3A_251 = tpu.memref_slice %arg8[%dma_wait3A_249, %dma_wait3A_250] : memref<10112x16xf32, #tpu.memory_space<vmem_shared>> -> memref<10112x16xf32, #tpu.memory_space<vmem_shared>>
      tpu.wait_indirect_dma semaphore(%arg10 : memref<!tpu.dma_semaphore, #tpu.memory_space<semaphore_mem>>) src(%dma_wait3A_245 : memref<125x16xf32, #tpu.memory_space<vmem>>) dst(%dma_wait3A_251 : memref<10112x16xf32, #tpu.memory_space<vmem_shared>>)
      %add3A_252 = arith.constant 6 : i32
      %add3A_253 = arith.addi %mul3A_37, %add3A_252 : i32
      %mul3A_254 = arith.constant 125 : i32
      %mul3A_255 = arith.muli %add3A_253, %mul3A_254 : i32
      %add3A_256 = arith.constant 6 : i32
      %add3A_257 = arith.addi %mul3A_37, %add3A_256 : i32
      %dma_wait3A_258 = arith.constant 0 : i32
      %dma_wait3A_259 = tpu.memref_slice %arg6[%mul3A_255, %dma_wait3A_258] : memref<5000x16xf32, #tpu.memory_space<vmem>> -> memref<125x16xf32, #tpu.memory_space<vmem>>
      %dma_wait3A_260 = arith.constant 0 : i32
      %dma_wait3A_261 = tpu.memref_slice %arg5[%add3A_257, %dma_wait3A_260] : memref<40x125xi32, #tpu.memory_space<vmem>> -> memref<1x125xi32, #tpu.memory_space<vmem>>
      %dma_wait3A_262 = tpu.memref_squeeze %dma_wait3A_261 : memref<1x125xi32, #tpu.memory_space<vmem>> -> memref<125xi32, #tpu.memory_space<vmem>>
      %dma_wait3A_263 = arith.constant 0 : i32
      %dma_wait3A_264 = arith.constant 0 : i32
      %dma_wait3A_265 = tpu.memref_slice %arg8[%dma_wait3A_263, %dma_wait3A_264] : memref<10112x16xf32, #tpu.memory_space<vmem_shared>> -> memref<10112x16xf32, #tpu.memory_space<vmem_shared>>
      tpu.wait_indirect_dma semaphore(%arg10 : memref<!tpu.dma_semaphore, #tpu.memory_space<semaphore_mem>>) src(%dma_wait3A_259 : memref<125x16xf32, #tpu.memory_space<vmem>>) dst(%dma_wait3A_265 : memref<10112x16xf32, #tpu.memory_space<vmem_shared>>)
      %add3A_266 = arith.constant 7 : i32
      %add3A_267 = arith.addi %mul3A_37, %add3A_266 : i32
      %mul3A_268 = arith.constant 125 : i32
      %mul3A_269 = arith.muli %add3A_267, %mul3A_268 : i32
      %add3A_270 = arith.constant 7 : i32
      %add3A_271 = arith.addi %mul3A_37, %add3A_270 : i32
      %dma_wait3A_272 = arith.constant 0 : i32
      %dma_wait3A_273 = tpu.memref_slice %arg6[%mul3A_269, %dma_wait3A_272] : memref<5000x16xf32, #tpu.memory_space<vmem>> -> memref<125x16xf32, #tpu.memory_space<vmem>>
      %dma_wait3A_274 = arith.constant 0 : i32
      %dma_wait3A_275 = tpu.memref_slice %arg5[%add3A_271, %dma_wait3A_274] : memref<40x125xi32, #tpu.memory_space<vmem>> -> memref<1x125xi32, #tpu.memory_space<vmem>>
      %dma_wait3A_276 = tpu.memref_squeeze %dma_wait3A_275 : memref<1x125xi32, #tpu.memory_space<vmem>> -> memref<125xi32, #tpu.memory_space<vmem>>
      %dma_wait3A_277 = arith.constant 0 : i32
      %dma_wait3A_278 = arith.constant 0 : i32
      %dma_wait3A_279 = tpu.memref_slice %arg8[%dma_wait3A_277, %dma_wait3A_278] : memref<10112x16xf32, #tpu.memory_space<vmem_shared>> -> memref<10112x16xf32, #tpu.memory_space<vmem_shared>>
      tpu.wait_indirect_dma semaphore(%arg10 : memref<!tpu.dma_semaphore, #tpu.memory_space<semaphore_mem>>) src(%dma_wait3A_273 : memref<125x16xf32, #tpu.memory_space<vmem>>) dst(%dma_wait3A_279 : memref<10112x16xf32, #tpu.memory_space<vmem_shared>>)
      %scan3A_280 = arith.constant 0 : i32
      scf.yield %scan3A_280 : i32
    }
    %scan3A_28 = arith.constant 5 : i32
    %barrier3A_29 = arith.constant 0 : index
    tpu.barrier barrier_id(%barrier3A_29)
    %mul3A_30 = arith.constant 632 : i32
    %mul3A_31 = arith.muli %arg1, %mul3A_30 : i32
    %mul3A_32 = arith.constant 632 : i32
    %mul3A_33 = arith.muli %arg1, %mul3A_32 : i32
    "tpu.region"() ({
      %run_scoped3A_34 = tpu.sem_alloc : memref<!tpu.dma_semaphore, #tpu.memory_space<semaphore_mem>>
      %dma_start3A_35 = arith.constant 0 : i32
      %dma_start3A_36 = tpu.memref_slice %arg4[%arg0, %mul3A_33, %dma_start3A_35] : memref<2x10112x16xf32, #tpu.memory_space<hbm>> -> memref<1x632x16xf32, #tpu.memory_space<hbm>>
      %dma_start3A_37 = tpu.memref_squeeze %dma_start3A_36 : memref<1x632x16xf32, #tpu.memory_space<hbm>> -> memref<632x16xf32, #tpu.memory_space<hbm>>
      %dma_start3A_38 = arith.constant 0 : i32
      %dma_start3A_39 = tpu.memref_slice %arg8[%mul3A_31, %dma_start3A_38] : memref<10112x16xf32, #tpu.memory_space<vmem_shared>> -> memref<632x16xf32, #tpu.memory_space<vmem_shared>>
      tpu.enqueue_dma source(%dma_start3A_39 : memref<632x16xf32, #tpu.memory_space<vmem_shared>>) target(%dma_start3A_37 : memref<632x16xf32, #tpu.memory_space<hbm>>) target_semaphore(%run_scoped3A_34 : memref<!tpu.dma_semaphore, #tpu.memory_space<semaphore_mem>>)
      %dma_wait3A = arith.constant 0 : i32
      %dma_wait3A_40 = tpu.memref_slice %arg4[%arg0, %mul3A_33, %dma_wait3A] : memref<2x10112x16xf32, #tpu.memory_space<hbm>> -> memref<1x632x16xf32, #tpu.memory_space<hbm>>
      %dma_wait3A_41 = tpu.memref_squeeze %dma_wait3A_40 : memref<1x632x16xf32, #tpu.memory_space<hbm>> -> memref<632x16xf32, #tpu.memory_space<hbm>>
      %dma_wait3A_42 = arith.constant 0 : i32
      %dma_wait3A_43 = tpu.memref_slice %arg8[%mul3A_31, %dma_wait3A_42] : memref<10112x16xf32, #tpu.memory_space<vmem_shared>> -> memref<632x16xf32, #tpu.memory_space<vmem_shared>>
      tpu.wait_dma2 semaphore(%run_scoped3A_34 : memref<!tpu.dma_semaphore, #tpu.memory_space<semaphore_mem>>) src(%dma_wait3A_43 : memref<632x16xf32, #tpu.memory_space<vmem_shared>>) dst(%dma_wait3A_41 : memref<632x16xf32, #tpu.memory_space<hbm>>)
      tpu.yield
    }) : () -> ()
    return
  }
}

#map = affine_map<(d0, d1) -> (0, 0)>
#map1 = affine_map<(d0, d1) -> (0, 0, 0)>
module attributes {stable_mosaic.version = 14 : i64} {
  func.func @_sc_gather(%arg0: i32, %arg1: i32, %arg2: memref<10000x16xf32, #tpu.memory_space<hbm>>, %arg3: memref<2x1280x125xi32, #tpu.memory_space<hbm>>, %arg4: memref<160000x16xf32, #tpu.memory_space<hbm>>, %arg5: memref<40x125xi32, #tpu.memory_space<vmem>>, %arg6: memref<5000x16xf32, #tpu.memory_space<vmem>>, %arg7: memref<!tpu.dma_semaphore, #tpu.memory_space<semaphore_mem>>, %arg8: memref<!tpu.dma_semaphore, #tpu.memory_space<semaphore_mem>>) attributes {dimension_semantics = [#tpu.dimension_semantics<core_parallel>, #tpu.dimension_semantics<subcore_parallel>], iteration_bounds = array<i64: 2, 16>, scalar_prefetch = 0 : i64, scratch_operands = 4 : i64, tpu.core_type = #tpu.core_type<sc_vector_subcore>, window_params = [{transform_indices = #map}, {transform_indices = #map1}, {transform_indices = #map}]} {
    %mul3A = arith.constant 16 : i32
    %mul3A_0 = arith.muli %arg0, %mul3A : i32
    %add3A = arith.addi %mul3A_0, %arg1 : i32
    %mul3A_1 = arith.constant 40 : i32
    %mul3A_2 = arith.muli %add3A, %mul3A_1 : i32
    %run_scoped3A = arith.constant 0 : i32
    "tpu.region"() ({
      %run_scoped3A_16 = tpu.sem_alloc : memref<!tpu.dma_semaphore, #tpu.memory_space<semaphore_mem>>
      %dma_start3A = arith.constant 0 : i32
      %dma_start3A_17 = tpu.memref_slice %arg3[%run_scoped3A, %mul3A_2, %dma_start3A] : memref<2x1280x125xi32, #tpu.memory_space<hbm>> -> memref<1x40x125xi32, #tpu.memory_space<hbm>>
      %dma_start3A_18 = tpu.memref_squeeze %dma_start3A_17 : memref<1x40x125xi32, #tpu.memory_space<hbm>> -> memref<40x125xi32, #tpu.memory_space<hbm>>
      %dma_start3A_19 = arith.constant 0 : i32
      %dma_start3A_20 = tpu.memref_slice %arg3[%run_scoped3A, %mul3A_2, %dma_start3A_19] : memref<2x1280x125xi32, #tpu.memory_space<hbm>> -> memref<1x40x125xi32, #tpu.memory_space<hbm>>
      %dma_start3A_21 = tpu.memref_squeeze %dma_start3A_20 : memref<1x40x125xi32, #tpu.memory_space<hbm>> -> memref<40x125xi32, #tpu.memory_space<hbm>>
      tpu.enqueue_dma source(%dma_start3A_21 : memref<40x125xi32, #tpu.memory_space<hbm>>) target(%arg5 : memref<40x125xi32, #tpu.memory_space<vmem>>) target_semaphore(%run_scoped3A_16 : memref<!tpu.dma_semaphore, #tpu.memory_space<semaphore_mem>>)
      %dma_wait3A = arith.constant 0 : i32
      %dma_wait3A_22 = tpu.memref_slice %arg3[%run_scoped3A, %mul3A_2, %dma_wait3A] : memref<2x1280x125xi32, #tpu.memory_space<hbm>> -> memref<1x40x125xi32, #tpu.memory_space<hbm>>
      %dma_wait3A_23 = tpu.memref_squeeze %dma_wait3A_22 : memref<1x40x125xi32, #tpu.memory_space<hbm>> -> memref<40x125xi32, #tpu.memory_space<hbm>>
      %dma_wait3A_24 = arith.constant 0 : i32
      %dma_wait3A_25 = tpu.memref_slice %arg3[%run_scoped3A, %mul3A_2, %dma_wait3A_24] : memref<2x1280x125xi32, #tpu.memory_space<hbm>> -> memref<1x40x125xi32, #tpu.memory_space<hbm>>
      %dma_wait3A_26 = tpu.memref_squeeze %dma_wait3A_25 : memref<1x40x125xi32, #tpu.memory_space<hbm>> -> memref<40x125xi32, #tpu.memory_space<hbm>>
      tpu.wait_dma2 semaphore(%run_scoped3A_16 : memref<!tpu.dma_semaphore, #tpu.memory_space<semaphore_mem>>) src(%dma_wait3A_26 : memref<40x125xi32, #tpu.memory_space<hbm>>) dst(%arg5 : memref<40x125xi32, #tpu.memory_space<vmem>>)
      tpu.yield
    }) : () -> ()
    %scan3A = arith.constant 0 : i32
    %scan3A_3 = arith.constant 0 : i32
    %scan3A_4 = arith.constant 5 : i32
    %scan3A_5 = arith.addi %scan3A_3, %scan3A_4 : i32
    %scan3A_6 = arith.constant 1 : i32
    %scan3A_7 = scf.for %scan3A_16 = %scan3A_3 to %scan3A_5 step %scan3A_6 iter_args(%scan3A_17 = %scan3A) -> (i32)  : i32 {
      %mul3A_18 = arith.constant 8 : i32
      %mul3A_19 = arith.muli %scan3A_16, %mul3A_18 : i32
      %add3A_20 = arith.constant 0 : i32
      %add3A_21 = arith.addi %mul3A_19, %add3A_20 : i32
      %add3A_22 = arith.constant 0 : i32
      %add3A_23 = arith.addi %mul3A_19, %add3A_22 : i32
      %mul3A_24 = arith.constant 125 : i32
      %mul3A_25 = arith.muli %add3A_23, %mul3A_24 : i32
      %dma_start3A = arith.constant 0 : i32
      %dma_start3A_26 = tpu.memref_slice %arg6[%mul3A_25, %dma_start3A] : memref<5000x16xf32, #tpu.memory_space<vmem>> -> memref<125x16xf32, #tpu.memory_space<vmem>>
      %dma_start3A_27 = arith.constant 0 : i32
      %dma_start3A_28 = tpu.memref_slice %arg5[%add3A_21, %dma_start3A_27] : memref<40x125xi32, #tpu.memory_space<vmem>> -> memref<1x125xi32, #tpu.memory_space<vmem>>
      %dma_start3A_29 = tpu.memref_squeeze %dma_start3A_28 : memref<1x125xi32, #tpu.memory_space<vmem>> -> memref<125xi32, #tpu.memory_space<vmem>>
      %dma_start3A_30 = arith.constant 0 : i32
      %dma_start3A_31 = arith.constant 0 : i32
      %dma_start3A_32 = tpu.memref_slice %arg2[%dma_start3A_30, %dma_start3A_31] : memref<10000x16xf32, #tpu.memory_space<hbm>> -> memref<10000x16xf32, #tpu.memory_space<hbm>>
      tpu.enqueue_indirect_dma source(%dma_start3A_32 : memref<10000x16xf32, #tpu.memory_space<hbm>>) target(%dma_start3A_26 : memref<125x16xf32, #tpu.memory_space<vmem>>) offsets(%dma_start3A_29 : memref<125xi32, #tpu.memory_space<vmem>>) semaphore(%arg8 : memref<!tpu.dma_semaphore, #tpu.memory_space<semaphore_mem>>)
      %add3A_33 = arith.constant 1 : i32
      %add3A_34 = arith.addi %mul3A_19, %add3A_33 : i32
      %add3A_35 = arith.constant 1 : i32
      %add3A_36 = arith.addi %mul3A_19, %add3A_35 : i32
      %mul3A_37 = arith.constant 125 : i32
      %mul3A_38 = arith.muli %add3A_36, %mul3A_37 : i32
      %dma_start3A_39 = arith.constant 0 : i32
      %dma_start3A_40 = tpu.memref_slice %arg6[%mul3A_38, %dma_start3A_39] : memref<5000x16xf32, #tpu.memory_space<vmem>> -> memref<125x16xf32, #tpu.memory_space<vmem>>
      %dma_start3A_41 = arith.constant 0 : i32
      %dma_start3A_42 = tpu.memref_slice %arg5[%add3A_34, %dma_start3A_41] : memref<40x125xi32, #tpu.memory_space<vmem>> -> memref<1x125xi32, #tpu.memory_space<vmem>>
      %dma_start3A_43 = tpu.memref_squeeze %dma_start3A_42 : memref<1x125xi32, #tpu.memory_space<vmem>> -> memref<125xi32, #tpu.memory_space<vmem>>
      %dma_start3A_44 = arith.constant 0 : i32
      %dma_start3A_45 = arith.constant 0 : i32
      %dma_start3A_46 = tpu.memref_slice %arg2[%dma_start3A_44, %dma_start3A_45] : memref<10000x16xf32, #tpu.memory_space<hbm>> -> memref<10000x16xf32, #tpu.memory_space<hbm>>
      tpu.enqueue_indirect_dma source(%dma_start3A_46 : memref<10000x16xf32, #tpu.memory_space<hbm>>) target(%dma_start3A_40 : memref<125x16xf32, #tpu.memory_space<vmem>>) offsets(%dma_start3A_43 : memref<125xi32, #tpu.memory_space<vmem>>) semaphore(%arg8 : memref<!tpu.dma_semaphore, #tpu.memory_space<semaphore_mem>>)
      %add3A_47 = arith.constant 2 : i32
      %add3A_48 = arith.addi %mul3A_19, %add3A_47 : i32
      %add3A_49 = arith.constant 2 : i32
      %add3A_50 = arith.addi %mul3A_19, %add3A_49 : i32
      %mul3A_51 = arith.constant 125 : i32
      %mul3A_52 = arith.muli %add3A_50, %mul3A_51 : i32
      %dma_start3A_53 = arith.constant 0 : i32
      %dma_start3A_54 = tpu.memref_slice %arg6[%mul3A_52, %dma_start3A_53] : memref<5000x16xf32, #tpu.memory_space<vmem>> -> memref<125x16xf32, #tpu.memory_space<vmem>>
      %dma_start3A_55 = arith.constant 0 : i32
      %dma_start3A_56 = tpu.memref_slice %arg5[%add3A_48, %dma_start3A_55] : memref<40x125xi32, #tpu.memory_space<vmem>> -> memref<1x125xi32, #tpu.memory_space<vmem>>
      %dma_start3A_57 = tpu.memref_squeeze %dma_start3A_56 : memref<1x125xi32, #tpu.memory_space<vmem>> -> memref<125xi32, #tpu.memory_space<vmem>>
      %dma_start3A_58 = arith.constant 0 : i32
      %dma_start3A_59 = arith.constant 0 : i32
      %dma_start3A_60 = tpu.memref_slice %arg2[%dma_start3A_58, %dma_start3A_59] : memref<10000x16xf32, #tpu.memory_space<hbm>> -> memref<10000x16xf32, #tpu.memory_space<hbm>>
      tpu.enqueue_indirect_dma source(%dma_start3A_60 : memref<10000x16xf32, #tpu.memory_space<hbm>>) target(%dma_start3A_54 : memref<125x16xf32, #tpu.memory_space<vmem>>) offsets(%dma_start3A_57 : memref<125xi32, #tpu.memory_space<vmem>>) semaphore(%arg8 : memref<!tpu.dma_semaphore, #tpu.memory_space<semaphore_mem>>)
      %add3A_61 = arith.constant 3 : i32
      %add3A_62 = arith.addi %mul3A_19, %add3A_61 : i32
      %add3A_63 = arith.constant 3 : i32
      %add3A_64 = arith.addi %mul3A_19, %add3A_63 : i32
      %mul3A_65 = arith.constant 125 : i32
      %mul3A_66 = arith.muli %add3A_64, %mul3A_65 : i32
      %dma_start3A_67 = arith.constant 0 : i32
      %dma_start3A_68 = tpu.memref_slice %arg6[%mul3A_66, %dma_start3A_67] : memref<5000x16xf32, #tpu.memory_space<vmem>> -> memref<125x16xf32, #tpu.memory_space<vmem>>
      %dma_start3A_69 = arith.constant 0 : i32
      %dma_start3A_70 = tpu.memref_slice %arg5[%add3A_62, %dma_start3A_69] : memref<40x125xi32, #tpu.memory_space<vmem>> -> memref<1x125xi32, #tpu.memory_space<vmem>>
      %dma_start3A_71 = tpu.memref_squeeze %dma_start3A_70 : memref<1x125xi32, #tpu.memory_space<vmem>> -> memref<125xi32, #tpu.memory_space<vmem>>
      %dma_start3A_72 = arith.constant 0 : i32
      %dma_start3A_73 = arith.constant 0 : i32
      %dma_start3A_74 = tpu.memref_slice %arg2[%dma_start3A_72, %dma_start3A_73] : memref<10000x16xf32, #tpu.memory_space<hbm>> -> memref<10000x16xf32, #tpu.memory_space<hbm>>
      tpu.enqueue_indirect_dma source(%dma_start3A_74 : memref<10000x16xf32, #tpu.memory_space<hbm>>) target(%dma_start3A_68 : memref<125x16xf32, #tpu.memory_space<vmem>>) offsets(%dma_start3A_71 : memref<125xi32, #tpu.memory_space<vmem>>) semaphore(%arg8 : memref<!tpu.dma_semaphore, #tpu.memory_space<semaphore_mem>>)
      %add3A_75 = arith.constant 4 : i32
      %add3A_76 = arith.addi %mul3A_19, %add3A_75 : i32
      %add3A_77 = arith.constant 4 : i32
      %add3A_78 = arith.addi %mul3A_19, %add3A_77 : i32
      %mul3A_79 = arith.constant 125 : i32
      %mul3A_80 = arith.muli %add3A_78, %mul3A_79 : i32
      %dma_start3A_81 = arith.constant 0 : i32
      %dma_start3A_82 = tpu.memref_slice %arg6[%mul3A_80, %dma_start3A_81] : memref<5000x16xf32, #tpu.memory_space<vmem>> -> memref<125x16xf32, #tpu.memory_space<vmem>>
      %dma_start3A_83 = arith.constant 0 : i32
      %dma_start3A_84 = tpu.memref_slice %arg5[%add3A_76, %dma_start3A_83] : memref<40x125xi32, #tpu.memory_space<vmem>> -> memref<1x125xi32, #tpu.memory_space<vmem>>
      %dma_start3A_85 = tpu.memref_squeeze %dma_start3A_84 : memref<1x125xi32, #tpu.memory_space<vmem>> -> memref<125xi32, #tpu.memory_space<vmem>>
      %dma_start3A_86 = arith.constant 0 : i32
      %dma_start3A_87 = arith.constant 0 : i32
      %dma_start3A_88 = tpu.memref_slice %arg2[%dma_start3A_86, %dma_start3A_87] : memref<10000x16xf32, #tpu.memory_space<hbm>> -> memref<10000x16xf32, #tpu.memory_space<hbm>>
      tpu.enqueue_indirect_dma source(%dma_start3A_88 : memref<10000x16xf32, #tpu.memory_space<hbm>>) target(%dma_start3A_82 : memref<125x16xf32, #tpu.memory_space<vmem>>) offsets(%dma_start3A_85 : memref<125xi32, #tpu.memory_space<vmem>>) semaphore(%arg8 : memref<!tpu.dma_semaphore, #tpu.memory_space<semaphore_mem>>)
      %add3A_89 = arith.constant 5 : i32
      %add3A_90 = arith.addi %mul3A_19, %add3A_89 : i32
      %add3A_91 = arith.constant 5 : i32
      %add3A_92 = arith.addi %mul3A_19, %add3A_91 : i32
      %mul3A_93 = arith.constant 125 : i32
      %mul3A_94 = arith.muli %add3A_92, %mul3A_93 : i32
      %dma_start3A_95 = arith.constant 0 : i32
      %dma_start3A_96 = tpu.memref_slice %arg6[%mul3A_94, %dma_start3A_95] : memref<5000x16xf32, #tpu.memory_space<vmem>> -> memref<125x16xf32, #tpu.memory_space<vmem>>
      %dma_start3A_97 = arith.constant 0 : i32
      %dma_start3A_98 = tpu.memref_slice %arg5[%add3A_90, %dma_start3A_97] : memref<40x125xi32, #tpu.memory_space<vmem>> -> memref<1x125xi32, #tpu.memory_space<vmem>>
      %dma_start3A_99 = tpu.memref_squeeze %dma_start3A_98 : memref<1x125xi32, #tpu.memory_space<vmem>> -> memref<125xi32, #tpu.memory_space<vmem>>
      %dma_start3A_100 = arith.constant 0 : i32
      %dma_start3A_101 = arith.constant 0 : i32
      %dma_start3A_102 = tpu.memref_slice %arg2[%dma_start3A_100, %dma_start3A_101] : memref<10000x16xf32, #tpu.memory_space<hbm>> -> memref<10000x16xf32, #tpu.memory_space<hbm>>
      tpu.enqueue_indirect_dma source(%dma_start3A_102 : memref<10000x16xf32, #tpu.memory_space<hbm>>) target(%dma_start3A_96 : memref<125x16xf32, #tpu.memory_space<vmem>>) offsets(%dma_start3A_99 : memref<125xi32, #tpu.memory_space<vmem>>) semaphore(%arg8 : memref<!tpu.dma_semaphore, #tpu.memory_space<semaphore_mem>>)
      %add3A_103 = arith.constant 6 : i32
      %add3A_104 = arith.addi %mul3A_19, %add3A_103 : i32
      %add3A_105 = arith.constant 6 : i32
      %add3A_106 = arith.addi %mul3A_19, %add3A_105 : i32
      %mul3A_107 = arith.constant 125 : i32
      %mul3A_108 = arith.muli %add3A_106, %mul3A_107 : i32
      %dma_start3A_109 = arith.constant 0 : i32
      %dma_start3A_110 = tpu.memref_slice %arg6[%mul3A_108, %dma_start3A_109] : memref<5000x16xf32, #tpu.memory_space<vmem>> -> memref<125x16xf32, #tpu.memory_space<vmem>>
      %dma_start3A_111 = arith.constant 0 : i32
      %dma_start3A_112 = tpu.memref_slice %arg5[%add3A_104, %dma_start3A_111] : memref<40x125xi32, #tpu.memory_space<vmem>> -> memref<1x125xi32, #tpu.memory_space<vmem>>
      %dma_start3A_113 = tpu.memref_squeeze %dma_start3A_112 : memref<1x125xi32, #tpu.memory_space<vmem>> -> memref<125xi32, #tpu.memory_space<vmem>>
      %dma_start3A_114 = arith.constant 0 : i32
      %dma_start3A_115 = arith.constant 0 : i32
      %dma_start3A_116 = tpu.memref_slice %arg2[%dma_start3A_114, %dma_start3A_115] : memref<10000x16xf32, #tpu.memory_space<hbm>> -> memref<10000x16xf32, #tpu.memory_space<hbm>>
      tpu.enqueue_indirect_dma source(%dma_start3A_116 : memref<10000x16xf32, #tpu.memory_space<hbm>>) target(%dma_start3A_110 : memref<125x16xf32, #tpu.memory_space<vmem>>) offsets(%dma_start3A_113 : memref<125xi32, #tpu.memory_space<vmem>>) semaphore(%arg8 : memref<!tpu.dma_semaphore, #tpu.memory_space<semaphore_mem>>)
      %add3A_117 = arith.constant 7 : i32
      %add3A_118 = arith.addi %mul3A_19, %add3A_117 : i32
      %add3A_119 = arith.constant 7 : i32
      %add3A_120 = arith.addi %mul3A_19, %add3A_119 : i32
      %mul3A_121 = arith.constant 125 : i32
      %mul3A_122 = arith.muli %add3A_120, %mul3A_121 : i32
      %dma_start3A_123 = arith.constant 0 : i32
      %dma_start3A_124 = tpu.memref_slice %arg6[%mul3A_122, %dma_start3A_123] : memref<5000x16xf32, #tpu.memory_space<vmem>> -> memref<125x16xf32, #tpu.memory_space<vmem>>
      %dma_start3A_125 = arith.constant 0 : i32
      %dma_start3A_126 = tpu.memref_slice %arg5[%add3A_118, %dma_start3A_125] : memref<40x125xi32, #tpu.memory_space<vmem>> -> memref<1x125xi32, #tpu.memory_space<vmem>>
      %dma_start3A_127 = tpu.memref_squeeze %dma_start3A_126 : memref<1x125xi32, #tpu.memory_space<vmem>> -> memref<125xi32, #tpu.memory_space<vmem>>
      %dma_start3A_128 = arith.constant 0 : i32
      %dma_start3A_129 = arith.constant 0 : i32
      %dma_start3A_130 = tpu.memref_slice %arg2[%dma_start3A_128, %dma_start3A_129] : memref<10000x16xf32, #tpu.memory_space<hbm>> -> memref<10000x16xf32, #tpu.memory_space<hbm>>
      tpu.enqueue_indirect_dma source(%dma_start3A_130 : memref<10000x16xf32, #tpu.memory_space<hbm>>) target(%dma_start3A_124 : memref<125x16xf32, #tpu.memory_space<vmem>>) offsets(%dma_start3A_127 : memref<125xi32, #tpu.memory_space<vmem>>) semaphore(%arg8 : memref<!tpu.dma_semaphore, #tpu.memory_space<semaphore_mem>>)
      %add3A_131 = arith.constant 0 : i32
      %add3A_132 = arith.addi %mul3A_19, %add3A_131 : i32
      %add3A_133 = arith.constant 0 : i32
      %add3A_134 = arith.addi %mul3A_19, %add3A_133 : i32
      %mul3A_135 = arith.constant 125 : i32
      %mul3A_136 = arith.muli %add3A_134, %mul3A_135 : i32
      %dma_wait3A = arith.constant 0 : i32
      %dma_wait3A_137 = tpu.memref_slice %arg6[%mul3A_136, %dma_wait3A] : memref<5000x16xf32, #tpu.memory_space<vmem>> -> memref<125x16xf32, #tpu.memory_space<vmem>>
      %dma_wait3A_138 = arith.constant 0 : i32
      %dma_wait3A_139 = tpu.memref_slice %arg5[%add3A_132, %dma_wait3A_138] : memref<40x125xi32, #tpu.memory_space<vmem>> -> memref<1x125xi32, #tpu.memory_space<vmem>>
      %dma_wait3A_140 = tpu.memref_squeeze %dma_wait3A_139 : memref<1x125xi32, #tpu.memory_space<vmem>> -> memref<125xi32, #tpu.memory_space<vmem>>
      %dma_wait3A_141 = arith.constant 0 : i32
      %dma_wait3A_142 = arith.constant 0 : i32
      %dma_wait3A_143 = tpu.memref_slice %arg2[%dma_wait3A_141, %dma_wait3A_142] : memref<10000x16xf32, #tpu.memory_space<hbm>> -> memref<10000x16xf32, #tpu.memory_space<hbm>>
      tpu.wait_indirect_dma semaphore(%arg8 : memref<!tpu.dma_semaphore, #tpu.memory_space<semaphore_mem>>) src(%dma_wait3A_143 : memref<10000x16xf32, #tpu.memory_space<hbm>>) dst(%dma_wait3A_137 : memref<125x16xf32, #tpu.memory_space<vmem>>)
      %add3A_144 = arith.constant 1 : i32
      %add3A_145 = arith.addi %mul3A_19, %add3A_144 : i32
      %add3A_146 = arith.constant 1 : i32
      %add3A_147 = arith.addi %mul3A_19, %add3A_146 : i32
      %mul3A_148 = arith.constant 125 : i32
      %mul3A_149 = arith.muli %add3A_147, %mul3A_148 : i32
      %dma_wait3A_150 = arith.constant 0 : i32
      %dma_wait3A_151 = tpu.memref_slice %arg6[%mul3A_149, %dma_wait3A_150] : memref<5000x16xf32, #tpu.memory_space<vmem>> -> memref<125x16xf32, #tpu.memory_space<vmem>>
      %dma_wait3A_152 = arith.constant 0 : i32
      %dma_wait3A_153 = tpu.memref_slice %arg5[%add3A_145, %dma_wait3A_152] : memref<40x125xi32, #tpu.memory_space<vmem>> -> memref<1x125xi32, #tpu.memory_space<vmem>>
      %dma_wait3A_154 = tpu.memref_squeeze %dma_wait3A_153 : memref<1x125xi32, #tpu.memory_space<vmem>> -> memref<125xi32, #tpu.memory_space<vmem>>
      %dma_wait3A_155 = arith.constant 0 : i32
      %dma_wait3A_156 = arith.constant 0 : i32
      %dma_wait3A_157 = tpu.memref_slice %arg2[%dma_wait3A_155, %dma_wait3A_156] : memref<10000x16xf32, #tpu.memory_space<hbm>> -> memref<10000x16xf32, #tpu.memory_space<hbm>>
      tpu.wait_indirect_dma semaphore(%arg8 : memref<!tpu.dma_semaphore, #tpu.memory_space<semaphore_mem>>) src(%dma_wait3A_157 : memref<10000x16xf32, #tpu.memory_space<hbm>>) dst(%dma_wait3A_151 : memref<125x16xf32, #tpu.memory_space<vmem>>)
      %add3A_158 = arith.constant 2 : i32
      %add3A_159 = arith.addi %mul3A_19, %add3A_158 : i32
      %add3A_160 = arith.constant 2 : i32
      %add3A_161 = arith.addi %mul3A_19, %add3A_160 : i32
      %mul3A_162 = arith.constant 125 : i32
      %mul3A_163 = arith.muli %add3A_161, %mul3A_162 : i32
      %dma_wait3A_164 = arith.constant 0 : i32
      %dma_wait3A_165 = tpu.memref_slice %arg6[%mul3A_163, %dma_wait3A_164] : memref<5000x16xf32, #tpu.memory_space<vmem>> -> memref<125x16xf32, #tpu.memory_space<vmem>>
      %dma_wait3A_166 = arith.constant 0 : i32
      %dma_wait3A_167 = tpu.memref_slice %arg5[%add3A_159, %dma_wait3A_166] : memref<40x125xi32, #tpu.memory_space<vmem>> -> memref<1x125xi32, #tpu.memory_space<vmem>>
      %dma_wait3A_168 = tpu.memref_squeeze %dma_wait3A_167 : memref<1x125xi32, #tpu.memory_space<vmem>> -> memref<125xi32, #tpu.memory_space<vmem>>
      %dma_wait3A_169 = arith.constant 0 : i32
      %dma_wait3A_170 = arith.constant 0 : i32
      %dma_wait3A_171 = tpu.memref_slice %arg2[%dma_wait3A_169, %dma_wait3A_170] : memref<10000x16xf32, #tpu.memory_space<hbm>> -> memref<10000x16xf32, #tpu.memory_space<hbm>>
      tpu.wait_indirect_dma semaphore(%arg8 : memref<!tpu.dma_semaphore, #tpu.memory_space<semaphore_mem>>) src(%dma_wait3A_171 : memref<10000x16xf32, #tpu.memory_space<hbm>>) dst(%dma_wait3A_165 : memref<125x16xf32, #tpu.memory_space<vmem>>)
      %add3A_172 = arith.constant 3 : i32
      %add3A_173 = arith.addi %mul3A_19, %add3A_172 : i32
      %add3A_174 = arith.constant 3 : i32
      %add3A_175 = arith.addi %mul3A_19, %add3A_174 : i32
      %mul3A_176 = arith.constant 125 : i32
      %mul3A_177 = arith.muli %add3A_175, %mul3A_176 : i32
      %dma_wait3A_178 = arith.constant 0 : i32
      %dma_wait3A_179 = tpu.memref_slice %arg6[%mul3A_177, %dma_wait3A_178] : memref<5000x16xf32, #tpu.memory_space<vmem>> -> memref<125x16xf32, #tpu.memory_space<vmem>>
      %dma_wait3A_180 = arith.constant 0 : i32
      %dma_wait3A_181 = tpu.memref_slice %arg5[%add3A_173, %dma_wait3A_180] : memref<40x125xi32, #tpu.memory_space<vmem>> -> memref<1x125xi32, #tpu.memory_space<vmem>>
      %dma_wait3A_182 = tpu.memref_squeeze %dma_wait3A_181 : memref<1x125xi32, #tpu.memory_space<vmem>> -> memref<125xi32, #tpu.memory_space<vmem>>
      %dma_wait3A_183 = arith.constant 0 : i32
      %dma_wait3A_184 = arith.constant 0 : i32
      %dma_wait3A_185 = tpu.memref_slice %arg2[%dma_wait3A_183, %dma_wait3A_184] : memref<10000x16xf32, #tpu.memory_space<hbm>> -> memref<10000x16xf32, #tpu.memory_space<hbm>>
      tpu.wait_indirect_dma semaphore(%arg8 : memref<!tpu.dma_semaphore, #tpu.memory_space<semaphore_mem>>) src(%dma_wait3A_185 : memref<10000x16xf32, #tpu.memory_space<hbm>>) dst(%dma_wait3A_179 : memref<125x16xf32, #tpu.memory_space<vmem>>)
      %add3A_186 = arith.constant 4 : i32
      %add3A_187 = arith.addi %mul3A_19, %add3A_186 : i32
      %add3A_188 = arith.constant 4 : i32
      %add3A_189 = arith.addi %mul3A_19, %add3A_188 : i32
      %mul3A_190 = arith.constant 125 : i32
      %mul3A_191 = arith.muli %add3A_189, %mul3A_190 : i32
      %dma_wait3A_192 = arith.constant 0 : i32
      %dma_wait3A_193 = tpu.memref_slice %arg6[%mul3A_191, %dma_wait3A_192] : memref<5000x16xf32, #tpu.memory_space<vmem>> -> memref<125x16xf32, #tpu.memory_space<vmem>>
      %dma_wait3A_194 = arith.constant 0 : i32
      %dma_wait3A_195 = tpu.memref_slice %arg5[%add3A_187, %dma_wait3A_194] : memref<40x125xi32, #tpu.memory_space<vmem>> -> memref<1x125xi32, #tpu.memory_space<vmem>>
      %dma_wait3A_196 = tpu.memref_squeeze %dma_wait3A_195 : memref<1x125xi32, #tpu.memory_space<vmem>> -> memref<125xi32, #tpu.memory_space<vmem>>
      %dma_wait3A_197 = arith.constant 0 : i32
      %dma_wait3A_198 = arith.constant 0 : i32
      %dma_wait3A_199 = tpu.memref_slice %arg2[%dma_wait3A_197, %dma_wait3A_198] : memref<10000x16xf32, #tpu.memory_space<hbm>> -> memref<10000x16xf32, #tpu.memory_space<hbm>>
      tpu.wait_indirect_dma semaphore(%arg8 : memref<!tpu.dma_semaphore, #tpu.memory_space<semaphore_mem>>) src(%dma_wait3A_199 : memref<10000x16xf32, #tpu.memory_space<hbm>>) dst(%dma_wait3A_193 : memref<125x16xf32, #tpu.memory_space<vmem>>)
      %add3A_200 = arith.constant 5 : i32
      %add3A_201 = arith.addi %mul3A_19, %add3A_200 : i32
      %add3A_202 = arith.constant 5 : i32
      %add3A_203 = arith.addi %mul3A_19, %add3A_202 : i32
      %mul3A_204 = arith.constant 125 : i32
      %mul3A_205 = arith.muli %add3A_203, %mul3A_204 : i32
      %dma_wait3A_206 = arith.constant 0 : i32
      %dma_wait3A_207 = tpu.memref_slice %arg6[%mul3A_205, %dma_wait3A_206] : memref<5000x16xf32, #tpu.memory_space<vmem>> -> memref<125x16xf32, #tpu.memory_space<vmem>>
      %dma_wait3A_208 = arith.constant 0 : i32
      %dma_wait3A_209 = tpu.memref_slice %arg5[%add3A_201, %dma_wait3A_208] : memref<40x125xi32, #tpu.memory_space<vmem>> -> memref<1x125xi32, #tpu.memory_space<vmem>>
      %dma_wait3A_210 = tpu.memref_squeeze %dma_wait3A_209 : memref<1x125xi32, #tpu.memory_space<vmem>> -> memref<125xi32, #tpu.memory_space<vmem>>
      %dma_wait3A_211 = arith.constant 0 : i32
      %dma_wait3A_212 = arith.constant 0 : i32
      %dma_wait3A_213 = tpu.memref_slice %arg2[%dma_wait3A_211, %dma_wait3A_212] : memref<10000x16xf32, #tpu.memory_space<hbm>> -> memref<10000x16xf32, #tpu.memory_space<hbm>>
      tpu.wait_indirect_dma semaphore(%arg8 : memref<!tpu.dma_semaphore, #tpu.memory_space<semaphore_mem>>) src(%dma_wait3A_213 : memref<10000x16xf32, #tpu.memory_space<hbm>>) dst(%dma_wait3A_207 : memref<125x16xf32, #tpu.memory_space<vmem>>)
      %add3A_214 = arith.constant 6 : i32
      %add3A_215 = arith.addi %mul3A_19, %add3A_214 : i32
      %add3A_216 = arith.constant 6 : i32
      %add3A_217 = arith.addi %mul3A_19, %add3A_216 : i32
      %mul3A_218 = arith.constant 125 : i32
      %mul3A_219 = arith.muli %add3A_217, %mul3A_218 : i32
      %dma_wait3A_220 = arith.constant 0 : i32
      %dma_wait3A_221 = tpu.memref_slice %arg6[%mul3A_219, %dma_wait3A_220] : memref<5000x16xf32, #tpu.memory_space<vmem>> -> memref<125x16xf32, #tpu.memory_space<vmem>>
      %dma_wait3A_222 = arith.constant 0 : i32
      %dma_wait3A_223 = tpu.memref_slice %arg5[%add3A_215, %dma_wait3A_222] : memref<40x125xi32, #tpu.memory_space<vmem>> -> memref<1x125xi32, #tpu.memory_space<vmem>>
      %dma_wait3A_224 = tpu.memref_squeeze %dma_wait3A_223 : memref<1x125xi32, #tpu.memory_space<vmem>> -> memref<125xi32, #tpu.memory_space<vmem>>
      %dma_wait3A_225 = arith.constant 0 : i32
      %dma_wait3A_226 = arith.constant 0 : i32
      %dma_wait3A_227 = tpu.memref_slice %arg2[%dma_wait3A_225, %dma_wait3A_226] : memref<10000x16xf32, #tpu.memory_space<hbm>> -> memref<10000x16xf32, #tpu.memory_space<hbm>>
      tpu.wait_indirect_dma semaphore(%arg8 : memref<!tpu.dma_semaphore, #tpu.memory_space<semaphore_mem>>) src(%dma_wait3A_227 : memref<10000x16xf32, #tpu.memory_space<hbm>>) dst(%dma_wait3A_221 : memref<125x16xf32, #tpu.memory_space<vmem>>)
      %add3A_228 = arith.constant 7 : i32
      %add3A_229 = arith.addi %mul3A_19, %add3A_228 : i32
      %add3A_230 = arith.constant 7 : i32
      %add3A_231 = arith.addi %mul3A_19, %add3A_230 : i32
      %mul3A_232 = arith.constant 125 : i32
      %mul3A_233 = arith.muli %add3A_231, %mul3A_232 : i32
      %dma_wait3A_234 = arith.constant 0 : i32
      %dma_wait3A_235 = tpu.memref_slice %arg6[%mul3A_233, %dma_wait3A_234] : memref<5000x16xf32, #tpu.memory_space<vmem>> -> memref<125x16xf32, #tpu.memory_space<vmem>>
      %dma_wait3A_236 = arith.constant 0 : i32
      %dma_wait3A_237 = tpu.memref_slice %arg5[%add3A_229, %dma_wait3A_236] : memref<40x125xi32, #tpu.memory_space<vmem>> -> memref<1x125xi32, #tpu.memory_space<vmem>>
      %dma_wait3A_238 = tpu.memref_squeeze %dma_wait3A_237 : memref<1x125xi32, #tpu.memory_space<vmem>> -> memref<125xi32, #tpu.memory_space<vmem>>
      %dma_wait3A_239 = arith.constant 0 : i32
      %dma_wait3A_240 = arith.constant 0 : i32
      %dma_wait3A_241 = tpu.memref_slice %arg2[%dma_wait3A_239, %dma_wait3A_240] : memref<10000x16xf32, #tpu.memory_space<hbm>> -> memref<10000x16xf32, #tpu.memory_space<hbm>>
      tpu.wait_indirect_dma semaphore(%arg8 : memref<!tpu.dma_semaphore, #tpu.memory_space<semaphore_mem>>) src(%dma_wait3A_241 : memref<10000x16xf32, #tpu.memory_space<hbm>>) dst(%dma_wait3A_235 : memref<125x16xf32, #tpu.memory_space<vmem>>)
      %mul3A_242 = arith.constant 125 : i32
      %mul3A_243 = arith.muli %mul3A_19, %mul3A_242 : i32
      %mul3A_244 = arith.constant 5000 : i32
      %mul3A_245 = arith.muli %add3A, %mul3A_244 : i32
      %mul3A_246 = arith.constant 125 : i32
      %mul3A_247 = arith.muli %mul3A_19, %mul3A_246 : i32
      %add3A_248 = arith.addi %mul3A_245, %mul3A_247 : i32
      %dma_start3A_249 = arith.constant 0 : i32
      %dma_start3A_250 = tpu.memref_slice %arg6[%mul3A_243, %dma_start3A_249] : memref<5000x16xf32, #tpu.memory_space<vmem>> -> memref<1000x16xf32, #tpu.memory_space<vmem>>
      %dma_start3A_251 = arith.constant 0 : i32
      %dma_start3A_252 = tpu.memref_slice %arg4[%add3A_248, %dma_start3A_251] : memref<160000x16xf32, #tpu.memory_space<hbm>> -> memref<1000x16xf32, #tpu.memory_space<hbm>>
      %dma_start3A_253 = arith.constant 0 : i32
      %dma_start3A_254 = tpu.memref_slice %arg4[%add3A_248, %dma_start3A_253] : memref<160000x16xf32, #tpu.memory_space<hbm>> -> memref<1000x16xf32, #tpu.memory_space<hbm>>
      %dma_start3A_255 = arith.constant 0 : i32
      %dma_start3A_256 = tpu.memref_slice %arg6[%mul3A_243, %dma_start3A_255] : memref<5000x16xf32, #tpu.memory_space<vmem>> -> memref<1000x16xf32, #tpu.memory_space<vmem>>
      tpu.enqueue_dma source(%dma_start3A_256 : memref<1000x16xf32, #tpu.memory_space<vmem>>) target(%dma_start3A_254 : memref<1000x16xf32, #tpu.memory_space<hbm>>) target_semaphore(%arg7 : memref<!tpu.dma_semaphore, #tpu.memory_space<semaphore_mem>>)
      %scan3A_257 = arith.constant 0 : i32
      scf.yield %scan3A_257 : i32
    }
    %scan3A_8 = arith.constant 5 : i32
    %scan3A_9 = arith.constant 0 : i32
    %scan3A_10 = arith.constant 0 : i32
    %scan3A_11 = arith.constant 5 : i32
    %scan3A_12 = arith.addi %scan3A_10, %scan3A_11 : i32
    %scan3A_13 = arith.constant 1 : i32
    %scan3A_14 = scf.for %scan3A_16 = %scan3A_10 to %scan3A_12 step %scan3A_13 iter_args(%scan3A_17 = %scan3A_9) -> (i32)  : i32 {
      %mul3A_18 = arith.constant 8 : i32
      %mul3A_19 = arith.muli %scan3A_16, %mul3A_18 : i32
      %mul3A_20 = arith.constant 125 : i32
      %mul3A_21 = arith.muli %mul3A_19, %mul3A_20 : i32
      %mul3A_22 = arith.constant 5000 : i32
      %mul3A_23 = arith.muli %add3A, %mul3A_22 : i32
      %mul3A_24 = arith.constant 125 : i32
      %mul3A_25 = arith.muli %mul3A_19, %mul3A_24 : i32
      %add3A_26 = arith.addi %mul3A_23, %mul3A_25 : i32
      %dma_wait3A = arith.constant 0 : i32
      %dma_wait3A_27 = tpu.memref_slice %arg6[%mul3A_21, %dma_wait3A] : memref<5000x16xf32, #tpu.memory_space<vmem>> -> memref<1000x16xf32, #tpu.memory_space<vmem>>
      %dma_wait3A_28 = arith.constant 0 : i32
      %dma_wait3A_29 = tpu.memref_slice %arg4[%add3A_26, %dma_wait3A_28] : memref<160000x16xf32, #tpu.memory_space<hbm>> -> memref<1000x16xf32, #tpu.memory_space<hbm>>
      %dma_wait3A_30 = arith.constant 0 : i32
      %dma_wait3A_31 = tpu.memref_slice %arg4[%add3A_26, %dma_wait3A_30] : memref<160000x16xf32, #tpu.memory_space<hbm>> -> memref<1000x16xf32, #tpu.memory_space<hbm>>
      %dma_wait3A_32 = arith.constant 0 : i32
      %dma_wait3A_33 = tpu.memref_slice %arg6[%mul3A_21, %dma_wait3A_32] : memref<5000x16xf32, #tpu.memory_space<vmem>> -> memref<1000x16xf32, #tpu.memory_space<vmem>>
      tpu.wait_dma2 semaphore(%arg7 : memref<!tpu.dma_semaphore, #tpu.memory_space<semaphore_mem>>) src(%dma_wait3A_33 : memref<1000x16xf32, #tpu.memory_space<vmem>>) dst(%dma_wait3A_31 : memref<1000x16xf32, #tpu.memory_space<hbm>>)
      %scan3A_34 = arith.constant 0 : i32
      scf.yield %scan3A_34 : i32
    }
    %scan3A_15 = arith.constant 5 : i32
    return
  }
}

#map = affine_map<(d0, d1) -> (0, 0)>
#map1 = affine_map<(d0, d1) -> (0, 0, 0)>
module attributes {stable_mosaic.version = 14 : i64} {
  func.func @_sc_scatter(%arg0: i32, %arg1: i32, %arg2: memref<160000x16xf32, #tpu.memory_space<hbm>>, %arg3: memref<2x1280x125xi32, #tpu.memory_space<hbm>>, %arg4: memref<2x10112x16xf32, #tpu.memory_space<hbm>>, %arg5: memref<40x125xi32, #tpu.memory_space<vmem>>, %arg6: memref<5000x16xf32, #tpu.memory_space<vmem>>, %arg7: memref<632x16xf32, #tpu.memory_space<vmem>>, %arg8: memref<10112x16xf32, #tpu.memory_space<vmem_shared>>, %arg9: memref<!tpu.dma_semaphore, #tpu.memory_space<semaphore_mem>>, %arg10: memref<!tpu.dma_semaphore, #tpu.memory_space<semaphore_mem>>) attributes {dimension_semantics = [#tpu.dimension_semantics<core_parallel>, #tpu.dimension_semantics<subcore_parallel>], iteration_bounds = array<i64: 2, 16>, scalar_prefetch = 0 : i64, scratch_operands = 6 : i64, tpu.core_type = #tpu.core_type<sc_vector_subcore>, window_params = [{transform_indices = #map}, {transform_indices = #map1}, {transform_indices = #map1}]} {
    %mul3A = arith.constant 16 : i32
    %mul3A_0 = arith.muli %arg0, %mul3A : i32
    %add3A = arith.addi %mul3A_0, %arg1 : i32
    %mul3A_1 = arith.constant 40 : i32
    %mul3A_2 = arith.muli %add3A, %mul3A_1 : i32
    %run_scoped3A = arith.constant 1 : i32
    "tpu.region"() ({
      %run_scoped3A_34 = tpu.sem_alloc : memref<!tpu.dma_semaphore, #tpu.memory_space<semaphore_mem>>
      %dma_start3A_35 = arith.constant 0 : i32
      %dma_start3A_36 = tpu.memref_slice %arg3[%run_scoped3A, %mul3A_2, %dma_start3A_35] : memref<2x1280x125xi32, #tpu.memory_space<hbm>> -> memref<1x40x125xi32, #tpu.memory_space<hbm>>
      %dma_start3A_37 = tpu.memref_squeeze %dma_start3A_36 : memref<1x40x125xi32, #tpu.memory_space<hbm>> -> memref<40x125xi32, #tpu.memory_space<hbm>>
      %dma_start3A_38 = arith.constant 0 : i32
      %dma_start3A_39 = tpu.memref_slice %arg3[%run_scoped3A, %mul3A_2, %dma_start3A_38] : memref<2x1280x125xi32, #tpu.memory_space<hbm>> -> memref<1x40x125xi32, #tpu.memory_space<hbm>>
      %dma_start3A_40 = tpu.memref_squeeze %dma_start3A_39 : memref<1x40x125xi32, #tpu.memory_space<hbm>> -> memref<40x125xi32, #tpu.memory_space<hbm>>
      tpu.enqueue_dma source(%dma_start3A_40 : memref<40x125xi32, #tpu.memory_space<hbm>>) target(%arg5 : memref<40x125xi32, #tpu.memory_space<vmem>>) target_semaphore(%run_scoped3A_34 : memref<!tpu.dma_semaphore, #tpu.memory_space<semaphore_mem>>)
      %dma_wait3A = arith.constant 0 : i32
      %dma_wait3A_41 = tpu.memref_slice %arg3[%run_scoped3A, %mul3A_2, %dma_wait3A] : memref<2x1280x125xi32, #tpu.memory_space<hbm>> -> memref<1x40x125xi32, #tpu.memory_space<hbm>>
      %dma_wait3A_42 = tpu.memref_squeeze %dma_wait3A_41 : memref<1x40x125xi32, #tpu.memory_space<hbm>> -> memref<40x125xi32, #tpu.memory_space<hbm>>
      %dma_wait3A_43 = arith.constant 0 : i32
      %dma_wait3A_44 = tpu.memref_slice %arg3[%run_scoped3A, %mul3A_2, %dma_wait3A_43] : memref<2x1280x125xi32, #tpu.memory_space<hbm>> -> memref<1x40x125xi32, #tpu.memory_space<hbm>>
      %dma_wait3A_45 = tpu.memref_squeeze %dma_wait3A_44 : memref<1x40x125xi32, #tpu.memory_space<hbm>> -> memref<40x125xi32, #tpu.memory_space<hbm>>
      tpu.wait_dma2 semaphore(%run_scoped3A_34 : memref<!tpu.dma_semaphore, #tpu.memory_space<semaphore_mem>>) src(%dma_wait3A_45 : memref<40x125xi32, #tpu.memory_space<hbm>>) dst(%arg5 : memref<40x125xi32, #tpu.memory_space<vmem>>)
      tpu.yield
    }) : () -> ()
    %mul3A_3 = arith.constant 5000 : i32
    %mul3A_4 = arith.muli %add3A, %mul3A_3 : i32
    %dma_start3A = arith.constant 0 : i32
    %dma_start3A_5 = arith.constant 0 : i32
    %dma_start3A_6 = tpu.memref_slice %arg6[%dma_start3A, %dma_start3A_5] : memref<5000x16xf32, #tpu.memory_space<vmem>> -> memref<1000x16xf32, #tpu.memory_space<vmem>>
    %dma_start3A_7 = arith.constant 0 : i32
    %dma_start3A_8 = tpu.memref_slice %arg2[%mul3A_4, %dma_start3A_7] : memref<160000x16xf32, #tpu.memory_space<hbm>> -> memref<1000x16xf32, #tpu.memory_space<hbm>>
    %dma_start3A_9 = arith.constant 0 : i32
    %dma_start3A_10 = arith.constant 0 : i32
    %dma_start3A_11 = tpu.memref_slice %arg6[%dma_start3A_9, %dma_start3A_10] : memref<5000x16xf32, #tpu.memory_space<vmem>> -> memref<1000x16xf32, #tpu.memory_space<vmem>>
    %dma_start3A_12 = arith.constant 0 : i32
    %dma_start3A_13 = tpu.memref_slice %arg2[%mul3A_4, %dma_start3A_12] : memref<160000x16xf32, #tpu.memory_space<hbm>> -> memref<1000x16xf32, #tpu.memory_space<hbm>>
    tpu.enqueue_dma source(%dma_start3A_13 : memref<1000x16xf32, #tpu.memory_space<hbm>>) target(%dma_start3A_11 : memref<1000x16xf32, #tpu.memory_space<vmem>>) target_semaphore(%arg9 : memref<!tpu.dma_semaphore, #tpu.memory_space<semaphore_mem>>)
    %scan3A = arith.constant 0 : i32
    %scan3A_14 = arith.constant 0 : i32
    %scan3A_15 = arith.constant 632 : i32
    %scan3A_16 = arith.addi %scan3A_14, %scan3A_15 : i32
    %scan3A_17 = arith.constant 1 : i32
    %scan3A_18 = scf.for %scan3A_34 = %scan3A_14 to %scan3A_16 step %scan3A_17 iter_args(%scan3A_35 = %scan3A) -> (i32)  : i32 {
      %broadcast_in_dim3A = arith.constant 0.000000e+00 : f32
      %broadcast_in_dim3A_36 = vector.broadcast %broadcast_in_dim3A : f32 to vector<16xf32>
      %swap3A = arith.index_cast %scan3A_34 : i32 to index
      %swap3A_37 = arith.constant 0 : index
      %swap3A_38 = tpu.vector_load %arg7[%swap3A, %swap3A_37] {strides = array<i32>} : memref<632x16xf32, #tpu.memory_space<vmem>>, vector<1x16xf32>,
      %swap3A_39 = vector.shape_cast %swap3A_38 : vector<1x16xf32> to vector<16xf32>
      %swap3A_40 = vector.shape_cast %broadcast_in_dim3A_36 : vector<16xf32> to vector<1x16xf32>
      tpu.vector_store %arg7[%swap3A, %swap3A_37], %swap3A_40 {strides = array<i32>} : memref<632x16xf32, #tpu.memory_space<vmem>>, vector<1x16xf32>,
      %scan3A_41 = arith.constant 0 : i32
      scf.yield %scan3A_41 : i32
    }
    %scan3A_19 = arith.constant 632 : i32
    %mul3A_20 = arith.constant 632 : i32
    %mul3A_21 = arith.muli %arg1, %mul3A_20 : i32
    "tpu.region"() ({
      %run_scoped3A_34 = tpu.sem_alloc : memref<!tpu.dma_semaphore, #tpu.memory_space<semaphore_mem>>
      %dma_start3A_35 = arith.constant 0 : i32
      %dma_start3A_36 = tpu.memref_slice %arg8[%mul3A_21, %dma_start3A_35] : memref<10112x16xf32, #tpu.memory_space<vmem_shared>> -> memref<632x16xf32, #tpu.memory_space<vmem_shared>>
      %dma_start3A_37 = arith.constant 0 : i32
      %dma_start3A_38 = tpu.memref_slice %arg8[%mul3A_21, %dma_start3A_37] : memref<10112x16xf32, #tpu.memory_space<vmem_shared>> -> memref<632x16xf32, #tpu.memory_space<vmem_shared>>
      tpu.enqueue_dma source(%arg7 : memref<632x16xf32, #tpu.memory_space<vmem>>) target(%dma_start3A_38 : memref<632x16xf32, #tpu.memory_space<vmem_shared>>) target_semaphore(%run_scoped3A_34 : memref<!tpu.dma_semaphore, #tpu.memory_space<semaphore_mem>>)
      %dma_wait3A = arith.constant 0 : i32
      %dma_wait3A_39 = tpu.memref_slice %arg8[%mul3A_21, %dma_wait3A] : memref<10112x16xf32, #tpu.memory_space<vmem_shared>> -> memref<632x16xf32, #tpu.memory_space<vmem_shared>>
      %dma_wait3A_40 = arith.constant 0 : i32
      %dma_wait3A_41 = tpu.memref_slice %arg8[%mul3A_21, %dma_wait3A_40] : memref<10112x16xf32, #tpu.memory_space<vmem_shared>> -> memref<632x16xf32, #tpu.memory_space<vmem_shared>>
      tpu.wait_dma2 semaphore(%run_scoped3A_34 : memref<!tpu.dma_semaphore, #tpu.memory_space<semaphore_mem>>) src(%arg7 : memref<632x16xf32, #tpu.memory_space<vmem>>) dst(%dma_wait3A_41 : memref<632x16xf32, #tpu.memory_space<vmem_shared>>)
      tpu.yield
    }) : () -> ()
    %barrier3A = arith.constant 0 : index
    tpu.barrier barrier_id(%barrier3A)
    %scan3A_22 = arith.constant 0 : i32
    %scan3A_23 = arith.constant 0 : i32
    %scan3A_24 = arith.constant 5 : i32
    %scan3A_25 = arith.addi %scan3A_23, %scan3A_24 : i32
    %scan3A_26 = arith.constant 1 : i32
    %scan3A_27 = scf.for %scan3A_34 = %scan3A_23 to %scan3A_25 step %scan3A_26 iter_args(%scan3A_35 = %scan3A_22) -> (i32)  : i32 {
      %mul3A_36 = arith.constant 8 : i32
      %mul3A_37 = arith.muli %scan3A_34, %mul3A_36 : i32
      %mul3A_38 = arith.constant 5000 : i32
      %mul3A_39 = arith.muli %add3A, %mul3A_38 : i32
      %mul3A_40 = arith.constant 125 : i32
      %mul3A_41 = arith.muli %mul3A_37, %mul3A_40 : i32
      %add3A_42 = arith.addi %mul3A_39, %mul3A_41 : i32
      %mul3A_43 = arith.constant 125 : i32
      %mul3A_44 = arith.muli %mul3A_37, %mul3A_43 : i32
      %dma_wait3A = arith.constant 0 : i32
      %dma_wait3A_45 = tpu.memref_slice %arg6[%mul3A_44, %dma_wait3A] : memref<5000x16xf32, #tpu.memory_space<vmem>> -> memref<1000x16xf32, #tpu.memory_space<vmem>>
      %dma_wait3A_46 = arith.constant 0 : i32
      %dma_wait3A_47 = tpu.memref_slice %arg2[%add3A_42, %dma_wait3A_46] : memref<160000x16xf32, #tpu.memory_space<hbm>> -> memref<1000x16xf32, #tpu.memory_space<hbm>>
      %dma_wait3A_48 = arith.constant 0 : i32
      %dma_wait3A_49 = tpu.memref_slice %arg6[%mul3A_44, %dma_wait3A_48] : memref<5000x16xf32, #tpu.memory_space<vmem>> -> memref<1000x16xf32, #tpu.memory_space<vmem>>
      %dma_wait3A_50 = arith.constant 0 : i32
      %dma_wait3A_51 = tpu.memref_slice %arg2[%add3A_42, %dma_wait3A_50] : memref<160000x16xf32, #tpu.memory_space<hbm>> -> memref<1000x16xf32, #tpu.memory_space<hbm>>
      tpu.wait_dma2 semaphore(%arg9 : memref<!tpu.dma_semaphore, #tpu.memory_space<semaphore_mem>>) src(%dma_wait3A_51 : memref<1000x16xf32, #tpu.memory_space<hbm>>) dst(%dma_wait3A_49 : memref<1000x16xf32, #tpu.memory_space<vmem>>)
      %add3A_52 = arith.constant 1 : i32
      %add3A_53 = arith.addi %scan3A_34, %add3A_52 : i32
      %lt3A = arith.constant 5 : i32
      %lt3A_54 = arith.cmpi slt, %add3A_53, %lt3A : i32
      %convert_element_type3A = arith.extui %lt3A_54 : i1 to i32
      %cond3A = arith.constant 0 : i32
      %cond3A_55 = arith.cmpi ne, %convert_element_type3A, %cond3A : i32
      scf.if %cond3A_55 {
        %add3A_281 = arith.constant 1 : i32
        %add3A_282 = arith.addi %scan3A_34, %add3A_281 : i32
        %mul3A_283 = arith.constant 8 : i32
        %mul3A_284 = arith.muli %add3A_282, %mul3A_283 : i32
        %mul3A_285 = arith.constant 5000 : i32
        %mul3A_286 = arith.muli %add3A, %mul3A_285 : i32
        %mul3A_287 = arith.constant 125 : i32
        %mul3A_288 = arith.muli %mul3A_284, %mul3A_287 : i32
        %add3A_289 = arith.addi %mul3A_286, %mul3A_288 : i32
        %mul3A_290 = arith.constant 125 : i32
        %mul3A_291 = arith.muli %mul3A_284, %mul3A_290 : i32
        %dma_start3A_292 = arith.constant 0 : i32
        %dma_start3A_293 = tpu.memref_slice %arg6[%mul3A_291, %dma_start3A_292] : memref<5000x16xf32, #tpu.memory_space<vmem>> -> memref<1000x16xf32, #tpu.memory_space<vmem>>
        %dma_start3A_294 = arith.constant 0 : i32
        %dma_start3A_295 = tpu.memref_slice %arg2[%add3A_289, %dma_start3A_294] : memref<160000x16xf32, #tpu.memory_space<hbm>> -> memref<1000x16xf32, #tpu.memory_space<hbm>>
        %dma_start3A_296 = arith.constant 0 : i32
        %dma_start3A_297 = tpu.memref_slice %arg6[%mul3A_291, %dma_start3A_296] : memref<5000x16xf32, #tpu.memory_space<vmem>> -> memref<1000x16xf32, #tpu.memory_space<vmem>>
        %dma_start3A_298 = arith.constant 0 : i32
        %dma_start3A_299 = tpu.memref_slice %arg2[%add3A_289, %dma_start3A_298] : memref<160000x16xf32, #tpu.memory_space<hbm>> -> memref<1000x16xf32, #tpu.memory_space<hbm>>
        tpu.enqueue_dma source(%dma_start3A_299 : memref<1000x16xf32, #tpu.memory_space<hbm>>) target(%dma_start3A_297 : memref<1000x16xf32, #tpu.memory_space<vmem>>) target_semaphore(%arg9 : memref<!tpu.dma_semaphore, #tpu.memory_space<semaphore_mem>>)
      } else {
      }
      %add3A_56 = arith.constant 0 : i32
      %add3A_57 = arith.addi %mul3A_37, %add3A_56 : i32
      %mul3A_58 = arith.constant 125 : i32
      %mul3A_59 = arith.muli %add3A_57, %mul3A_58 : i32
      %add3A_60 = arith.constant 0 : i32
      %add3A_61 = arith.addi %mul3A_37, %add3A_60 : i32
      %dma_start3A_62 = arith.constant 0 : i32
      %dma_start3A_63 = tpu.memref_slice %arg6[%mul3A_59, %dma_start3A_62] : memref<5000x16xf32, #tpu.memory_space<vmem>> -> memref<125x16xf32, #tpu.memory_space<vmem>>
      %dma_start3A_64 = arith.constant 0 : i32
      %dma_start3A_65 = tpu.memref_slice %arg5[%add3A_61, %dma_start3A_64] : memref<40x125xi32, #tpu.memory_space<vmem>> -> memref<1x125xi32, #tpu.memory_space<vmem>>
      %dma_start3A_66 = tpu.memref_squeeze %dma_start3A_65 : memref<1x125xi32, #tpu.memory_space<vmem>> -> memref<125xi32, #tpu.memory_space<vmem>>
      %dma_start3A_67 = arith.constant 0 : i32
      %dma_start3A_68 = arith.constant 0 : i32
      %dma_start3A_69 = tpu.memref_slice %arg8[%dma_start3A_67, %dma_start3A_68] : memref<10112x16xf32, #tpu.memory_space<vmem_shared>> -> memref<10112x16xf32, #tpu.memory_space<vmem_shared>>
      tpu.enqueue_indirect_dma source(%dma_start3A_63 : memref<125x16xf32, #tpu.memory_space<vmem>>) target(%dma_start3A_69 : memref<10112x16xf32, #tpu.memory_space<vmem_shared>>) offsets(%dma_start3A_66 : memref<125xi32, #tpu.memory_space<vmem>>) semaphore(%arg10 : memref<!tpu.dma_semaphore, #tpu.memory_space<semaphore_mem>>) {add = true}
      %add3A_70 = arith.constant 1 : i32
      %add3A_71 = arith.addi %mul3A_37, %add3A_70 : i32
      %mul3A_72 = arith.constant 125 : i32
      %mul3A_73 = arith.muli %add3A_71, %mul3A_72 : i32
      %add3A_74 = arith.constant 1 : i32
      %add3A_75 = arith.addi %mul3A_37, %add3A_74 : i32
      %dma_start3A_76 = arith.constant 0 : i32
      %dma_start3A_77 = tpu.memref_slice %arg6[%mul3A_73, %dma_start3A_76] : memref<5000x16xf32, #tpu.memory_space<vmem>> -> memref<125x16xf32, #tpu.memory_space<vmem>>
      %dma_start3A_78 = arith.constant 0 : i32
      %dma_start3A_79 = tpu.memref_slice %arg5[%add3A_75, %dma_start3A_78] : memref<40x125xi32, #tpu.memory_space<vmem>> -> memref<1x125xi32, #tpu.memory_space<vmem>>
      %dma_start3A_80 = tpu.memref_squeeze %dma_start3A_79 : memref<1x125xi32, #tpu.memory_space<vmem>> -> memref<125xi32, #tpu.memory_space<vmem>>
      %dma_start3A_81 = arith.constant 0 : i32
      %dma_start3A_82 = arith.constant 0 : i32
      %dma_start3A_83 = tpu.memref_slice %arg8[%dma_start3A_81, %dma_start3A_82] : memref<10112x16xf32, #tpu.memory_space<vmem_shared>> -> memref<10112x16xf32, #tpu.memory_space<vmem_shared>>
      tpu.enqueue_indirect_dma source(%dma_start3A_77 : memref<125x16xf32, #tpu.memory_space<vmem>>) target(%dma_start3A_83 : memref<10112x16xf32, #tpu.memory_space<vmem_shared>>) offsets(%dma_start3A_80 : memref<125xi32, #tpu.memory_space<vmem>>) semaphore(%arg10 : memref<!tpu.dma_semaphore, #tpu.memory_space<semaphore_mem>>) {add = true}
      %add3A_84 = arith.constant 2 : i32
      %add3A_85 = arith.addi %mul3A_37, %add3A_84 : i32
      %mul3A_86 = arith.constant 125 : i32
      %mul3A_87 = arith.muli %add3A_85, %mul3A_86 : i32
      %add3A_88 = arith.constant 2 : i32
      %add3A_89 = arith.addi %mul3A_37, %add3A_88 : i32
      %dma_start3A_90 = arith.constant 0 : i32
      %dma_start3A_91 = tpu.memref_slice %arg6[%mul3A_87, %dma_start3A_90] : memref<5000x16xf32, #tpu.memory_space<vmem>> -> memref<125x16xf32, #tpu.memory_space<vmem>>
      %dma_start3A_92 = arith.constant 0 : i32
      %dma_start3A_93 = tpu.memref_slice %arg5[%add3A_89, %dma_start3A_92] : memref<40x125xi32, #tpu.memory_space<vmem>> -> memref<1x125xi32, #tpu.memory_space<vmem>>
      %dma_start3A_94 = tpu.memref_squeeze %dma_start3A_93 : memref<1x125xi32, #tpu.memory_space<vmem>> -> memref<125xi32, #tpu.memory_space<vmem>>
      %dma_start3A_95 = arith.constant 0 : i32
      %dma_start3A_96 = arith.constant 0 : i32
      %dma_start3A_97 = tpu.memref_slice %arg8[%dma_start3A_95, %dma_start3A_96] : memref<10112x16xf32, #tpu.memory_space<vmem_shared>> -> memref<10112x16xf32, #tpu.memory_space<vmem_shared>>
      tpu.enqueue_indirect_dma source(%dma_start3A_91 : memref<125x16xf32, #tpu.memory_space<vmem>>) target(%dma_start3A_97 : memref<10112x16xf32, #tpu.memory_space<vmem_shared>>) offsets(%dma_start3A_94 : memref<125xi32, #tpu.memory_space<vmem>>) semaphore(%arg10 : memref<!tpu.dma_semaphore, #tpu.memory_space<semaphore_mem>>) {add = true}
      %add3A_98 = arith.constant 3 : i32
      %add3A_99 = arith.addi %mul3A_37, %add3A_98 : i32
      %mul3A_100 = arith.constant 125 : i32
      %mul3A_101 = arith.muli %add3A_99, %mul3A_100 : i32
      %add3A_102 = arith.constant 3 : i32
      %add3A_103 = arith.addi %mul3A_37, %add3A_102 : i32
      %dma_start3A_104 = arith.constant 0 : i32
      %dma_start3A_105 = tpu.memref_slice %arg6[%mul3A_101, %dma_start3A_104] : memref<5000x16xf32, #tpu.memory_space<vmem>> -> memref<125x16xf32, #tpu.memory_space<vmem>>
      %dma_start3A_106 = arith.constant 0 : i32
      %dma_start3A_107 = tpu.memref_slice %arg5[%add3A_103, %dma_start3A_106] : memref<40x125xi32, #tpu.memory_space<vmem>> -> memref<1x125xi32, #tpu.memory_space<vmem>>
      %dma_start3A_108 = tpu.memref_squeeze %dma_start3A_107 : memref<1x125xi32, #tpu.memory_space<vmem>> -> memref<125xi32, #tpu.memory_space<vmem>>
      %dma_start3A_109 = arith.constant 0 : i32
      %dma_start3A_110 = arith.constant 0 : i32
      %dma_start3A_111 = tpu.memref_slice %arg8[%dma_start3A_109, %dma_start3A_110] : memref<10112x16xf32, #tpu.memory_space<vmem_shared>> -> memref<10112x16xf32, #tpu.memory_space<vmem_shared>>
      tpu.enqueue_indirect_dma source(%dma_start3A_105 : memref<125x16xf32, #tpu.memory_space<vmem>>) target(%dma_start3A_111 : memref<10112x16xf32, #tpu.memory_space<vmem_shared>>) offsets(%dma_start3A_108 : memref<125xi32, #tpu.memory_space<vmem>>) semaphore(%arg10 : memref<!tpu.dma_semaphore, #tpu.memory_space<semaphore_mem>>) {add = true}
      %add3A_112 = arith.constant 4 : i32
      %add3A_113 = arith.addi %mul3A_37, %add3A_112 : i32
      %mul3A_114 = arith.constant 125 : i32
      %mul3A_115 = arith.muli %add3A_113, %mul3A_114 : i32
      %add3A_116 = arith.constant 4 : i32
      %add3A_117 = arith.addi %mul3A_37, %add3A_116 : i32
      %dma_start3A_118 = arith.constant 0 : i32
      %dma_start3A_119 = tpu.memref_slice %arg6[%mul3A_115, %dma_start3A_118] : memref<5000x16xf32, #tpu.memory_space<vmem>> -> memref<125x16xf32, #tpu.memory_space<vmem>>
      %dma_start3A_120 = arith.constant 0 : i32
      %dma_start3A_121 = tpu.memref_slice %arg5[%add3A_117, %dma_start3A_120] : memref<40x125xi32, #tpu.memory_space<vmem>> -> memref<1x125xi32, #tpu.memory_space<vmem>>
      %dma_start3A_122 = tpu.memref_squeeze %dma_start3A_121 : memref<1x125xi32, #tpu.memory_space<vmem>> -> memref<125xi32, #tpu.memory_space<vmem>>
      %dma_start3A_123 = arith.constant 0 : i32
      %dma_start3A_124 = arith.constant 0 : i32
      %dma_start3A_125 = tpu.memref_slice %arg8[%dma_start3A_123, %dma_start3A_124] : memref<10112x16xf32, #tpu.memory_space<vmem_shared>> -> memref<10112x16xf32, #tpu.memory_space<vmem_shared>>
      tpu.enqueue_indirect_dma source(%dma_start3A_119 : memref<125x16xf32, #tpu.memory_space<vmem>>) target(%dma_start3A_125 : memref<10112x16xf32, #tpu.memory_space<vmem_shared>>) offsets(%dma_start3A_122 : memref<125xi32, #tpu.memory_space<vmem>>) semaphore(%arg10 : memref<!tpu.dma_semaphore, #tpu.memory_space<semaphore_mem>>) {add = true}
      %add3A_126 = arith.constant 5 : i32
      %add3A_127 = arith.addi %mul3A_37, %add3A_126 : i32
      %mul3A_128 = arith.constant 125 : i32
      %mul3A_129 = arith.muli %add3A_127, %mul3A_128 : i32
      %add3A_130 = arith.constant 5 : i32
      %add3A_131 = arith.addi %mul3A_37, %add3A_130 : i32
      %dma_start3A_132 = arith.constant 0 : i32
      %dma_start3A_133 = tpu.memref_slice %arg6[%mul3A_129, %dma_start3A_132] : memref<5000x16xf32, #tpu.memory_space<vmem>> -> memref<125x16xf32, #tpu.memory_space<vmem>>
      %dma_start3A_134 = arith.constant 0 : i32
      %dma_start3A_135 = tpu.memref_slice %arg5[%add3A_131, %dma_start3A_134] : memref<40x125xi32, #tpu.memory_space<vmem>> -> memref<1x125xi32, #tpu.memory_space<vmem>>
      %dma_start3A_136 = tpu.memref_squeeze %dma_start3A_135 : memref<1x125xi32, #tpu.memory_space<vmem>> -> memref<125xi32, #tpu.memory_space<vmem>>
      %dma_start3A_137 = arith.constant 0 : i32
      %dma_start3A_138 = arith.constant 0 : i32
      %dma_start3A_139 = tpu.memref_slice %arg8[%dma_start3A_137, %dma_start3A_138] : memref<10112x16xf32, #tpu.memory_space<vmem_shared>> -> memref<10112x16xf32, #tpu.memory_space<vmem_shared>>
      tpu.enqueue_indirect_dma source(%dma_start3A_133 : memref<125x16xf32, #tpu.memory_space<vmem>>) target(%dma_start3A_139 : memref<10112x16xf32, #tpu.memory_space<vmem_shared>>) offsets(%dma_start3A_136 : memref<125xi32, #tpu.memory_space<vmem>>) semaphore(%arg10 : memref<!tpu.dma_semaphore, #tpu.memory_space<semaphore_mem>>) {add = true}
      %add3A_140 = arith.constant 6 : i32
      %add3A_141 = arith.addi %mul3A_37, %add3A_140 : i32
      %mul3A_142 = arith.constant 125 : i32
      %mul3A_143 = arith.muli %add3A_141, %mul3A_142 : i32
      %add3A_144 = arith.constant 6 : i32
      %add3A_145 = arith.addi %mul3A_37, %add3A_144 : i32
      %dma_start3A_146 = arith.constant 0 : i32
      %dma_start3A_147 = tpu.memref_slice %arg6[%mul3A_143, %dma_start3A_146] : memref<5000x16xf32, #tpu.memory_space<vmem>> -> memref<125x16xf32, #tpu.memory_space<vmem>>
      %dma_start3A_148 = arith.constant 0 : i32
      %dma_start3A_149 = tpu.memref_slice %arg5[%add3A_145, %dma_start3A_148] : memref<40x125xi32, #tpu.memory_space<vmem>> -> memref<1x125xi32, #tpu.memory_space<vmem>>
      %dma_start3A_150 = tpu.memref_squeeze %dma_start3A_149 : memref<1x125xi32, #tpu.memory_space<vmem>> -> memref<125xi32, #tpu.memory_space<vmem>>
      %dma_start3A_151 = arith.constant 0 : i32
      %dma_start3A_152 = arith.constant 0 : i32
      %dma_start3A_153 = tpu.memref_slice %arg8[%dma_start3A_151, %dma_start3A_152] : memref<10112x16xf32, #tpu.memory_space<vmem_shared>> -> memref<10112x16xf32, #tpu.memory_space<vmem_shared>>
      tpu.enqueue_indirect_dma source(%dma_start3A_147 : memref<125x16xf32, #tpu.memory_space<vmem>>) target(%dma_start3A_153 : memref<10112x16xf32, #tpu.memory_space<vmem_shared>>) offsets(%dma_start3A_150 : memref<125xi32, #tpu.memory_space<vmem>>) semaphore(%arg10 : memref<!tpu.dma_semaphore, #tpu.memory_space<semaphore_mem>>) {add = true}
      %add3A_154 = arith.constant 7 : i32
      %add3A_155 = arith.addi %mul3A_37, %add3A_154 : i32
      %mul3A_156 = arith.constant 125 : i32
      %mul3A_157 = arith.muli %add3A_155, %mul3A_156 : i32
      %add3A_158 = arith.constant 7 : i32
      %add3A_159 = arith.addi %mul3A_37, %add3A_158 : i32
      %dma_start3A_160 = arith.constant 0 : i32
      %dma_start3A_161 = tpu.memref_slice %arg6[%mul3A_157, %dma_start3A_160] : memref<5000x16xf32, #tpu.memory_space<vmem>> -> memref<125x16xf32, #tpu.memory_space<vmem>>
      %dma_start3A_162 = arith.constant 0 : i32
      %dma_start3A_163 = tpu.memref_slice %arg5[%add3A_159, %dma_start3A_162] : memref<40x125xi32, #tpu.memory_space<vmem>> -> memref<1x125xi32, #tpu.memory_space<vmem>>
      %dma_start3A_164 = tpu.memref_squeeze %dma_start3A_163 : memref<1x125xi32, #tpu.memory_space<vmem>> -> memref<125xi32, #tpu.memory_space<vmem>>
      %dma_start3A_165 = arith.constant 0 : i32
      %dma_start3A_166 = arith.constant 0 : i32
      %dma_start3A_167 = tpu.memref_slice %arg8[%dma_start3A_165, %dma_start3A_166] : memref<10112x16xf32, #tpu.memory_space<vmem_shared>> -> memref<10112x16xf32, #tpu.memory_space<vmem_shared>>
      tpu.enqueue_indirect_dma source(%dma_start3A_161 : memref<125x16xf32, #tpu.memory_space<vmem>>) target(%dma_start3A_167 : memref<10112x16xf32, #tpu.memory_space<vmem_shared>>) offsets(%dma_start3A_164 : memref<125xi32, #tpu.memory_space<vmem>>) semaphore(%arg10 : memref<!tpu.dma_semaphore, #tpu.memory_space<semaphore_mem>>) {add = true}
      %add3A_168 = arith.constant 0 : i32
      %add3A_169 = arith.addi %mul3A_37, %add3A_168 : i32
      %mul3A_170 = arith.constant 125 : i32
      %mul3A_171 = arith.muli %add3A_169, %mul3A_170 : i32
      %add3A_172 = arith.constant 0 : i32
      %add3A_173 = arith.addi %mul3A_37, %add3A_172 : i32
      %dma_wait3A_174 = arith.constant 0 : i32
      %dma_wait3A_175 = tpu.memref_slice %arg6[%mul3A_171, %dma_wait3A_174] : memref<5000x16xf32, #tpu.memory_space<vmem>> -> memref<125x16xf32, #tpu.memory_space<vmem>>
      %dma_wait3A_176 = arith.constant 0 : i32
      %dma_wait3A_177 = tpu.memref_slice %arg5[%add3A_173, %dma_wait3A_176] : memref<40x125xi32, #tpu.memory_space<vmem>> -> memref<1x125xi32, #tpu.memory_space<vmem>>
      %dma_wait3A_178 = tpu.memref_squeeze %dma_wait3A_177 : memref<1x125xi32, #tpu.memory_space<vmem>> -> memref<125xi32, #tpu.memory_space<vmem>>
      %dma_wait3A_179 = arith.constant 0 : i32
      %dma_wait3A_180 = arith.constant 0 : i32
      %dma_wait3A_181 = tpu.memref_slice %arg8[%dma_wait3A_179, %dma_wait3A_180] : memref<10112x16xf32, #tpu.memory_space<vmem_shared>> -> memref<10112x16xf32, #tpu.memory_space<vmem_shared>>
      tpu.wait_indirect_dma semaphore(%arg10 : memref<!tpu.dma_semaphore, #tpu.memory_space<semaphore_mem>>) src(%dma_wait3A_175 : memref<125x16xf32, #tpu.memory_space<vmem>>) dst(%dma_wait3A_181 : memref<10112x16xf32, #tpu.memory_space<vmem_shared>>)
      %add3A_182 = arith.constant 1 : i32
      %add3A_183 = arith.addi %mul3A_37, %add3A_182 : i32
      %mul3A_184 = arith.constant 125 : i32
      %mul3A_185 = arith.muli %add3A_183, %mul3A_184 : i32
      %add3A_186 = arith.constant 1 : i32
      %add3A_187 = arith.addi %mul3A_37, %add3A_186 : i32
      %dma_wait3A_188 = arith.constant 0 : i32
      %dma_wait3A_189 = tpu.memref_slice %arg6[%mul3A_185, %dma_wait3A_188] : memref<5000x16xf32, #tpu.memory_space<vmem>> -> memref<125x16xf32, #tpu.memory_space<vmem>>
      %dma_wait3A_190 = arith.constant 0 : i32
      %dma_wait3A_191 = tpu.memref_slice %arg5[%add3A_187, %dma_wait3A_190] : memref<40x125xi32, #tpu.memory_space<vmem>> -> memref<1x125xi32, #tpu.memory_space<vmem>>
      %dma_wait3A_192 = tpu.memref_squeeze %dma_wait3A_191 : memref<1x125xi32, #tpu.memory_space<vmem>> -> memref<125xi32, #tpu.memory_space<vmem>>
      %dma_wait3A_193 = arith.constant 0 : i32
      %dma_wait3A_194 = arith.constant 0 : i32
      %dma_wait3A_195 = tpu.memref_slice %arg8[%dma_wait3A_193, %dma_wait3A_194] : memref<10112x16xf32, #tpu.memory_space<vmem_shared>> -> memref<10112x16xf32, #tpu.memory_space<vmem_shared>>
      tpu.wait_indirect_dma semaphore(%arg10 : memref<!tpu.dma_semaphore, #tpu.memory_space<semaphore_mem>>) src(%dma_wait3A_189 : memref<125x16xf32, #tpu.memory_space<vmem>>) dst(%dma_wait3A_195 : memref<10112x16xf32, #tpu.memory_space<vmem_shared>>)
      %add3A_196 = arith.constant 2 : i32
      %add3A_197 = arith.addi %mul3A_37, %add3A_196 : i32
      %mul3A_198 = arith.constant 125 : i32
      %mul3A_199 = arith.muli %add3A_197, %mul3A_198 : i32
      %add3A_200 = arith.constant 2 : i32
      %add3A_201 = arith.addi %mul3A_37, %add3A_200 : i32
      %dma_wait3A_202 = arith.constant 0 : i32
      %dma_wait3A_203 = tpu.memref_slice %arg6[%mul3A_199, %dma_wait3A_202] : memref<5000x16xf32, #tpu.memory_space<vmem>> -> memref<125x16xf32, #tpu.memory_space<vmem>>
      %dma_wait3A_204 = arith.constant 0 : i32
      %dma_wait3A_205 = tpu.memref_slice %arg5[%add3A_201, %dma_wait3A_204] : memref<40x125xi32, #tpu.memory_space<vmem>> -> memref<1x125xi32, #tpu.memory_space<vmem>>
      %dma_wait3A_206 = tpu.memref_squeeze %dma_wait3A_205 : memref<1x125xi32, #tpu.memory_space<vmem>> -> memref<125xi32, #tpu.memory_space<vmem>>
      %dma_wait3A_207 = arith.constant 0 : i32
      %dma_wait3A_208 = arith.constant 0 : i32
      %dma_wait3A_209 = tpu.memref_slice %arg8[%dma_wait3A_207, %dma_wait3A_208] : memref<10112x16xf32, #tpu.memory_space<vmem_shared>> -> memref<10112x16xf32, #tpu.memory_space<vmem_shared>>
      tpu.wait_indirect_dma semaphore(%arg10 : memref<!tpu.dma_semaphore, #tpu.memory_space<semaphore_mem>>) src(%dma_wait3A_203 : memref<125x16xf32, #tpu.memory_space<vmem>>) dst(%dma_wait3A_209 : memref<10112x16xf32, #tpu.memory_space<vmem_shared>>)
      %add3A_210 = arith.constant 3 : i32
      %add3A_211 = arith.addi %mul3A_37, %add3A_210 : i32
      %mul3A_212 = arith.constant 125 : i32
      %mul3A_213 = arith.muli %add3A_211, %mul3A_212 : i32
      %add3A_214 = arith.constant 3 : i32
      %add3A_215 = arith.addi %mul3A_37, %add3A_214 : i32
      %dma_wait3A_216 = arith.constant 0 : i32
      %dma_wait3A_217 = tpu.memref_slice %arg6[%mul3A_213, %dma_wait3A_216] : memref<5000x16xf32, #tpu.memory_space<vmem>> -> memref<125x16xf32, #tpu.memory_space<vmem>>
      %dma_wait3A_218 = arith.constant 0 : i32
      %dma_wait3A_219 = tpu.memref_slice %arg5[%add3A_215, %dma_wait3A_218] : memref<40x125xi32, #tpu.memory_space<vmem>> -> memref<1x125xi32, #tpu.memory_space<vmem>>
      %dma_wait3A_220 = tpu.memref_squeeze %dma_wait3A_219 : memref<1x125xi32, #tpu.memory_space<vmem>> -> memref<125xi32, #tpu.memory_space<vmem>>
      %dma_wait3A_221 = arith.constant 0 : i32
      %dma_wait3A_222 = arith.constant 0 : i32
      %dma_wait3A_223 = tpu.memref_slice %arg8[%dma_wait3A_221, %dma_wait3A_222] : memref<10112x16xf32, #tpu.memory_space<vmem_shared>> -> memref<10112x16xf32, #tpu.memory_space<vmem_shared>>
      tpu.wait_indirect_dma semaphore(%arg10 : memref<!tpu.dma_semaphore, #tpu.memory_space<semaphore_mem>>) src(%dma_wait3A_217 : memref<125x16xf32, #tpu.memory_space<vmem>>) dst(%dma_wait3A_223 : memref<10112x16xf32, #tpu.memory_space<vmem_shared>>)
      %add3A_224 = arith.constant 4 : i32
      %add3A_225 = arith.addi %mul3A_37, %add3A_224 : i32
      %mul3A_226 = arith.constant 125 : i32
      %mul3A_227 = arith.muli %add3A_225, %mul3A_226 : i32
      %add3A_228 = arith.constant 4 : i32
      %add3A_229 = arith.addi %mul3A_37, %add3A_228 : i32
      %dma_wait3A_230 = arith.constant 0 : i32
      %dma_wait3A_231 = tpu.memref_slice %arg6[%mul3A_227, %dma_wait3A_230] : memref<5000x16xf32, #tpu.memory_space<vmem>> -> memref<125x16xf32, #tpu.memory_space<vmem>>
      %dma_wait3A_232 = arith.constant 0 : i32
      %dma_wait3A_233 = tpu.memref_slice %arg5[%add3A_229, %dma_wait3A_232] : memref<40x125xi32, #tpu.memory_space<vmem>> -> memref<1x125xi32, #tpu.memory_space<vmem>>
      %dma_wait3A_234 = tpu.memref_squeeze %dma_wait3A_233 : memref<1x125xi32, #tpu.memory_space<vmem>> -> memref<125xi32, #tpu.memory_space<vmem>>
      %dma_wait3A_235 = arith.constant 0 : i32
      %dma_wait3A_236 = arith.constant 0 : i32
      %dma_wait3A_237 = tpu.memref_slice %arg8[%dma_wait3A_235, %dma_wait3A_236] : memref<10112x16xf32, #tpu.memory_space<vmem_shared>> -> memref<10112x16xf32, #tpu.memory_space<vmem_shared>>
      tpu.wait_indirect_dma semaphore(%arg10 : memref<!tpu.dma_semaphore, #tpu.memory_space<semaphore_mem>>) src(%dma_wait3A_231 : memref<125x16xf32, #tpu.memory_space<vmem>>) dst(%dma_wait3A_237 : memref<10112x16xf32, #tpu.memory_space<vmem_shared>>)
      %add3A_238 = arith.constant 5 : i32
      %add3A_239 = arith.addi %mul3A_37, %add3A_238 : i32
      %mul3A_240 = arith.constant 125 : i32
      %mul3A_241 = arith.muli %add3A_239, %mul3A_240 : i32
      %add3A_242 = arith.constant 5 : i32
      %add3A_243 = arith.addi %mul3A_37, %add3A_242 : i32
      %dma_wait3A_244 = arith.constant 0 : i32
      %dma_wait3A_245 = tpu.memref_slice %arg6[%mul3A_241, %dma_wait3A_244] : memref<5000x16xf32, #tpu.memory_space<vmem>> -> memref<125x16xf32, #tpu.memory_space<vmem>>
      %dma_wait3A_246 = arith.constant 0 : i32
      %dma_wait3A_247 = tpu.memref_slice %arg5[%add3A_243, %dma_wait3A_246] : memref<40x125xi32, #tpu.memory_space<vmem>> -> memref<1x125xi32, #tpu.memory_space<vmem>>
      %dma_wait3A_248 = tpu.memref_squeeze %dma_wait3A_247 : memref<1x125xi32, #tpu.memory_space<vmem>> -> memref<125xi32, #tpu.memory_space<vmem>>
      %dma_wait3A_249 = arith.constant 0 : i32
      %dma_wait3A_250 = arith.constant 0 : i32
      %dma_wait3A_251 = tpu.memref_slice %arg8[%dma_wait3A_249, %dma_wait3A_250] : memref<10112x16xf32, #tpu.memory_space<vmem_shared>> -> memref<10112x16xf32, #tpu.memory_space<vmem_shared>>
      tpu.wait_indirect_dma semaphore(%arg10 : memref<!tpu.dma_semaphore, #tpu.memory_space<semaphore_mem>>) src(%dma_wait3A_245 : memref<125x16xf32, #tpu.memory_space<vmem>>) dst(%dma_wait3A_251 : memref<10112x16xf32, #tpu.memory_space<vmem_shared>>)
      %add3A_252 = arith.constant 6 : i32
      %add3A_253 = arith.addi %mul3A_37, %add3A_252 : i32
      %mul3A_254 = arith.constant 125 : i32
      %mul3A_255 = arith.muli %add3A_253, %mul3A_254 : i32
      %add3A_256 = arith.constant 6 : i32
      %add3A_257 = arith.addi %mul3A_37, %add3A_256 : i32
      %dma_wait3A_258 = arith.constant 0 : i32
      %dma_wait3A_259 = tpu.memref_slice %arg6[%mul3A_255, %dma_wait3A_258] : memref<5000x16xf32, #tpu.memory_space<vmem>> -> memref<125x16xf32, #tpu.memory_space<vmem>>
      %dma_wait3A_260 = arith.constant 0 : i32
      %dma_wait3A_261 = tpu.memref_slice %arg5[%add3A_257, %dma_wait3A_260] : memref<40x125xi32, #tpu.memory_space<vmem>> -> memref<1x125xi32, #tpu.memory_space<vmem>>
      %dma_wait3A_262 = tpu.memref_squeeze %dma_wait3A_261 : memref<1x125xi32, #tpu.memory_space<vmem>> -> memref<125xi32, #tpu.memory_space<vmem>>
      %dma_wait3A_263 = arith.constant 0 : i32
      %dma_wait3A_264 = arith.constant 0 : i32
      %dma_wait3A_265 = tpu.memref_slice %arg8[%dma_wait3A_263, %dma_wait3A_264] : memref<10112x16xf32, #tpu.memory_space<vmem_shared>> -> memref<10112x16xf32, #tpu.memory_space<vmem_shared>>
      tpu.wait_indirect_dma semaphore(%arg10 : memref<!tpu.dma_semaphore, #tpu.memory_space<semaphore_mem>>) src(%dma_wait3A_259 : memref<125x16xf32, #tpu.memory_space<vmem>>) dst(%dma_wait3A_265 : memref<10112x16xf32, #tpu.memory_space<vmem_shared>>)
      %add3A_266 = arith.constant 7 : i32
      %add3A_267 = arith.addi %mul3A_37, %add3A_266 : i32
      %mul3A_268 = arith.constant 125 : i32
      %mul3A_269 = arith.muli %add3A_267, %mul3A_268 : i32
      %add3A_270 = arith.constant 7 : i32
      %add3A_271 = arith.addi %mul3A_37, %add3A_270 : i32
      %dma_wait3A_272 = arith.constant 0 : i32
      %dma_wait3A_273 = tpu.memref_slice %arg6[%mul3A_269, %dma_wait3A_272] : memref<5000x16xf32, #tpu.memory_space<vmem>> -> memref<125x16xf32, #tpu.memory_space<vmem>>
      %dma_wait3A_274 = arith.constant 0 : i32
      %dma_wait3A_275 = tpu.memref_slice %arg5[%add3A_271, %dma_wait3A_274] : memref<40x125xi32, #tpu.memory_space<vmem>> -> memref<1x125xi32, #tpu.memory_space<vmem>>
      %dma_wait3A_276 = tpu.memref_squeeze %dma_wait3A_275 : memref<1x125xi32, #tpu.memory_space<vmem>> -> memref<125xi32, #tpu.memory_space<vmem>>
      %dma_wait3A_277 = arith.constant 0 : i32
      %dma_wait3A_278 = arith.constant 0 : i32
      %dma_wait3A_279 = tpu.memref_slice %arg8[%dma_wait3A_277, %dma_wait3A_278] : memref<10112x16xf32, #tpu.memory_space<vmem_shared>> -> memref<10112x16xf32, #tpu.memory_space<vmem_shared>>
      tpu.wait_indirect_dma semaphore(%arg10 : memref<!tpu.dma_semaphore, #tpu.memory_space<semaphore_mem>>) src(%dma_wait3A_273 : memref<125x16xf32, #tpu.memory_space<vmem>>) dst(%dma_wait3A_279 : memref<10112x16xf32, #tpu.memory_space<vmem_shared>>)
      %scan3A_280 = arith.constant 0 : i32
      scf.yield %scan3A_280 : i32
    }
    %scan3A_28 = arith.constant 5 : i32
    %barrier3A_29 = arith.constant 0 : index
    tpu.barrier barrier_id(%barrier3A_29)
    %mul3A_30 = arith.constant 632 : i32
    %mul3A_31 = arith.muli %arg1, %mul3A_30 : i32
    %mul3A_32 = arith.constant 632 : i32
    %mul3A_33 = arith.muli %arg1, %mul3A_32 : i32
    "tpu.region"() ({
      %run_scoped3A_34 = tpu.sem_alloc : memref<!tpu.dma_semaphore, #tpu.memory_space<semaphore_mem>>
      %dma_start3A_35 = arith.constant 0 : i32
      %dma_start3A_36 = tpu.memref_slice %arg4[%arg0, %mul3A_33, %dma_start3A_35] : memref<2x10112x16xf32, #tpu.memory_space<hbm>> -> memref<1x632x16xf32, #tpu.memory_space<hbm>>
      %dma_start3A_37 = tpu.memref_squeeze %dma_start3A_36 : memref<1x632x16xf32, #tpu.memory_space<hbm>> -> memref<632x16xf32, #tpu.memory_space<hbm>>
      %dma_start3A_38 = arith.constant 0 : i32
      %dma_start3A_39 = tpu.memref_slice %arg8[%mul3A_31, %dma_start3A_38] : memref<10112x16xf32, #tpu.memory_space<vmem_shared>> -> memref<632x16xf32, #tpu.memory_space<vmem_shared>>
      tpu.enqueue_dma source(%dma_start3A_39 : memref<632x16xf32, #tpu.memory_space<vmem_shared>>) target(%dma_start3A_37 : memref<632x16xf32, #tpu.memory_space<hbm>>) target_semaphore(%run_scoped3A_34 : memref<!tpu.dma_semaphore, #tpu.memory_space<semaphore_mem>>)
      %dma_wait3A = arith.constant 0 : i32
      %dma_wait3A_40 = tpu.memref_slice %arg4[%arg0, %mul3A_33, %dma_wait3A] : memref<2x10112x16xf32, #tpu.memory_space<hbm>> -> memref<1x632x16xf32, #tpu.memory_space<hbm>>
      %dma_wait3A_41 = tpu.memref_squeeze %dma_wait3A_40 : memref<1x632x16xf32, #tpu.memory_space<hbm>> -> memref<632x16xf32, #tpu.memory_space<hbm>>
      %dma_wait3A_42 = arith.constant 0 : i32
      %dma_wait3A_43 = tpu.memref_slice %arg8[%mul3A_31, %dma_wait3A_42] : memref<10112x16xf32, #tpu.memory_space<vmem_shared>> -> memref<632x16xf32, #tpu.memory_space<vmem_shared>>
      tpu.wait_dma2 semaphore(%run_scoped3A_34 : memref<!tpu.dma_semaphore, #tpu.memory_space<semaphore_mem>>) src(%dma_wait3A_43 : memref<632x16xf32, #tpu.memory_space<vmem_shared>>) dst(%dma_wait3A_41 : memref<632x16xf32, #tpu.memory_space<hbm>>)
      tpu.yield
    }) : () -> ()
    return
  }
}

module attributes {stable_mosaic.version = 14 : i64} {
  func.func @_init_body(%arg0: memref<1250x1024xf32, #tpu.memory_space<vmem>>, %arg1: memref<1024x128xf32, #tpu.memory_space<vmem>>, %arg2: memref<8x128xf32, #tpu.memory_space<vmem>>, %arg3: memref<1250x128xf32, #tpu.memory_space<vmem>>) attributes {dimension_semantics = [], scalar_prefetch = 0 : i64, scratch_operands = 0 : i64, tpu.core_type = #tpu.core_type<tc>} {
    %get3A = arith.constant 0 : index
    %get3A_0 = arith.constant 0 : index
    %get3A_1 = vector.load %arg0[%get3A, %get3A_0] : memref<1250x1024xf32, #tpu.memory_space<vmem>>, vector<1250x1024xf32>
    %get3A_2 = arith.constant 0 : index
    %get3A_3 = arith.constant 0 : index
    %get3A_4 = vector.load %arg1[%get3A_2, %get3A_3] : memref<1024x128xf32, #tpu.memory_space<vmem>>, vector<1024x128xf32>
    %dot_general3A = arith.constant dense<0.000000e+00> : vector<1250x128xf32>
    %dot_general3A_5 = tpu.matmul %get3A_1, %get3A_4, %dot_general3A {dimension_numbers = #tpu.dot_dimension_numbers<[1], [0], [0], [1], [0, 0, 1, 1], [], []>, transpose_lhs_hint = false} : vector<1250x1024xf32>, vector<1024x128xf32>, vector<1250x128xf32> -> vector<1250x128xf32>
    %get3A_6 = arith.constant 0 : index
    %get3A_7 = arith.constant 0 : index
    %get3A_8 = vector.load %arg2[%get3A_6, %get3A_7] : memref<8x128xf32, #tpu.memory_space<vmem>>, vector<1x128xf32>
    %add3A = vector.broadcast %get3A_8 : vector<1x128xf32> to vector<1250x128xf32>
    %add3A_9 = arith.addf %dot_general3A_5, %add3A : vector<1250x128xf32>
    %swap3A = arith.constant 0 : index
    %swap3A_10 = arith.constant 0 : index
    %swap3A_11 = vector.load %arg3[%swap3A, %swap3A_10] : memref<1250x128xf32, #tpu.memory_space<vmem>>, vector<1250x128xf32>
    tpu.vector_store %arg3[%swap3A, %swap3A_10], %add3A_9 {strides = array<i32>} : memref<1250x128xf32, #tpu.memory_space<vmem>>, vector<1250x128xf32>,
    return
  }
}

module attributes {stable_mosaic.version = 14 : i64} {
  func.func @_msg_body(%arg0: i32, %arg1: memref<800x128xf32, #tpu.memory_space<vmem>>, %arg2: memref<800x128xf32, #tpu.memory_space<vmem>>, %arg3: memref<128x2176xbf16, #tpu.memory_space<vmem>>, %arg4: memref<128x2048xbf16, #tpu.memory_space<vmem>>, %arg5: memref<2048x128xbf16, #tpu.memory_space<vmem>>, %arg6: memref<800x128xf32, #tpu.memory_space<vmem>>) attributes {dimension_semantics = [#tpu.dimension_semantics<arbitrary>], iteration_bounds = array<i64: 25>, scalar_prefetch = 0 : i64, scratch_operands = 0 : i64, tpu.core_type = #tpu.core_type<tc>, window_params = [{transform_indices = @transform_0, window_bounds = array<i64: 800, 128>}, {transform_indices = @transform_1, window_bounds = array<i64: 800, 128>}, {pipeline_mode = #tpu.pipeline_mode<synchronous>, transform_indices = @transform_2, window_bounds = array<i64: 128, 2176>}, {pipeline_mode = #tpu.pipeline_mode<synchronous>, transform_indices = @transform_3, window_bounds = array<i64: 128, 2048>}, {pipeline_mode = #tpu.pipeline_mode<synchronous>, transform_indices = @transform_4, window_bounds = array<i64: 2048, 128>}, {transform_indices = @transform_5, window_bounds = array<i64: 800, 128>}]} {
    %get3A = arith.constant 0 : index
    %get3A_0 = arith.constant 0 : index
    %get3A_1 = vector.load %arg1[%get3A, %get3A_0] : memref<800x128xf32, #tpu.memory_space<vmem>>, vector<800x128xf32>
    %convert_element_type3A = arith.truncf %get3A_1 : vector<800x128xf32> to vector<800x128xbf16>
    %get3A_2 = arith.constant 0 : index
    %get3A_3 = arith.constant 0 : index
    %get3A_4 = vector.load %arg3[%get3A_2, %get3A_3] : memref<128x2176xbf16, #tpu.memory_space<vmem>>, vector<128x2176xbf16>
    %dot_general3A = arith.constant dense<0.000000e+00> : vector<800x2176xf32>
    %dot_general3A_5 = tpu.matmul %convert_element_type3A, %get3A_4, %dot_general3A {dimension_numbers = #tpu.dot_dimension_numbers<[1], [0], [0], [1], [0, 0, 1, 1], [], []>, transpose_lhs_hint = false} : vector<800x128xbf16>, vector<128x2176xbf16>, vector<800x2176xf32> -> vector<800x2176xf32>
    %slice3A = vector.extract_strided_slice %dot_general3A_5 {offsets = [0, 0], sizes = [800, 2048], strides = [1, 1]} : vector<800x2176xf32> to vector<800x2048xf32>
    %convert_element_type3A_6 = arith.truncf %slice3A : vector<800x2048xf32> to vector<800x2048xbf16>
    %slice3A_7 = vector.extract_strided_slice %dot_general3A_5 {offsets = [0, 2048], sizes = [800, 128], strides = [1, 1]} : vector<800x2176xf32> to vector<800x128xf32>
    %get3A_8 = arith.constant 0 : index
    %get3A_9 = arith.constant 0 : index
    %get3A_10 = vector.load %arg2[%get3A_8, %get3A_9] : memref<800x128xf32, #tpu.memory_space<vmem>>, vector<800x128xf32>
    %convert_element_type3A_11 = arith.truncf %get3A_10 : vector<800x128xf32> to vector<800x128xbf16>
    %get3A_12 = arith.constant 0 : index
    %get3A_13 = arith.constant 0 : index
    %get3A_14 = vector.load %arg4[%get3A_12, %get3A_13] : memref<128x2048xbf16, #tpu.memory_space<vmem>>, vector<128x2048xbf16>
    %dot_general3A_15 = arith.constant dense<0.000000e+00> : vector<800x2048xf32>
    %dot_general3A_16 = tpu.matmul %convert_element_type3A_11, %get3A_14, %dot_general3A_15 {dimension_numbers = #tpu.dot_dimension_numbers<[1], [0], [0], [1], [0, 0, 1, 1], [], []>, transpose_lhs_hint = false} : vector<800x128xbf16>, vector<128x2048xbf16>, vector<800x2048xf32> -> vector<800x2048xf32>
    %convert_element_type3A_17 = arith.truncf %dot_general3A_16 : vector<800x2048xf32> to vector<800x2048xbf16>
    %mul3A = arith.mulf %convert_element_type3A_17, %convert_element_type3A_6 : vector<800x2048xbf16>
    %get3A_18 = arith.constant 0 : index
    %get3A_19 = arith.constant 0 : index
    %get3A_20 = vector.load %arg5[%get3A_18, %get3A_19] : memref<2048x128xbf16, #tpu.memory_space<vmem>>, vector<2048x128xbf16>
    %dot_general3A_21 = arith.constant dense<0.000000e+00> : vector<800x128xf32>
    %dot_general3A_22 = tpu.matmul %mul3A, %get3A_20, %dot_general3A_21 {dimension_numbers = #tpu.dot_dimension_numbers<[1], [0], [0], [1], [0, 0, 1, 1], [], []>, transpose_lhs_hint = false} : vector<800x2048xbf16>, vector<2048x128xbf16>, vector<800x128xf32> -> vector<800x128xf32>
    %add3A = arith.addf %dot_general3A_22, %slice3A_7 : vector<800x128xf32>
    %swap3A = arith.constant 0 : index
    %swap3A_23 = arith.constant 0 : index
    %swap3A_24 = vector.load %arg6[%swap3A, %swap3A_23] : memref<800x128xf32, #tpu.memory_space<vmem>>, vector<800x128xf32>
    tpu.vector_store %arg6[%swap3A, %swap3A_23], %add3A {strides = array<i32>} : memref<800x128xf32, #tpu.memory_space<vmem>>, vector<800x128xf32>,
    return
  }
  func.func @transform_0(%arg0: i32) -> (i32, i32) {
    %c0_i32 = arith.constant 0 : i32
    %c0_i32_0 = arith.constant 0 : i32
    return %arg0, %c0_i32 : i32, i32
  }
  func.func @transform_1(%arg0: i32) -> (i32, i32) {
    %c0_i32 = arith.constant 0 : i32
    %c0_i32_0 = arith.constant 0 : i32
    return %arg0, %c0_i32 : i32, i32
  }
  func.func @transform_2(%arg0: i32) -> (i32, i32) {
    %c0_i32 = arith.constant 0 : i32
    %c0_i32_0 = arith.constant 0 : i32
    %c0_i32_1 = arith.constant 0 : i32
    return %c0_i32, %c0_i32_0 : i32, i32
  }
  func.func @transform_3(%arg0: i32) -> (i32, i32) {
    %c0_i32 = arith.constant 0 : i32
    %c0_i32_0 = arith.constant 0 : i32
    %c0_i32_1 = arith.constant 0 : i32
    return %c0_i32, %c0_i32_0 : i32, i32
  }
  func.func @transform_4(%arg0: i32) -> (i32, i32) {
    %c0_i32 = arith.constant 0 : i32
    %c0_i32_0 = arith.constant 0 : i32
    %c0_i32_1 = arith.constant 0 : i32
    return %c0_i32, %c0_i32_0 : i32, i32
  }
  func.func @transform_5(%arg0: i32) -> (i32, i32) {
    %c0_i32 = arith.constant 0 : i32
    %c0_i32_0 = arith.constant 0 : i32
    return %arg0, %c0_i32 : i32, i32
  }
}

module attributes {stable_mosaic.version = 14 : i64} {
  func.func @_update_body(%arg0: memref<1250x128xf32, #tpu.memory_space<vmem>>, %arg1: memref<2x1264x128xf32, #tpu.memory_space<vmem>>, %arg2: memref<2x1264x128xf32, #tpu.memory_space<vmem>>, %arg3: memref<128x128xf32, #tpu.memory_space<vmem>>, %arg4: memref<8x128xf32, #tpu.memory_space<vmem>>, %arg5: memref<1250x128xf32, #tpu.memory_space<vmem>>) attributes {dimension_semantics = [], scalar_prefetch = 0 : i64, scratch_operands = 0 : i64, tpu.core_type = #tpu.core_type<tc>} {
    %get3A = arith.constant 0 : index
    %get3A_0 = arith.constant 0 : index
    %get3A_1 = vector.load %arg0[%get3A, %get3A_0] : memref<1250x128xf32, #tpu.memory_space<vmem>>, vector<1250x128xf32>
    %get3A_2 = arith.constant 0 : index
    %get3A_3 = arith.constant 0 : index
    %get3A_4 = arith.constant 0 : index
    %get3A_5 = vector.load %arg2[%get3A_2, %get3A_3, %get3A_4] : memref<2x1264x128xf32, #tpu.memory_space<vmem>>, vector<1x1264x128xf32>
    %get3A_6 = vector.shape_cast %get3A_5 : vector<1x1264x128xf32> to vector<1264x128xf32>
    %get3A_7 = arith.constant 1 : index
    %get3A_8 = arith.constant 0 : index
    %get3A_9 = arith.constant 0 : index
    %get3A_10 = vector.load %arg2[%get3A_7, %get3A_8, %get3A_9] : memref<2x1264x128xf32, #tpu.memory_space<vmem>>, vector<1x1264x128xf32>
    %get3A_11 = vector.shape_cast %get3A_10 : vector<1x1264x128xf32> to vector<1264x128xf32>
    %add3A = arith.addf %get3A_6, %get3A_11 : vector<1264x128xf32>
    %slice3A = vector.extract_strided_slice %add3A {offsets = [0, 0], sizes = [1250, 128], strides = [1, 1]} : vector<1264x128xf32> to vector<1250x128xf32>
    %max3A = arith.constant 1.000000e+00 : f32
    %max3A_12 = vector.broadcast %max3A : f32 to vector<1250x128xf32>
    %max3A_13 = arith.maximumf %slice3A, %max3A_12 : vector<1250x128xf32>
    %get3A_14 = arith.constant 0 : index
    %get3A_15 = arith.constant 0 : index
    %get3A_16 = arith.constant 0 : index
    %get3A_17 = vector.load %arg1[%get3A_14, %get3A_15, %get3A_16] : memref<2x1264x128xf32, #tpu.memory_space<vmem>>, vector<1x1264x128xf32>
    %get3A_18 = vector.shape_cast %get3A_17 : vector<1x1264x128xf32> to vector<1264x128xf32>
    %get3A_19 = arith.constant 1 : index
    %get3A_20 = arith.constant 0 : index
    %get3A_21 = arith.constant 0 : index
    %get3A_22 = vector.load %arg1[%get3A_19, %get3A_20, %get3A_21] : memref<2x1264x128xf32, #tpu.memory_space<vmem>>, vector<1x1264x128xf32>
    %get3A_23 = vector.shape_cast %get3A_22 : vector<1x1264x128xf32> to vector<1264x128xf32>
    %add3A_24 = arith.addf %get3A_18, %get3A_23 : vector<1264x128xf32>
    %slice3A_25 = vector.extract_strided_slice %add3A_24 {offsets = [0, 0], sizes = [1250, 128], strides = [1, 1]} : vector<1264x128xf32> to vector<1250x128xf32>
    %div3A = arith.divf %slice3A_25, %max3A_13 : vector<1250x128xf32>
    %get3A_26 = arith.constant 0 : index
    %get3A_27 = arith.constant 0 : index
    %get3A_28 = vector.load %arg3[%get3A_26, %get3A_27] : memref<128x128xf32, #tpu.memory_space<vmem>>, vector<128x128xf32>
    %dot_general3A = arith.constant dense<0.000000e+00> : vector<1250x128xf32>
    %dot_general3A_29 = tpu.matmul %get3A_1, %get3A_28, %dot_general3A {dimension_numbers = #tpu.dot_dimension_numbers<[1], [0], [0], [1], [0, 0, 1, 1], [], []>, transpose_lhs_hint = false} : vector<1250x128xf32>, vector<128x128xf32>, vector<1250x128xf32> -> vector<1250x128xf32>
    %add3A_30 = arith.addf %div3A, %dot_general3A_29 : vector<1250x128xf32>
    %get3A_31 = arith.constant 0 : index
    %get3A_32 = arith.constant 0 : index
    %get3A_33 = vector.load %arg4[%get3A_31, %get3A_32] : memref<8x128xf32, #tpu.memory_space<vmem>>, vector<1x128xf32>
    %mul3A = vector.broadcast %get3A_33 : vector<1x128xf32> to vector<1250x128xf32>
    %mul3A_34 = arith.mulf %add3A_30, %mul3A : vector<1250x128xf32>
    %get3A_35 = arith.constant 1 : index
    %get3A_36 = arith.constant 0 : index
    %get3A_37 = vector.load %arg4[%get3A_35, %get3A_36] : memref<8x128xf32, #tpu.memory_space<vmem>>, vector<1x128xf32>
    %add3A_38 = vector.broadcast %get3A_37 : vector<1x128xf32> to vector<1250x128xf32>
    %add3A_39 = arith.addf %mul3A_34, %add3A_38 : vector<1250x128xf32>
    %max3A_40 = arith.constant 0.000000e+00 : f32
    %max3A_41 = vector.broadcast %max3A_40 : f32 to vector<1250x128xf32>
    %max3A_42 = arith.maximumf %add3A_39, %max3A_41 : vector<1250x128xf32>
    %add3A_43 = arith.addf %get3A_1, %max3A_42 : vector<1250x128xf32>
    %swap3A = arith.constant 0 : index
    %swap3A_44 = arith.constant 0 : index
    %swap3A_45 = vector.load %arg5[%swap3A, %swap3A_44] : memref<1250x128xf32, #tpu.memory_space<vmem>>, vector<1250x128xf32>
    tpu.vector_store %arg5[%swap3A, %swap3A_44], %add3A_43 {strides = array<i32>} : memref<1250x128xf32, #tpu.memory_space<vmem>>, vector<1250x128xf32>,
    return
  }
}

module attributes {stable_mosaic.version = 14 : i64} {
  func.func @_final_body(%arg0: memref<1250x128xf32, #tpu.memory_space<vmem>>, %arg1: memref<2x1264x128xf32, #tpu.memory_space<vmem>>, %arg2: memref<2x1264x128xf32, #tpu.memory_space<vmem>>, %arg3: memref<128x128xf32, #tpu.memory_space<vmem>>, %arg4: memref<8x128xf32, #tpu.memory_space<vmem>>, %arg5: memref<1250x8xi32, #tpu.memory_space<vmem>>, %arg6: memref<16x64xf32, #tpu.memory_space<vmem>>, %arg7: memref<8x64xf32, #tpu.memory_space<vmem>>, %arg8: memref<64x1xf32, #tpu.memory_space<vmem>>, %arg9: memref<8x8xf32, #tpu.memory_space<vmem>>, %arg10: memref<64x1xf32, #tpu.memory_space<vmem>>) attributes {dimension_semantics = [], scalar_prefetch = 0 : i64, scratch_operands = 0 : i64, tpu.core_type = #tpu.core_type<tc>} {
    %get3A = arith.constant 0 : index
    %get3A_0 = arith.constant 0 : index
    %get3A_1 = vector.load %arg0[%get3A, %get3A_0] : memref<1250x128xf32, #tpu.memory_space<vmem>>, vector<1250x128xf32>
    %get3A_2 = arith.constant 0 : index
    %get3A_3 = arith.constant 0 : index
    %get3A_4 = arith.constant 0 : index
    %get3A_5 = vector.load %arg2[%get3A_2, %get3A_3, %get3A_4] : memref<2x1264x128xf32, #tpu.memory_space<vmem>>, vector<1x1264x128xf32>
    %get3A_6 = vector.shape_cast %get3A_5 : vector<1x1264x128xf32> to vector<1264x128xf32>
    %get3A_7 = arith.constant 1 : index
    %get3A_8 = arith.constant 0 : index
    %get3A_9 = arith.constant 0 : index
    %get3A_10 = vector.load %arg2[%get3A_7, %get3A_8, %get3A_9] : memref<2x1264x128xf32, #tpu.memory_space<vmem>>, vector<1x1264x128xf32>
    %get3A_11 = vector.shape_cast %get3A_10 : vector<1x1264x128xf32> to vector<1264x128xf32>
    %add3A = arith.addf %get3A_6, %get3A_11 : vector<1264x128xf32>
    %slice3A = vector.extract_strided_slice %add3A {offsets = [0, 0], sizes = [1250, 128], strides = [1, 1]} : vector<1264x128xf32> to vector<1250x128xf32>
    %max3A = arith.constant 1.000000e+00 : f32
    %max3A_12 = vector.broadcast %max3A : f32 to vector<1250x128xf32>
    %max3A_13 = arith.maximumf %slice3A, %max3A_12 : vector<1250x128xf32>
    %get3A_14 = arith.constant 0 : index
    %get3A_15 = arith.constant 0 : index
    %get3A_16 = arith.constant 0 : index
    %get3A_17 = vector.load %arg1[%get3A_14, %get3A_15, %get3A_16] : memref<2x1264x128xf32, #tpu.memory_space<vmem>>, vector<1x1264x128xf32>
    %get3A_18 = vector.shape_cast %get3A_17 : vector<1x1264x128xf32> to vector<1264x128xf32>
    %get3A_19 = arith.constant 1 : index
    %get3A_20 = arith.constant 0 : index
    %get3A_21 = arith.constant 0 : index
    %get3A_22 = vector.load %arg1[%get3A_19, %get3A_20, %get3A_21] : memref<2x1264x128xf32, #tpu.memory_space<vmem>>, vector<1x1264x128xf32>
    %get3A_23 = vector.shape_cast %get3A_22 : vector<1x1264x128xf32> to vector<1264x128xf32>
    %add3A_24 = arith.addf %get3A_18, %get3A_23 : vector<1264x128xf32>
    %slice3A_25 = vector.extract_strided_slice %add3A_24 {offsets = [0, 0], sizes = [1250, 128], strides = [1, 1]} : vector<1264x128xf32> to vector<1250x128xf32>
    %div3A = arith.divf %slice3A_25, %max3A_13 : vector<1250x128xf32>
    %get3A_26 = arith.constant 0 : index
    %get3A_27 = arith.constant 0 : index
    %get3A_28 = vector.load %arg3[%get3A_26, %get3A_27] : memref<128x128xf32, #tpu.memory_space<vmem>>, vector<128x128xf32>
    %dot_general3A = arith.constant dense<0.000000e+00> : vector<1250x128xf32>
    %dot_general3A_29 = tpu.matmul %get3A_1, %get3A_28, %dot_general3A {dimension_numbers = #tpu.dot_dimension_numbers<[1], [0], [0], [1], [0, 0, 1, 1], [], []>, transpose_lhs_hint = false} : vector<1250x128xf32>, vector<128x128xf32>, vector<1250x128xf32> -> vector<1250x128xf32>
    %add3A_30 = arith.addf %div3A, %dot_general3A_29 : vector<1250x128xf32>
    %get3A_31 = arith.constant 0 : index
    %get3A_32 = arith.constant 0 : index
    %get3A_33 = vector.load %arg4[%get3A_31, %get3A_32] : memref<8x128xf32, #tpu.memory_space<vmem>>, vector<1x128xf32>
    %mul3A = vector.broadcast %get3A_33 : vector<1x128xf32> to vector<1250x128xf32>
    %mul3A_34 = arith.mulf %add3A_30, %mul3A : vector<1250x128xf32>
    %get3A_35 = arith.constant 1 : index
    %get3A_36 = arith.constant 0 : index
    %get3A_37 = vector.load %arg4[%get3A_35, %get3A_36] : memref<8x128xf32, #tpu.memory_space<vmem>>, vector<1x128xf32>
    %add3A_38 = vector.broadcast %get3A_37 : vector<1x128xf32> to vector<1250x128xf32>
    %add3A_39 = arith.addf %mul3A_34, %add3A_38 : vector<1250x128xf32>
    %max3A_40 = arith.constant 0.000000e+00 : f32
    %max3A_41 = vector.broadcast %max3A_40 : f32 to vector<1250x128xf32>
    %max3A_42 = arith.maximumf %add3A_39, %max3A_41 : vector<1250x128xf32>
    %add3A_43 = arith.addf %get3A_1, %max3A_42 : vector<1250x128xf32>
    %broadcast_in_dim3A = arith.constant 0.000000e+00 : f32
    %broadcast_in_dim3A_44 = vector.broadcast %broadcast_in_dim3A : f32 to vector<64x16xf32>
    %broadcast_in_dim3A_45 = arith.constant 0.000000e+00 : f32
    %broadcast_in_dim3A_46 = vector.broadcast %broadcast_in_dim3A_45 : f32 to vector<64x16xf32>
    %iota3A = tpu.iota {dimensions = array<i32: 1>} : vector<1250x64xi32>
    %get3A_47 = arith.constant 0 : index
    %get3A_48 = arith.constant 0 : index
    %get3A_49 = vector.load %arg5[%get3A_47, %get3A_48] : memref<1250x8xi32, #tpu.memory_space<vmem>>, vector<1250x1xi32>
    %eq3A = vector.broadcast %get3A_49 : vector<1250x1xi32> to vector<1250x64xi32>
    %eq3A_50 = arith.cmpi eq, %eq3A, %iota3A : vector<1250x64xi32>
    %convert_element_type3A = arith.extui %eq3A_50 : vector<1250x64xi1> to vector<1250x64xi32>
    %convert_element_type3A_51 = arith.sitofp %convert_element_type3A : vector<1250x64xi32> to vector<1250x64xf32>
    %slice3A_52 = vector.extract_strided_slice %add3A_43 {offsets = [0, 0], sizes = [1250, 16], strides = [1, 1]} : vector<1250x128xf32> to vector<1250x16xf32>
    %dot_general3A_53 = arith.constant dense<0.000000e+00> : vector<64x16xf32>
    %dot_general3A_54 = tpu.matmul %convert_element_type3A_51, %slice3A_52, %dot_general3A_53 {dimension_numbers = #tpu.dot_dimension_numbers<[0], [0], [1], [1], [0, 1, 1, 1], [], []>, transpose_lhs_hint = false} : vector<1250x64xf32>, vector<1250x16xf32>, vector<64x16xf32> -> vector<64x16xf32>
    %add3A_55 = arith.addf %broadcast_in_dim3A_44, %dot_general3A_54 : vector<64x16xf32>
    %broadcast_in_dim3A_56 = arith.constant 1.000000e+00 : f32
    %broadcast_in_dim3A_57 = vector.broadcast %broadcast_in_dim3A_56 : f32 to vector<1250x16xf32>
    %dot_general3A_58 = arith.constant dense<0.000000e+00> : vector<64x16xf32>
    %dot_general3A_59 = tpu.matmul %convert_element_type3A_51, %broadcast_in_dim3A_57, %dot_general3A_58 {dimension_numbers = #tpu.dot_dimension_numbers<[0], [0], [1], [1], [0, 1, 1, 1], [], []>, transpose_lhs_hint = false} : vector<1250x64xf32>, vector<1250x16xf32>, vector<64x16xf32> -> vector<64x16xf32>
    %add3A_60 = arith.addf %broadcast_in_dim3A_46, %dot_general3A_59 : vector<64x16xf32>
    %get3A_61 = arith.constant 0 : index
    %get3A_62 = arith.constant 1 : index
    %get3A_63 = vector.load %arg5[%get3A_61, %get3A_62] : memref<1250x8xi32, #tpu.memory_space<vmem>>, vector<1250x1xi32>
    %eq3A_64 = vector.broadcast %get3A_63 : vector<1250x1xi32> to vector<1250x64xi32>
    %eq3A_65 = arith.cmpi eq, %eq3A_64, %iota3A : vector<1250x64xi32>
    %convert_element_type3A_66 = arith.extui %eq3A_65 : vector<1250x64xi1> to vector<1250x64xi32>
    %convert_element_type3A_67 = arith.sitofp %convert_element_type3A_66 : vector<1250x64xi32> to vector<1250x64xf32>
    %slice3A_68 = vector.extract_strided_slice %add3A_43 {offsets = [0, 16], sizes = [1250, 16], strides = [1, 1]} : vector<1250x128xf32> to vector<1250x16xf32>
    %dot_general3A_69 = arith.constant dense<0.000000e+00> : vector<64x16xf32>
    %dot_general3A_70 = tpu.matmul %convert_element_type3A_67, %slice3A_68, %dot_general3A_69 {dimension_numbers = #tpu.dot_dimension_numbers<[0], [0], [1], [1], [0, 1, 1, 1], [], []>, transpose_lhs_hint = false} : vector<1250x64xf32>, vector<1250x16xf32>, vector<64x16xf32> -> vector<64x16xf32>
    %add3A_71 = arith.addf %add3A_55, %dot_general3A_70 : vector<64x16xf32>
    %broadcast_in_dim3A_72 = arith.constant 1.000000e+00 : f32
    %broadcast_in_dim3A_73 = vector.broadcast %broadcast_in_dim3A_72 : f32 to vector<1250x16xf32>
    %dot_general3A_74 = arith.constant dense<0.000000e+00> : vector<64x16xf32>
    %dot_general3A_75 = tpu.matmul %convert_element_type3A_67, %broadcast_in_dim3A_73, %dot_general3A_74 {dimension_numbers = #tpu.dot_dimension_numbers<[0], [0], [1], [1], [0, 1, 1, 1], [], []>, transpose_lhs_hint = false} : vector<1250x64xf32>, vector<1250x16xf32>, vector<64x16xf32> -> vector<64x16xf32>
    %add3A_76 = arith.addf %add3A_60, %dot_general3A_75 : vector<64x16xf32>
    %get3A_77 = arith.constant 0 : index
    %get3A_78 = arith.constant 2 : index
    %get3A_79 = vector.load %arg5[%get3A_77, %get3A_78] : memref<1250x8xi32, #tpu.memory_space<vmem>>, vector<1250x1xi32>
    %eq3A_80 = vector.broadcast %get3A_79 : vector<1250x1xi32> to vector<1250x64xi32>
    %eq3A_81 = arith.cmpi eq, %eq3A_80, %iota3A : vector<1250x64xi32>
    %convert_element_type3A_82 = arith.extui %eq3A_81 : vector<1250x64xi1> to vector<1250x64xi32>
    %convert_element_type3A_83 = arith.sitofp %convert_element_type3A_82 : vector<1250x64xi32> to vector<1250x64xf32>
    %slice3A_84 = vector.extract_strided_slice %add3A_43 {offsets = [0, 32], sizes = [1250, 16], strides = [1, 1]} : vector<1250x128xf32> to vector<1250x16xf32>
    %dot_general3A_85 = arith.constant dense<0.000000e+00> : vector<64x16xf32>
    %dot_general3A_86 = tpu.matmul %convert_element_type3A_83, %slice3A_84, %dot_general3A_85 {dimension_numbers = #tpu.dot_dimension_numbers<[0], [0], [1], [1], [0, 1, 1, 1], [], []>, transpose_lhs_hint = false} : vector<1250x64xf32>, vector<1250x16xf32>, vector<64x16xf32> -> vector<64x16xf32>
    %add3A_87 = arith.addf %add3A_71, %dot_general3A_86 : vector<64x16xf32>
    %broadcast_in_dim3A_88 = arith.constant 1.000000e+00 : f32
    %broadcast_in_dim3A_89 = vector.broadcast %broadcast_in_dim3A_88 : f32 to vector<1250x16xf32>
    %dot_general3A_90 = arith.constant dense<0.000000e+00> : vector<64x16xf32>
    %dot_general3A_91 = tpu.matmul %convert_element_type3A_83, %broadcast_in_dim3A_89, %dot_general3A_90 {dimension_numbers = #tpu.dot_dimension_numbers<[0], [0], [1], [1], [0, 1, 1, 1], [], []>, transpose_lhs_hint = false} : vector<1250x64xf32>, vector<1250x16xf32>, vector<64x16xf32> -> vector<64x16xf32>
    %add3A_92 = arith.addf %add3A_76, %dot_general3A_91 : vector<64x16xf32>
    %get3A_93 = arith.constant 0 : index
    %get3A_94 = arith.constant 3 : index
    %get3A_95 = vector.load %arg5[%get3A_93, %get3A_94] : memref<1250x8xi32, #tpu.memory_space<vmem>>, vector<1250x1xi32>
    %eq3A_96 = vector.broadcast %get3A_95 : vector<1250x1xi32> to vector<1250x64xi32>
    %eq3A_97 = arith.cmpi eq, %eq3A_96, %iota3A : vector<1250x64xi32>
    %convert_element_type3A_98 = arith.extui %eq3A_97 : vector<1250x64xi1> to vector<1250x64xi32>
    %convert_element_type3A_99 = arith.sitofp %convert_element_type3A_98 : vector<1250x64xi32> to vector<1250x64xf32>
    %slice3A_100 = vector.extract_strided_slice %add3A_43 {offsets = [0, 48], sizes = [1250, 16], strides = [1, 1]} : vector<1250x128xf32> to vector<1250x16xf32>
    %dot_general3A_101 = arith.constant dense<0.000000e+00> : vector<64x16xf32>
    %dot_general3A_102 = tpu.matmul %convert_element_type3A_99, %slice3A_100, %dot_general3A_101 {dimension_numbers = #tpu.dot_dimension_numbers<[0], [0], [1], [1], [0, 1, 1, 1], [], []>, transpose_lhs_hint = false} : vector<1250x64xf32>, vector<1250x16xf32>, vector<64x16xf32> -> vector<64x16xf32>
    %add3A_103 = arith.addf %add3A_87, %dot_general3A_102 : vector<64x16xf32>
    %broadcast_in_dim3A_104 = arith.constant 1.000000e+00 : f32
    %broadcast_in_dim3A_105 = vector.broadcast %broadcast_in_dim3A_104 : f32 to vector<1250x16xf32>
    %dot_general3A_106 = arith.constant dense<0.000000e+00> : vector<64x16xf32>
    %dot_general3A_107 = tpu.matmul %convert_element_type3A_99, %broadcast_in_dim3A_105, %dot_general3A_106 {dimension_numbers = #tpu.dot_dimension_numbers<[0], [0], [1], [1], [0, 1, 1, 1], [], []>, transpose_lhs_hint = false} : vector<1250x64xf32>, vector<1250x16xf32>, vector<64x16xf32> -> vector<64x16xf32>
    %add3A_108 = arith.addf %add3A_92, %dot_general3A_107 : vector<64x16xf32>
    %get3A_109 = arith.constant 0 : index
    %get3A_110 = arith.constant 4 : index
    %get3A_111 = vector.load %arg5[%get3A_109, %get3A_110] : memref<1250x8xi32, #tpu.memory_space<vmem>>, vector<1250x1xi32>
    %eq3A_112 = vector.broadcast %get3A_111 : vector<1250x1xi32> to vector<1250x64xi32>
    %eq3A_113 = arith.cmpi eq, %eq3A_112, %iota3A : vector<1250x64xi32>
    %convert_element_type3A_114 = arith.extui %eq3A_113 : vector<1250x64xi1> to vector<1250x64xi32>
    %convert_element_type3A_115 = arith.sitofp %convert_element_type3A_114 : vector<1250x64xi32> to vector<1250x64xf32>
    %slice3A_116 = vector.extract_strided_slice %add3A_43 {offsets = [0, 64], sizes = [1250, 16], strides = [1, 1]} : vector<1250x128xf32> to vector<1250x16xf32>
    %dot_general3A_117 = arith.constant dense<0.000000e+00> : vector<64x16xf32>
    %dot_general3A_118 = tpu.matmul %convert_element_type3A_115, %slice3A_116, %dot_general3A_117 {dimension_numbers = #tpu.dot_dimension_numbers<[0], [0], [1], [1], [0, 1, 1, 1], [], []>, transpose_lhs_hint = false} : vector<1250x64xf32>, vector<1250x16xf32>, vector<64x16xf32> -> vector<64x16xf32>
    %add3A_119 = arith.addf %add3A_103, %dot_general3A_118 : vector<64x16xf32>
    %broadcast_in_dim3A_120 = arith.constant 1.000000e+00 : f32
    %broadcast_in_dim3A_121 = vector.broadcast %broadcast_in_dim3A_120 : f32 to vector<1250x16xf32>
    %dot_general3A_122 = arith.constant dense<0.000000e+00> : vector<64x16xf32>
    %dot_general3A_123 = tpu.matmul %convert_element_type3A_115, %broadcast_in_dim3A_121, %dot_general3A_122 {dimension_numbers = #tpu.dot_dimension_numbers<[0], [0], [1], [1], [0, 1, 1, 1], [], []>, transpose_lhs_hint = false} : vector<1250x64xf32>, vector<1250x16xf32>, vector<64x16xf32> -> vector<64x16xf32>
    %add3A_124 = arith.addf %add3A_108, %dot_general3A_123 : vector<64x16xf32>
    %get3A_125 = arith.constant 0 : index
    %get3A_126 = arith.constant 5 : index
    %get3A_127 = vector.load %arg5[%get3A_125, %get3A_126] : memref<1250x8xi32, #tpu.memory_space<vmem>>, vector<1250x1xi32>
    %eq3A_128 = vector.broadcast %get3A_127 : vector<1250x1xi32> to vector<1250x64xi32>
    %eq3A_129 = arith.cmpi eq, %eq3A_128, %iota3A : vector<1250x64xi32>
    %convert_element_type3A_130 = arith.extui %eq3A_129 : vector<1250x64xi1> to vector<1250x64xi32>
    %convert_element_type3A_131 = arith.sitofp %convert_element_type3A_130 : vector<1250x64xi32> to vector<1250x64xf32>
    %slice3A_132 = vector.extract_strided_slice %add3A_43 {offsets = [0, 80], sizes = [1250, 16], strides = [1, 1]} : vector<1250x128xf32> to vector<1250x16xf32>
    %dot_general3A_133 = arith.constant dense<0.000000e+00> : vector<64x16xf32>
    %dot_general3A_134 = tpu.matmul %convert_element_type3A_131, %slice3A_132, %dot_general3A_133 {dimension_numbers = #tpu.dot_dimension_numbers<[0], [0], [1], [1], [0, 1, 1, 1], [], []>, transpose_lhs_hint = false} : vector<1250x64xf32>, vector<1250x16xf32>, vector<64x16xf32> -> vector<64x16xf32>
    %add3A_135 = arith.addf %add3A_119, %dot_general3A_134 : vector<64x16xf32>
    %broadcast_in_dim3A_136 = arith.constant 1.000000e+00 : f32
    %broadcast_in_dim3A_137 = vector.broadcast %broadcast_in_dim3A_136 : f32 to vector<1250x16xf32>
    %dot_general3A_138 = arith.constant dense<0.000000e+00> : vector<64x16xf32>
    %dot_general3A_139 = tpu.matmul %convert_element_type3A_131, %broadcast_in_dim3A_137, %dot_general3A_138 {dimension_numbers = #tpu.dot_dimension_numbers<[0], [0], [1], [1], [0, 1, 1, 1], [], []>, transpose_lhs_hint = false} : vector<1250x64xf32>, vector<1250x16xf32>, vector<64x16xf32> -> vector<64x16xf32>
    %add3A_140 = arith.addf %add3A_124, %dot_general3A_139 : vector<64x16xf32>
    %get3A_141 = arith.constant 0 : index
    %get3A_142 = arith.constant 6 : index
    %get3A_143 = vector.load %arg5[%get3A_141, %get3A_142] : memref<1250x8xi32, #tpu.memory_space<vmem>>, vector<1250x1xi32>
    %eq3A_144 = vector.broadcast %get3A_143 : vector<1250x1xi32> to vector<1250x64xi32>
    %eq3A_145 = arith.cmpi eq, %eq3A_144, %iota3A : vector<1250x64xi32>
    %convert_element_type3A_146 = arith.extui %eq3A_145 : vector<1250x64xi1> to vector<1250x64xi32>
    %convert_element_type3A_147 = arith.sitofp %convert_element_type3A_146 : vector<1250x64xi32> to vector<1250x64xf32>
    %slice3A_148 = vector.extract_strided_slice %add3A_43 {offsets = [0, 96], sizes = [1250, 16], strides = [1, 1]} : vector<1250x128xf32> to vector<1250x16xf32>
    %dot_general3A_149 = arith.constant dense<0.000000e+00> : vector<64x16xf32>
    %dot_general3A_150 = tpu.matmul %convert_element_type3A_147, %slice3A_148, %dot_general3A_149 {dimension_numbers = #tpu.dot_dimension_numbers<[0], [0], [1], [1], [0, 1, 1, 1], [], []>, transpose_lhs_hint = false} : vector<1250x64xf32>, vector<1250x16xf32>, vector<64x16xf32> -> vector<64x16xf32>
    %add3A_151 = arith.addf %add3A_135, %dot_general3A_150 : vector<64x16xf32>
    %broadcast_in_dim3A_152 = arith.constant 1.000000e+00 : f32
    %broadcast_in_dim3A_153 = vector.broadcast %broadcast_in_dim3A_152 : f32 to vector<1250x16xf32>
    %dot_general3A_154 = arith.constant dense<0.000000e+00> : vector<64x16xf32>
    %dot_general3A_155 = tpu.matmul %convert_element_type3A_147, %broadcast_in_dim3A_153, %dot_general3A_154 {dimension_numbers = #tpu.dot_dimension_numbers<[0], [0], [1], [1], [0, 1, 1, 1], [], []>, transpose_lhs_hint = false} : vector<1250x64xf32>, vector<1250x16xf32>, vector<64x16xf32> -> vector<64x16xf32>
    %add3A_156 = arith.addf %add3A_140, %dot_general3A_155 : vector<64x16xf32>
    %get3A_157 = arith.constant 0 : index
    %get3A_158 = arith.constant 7 : index
    %get3A_159 = vector.load %arg5[%get3A_157, %get3A_158] : memref<1250x8xi32, #tpu.memory_space<vmem>>, vector<1250x1xi32>
    %eq3A_160 = vector.broadcast %get3A_159 : vector<1250x1xi32> to vector<1250x64xi32>
    %eq3A_161 = arith.cmpi eq, %eq3A_160, %iota3A : vector<1250x64xi32>
    %convert_element_type3A_162 = arith.extui %eq3A_161 : vector<1250x64xi1> to vector<1250x64xi32>
    %convert_element_type3A_163 = arith.sitofp %convert_element_type3A_162 : vector<1250x64xi32> to vector<1250x64xf32>
    %slice3A_164 = vector.extract_strided_slice %add3A_43 {offsets = [0, 112], sizes = [1250, 16], strides = [1, 1]} : vector<1250x128xf32> to vector<1250x16xf32>
    %dot_general3A_165 = arith.constant dense<0.000000e+00> : vector<64x16xf32>
    %dot_general3A_166 = tpu.matmul %convert_element_type3A_163, %slice3A_164, %dot_general3A_165 {dimension_numbers = #tpu.dot_dimension_numbers<[0], [0], [1], [1], [0, 1, 1, 1], [], []>, transpose_lhs_hint = false} : vector<1250x64xf32>, vector<1250x16xf32>, vector<64x16xf32> -> vector<64x16xf32>
    %add3A_167 = arith.addf %add3A_151, %dot_general3A_166 : vector<64x16xf32>
    %broadcast_in_dim3A_168 = arith.constant 1.000000e+00 : f32
    %broadcast_in_dim3A_169 = vector.broadcast %broadcast_in_dim3A_168 : f32 to vector<1250x16xf32>
    %dot_general3A_170 = arith.constant dense<0.000000e+00> : vector<64x16xf32>
    %dot_general3A_171 = tpu.matmul %convert_element_type3A_163, %broadcast_in_dim3A_169, %dot_general3A_170 {dimension_numbers = #tpu.dot_dimension_numbers<[0], [0], [1], [1], [0, 1, 1, 1], [], []>, transpose_lhs_hint = false} : vector<1250x64xf32>, vector<1250x16xf32>, vector<64x16xf32> -> vector<64x16xf32>
    %add3A_172 = arith.addf %add3A_156, %dot_general3A_171 : vector<64x16xf32>
    %max3A_173 = arith.constant 1.000000e+00 : f32
    %max3A_174 = vector.broadcast %max3A_173 : f32 to vector<64x16xf32>
    %max3A_175 = arith.maximumf %add3A_172, %max3A_174 : vector<64x16xf32>
    %div3A_176 = arith.divf %add3A_167, %max3A_175 : vector<64x16xf32>
    %get3A_177 = arith.constant 0 : index
    %get3A_178 = arith.constant 0 : index
    %get3A_179 = vector.load %arg6[%get3A_177, %get3A_178] : memref<16x64xf32, #tpu.memory_space<vmem>>, vector<16x64xf32>
    %dot_general3A_180 = arith.constant dense<0.000000e+00> : vector<64x64xf32>
    %dot_general3A_181 = tpu.matmul %div3A_176, %get3A_179, %dot_general3A_180 {dimension_numbers = #tpu.dot_dimension_numbers<[1], [0], [0], [1], [0, 0, 1, 1], [], []>, transpose_lhs_hint = false} : vector<64x16xf32>, vector<16x64xf32>, vector<64x64xf32> -> vector<64x64xf32>
    %get3A_182 = arith.constant 0 : index
    %get3A_183 = arith.constant 0 : index
    %get3A_184 = vector.load %arg7[%get3A_182, %get3A_183] : memref<8x64xf32, #tpu.memory_space<vmem>>, vector<1x64xf32>
    %add3A_185 = vector.broadcast %get3A_184 : vector<1x64xf32> to vector<64x64xf32>
    %add3A_186 = arith.addf %dot_general3A_181, %add3A_185 : vector<64x64xf32>
    %max3A_187 = arith.constant 0.000000e+00 : f32
    %max3A_188 = vector.broadcast %max3A_187 : f32 to vector<64x64xf32>
    %max3A_189 = arith.maximumf %add3A_186, %max3A_188 : vector<64x64xf32>
    %get3A_190 = arith.constant 0 : index
    %get3A_191 = arith.constant 0 : index
    %get3A_192 = vector.load %arg8[%get3A_190, %get3A_191] : memref<64x1xf32, #tpu.memory_space<vmem>>, vector<64x1xf32>
    %dot_general3A_193 = arith.constant dense<0.000000e+00> : vector<64x1xf32>
    %dot_general3A_194 = tpu.matmul %max3A_189, %get3A_192, %dot_general3A_193 {dimension_numbers = #tpu.dot_dimension_numbers<[1], [0], [0], [1], [0, 0, 1, 1], [], []>, transpose_lhs_hint = false} : vector<64x64xf32>, vector<64x1xf32>, vector<64x1xf32> -> vector<64x1xf32>
    %get3A_195 = arith.constant 0 : index
    %get3A_196 = arith.constant 0 : index
    %get3A_197 = vector.load %arg9[%get3A_195, %get3A_196] : memref<8x8xf32, #tpu.memory_space<vmem>>, vector<1x1xf32>
    %add3A_198 = vector.broadcast %get3A_197 : vector<1x1xf32> to vector<64x1xf32>
    %add3A_199 = arith.addf %dot_general3A_194, %add3A_198 : vector<64x1xf32>
    %swap3A = arith.constant 0 : index
    %swap3A_200 = arith.constant 0 : index
    %swap3A_201 = vector.load %arg10[%swap3A, %swap3A_200] : memref<64x1xf32, #tpu.memory_space<vmem>>, vector<64x1xf32>
    tpu.vector_store %arg10[%swap3A, %swap3A_200], %add3A_199 {strides = array<i32>} : memref<64x1xf32, #tpu.memory_space<vmem>>, vector<64x1xf32>,
    return
  }
}

</mosaic_0001>

<sc_bundles>
// kernel: kernel.15.cloned.1.call-start
scs
__scs_entry_jumppad:
0x0: {  	(pc) =	sbr.rel $0x88, $3  }
0x1: {  	(tag) =	ssettag $0x0;
	lr =	simm.s32 $0x1  }
0x2: {  	[smem:$0x3F85] =	sst lr;
	_ =	strace $0xD0000000  }
0x3: {  	_ = 	snop  }
0x4: {  	_ = 	snop  }
0x5: {  	_ = 	snop  }
0x6: {  	_ = 	snop  }
0x7: {  	_ = 	snop  }
__scs_overlays_trampoline_lowered:
0x8: {  	[smem:$0x3F94] =	sst s0  }
0x9: {  	[smem:$0x3F95] =	sst s1  }
0xa: {  	[smem:$0x3F96] =	sst s2  }
0xb: {  	[smem:$0x3F97] =	sst s3  }
0xc: {  	[smem:$0x3F98] =	sst s4  }
0xd: {  	[smem:$0x3F99] =	sst s5  }
0xe: {  	[smem:$0x3F9A] =	sst s6  }
0xf: {  	[smem:$0x3F9B] =	sst s7  }
0x10: {  	[smem:$0x3F9C] =	sst s8  }
0x11: {  	[smem:$0x3F9D] =	sst s9;
	s0 =	simm.s32 @!p0 $0x0  }
0x12: {  	s1 =	sld [smem:$0x3F83];
	s0 =	simm.s32 @p0 $0x1  }
0x13: {  	[smem:$0x3F9E] =	sst s0;
	s0 =	simm.s32 @!p1 $0x0  }
0x14: {  	s2 =	sld [smem:$0x3F82];
	s0 =	simm.s32 @p1 $0x1  }
0x15: {  	[smem:$0x3F9F] =	sst s0;
	s0 =	simm.s32 @!p2 $0x0  }
0x16: {  	s3 =	sld [smem:$0x3FDB];
	s0 =	simm.s32 @p2 $0x1  }
0x17: {  	s4 =	simm.s32 $0x1BF5;
	[smem:$0x3FA1] =	sst s0  }
0x18: {  	s0 =	sld [smem:$0x3F84];
	_ =	swait.ge [sflag:s4], $0x0  }
0x19: {  	s7 =	sld [smem:$0x3F85]  }
0x1a: {  	s8 =	sadd.s32 $0xFFFFE003, lr  }
0x1b: {  	s9 =	sadd.s32 $0xFFFFFEF7, lr;
	s5 =	simm.s32 $0xFFFFFFFF;
	p2 =	slt.u32 s8, $0xFFFFF086  }
0x1c: {  	p1 =	slt.u32 s9, $0xF7A;
	s5 =	simm.s32 @!p2 $0x0  }
0x1d: {  	s5 =	simm.s32 @p1 $0x1;
	p0 =	seq.s32 s7, s2  }
0x1e: {  	s7 =	smul.u32 @!p0 $0xF7A, s2;
	p2 =	seq.s32 @!p0 s5, $0x0  }
0x1f: {  	s9 =	smul.u32 $0xF7A, s1;
	s8 =	simm.s32 @!p0 $0x1BF5;
	p2 =	por !p2, p0  }
0x20: {  	[sflag:s8] =	ssyncset.s32 @!p0 $0xFFFFF086;
	s6 =	sadd.s32 @!p0 s3, s7;
	s7 =	simm.s32 @!p0 $0x108  }
0x21: {  	s3 =	sadd.s32 s3, s9;
	s6 =	sadd.s32 @!p0 $0x88, s6;
	s7 =	simm.s32 @p2 $0x1082  }
0x22: {  	[simem:s7], [sflag:s8] =	dma.local @!p0 [hbm:s6], $0xF7A  }
0x23: {  	s9 =	sor.u32 $0xD0000000, s2;
	s6 =	simm.s32 $0x108;
	_ =	swait.ge @!p0 [sflag:s8], $0x0  }
0x24: {  	s3 =	sadd.s32 $0x88, s3;
	s6 =	simm.s32 @!p1 $0x1082;
	[sflag:s4] =	ssyncset.s32 $0xFFFFF086  }
0x25: {  	[simem:s6], [sflag:s4] =	dma.local [hbm:s3], $0xF7A  }
0x26: {  	[smem:$0x3F85] =	sst s1;
	(tag) =	ssettag s2;
	_ =	strace s9  }
0x27: {  	s1 =	sld [smem:$0x3F95]  }
0x28: {  	s2 =	sld [smem:$0x3F96]  }
0x29: {  	s4 =	sld [smem:$0x3F98]  }
0x2a: {  	p0 =	seq.s32 s5, $0x0;
	s5 =	sld [smem:$0x3F99]  }
0x2b: {  	s6 =	sld [smem:$0x3F9A]  }
0x2c: {  	s7 =	sld [smem:$0x3F9B]  }
0x2d: {  	s3 =	simm.s32 $0x108;
	s8 =	sld [smem:$0x3F9C]  }
0x2e: {  	s3 =	simm.s32 @!p0 $0x1082;
	s9 =	sld [smem:$0x3F9D]  }
0x2f: {  	lr =	sadd.s32 s0, s3;
	s0 =	sld [smem:$0x3F94]  }
0x30: {  	s3 =	sld [smem:$0x3F97]  }
0x31: {  	[smem:$0x3FA0] =	sst s10  }
0x32: {  	s10 =	sld [smem:$0x3F9E];
	_ =	sdelay $0x3  }
0x33: {  	p0 =	seq.s32 s10, $0x1;
	s10 =	sld [smem:$0x3FA0];
	_ =	sdelay $0x3  }
0x34: {  	[smem:$0x3FA0] =	sst s10  }
0x35: {  	s10 =	sld [smem:$0x3F9F];
	_ =	sdelay $0x3  }
0x36: {  	p1 =	seq.s32 s10, $0x1;
	s10 =	sld [smem:$0x3FA0];
	_ =	sdelay $0x3  }
0x37: {  	[smem:$0x3FA0] =	sst s10  }
0x38: {  	s10 =	sld [smem:$0x3FA1]  }
0x39: {  	_ = 	snop;
	(pc) =	sbr.ind lr, $3  }
0x3a: {  	_ = 	snop  }
0x3b: {  	_ = 	snop  }
0x3c: {  	p2 =	seq.s32 s10, $0x1;
	s10 =	sld [smem:$0x3FA0]  }
0x3d: {  	_ =	shalt  }
0x3e: {  	_ =	shalt  }
0x3f: {  	_ =	shalt  }
0x40: {  	_ =	shalt  }
0x41: {  	_ =	shalt  }
0x42: {  	_ =	shalt  }
0x43: {  	_ =	shalt  }
0x44: {  	_ =	shalt  }
0x45: {  	_ =	shalt  }
0x46: {  	_ =	shalt  }
0x47: {  	_ =	shalt  }
0x48: {  	_ =	shalt  }
0x49: {  	_ =	shalt  }
0x4a: {  	_ =	shalt  }
0x4b: {  	_ =	shalt  }
0x4c: {  	_ =	shalt  }
0x4d: {  	_ =	shalt  }
0x4e: {  	_ =	shalt  }
0x4f: {  	_ =	shalt  }
0x50: {  	_ =	shalt  }
0x51: {  	_ =	shalt  }
0x52: {  	_ =	shalt  }
0x53: {  	_ =	shalt  }
0x54: {  	_ =	shalt  }
0x55: {  	_ =	shalt  }
0x56: {  	_ =	shalt  }
0x57: {  	_ =	shalt  }
0x58: {  	_ =	shalt  }
0x59: {  	_ =	shalt  }
0x5a: {  	_ =	shalt  }
0x5b: {  	_ =	shalt  }
0x5c: {  	_ =	shalt  }
0x5d: {  	_ =	shalt  }
0x5e: {  	_ =	shalt  }
0x5f: {  	_ =	shalt  }
0x60: {  	_ =	shalt  }
0x61: {  	_ =	shalt  }
0x62: {  	_ =	shalt  }
0x63: {  	_ =	shalt  }
0x64: {  	_ =	shalt  }
0x65: {  	_ =	shalt  }
0x66: {  	_ =	shalt  }
0x67: {  	_ =	shalt  }
0x68: {  	_ =	shalt  }
0x69: {  	_ =	shalt  }
0x6a: {  	_ =	shalt  }
0x6b: {  	_ =	shalt  }
0x6c: {  	_ =	shalt  }
0x6d: {  	_ =	shalt  }
0x6e: {  	_ =	shalt  }
0x6f: {  	_ =	shalt  }
0x70: {  	_ =	shalt  }
0x71: {  	_ =	shalt  }
0x72: {  	_ =	shalt  }
0x73: {  	_ =	shalt  }
0x74: {  	_ =	shalt  }
0x75: {  	_ =	shalt  }
0x76: {  	_ =	shalt  }
0x77: {  	_ =	shalt  }
0x78: {  	_ =	shalt  }
0x79: {  	_ =	shalt  }
0x7a: {  	_ =	shalt  }
0x7b: {  	_ =	shalt  }
0x7c: {  	_ =	shalt  }
0x7d: {  	_ =	shalt  }
0x7e: {  	_ =	shalt  }
0x7f: {  	_ =	shalt  }
0x80: {  	_ =	shalt  }
0x81: {  	_ =	shalt  }
0x82: {  	_ =	shalt  }
0x83: {  	_ =	shalt  }
0x84: {  	_ =	shalt  }
0x85: {  	_ =	shalt  }
0x86: {  	_ =	shalt  }
0x87: {  	_ =	shalt  }
.Lfunc_end0:
.L_simem_size_0:
called_computation_lowered:
.L_overlay_start_0:
0x88: {  	s2 =	sld [smem:$0x3FD9]  }
0x89: {  	s3 =	sld [smem:$0x3FFE];
	_ =	sdelay $0x1  }
0x8a: {  	s1 =	srdreg.scid  }
0x8b: {  	s0 =	sand.u32 $0x1, s1  }
0x8c: {  	s16 =	sshll.u32 s0, $0xA;
	s2 =	sadd.s32 s3, s2  }
0x8d: {  	s2 =	sadd.s32 s2, s16  }
0x8e: {  	[smem:$0x3FAC] =	sst s2  }
0x8f: {  	_ = 	snop  }
0x90: {  	(tm) =	ssettm $0x1  }
0x91: {  	s17 =	sld [smem:$0x3FFB];
	_ =	sdelay $0x3  }
0x92: {  	_ =	strace s17  }
0x93: {  	s2 =	sld [smem:$0x3FFC];
	_ =	sdelay $0x3  }
0x94: {  	_ =	strace s2  }
0x95: {  	s2 =	sld [smem:$0x3FFD];
	_ =	sdelay $0x3  }
0x96: {  	_ =	strace s2  }
0x97: {  	_ =	strace $0x8FFFFFFF  }
0x98: {  	s18 =	sld [smem:$0x3FDB];
	_ =	sdelay $0x1  }
0x99: {  	s19 =	simm.s32 $_scs_section_size  }
0x9a: {  	s4 =	simm.s32 $_size__tile_overlayer_lowered;
	s5 =	simm.s32 $_tile_overlayer_lowered  }
0x9b: {  	s22 =	simm.s32 $0x1BFF;
	s21 =	sshll.u32 s5, $0x1;
	s2 =	sadd.s32 s19, s18  }
0x9c: {  	s6 =	simm.s32 $0x0;
	s20 =	sshll.u32 s4, $0x1;
	s4 =	sadd.s32 s21, s2  }
0x9d: {  	[timem:s6], [sflag:s22] =	dma.local [hbm:s4], s20  }
0x9e: {  	_ =	swait.ge [sflag:s22], s20  }
0x9f: {  	s3 =	ssub.s32 $0x0, s20;
	[sflag:s22] =	ssyncset.done $0x0  }
0xa0: {  	[sflag:s22] =	ssyncadd.s32 s3;
	_ =	sdelay $0x1  }
0xa1: {  	s23 =	simm.s32 $0x1B8B  }
0xa2: {  	_ =	swait.ge [sflag:s23], $0x1  }
0xa3: {  	[sflag:s23] =	ssyncset.done $0x0  }
0xa4: {  	s25 =	simm.s32 $0x1B8E;
	s24 =	sld [smem:$0x3FFE];
	[sflag:s23] =	ssyncadd.s32 $0xFFFFFFFF  }
0xa5: {  	s26 =	simm.s32 $execute0_lowered;
	[smem:$0x3FD2] =	sst s25  }
0xa6: {  	s4 =	sshll.u32 s26, $0x1;
	_ =	strace $0x80000046;
	[dreg:$0x1] =	wrdreg $0xFFFFFFFF  }
0xa7: {  	s28 =	simm.s32 $_size_execute0_lowered;
	s2 =	sadd.s32 s2, s4;
	[dreg:$0x0] =	wrdreg $0x0  }
0xa8: {  	s4 =	sshll.u32 s28, $0x1;
	[dreg:$0x2] =	wrdreg s2  }
0xa9: {  	[dreg:$0x3] =	wrdreg s4  }
0xaa: {  	[dreg:$0x4] =	wrdreg $0xC0  }
0xab: {  	_ =	task [dreg:s6], $0x5FFFF  }
0xac: {  	[dreg:$0x1] =	wrdreg $0xFFFFFFFF  }
0xad: {  	[dreg:$0x0] =	wrdreg $0x60  }
0xae: {  	[dreg:$0x2] =	wrdreg s24  }
0xaf: {  	[dreg:$0x3] =	wrdreg $0x188000  }
0xb0: {  	[dreg:$0x4] =	wrdreg $0x9  }
0xb1: {  	_ =	task.clear_ibuf [dreg:s6], $0x5FFFF;
	_ =	strace $0x90000046  }
0xb2: {  	s29 =	simm.s32 $0x9;
	_ =	strace $0x80000048  }
0xb3: {  	_ =	swait.ge [sflag:s29], $0x1  }
0xb4: {  	[sflag:s29] =	ssyncadd.s32 $0xFFFFFFFF  }
0xb5: {  	_ =	strace $0x90000048  }
0xb6: {  	_ =	sfence  }
0xb7: {  	s30 =	sld [smem:$0x0];
	_ =	sdelay $0x2  }
0xb8: {  	s31 =	sshll.u32 s1, $0xD;
	s1 =	sshrl.u32 s1, $0x2  }
0xb9: {  	s3 =	sand.u32 $0x4000, s31;
	s1 =	sadd.s32 s1, s30  }
0xba: {  	s0 =	sor.u32 s3, s0;
	s1 =	sshll.u32 s1, $0x11  }
0xbb: {  	s0 =	sor.u32 s1, s0  }
0xbc: {  	s0 =	sadd.s32 $0x8F2B, s0  }
0xbd: {  	[sflag:s0] =	ssyncadd.remote.s32 $0x1  }
0xbe: {  	_ =	sfence.sel $0xFFFF  }
0xbf: {  	[dreg:$0x0] =	wrdreg $0xFFFFFFFF;
	(pc) =	sbr.abs _section_cstart, $3  }
0xc0: {  	[dreg:$0x1] =	wrdreg $0xFFFFFFFF  }
0xc1: {  	_ =	task.clear_ibuf [dreg:s6], $0x2FFFF;
	_ =	strace $0x9FFFFFFF  }
0xc2: {  	(tm) =	ssettm $0x7FFFFFFF  }
0xc3: {  	_ =	shalt  }
tec
execute0_lowered:
.L_overlay_start_1:
0x0: {  	(tag) =	ssettag $0x1  }
0x1: {  	s0 =	srdreg.scid;
	s5 =	rddreg [dreg:$0x0]  }
0x2: {  	s4 =	stileid.u32;
	s2 =	rddreg [dreg:$0x1];
	s3 =	simm.s32 $0x0  }
0x3: {  	s11 =	simm.s32 $0x3;
	s12 =	simm.s32 $0x1400;
	s14 =	simm.s32 $0x7D  }
0x4: {  	s15 =	simm.s32 $0x2800;
	s23 =	simm.s32 $0x2;
	s19 =	simm.s32 $0x1  }
0x5: {  	s24 =	simm.s32 $0x129D0;
	s25 =	simm.s32 $0x1100;
	s28 =	simm.s32 $0x13970  }
0x6: {  	s29 =	simm.s32 $0x1200;
	s30 =	simm.s32 $0x14140;
	s31 =	simm.s32 $0x1280  }
0x7: {  	s13 =	simm.s32 $0x1300;
	s16 =	simm.s32 $0x150E0;
	s17 =	simm.s32 $0x1380  }
0x8: {  	s18 =	simm.s32 $0x158B0;
	s20 =	simm.s32 $0x0;
	s0 =	sand.u32 $0x1, s0  }
0x9: {  	s7 =	smul.u32 $0x2780, s4;
	[smem:$0x7FF] =	sst s3;
	s1 =	sshll.u32 s0, $0x4  }
0xa: {  	s8 =	smul.u32 $0x27800, s0;
	_ =	strace $0x80000047;
	s1 =	sor.u32 s4, s1  }
0xb: {  	s0 =	ssub.s32 $0x2, s0;
	s4 =	sadd.s32 $0x12000, s5;
	s6 =	smul.u32 $0x1400, s1  }
0xc: {  	s26 =	sshrl.u32 s0, $0x1;
	s1 =	smul.u32 $0x2710, s1;
	s8 =	sadd.s32 s7, s8  }
0xd: {  	s0 =	ssub.s32 s0, s26;
	s7 =	sadd.s32 s7, s2;
	s26 =	simm.s32 $0x1180  }
0xe: {  	s8 =	sshrl.u32 s8, $0x3;
	s10 =	smax.u32 s0, $0x1;
	s0 =	simm.s32 $0x131A0  }
0xf: {  	s6 =	sshrl.u32 s6, $0x3;
	s1 =	sadd.s32 s1, s5;
	s8 =	sadd.s32 s8, s5  }
0x10: {  	s6 =	sadd.s32 s6, s5;
	s8 =	sadd.s32 $0x65200, s8;
	s9 =	sadd.s32 $0x17000, s1  }
0x11: {  	v0 =	vimm.f32 $0.0e+00;
	v1 =	vimm.f32 $1.000000000e+00;
	s1 =	simm.s32 $0x14910;
	s5 =	sadd.s32 $0x8000, s6;
	s6 =	sadd.s32 $0xD000, s6  }
.LBB2_1:
0x12: {  	[tilespmem:s3], [sflag:$0x3] =	stream.linear.gather [hbm4b:s5+s3], $0x1400, $0x38;
	[tilespmem:$0x1AF80] =	vst v63  }
0x13: {  	_ =	swait.ge [sflag:s11], $0x1400  }
0x14: {  	[sflag:s11] =	ssyncset.done $0x0  }
0x15: {  	[sflag:s11] =	ssyncadd.s32 $0xFFFFEC00  }
0x16: {  	[tilespmem:s12], [sflag:$0x3] =	stream.linear.gather [hbm4b:s6+s3], $0x1400, $0x38;
	[tilespmem:$0x1AF80] =	vst v63  }
0x17: {  	_ =	swait.ge [sflag:s11], $0x1400  }
0x18: {  	[sflag:s11] =	ssyncset.done $0x0  }
0x19: {  	s21 =	simm.s32 $0x40;
	s22 =	simm.s32 $0x0;
	[sflag:s11] =	ssyncadd.s32 $0xFFFFEC00  }
.LBB2_2:
0x1a: {  	p0 =	sne.s32 s21, $0x9DC0;
	[tilespmem:s22+$0x16080] =	vst v0;
	s22 =	smov.u32 s21;
	s21 =	sadd.s32 $0x40, s21  }
.Ltmp0:
0x1b: {  	(pc) =	sbr.rel @p0 .LBB2_2-.Ltmp0, $2  }
0x1c: {  	_ =	sdelay $0x2  }
0x1d: {  	s22 =	sshra.s32 s22, $0x2  }
0x1e: {  	[tilespmem:s22+$0x16080] =	vst v0;
	s21 =	simm.s32 $0x16080  }
0x1f: {  	[spmem:s7] =	stream.linear.scatter [tilespmem:s21], [sflag:$0x3], $0x2780, $0x38;
	[tilespmem:$0x1AF80] =	vst v63  }
0x20: {  	_ =	swait.ge [sflag:s11], $0x2780  }
0x21: {  	[sflag:s11] =	ssyncset.done $0x0  }
0x22: {  	s22 =	simm.s32 $0x0;
	s21 =	simm.s32 $0x40;
	[sflag:s11] =	ssyncadd.s32 $0xFFFFD880  }
.LBB2_4:
0x23: {  	p0 =	sne.s32 s21, $0x1F00;
	[tilespmem:s22+$0x2800] =	vst v1;
	s22 =	smov.u32 s21;
	s21 =	sadd.s32 $0x40, s21  }
.Ltmp1:
0x24: {  	(pc) =	sbr.rel @p0 .LBB2_4-.Ltmp1, $2  }
0x25: {  	_ =	sdelay $0x2  }
0x26: {  	s22 =	sshra.s32 s22, $0x2  }
0x27: {  	[tilespmem:s22+$0x2800] =	vst v1  }
0x28: {  	[bflag:$0x0] =	sbarrier.arrive $0xFFFF  }
0x29: {  	[spmem:s2] =	stream.indirect.scatter.add.f32 [tilespmem:s15], [sflag:$0x2], $0x10, s12, s14, $0xb8;
	[tilespmem:$0x1AF80] =	vst v63  }
0x2a: {  	s21 =	simm.s32 $0x1480  }
0x2b: {  	[spmem:s2] =	stream.indirect.scatter.add.f32 [tilespmem:s15], [sflag:$0x2], $0x10, s21, s14, $0xb8;
	[tilespmem:$0x1AF80] =	vst v63  }
0x2c: {  	s22 =	simm.s32 $0x1500  }
0x2d: {  	[spmem:s2] =	stream.indirect.scatter.add.f32 [tilespmem:s15], [sflag:$0x2], $0x10, s22, s14, $0xb8;
	[tilespmem:$0x1AF80] =	vst v63  }
0x2e: {  	s22 =	simm.s32 $0x1580  }
0x2f: {  	[spmem:s2] =	stream.indirect.scatter.add.f32 [tilespmem:s15], [sflag:$0x2], $0x10, s22, s14, $0xb8;
	[tilespmem:$0x1AF80] =	vst v63  }
0x30: {  	s22 =	simm.s32 $0x1600  }
0x31: {  	[spmem:s2] =	stream.indirect.scatter.add.f32 [tilespmem:s15], [sflag:$0x2], $0x10, s22, s14, $0xb8;
	[tilespmem:$0x1AF80] =	vst v63  }
0x32: {  	s22 =	simm.s32 $0x1680  }
0x33: {  	[spmem:s2] =	stream.indirect.scatter.add.f32 [tilespmem:s15], [sflag:$0x2], $0x10, s22, s14, $0xb8;
	[tilespmem:$0x1AF80] =	vst v63  }
0x34: {  	s22 =	simm.s32 $0x1700  }
0x35: {  	[spmem:s2] =	stream.indirect.scatter.add.f32 [tilespmem:s15], [sflag:$0x2], $0x10, s22, s14, $0xb8;
	[tilespmem:$0x1AF80] =	vst v63  }
0x36: {  	s22 =	simm.s32 $0x1780  }
0x37: {  	[spmem:s2] =	stream.indirect.scatter.add.f32 [tilespmem:s15], [sflag:$0x2], $0x10, s22, s14, $0xb8;
	[tilespmem:$0x1AF80] =	vst v63  }
0x38: {  	_ =	swait.ge [sflag:s23], $0x7D0  }
0x39: {  	[sflag:s23] =	ssyncset.done $0x0  }
0x3a: {  	[sflag:s23] =	ssyncadd.s32 $0xFFFFF830  }
0x3b: {  	_ =	swait.ge [sflag:s23], $0x7D0  }
0x3c: {  	[sflag:s23] =	ssyncset.done $0x0  }
0x3d: {  	[sflag:s23] =	ssyncadd.s32 $0xFFFFF830  }
0x3e: {  	_ =	swait.ge [sflag:s23], $0x7D0  }
0x3f: {  	[sflag:s23] =	ssyncset.done $0x0  }
0x40: {  	[sflag:s23] =	ssyncadd.s32 $0xFFFFF830  }
0x41: {  	_ =	swait.ge [sflag:s23], $0x7D0  }
0x42: {  	[sflag:s23] =	ssyncset.done $0x0  }
0x43: {  	[sflag:s23] =	ssyncadd.s32 $0xFFFFF830  }
0x44: {  	_ =	swait.ge [sflag:s23], $0x7D0  }
0x45: {  	[sflag:s23] =	ssyncset.done $0x0  }
0x46: {  	[sflag:s23] =	ssyncadd.s32 $0xFFFFF830  }
0x47: {  	_ =	swait.ge [sflag:s23], $0x7D0  }
0x48: {  	[sflag:s23] =	ssyncset.done $0x0  }
0x49: {  	[sflag:s23] =	ssyncadd.s32 $0xFFFFF830  }
0x4a: {  	_ =	swait.ge [sflag:s23], $0x7D0  }
0x4b: {  	[sflag:s23] =	ssyncset.done $0x0  }
0x4c: {  	[sflag:s23] =	ssyncadd.s32 $0xFFFFF830  }
0x4d: {  	_ =	swait.ge [sflag:s23], $0x7D0  }
0x4e: {  	[sflag:s23] =	ssyncset.done $0x0  }
0x4f: {  	s22 =	simm.s32 $0x1800;
	[sflag:s23] =	ssyncadd.s32 $0xFFFFF830  }
0x50: {  	[spmem:s2] =	stream.indirect.scatter.add.f32 [tilespmem:s15], [sflag:$0x2], $0x10, s22, s14, $0xb8;
	[tilespmem:$0x1AF80] =	vst v63  }
0x51: {  	s22 =	simm.s32 $0x1880  }
0x52: {  	[spmem:s2] =	stream.indirect.scatter.add.f32 [tilespmem:s15], [sflag:$0x2], $0x10, s22, s14, $0xb8;
	[tilespmem:$0x1AF80] =	vst v63  }
0x53: {  	s22 =	simm.s32 $0x1900  }
0x54: {  	[spmem:s2] =	stream.indirect.scatter.add.f32 [tilespmem:s15], [sflag:$0x2], $0x10, s22, s14, $0xb8;
	[tilespmem:$0x1AF80] =	vst v63  }
0x55: {  	s22 =	simm.s32 $0x1980  }
0x56: {  	[spmem:s2] =	stream.indirect.scatter.add.f32 [tilespmem:s15], [sflag:$0x2], $0x10, s22, s14, $0xb8;
	[tilespmem:$0x1AF80] =	vst v63  }
0x57: {  	s22 =	simm.s32 $0x1A00  }
0x58: {  	[spmem:s2] =	stream.indirect.scatter.add.f32 [tilespmem:s15], [sflag:$0x2], $0x10, s22, s14, $0xb8;
	[tilespmem:$0x1AF80] =	vst v63  }
0x59: {  	s22 =	simm.s32 $0x1A80  }
0x5a: {  	[spmem:s2] =	stream.indirect.scatter.add.f32 [tilespmem:s15], [sflag:$0x2], $0x10, s22, s14, $0xb8;
	[tilespmem:$0x1AF80] =	vst v63  }
0x5b: {  	s22 =	simm.s32 $0x1B00  }
0x5c: {  	[spmem:s2] =	stream.indirect.scatter.add.f32 [tilespmem:s15], [sflag:$0x2], $0x10, s22, s14, $0xb8;
	[tilespmem:$0x1AF80] =	vst v63  }
0x5d: {  	s22 =	simm.s32 $0x1B80  }
0x5e: {  	[spmem:s2] =	stream.indirect.scatter.add.f32 [tilespmem:s15], [sflag:$0x2], $0x10, s22, s14, $0xb8;
	[tilespmem:$0x1AF80] =	vst v63  }
0x5f: {  	_ =	swait.ge [sflag:s23], $0x7D0  }
0x60: {  	[sflag:s23] =	ssyncset.done $0x0  }
0x61: {  	[sflag:s23] =	ssyncadd.s32 $0xFFFFF830  }
0x62: {  	_ =	swait.ge [sflag:s23], $0x7D0  }
0x63: {  	[sflag:s23] =	ssyncset.done $0x0  }
0x64: {  	[sflag:s23] =	ssyncadd.s32 $0xFFFFF830  }
0x65: {  	_ =	swait.ge [sflag:s23], $0x7D0  }
0x66: {  	[sflag:s23] =	ssyncset.done $0x0  }
0x67: {  	[sflag:s23] =	ssyncadd.s32 $0xFFFFF830  }
0x68: {  	_ =	swait.ge [sflag:s23], $0x7D0  }
0x69: {  	[sflag:s23] =	ssyncset.done $0x0  }
0x6a: {  	[sflag:s23] =	ssyncadd.s32 $0xFFFFF830  }
0x6b: {  	_ =	swait.ge [sflag:s23], $0x7D0  }
0x6c: {  	[sflag:s23] =	ssyncset.done $0x0  }
0x6d: {  	[sflag:s23] =	ssyncadd.s32 $0xFFFFF830  }
0x6e: {  	_ =	swait.ge [sflag:s23], $0x7D0  }
0x6f: {  	[sflag:s23] =	ssyncset.done $0x0  }
0x70: {  	[sflag:s23] =	ssyncadd.s32 $0xFFFFF830  }
0x71: {  	_ =	swait.ge [sflag:s23], $0x7D0  }
0x72: {  	[sflag:s23] =	ssyncset.done $0x0  }
0x73: {  	[sflag:s23] =	ssyncadd.s32 $0xFFFFF830  }
0x74: {  	_ =	swait.ge [sflag:s23], $0x7D0  }
0x75: {  	[sflag:s23] =	ssyncset.done $0x0  }
0x76: {  	s22 =	simm.s32 $0x1C00;
	[sflag:s23] =	ssyncadd.s32 $0xFFFFF830  }
0x77: {  	[spmem:s2] =	stream.indirect.scatter.add.f32 [tilespmem:s15], [sflag:$0x2], $0x10, s22, s14, $0xb8;
	[tilespmem:$0x1AF80] =	vst v63  }
0x78: {  	s22 =	simm.s32 $0x1C80  }
0x79: {  	[spmem:s2] =	stream.indirect.scatter.add.f32 [tilespmem:s15], [sflag:$0x2], $0x10, s22, s14, $0xb8;
	[tilespmem:$0x1AF80] =	vst v63  }
0x7a: {  	s22 =	simm.s32 $0x1D00  }
0x7b: {  	[spmem:s2] =	stream.indirect.scatter.add.f32 [tilespmem:s15], [sflag:$0x2], $0x10, s22, s14, $0xb8;
	[tilespmem:$0x1AF80] =	vst v63  }
0x7c: {  	s22 =	simm.s32 $0x1D80  }
0x7d: {  	[spmem:s2] =	stream.indirect.scatter.add.f32 [tilespmem:s15], [sflag:$0x2], $0x10, s22, s14, $0xb8;
	[tilespmem:$0x1AF80] =	vst v63  }
0x7e: {  	s22 =	simm.s32 $0x1E00  }
0x7f: {  	[spmem:s2] =	stream.indirect.scatter.add.f32 [tilespmem:s15], [sflag:$0x2], $0x10, s22, s14, $0xb8;
	[tilespmem:$0x1AF80] =	vst v63  }
0x80: {  	s22 =	simm.s32 $0x1E80  }
0x81: {  	[spmem:s2] =	stream.indirect.scatter.add.f32 [tilespmem:s15], [sflag:$0x2], $0x10, s22, s14, $0xb8;
	[tilespmem:$0x1AF80] =	vst v63  }
0x82: {  	s22 =	simm.s32 $0x1F00  }
0x83: {  	[spmem:s2] =	stream.indirect.scatter.add.f32 [tilespmem:s15], [sflag:$0x2], $0x10, s22, s14, $0xb8;
	[tilespmem:$0x1AF80] =	vst v63  }
0x84: {  	s22 =	simm.s32 $0x1F80  }
0x85: {  	[spmem:s2] =	stream.indirect.scatter.add.f32 [tilespmem:s15], [sflag:$0x2], $0x10, s22, s14, $0xb8;
	[tilespmem:$0x1AF80] =	vst v63  }
0x86: {  	_ =	swait.ge [sflag:s23], $0x7D0  }
0x87: {  	[sflag:s23] =	ssyncset.done $0x0  }
0x88: {  	[sflag:s23] =	ssyncadd.s32 $0xFFFFF830  }
0x89: {  	_ =	swait.ge [sflag:s23], $0x7D0  }
0x8a: {  	[sflag:s23] =	ssyncset.done $0x0  }
0x8b: {  	[sflag:s23] =	ssyncadd.s32 $0xFFFFF830  }
0x8c: {  	_ =	swait.ge [sflag:s23], $0x7D0  }
0x8d: {  	[sflag:s23] =	ssyncset.done $0x0  }
0x8e: {  	[sflag:s23] =	ssyncadd.s32 $0xFFFFF830  }
0x8f: {  	_ =	swait.ge [sflag:s23], $0x7D0  }
0x90: {  	[sflag:s23] =	ssyncset.done $0x0  }
0x91: {  	[sflag:s23] =	ssyncadd.s32 $0xFFFFF830  }
0x92: {  	_ =	swait.ge [sflag:s23], $0x7D0  }
0x93: {  	[sflag:s23] =	ssyncset.done $0x0  }
0x94: {  	[sflag:s23] =	ssyncadd.s32 $0xFFFFF830  }
0x95: {  	_ =	swait.ge [sflag:s23], $0x7D0  }
0x96: {  	[sflag:s23] =	ssyncset.done $0x0  }
0x97: {  	[sflag:s23] =	ssyncadd.s32 $0xFFFFF830  }
0x98: {  	_ =	swait.ge [sflag:s23], $0x7D0  }
0x99: {  	[sflag:s23] =	ssyncset.done $0x0  }
0x9a: {  	[sflag:s23] =	ssyncadd.s32 $0xFFFFF830  }
0x9b: {  	_ =	swait.ge [sflag:s23], $0x7D0  }
0x9c: {  	[sflag:s23] =	ssyncset.done $0x0  }
0x9d: {  	s22 =	simm.s32 $0x2000;
	[sflag:s23] =	ssyncadd.s32 $0xFFFFF830  }
0x9e: {  	[spmem:s2] =	stream.indirect.scatter.add.f32 [tilespmem:s15], [sflag:$0x2], $0x10, s22, s14, $0xb8;
	[tilespmem:$0x1AF80] =	vst v63  }
0x9f: {  	s22 =	simm.s32 $0x2080  }
0xa0: {  	[spmem:s2] =	stream.indirect.scatter.add.f32 [tilespmem:s15], [sflag:$0x2], $0x10, s22, s14, $0xb8;
	[tilespmem:$0x1AF80] =	vst v63  }
0xa1: {  	s22 =	simm.s32 $0x2100  }
0xa2: {  	[spmem:s2] =	stream.indirect.scatter.add.f32 [tilespmem:s15], [sflag:$0x2], $0x10, s22, s14, $0xb8;
	[tilespmem:$0x1AF80] =	vst v63  }
0xa3: {  	s22 =	simm.s32 $0x2180  }
0xa4: {  	[spmem:s2] =	stream.indirect.scatter.add.f32 [tilespmem:s15], [sflag:$0x2], $0x10, s22, s14, $0xb8;
	[tilespmem:$0x1AF80] =	vst v63  }
0xa5: {  	s22 =	simm.s32 $0x2200  }
0xa6: {  	[spmem:s2] =	stream.indirect.scatter.add.f32 [tilespmem:s15], [sflag:$0x2], $0x10, s22, s14, $0xb8;
	[tilespmem:$0x1AF80] =	vst v63  }
0xa7: {  	s22 =	simm.s32 $0x2280  }
0xa8: {  	[spmem:s2] =	stream.indirect.scatter.add.f32 [tilespmem:s15], [sflag:$0x2], $0x10, s22, s14, $0xb8;
	[tilespmem:$0x1AF80] =	vst v63  }
0xa9: {  	s22 =	simm.s32 $0x2300  }
0xaa: {  	[spmem:s2] =	stream.indirect.scatter.add.f32 [tilespmem:s15], [sflag:$0x2], $0x10, s22, s14, $0xb8;
	[tilespmem:$0x1AF80] =	vst v63  }
0xab: {  	s22 =	simm.s32 $0x2380  }
0xac: {  	[spmem:s2] =	stream.indirect.scatter.add.f32 [tilespmem:s15], [sflag:$0x2], $0x10, s22, s14, $0xb8;
	[tilespmem:$0x1AF80] =	vst v63  }
0xad: {  	_ =	swait.ge [sflag:s23], $0x7D0  }
0xae: {  	[sflag:s23] =	ssyncset.done $0x0  }
0xaf: {  	[sflag:s23] =	ssyncadd.s32 $0xFFFFF830  }
0xb0: {  	_ =	swait.ge [sflag:s23], $0x7D0  }
0xb1: {  	[sflag:s23] =	ssyncset.done $0x0  }
0xb2: {  	[sflag:s23] =	ssyncadd.s32 $0xFFFFF830  }
0xb3: {  	_ =	swait.ge [sflag:s23], $0x7D0  }
0xb4: {  	[sflag:s23] =	ssyncset.done $0x0  }
0xb5: {  	[sflag:s23] =	ssyncadd.s32 $0xFFFFF830  }
0xb6: {  	_ =	swait.ge [sflag:s23], $0x7D0  }
0xb7: {  	[sflag:s23] =	ssyncset.done $0x0  }
0xb8: {  	[sflag:s23] =	ssyncadd.s32 $0xFFFFF830  }
0xb9: {  	_ =	swait.ge [sflag:s23], $0x7D0  }
0xba: {  	[sflag:s23] =	ssyncset.done $0x0  }
0xbb: {  	[sflag:s23] =	ssyncadd.s32 $0xFFFFF830  }
0xbc: {  	_ =	swait.ge [sflag:s23], $0x7D0  }
0xbd: {  	[sflag:s23] =	ssyncset.done $0x0  }
0xbe: {  	[sflag:s23] =	ssyncadd.s32 $0xFFFFF830  }
0xbf: {  	_ =	swait.ge [sflag:s23], $0x7D0  }
0xc0: {  	[sflag:s23] =	ssyncset.done $0x0  }
0xc1: {  	[sflag:s23] =	ssyncadd.s32 $0xFFFFF830  }
0xc2: {  	_ =	swait.ge [sflag:s23], $0x7D0  }
0xc3: {  	[sflag:s23] =	ssyncset.done $0x0  }
0xc4: {  	s22 =	simm.s32 $0x2400;
	[sflag:s23] =	ssyncadd.s32 $0xFFFFF830  }
0xc5: {  	[spmem:s2] =	stream.indirect.scatter.add.f32 [tilespmem:s15], [sflag:$0x2], $0x10, s22, s14, $0xb8;
	[tilespmem:$0x1AF80] =	vst v63  }
0xc6: {  	s22 =	simm.s32 $0x2480  }
0xc7: {  	[spmem:s2] =	stream.indirect.scatter.add.f32 [tilespmem:s15], [sflag:$0x2], $0x10, s22, s14, $0xb8;
	[tilespmem:$0x1AF80] =	vst v63  }
0xc8: {  	s22 =	simm.s32 $0x2500  }
0xc9: {  	[spmem:s2] =	stream.indirect.scatter.add.f32 [tilespmem:s15], [sflag:$0x2], $0x10, s22, s14, $0xb8;
	[tilespmem:$0x1AF80] =	vst v63  }
0xca: {  	s22 =	simm.s32 $0x2580  }
0xcb: {  	[spmem:s2] =	stream.indirect.scatter.add.f32 [tilespmem:s15], [sflag:$0x2], $0x10, s22, s14, $0xb8;
	[tilespmem:$0x1AF80] =	vst v63  }
0xcc: {  	s22 =	simm.s32 $0x2600  }
0xcd: {  	[spmem:s2] =	stream.indirect.scatter.add.f32 [tilespmem:s15], [sflag:$0x2], $0x10, s22, s14, $0xb8;
	[tilespmem:$0x1AF80] =	vst v63  }
0xce: {  	s22 =	simm.s32 $0x2680  }
0xcf: {  	[spmem:s2] =	stream.indirect.scatter.add.f32 [tilespmem:s15], [sflag:$0x2], $0x10, s22, s14, $0xb8;
	[tilespmem:$0x1AF80] =	vst v63  }
0xd0: {  	s22 =	simm.s32 $0x2700  }
0xd1: {  	[spmem:s2] =	stream.indirect.scatter.add.f32 [tilespmem:s15], [sflag:$0x2], $0x10, s22, s14, $0xb8;
	[tilespmem:$0x1AF80] =	vst v63  }
0xd2: {  	s22 =	simm.s32 $0x2780  }
0xd3: {  	[spmem:s2] =	stream.indirect.scatter.add.f32 [tilespmem:s15], [sflag:$0x2], $0x10, s22, s14, $0xb8;
	[tilespmem:$0x1AF80] =	vst v63  }
0xd4: {  	_ =	swait.ge [sflag:s23], $0x7D0  }
0xd5: {  	[sflag:s23] =	ssyncset.done $0x0  }
0xd6: {  	[sflag:s23] =	ssyncadd.s32 $0xFFFFF830  }
0xd7: {  	_ =	swait.ge [sflag:s23], $0x7D0  }
0xd8: {  	[sflag:s23] =	ssyncset.done $0x0  }
0xd9: {  	[sflag:s23] =	ssyncadd.s32 $0xFFFFF830  }
0xda: {  	_ =	swait.ge [sflag:s23], $0x7D0  }
0xdb: {  	[sflag:s23] =	ssyncset.done $0x0  }
0xdc: {  	[sflag:s23] =	ssyncadd.s32 $0xFFFFF830  }
0xdd: {  	_ =	swait.ge [sflag:s23], $0x7D0  }
0xde: {  	[sflag:s23] =	ssyncset.done $0x0  }
0xdf: {  	[sflag:s23] =	ssyncadd.s32 $0xFFFFF830  }
0xe0: {  	_ =	swait.ge [sflag:s23], $0x7D0  }
0xe1: {  	[sflag:s23] =	ssyncset.done $0x0  }
0xe2: {  	[sflag:s23] =	ssyncadd.s32 $0xFFFFF830  }
0xe3: {  	_ =	swait.ge [sflag:s23], $0x7D0  }
0xe4: {  	[sflag:s23] =	ssyncset.done $0x0  }
0xe5: {  	[sflag:s23] =	ssyncadd.s32 $0xFFFFF830  }
0xe6: {  	_ =	swait.ge [sflag:s23], $0x7D0  }
0xe7: {  	[sflag:s23] =	ssyncset.done $0x0  }
0xe8: {  	[sflag:s23] =	ssyncadd.s32 $0xFFFFF830  }
0xe9: {  	_ =	swait.ge [sflag:s23], $0x7D0  }
0xea: {  	s22 =	stileid.u32;
	[sflag:s23] =	ssyncset.done $0x0  }
0xeb: {  	s21 =	sshll.u32 s22, $0x6;
	[sflag:s23] =	ssyncadd.s32 $0xFFFFF830  }
0xec: {  	s22 =	sshrl.u32 s7, $0x3;
	s21 =	sor.u32 $0x1C03, s21;
	[bflag:$0x0] =	sbarrier.arrive $0xFFFF  }
0xed: {  	[hbm:s8], [sflag:s21] =	dma.local [spmem:s22], $0x4F0  }
0xee: {  	_ =	swait.ge [sflag:s11], $0x4F0  }
0xef: {  	[sflag:s11] =	ssyncset.done $0x0  }
0xf0: {  	[sflag:s11] =	ssyncadd.s32 $0xFFFFFB10  }
0xf1: {  	[tilespmem:s15], [sflag:$0x1] =	stream.indirect.gather [hbm4b:s4+s14], $0x10, s3, s14, $0xb8;
	[tilespmem:$0x1AF80] =	vst v63  }
0xf2: {  	s21 =	simm.s32 $0x80;
	s22 =	simm.s32 $0x2FD0  }
0xf3: {  	[tilespmem:s22], [sflag:$0x1] =	stream.indirect.gather [hbm4b:s4+s14], $0x10, s21, s14, $0xb8;
	[tilespmem:$0x1AF80] =	vst v63  }
0xf4: {  	s21 =	simm.s32 $0x100;
	s22 =	simm.s32 $0x37A0  }
0xf5: {  	[tilespmem:s22], [sflag:$0x1] =	stream.indirect.gather [hbm4b:s4+s14], $0x10, s21, s14, $0xb8;
	[tilespmem:$0x1AF80] =	vst v63  }
0xf6: {  	s21 =	simm.s32 $0x180;
	s22 =	simm.s32 $0x3F70  }
0xf7: {  	[tilespmem:s22], [sflag:$0x1] =	stream.indirect.gather [hbm4b:s4+s14], $0x10, s21, s14, $0xb8;
	[tilespmem:$0x1AF80] =	vst v63  }
0xf8: {  	s21 =	simm.s32 $0x200;
	s22 =	simm.s32 $0x4740  }
0xf9: {  	[tilespmem:s22], [sflag:$0x1] =	stream.indirect.gather [hbm4b:s4+s14], $0x10, s21, s14, $0xb8;
	[tilespmem:$0x1AF80] =	vst v63  }
0xfa: {  	s21 =	simm.s32 $0x280;
	s22 =	simm.s32 $0x4F10  }
0xfb: {  	[tilespmem:s22], [sflag:$0x1] =	stream.indirect.gather [hbm4b:s4+s14], $0x10, s21, s14, $0xb8;
	[tilespmem:$0x1AF80] =	vst v63  }
0xfc: {  	s21 =	simm.s32 $0x300;
	s22 =	simm.s32 $0x56E0  }
0xfd: {  	[tilespmem:s22], [sflag:$0x1] =	stream.indirect.gather [hbm4b:s4+s14], $0x10, s21, s14, $0xb8;
	[tilespmem:$0x1AF80] =	vst v63  }
0xfe: {  	s21 =	simm.s32 $0x380;
	s22 =	simm.s32 $0x5EB0  }
0xff: {  	[tilespmem:s22], [sflag:$0x1] =	stream.indirect.gather [hbm4b:s4+s14], $0x10, s21, s14, $0xb8;
	[tilespmem:$0x1AF80] =	vst v63  }
0x100: {  	_ =	swait.ge [sflag:s19], $0x7D0  }
0x101: {  	[sflag:s19] =	ssyncset.done $0x0  }
0x102: {  	[sflag:s19] =	ssyncadd.s32 $0xFFFFF830  }
0x103: {  	_ =	swait.ge [sflag:s19], $0x7D0  }
0x104: {  	[sflag:s19] =	ssyncset.done $0x0  }
0x105: {  	[sflag:s19] =	ssyncadd.s32 $0xFFFFF830  }
0x106: {  	_ =	swait.ge [sflag:s19], $0x7D0  }
0x107: {  	[sflag:s19] =	ssyncset.done $0x0  }
0x108: {  	[sflag:s19] =	ssyncadd.s32 $0xFFFFF830  }
0x109: {  	_ =	swait.ge [sflag:s19], $0x7D0  }
0x10a: {  	[sflag:s19] =	ssyncset.done $0x0  }
0x10b: {  	[sflag:s19] =	ssyncadd.s32 $0xFFFFF830  }
0x10c: {  	_ =	swait.ge [sflag:s19], $0x7D0  }
0x10d: {  	[sflag:s19] =	ssyncset.done $0x0  }
0x10e: {  	[sflag:s19] =	ssyncadd.s32 $0xFFFFF830  }
0x10f: {  	_ =	swait.ge [sflag:s19], $0x7D0  }
0x110: {  	[sflag:s19] =	ssyncset.done $0x0  }
0x111: {  	[sflag:s19] =	ssyncadd.s32 $0xFFFFF830  }
0x112: {  	_ =	swait.ge [sflag:s19], $0x7D0  }
0x113: {  	[sflag:s19] =	ssyncset.done $0x0  }
0x114: {  	[sflag:s19] =	ssyncadd.s32 $0xFFFFF830  }
0x115: {  	_ =	swait.ge [sflag:s19], $0x7D0  }
0x116: {  	[sflag:s19] =	ssyncset.done $0x0  }
0x117: {  	s21 =	simm.s32 $0x400;
	s22 =	simm.s32 $0x6680;
	[sflag:s19] =	ssyncadd.s32 $0xFFFFF830  }
0x118: {  	[tilespmem:s22], [sflag:$0x1] =	stream.indirect.gather [hbm4b:s4+s14], $0x10, s21, s14, $0xb8;
	[tilespmem:$0x1AF80] =	vst v63  }
0x119: {  	s21 =	simm.s32 $0x480;
	s22 =	simm.s32 $0x6E50  }
0x11a: {  	[tilespmem:s22], [sflag:$0x1] =	stream.indirect.gather [hbm4b:s4+s14], $0x10, s21, s14, $0xb8;
	[tilespmem:$0x1AF80] =	vst v63  }
0x11b: {  	s21 =	simm.s32 $0x500;
	s22 =	simm.s32 $0x7620  }
0x11c: {  	[tilespmem:s22], [sflag:$0x1] =	stream.indirect.gather [hbm4b:s4+s14], $0x10, s21, s14, $0xb8;
	[tilespmem:$0x1AF80] =	vst v63  }
0x11d: {  	s21 =	simm.s32 $0x580;
	s22 =	simm.s32 $0x7DF0  }
0x11e: {  	[tilespmem:s22], [sflag:$0x1] =	stream.indirect.gather [hbm4b:s4+s14], $0x10, s21, s14, $0xb8;
	[tilespmem:$0x1AF80] =	vst v63  }
0x11f: {  	s21 =	simm.s32 $0x600;
	s22 =	simm.s32 $0x85C0  }
0x120: {  	[tilespmem:s22], [sflag:$0x1] =	stream.indirect.gather [hbm4b:s4+s14], $0x10, s21, s14, $0xb8;
	[tilespmem:$0x1AF80] =	vst v63  }
0x121: {  	s21 =	simm.s32 $0x680;
	s22 =	simm.s32 $0x8D90  }
0x122: {  	[tilespmem:s22], [sflag:$0x1] =	stream.indirect.gather [hbm4b:s4+s14], $0x10, s21, s14, $0xb8;
	[tilespmem:$0x1AF80] =	vst v63  }
0x123: {  	s21 =	simm.s32 $0x700;
	s22 =	simm.s32 $0x9560  }
0x124: {  	[tilespmem:s22], [sflag:$0x1] =	stream.indirect.gather [hbm4b:s4+s14], $0x10, s21, s14, $0xb8;
	[tilespmem:$0x1AF80] =	vst v63  }
0x125: {  	s21 =	simm.s32 $0x780;
	s22 =	simm.s32 $0x9D30  }
0x126: {  	[tilespmem:s22], [sflag:$0x1] =	stream.indirect.gather [hbm4b:s4+s14], $0x10, s21, s14, $0xb8;
	[tilespmem:$0x1AF80] =	vst v63  }
0x127: {  	_ =	swait.ge [sflag:s19], $0x7D0  }
0x128: {  	[sflag:s19] =	ssyncset.done $0x0  }
0x129: {  	[sflag:s19] =	ssyncadd.s32 $0xFFFFF830  }
0x12a: {  	_ =	swait.ge [sflag:s19], $0x7D0  }
0x12b: {  	[sflag:s19] =	ssyncset.done $0x0  }
0x12c: {  	[sflag:s19] =	ssyncadd.s32 $0xFFFFF830  }
0x12d: {  	_ =	swait.ge [sflag:s19], $0x7D0  }
0x12e: {  	[sflag:s19] =	ssyncset.done $0x0  }
0x12f: {  	[sflag:s19] =	ssyncadd.s32 $0xFFFFF830  }
0x130: {  	_ =	swait.ge [sflag:s19], $0x7D0  }
0x131: {  	[sflag:s19] =	ssyncset.done $0x0  }
0x132: {  	[sflag:s19] =	ssyncadd.s32 $0xFFFFF830  }
0x133: {  	_ =	swait.ge [sflag:s19], $0x7D0  }
0x134: {  	[sflag:s19] =	ssyncset.done $0x0  }
0x135: {  	[sflag:s19] =	ssyncadd.s32 $0xFFFFF830  }
0x136: {  	_ =	swait.ge [sflag:s19], $0x7D0  }
0x137: {  	[sflag:s19] =	ssyncset.done $0x0  }
0x138: {  	[sflag:s19] =	ssyncadd.s32 $0xFFFFF830  }
0x139: {  	_ =	swait.ge [sflag:s19], $0x7D0  }
0x13a: {  	[sflag:s19] =	ssyncset.done $0x0  }
0x13b: {  	[sflag:s19] =	ssyncadd.s32 $0xFFFFF830  }
0x13c: {  	_ =	swait.ge [sflag:s19], $0x7D0  }
0x13d: {  	[sflag:s19] =	ssyncset.done $0x0  }
0x13e: {  	s21 =	simm.s32 $0x800;
	s22 =	simm.s32 $0xA500;
	[sflag:s19] =	ssyncadd.s32 $0xFFFFF830  }
0x13f: {  	[tilespmem:s22], [sflag:$0x1] =	stream.indirect.gather [hbm4b:s4+s14], $0x10, s21, s14, $0xb8;
	[tilespmem:$0x1AF80] =	vst v63  }
0x140: {  	s21 =	simm.s32 $0x880;
	s22 =	simm.s32 $0xACD0  }
0x141: {  	[tilespmem:s22], [sflag:$0x1] =	stream.indirect.gather [hbm4b:s4+s14], $0x10, s21, s14, $0xb8;
	[tilespmem:$0x1AF80] =	vst v63  }
0x142: {  	s21 =	simm.s32 $0x900;
	s22 =	simm.s32 $0xB4A0  }
0x143: {  	[tilespmem:s22], [sflag:$0x1] =	stream.indirect.gather [hbm4b:s4+s14], $0x10, s21, s14, $0xb8;
	[tilespmem:$0x1AF80] =	vst v63  }
0x144: {  	s21 =	simm.s32 $0x980;
	s22 =	simm.s32 $0xBC70  }
0x145: {  	[tilespmem:s22], [sflag:$0x1] =	stream.indirect.gather [hbm4b:s4+s14], $0x10, s21, s14, $0xb8;
	[tilespmem:$0x1AF80] =	vst v63  }
0x146: {  	s21 =	simm.s32 $0xA00;
	s22 =	simm.s32 $0xC440  }
0x147: {  	[tilespmem:s22], [sflag:$0x1] =	stream.indirect.gather [hbm4b:s4+s14], $0x10, s21, s14, $0xb8;
	[tilespmem:$0x1AF80] =	vst v63  }
0x148: {  	s21 =	simm.s32 $0xA80;
	s22 =	simm.s32 $0xCC10  }
0x149: {  	[tilespmem:s22], [sflag:$0x1] =	stream.indirect.gather [hbm4b:s4+s14], $0x10, s21, s14, $0xb8;
	[tilespmem:$0x1AF80] =	vst v63  }
0x14a: {  	s21 =	simm.s32 $0xB00;
	s22 =	simm.s32 $0xD3E0  }
0x14b: {  	[tilespmem:s22], [sflag:$0x1] =	stream.indirect.gather [hbm4b:s4+s14], $0x10, s21, s14, $0xb8;
	[tilespmem:$0x1AF80] =	vst v63  }
0x14c: {  	s21 =	simm.s32 $0xB80;
	s22 =	simm.s32 $0xDBB0  }
0x14d: {  	[tilespmem:s22], [sflag:$0x1] =	stream.indirect.gather [hbm4b:s4+s14], $0x10, s21, s14, $0xb8;
	[tilespmem:$0x1AF80] =	vst v63  }
0x14e: {  	_ =	swait.ge [sflag:s19], $0x7D0  }
0x14f: {  	[sflag:s19] =	ssyncset.done $0x0  }
0x150: {  	[sflag:s19] =	ssyncadd.s32 $0xFFFFF830  }
0x151: {  	_ =	swait.ge [sflag:s19], $0x7D0  }
0x152: {  	[sflag:s19] =	ssyncset.done $0x0  }
0x153: {  	[sflag:s19] =	ssyncadd.s32 $0xFFFFF830  }
0x154: {  	_ =	swait.ge [sflag:s19], $0x7D0  }
0x155: {  	[sflag:s19] =	ssyncset.done $0x0  }
0x156: {  	[sflag:s19] =	ssyncadd.s32 $0xFFFFF830  }
0x157: {  	_ =	swait.ge [sflag:s19], $0x7D0  }
0x158: {  	[sflag:s19] =	ssyncset.done $0x0  }
0x159: {  	[sflag:s19] =	ssyncadd.s32 $0xFFFFF830  }
0x15a: {  	_ =	swait.ge [sflag:s19], $0x7D0  }
0x15b: {  	[sflag:s19] =	ssyncset.done $0x0  }
0x15c: {  	[sflag:s19] =	ssyncadd.s32 $0xFFFFF830  }
0x15d: {  	_ =	swait.ge [sflag:s19], $0x7D0  }
0x15e: {  	[sflag:s19] =	ssyncset.done $0x0  }
0x15f: {  	[sflag:s19] =	ssyncadd.s32 $0xFFFFF830  }
0x160: {  	_ =	swait.ge [sflag:s19], $0x7D0  }
0x161: {  	[sflag:s19] =	ssyncset.done $0x0  }
0x162: {  	[sflag:s19] =	ssyncadd.s32 $0xFFFFF830  }
0x163: {  	_ =	swait.ge [sflag:s19], $0x7D0  }
0x164: {  	[sflag:s19] =	ssyncset.done $0x0  }
0x165: {  	s21 =	simm.s32 $0xC00;
	s22 =	simm.s32 $0xE380;
	[sflag:s19] =	ssyncadd.s32 $0xFFFFF830  }
0x166: {  	[tilespmem:s22], [sflag:$0x1] =	stream.indirect.gather [hbm4b:s4+s14], $0x10, s21, s14, $0xb8;
	[tilespmem:$0x1AF80] =	vst v63  }
0x167: {  	s21 =	simm.s32 $0xC80;
	s22 =	simm.s32 $0xEB50  }
0x168: {  	[tilespmem:s22], [sflag:$0x1] =	stream.indirect.gather [hbm4b:s4+s14], $0x10, s21, s14, $0xb8;
	[tilespmem:$0x1AF80] =	vst v63  }
0x169: {  	s21 =	simm.s32 $0xD00;
	s22 =	simm.s32 $0xF320  }
0x16a: {  	[tilespmem:s22], [sflag:$0x1] =	stream.indirect.gather [hbm4b:s4+s14], $0x10, s21, s14, $0xb8;
	[tilespmem:$0x1AF80] =	vst v63  }
0x16b: {  	s21 =	simm.s32 $0xD80;
	s22 =	simm.s32 $0xFAF0  }
0x16c: {  	[tilespmem:s22], [sflag:$0x1] =	stream.indirect.gather [hbm4b:s4+s14], $0x10, s21, s14, $0xb8;
	[tilespmem:$0x1AF80] =	vst v63  }
0x16d: {  	s21 =	simm.s32 $0xE00;
	s22 =	simm.s32 $0x102C0  }
0x16e: {  	[tilespmem:s22], [sflag:$0x1] =	stream.indirect.gather [hbm4b:s4+s14], $0x10, s21, s14, $0xb8;
	[tilespmem:$0x1AF80] =	vst v63  }
0x16f: {  	s21 =	simm.s32 $0xE80;
	s22 =	simm.s32 $0x10A90  }
0x170: {  	[tilespmem:s22], [sflag:$0x1] =	stream.indirect.gather [hbm4b:s4+s14], $0x10, s21, s14, $0xb8;
	[tilespmem:$0x1AF80] =	vst v63  }
0x171: {  	s21 =	simm.s32 $0xF00;
	s22 =	simm.s32 $0x11260  }
0x172: {  	[tilespmem:s22], [sflag:$0x1] =	stream.indirect.gather [hbm4b:s4+s14], $0x10, s21, s14, $0xb8;
	[tilespmem:$0x1AF80] =	vst v63  }
0x173: {  	s21 =	simm.s32 $0xF80;
	s22 =	simm.s32 $0x11A30  }
0x174: {  	[tilespmem:s22], [sflag:$0x1] =	stream.indirect.gather [hbm4b:s4+s14], $0x10, s21, s14, $0xb8;
	[tilespmem:$0x1AF80] =	vst v63  }
0x175: {  	_ =	swait.ge [sflag:s19], $0x7D0  }
0x176: {  	[sflag:s19] =	ssyncset.done $0x0  }
0x177: {  	[sflag:s19] =	ssyncadd.s32 $0xFFFFF830  }
0x178: {  	_ =	swait.ge [sflag:s19], $0x7D0  }
0x179: {  	[sflag:s19] =	ssyncset.done $0x0  }
0x17a: {  	[sflag:s19] =	ssyncadd.s32 $0xFFFFF830  }
0x17b: {  	_ =	swait.ge [sflag:s19], $0x7D0  }
0x17c: {  	[sflag:s19] =	ssyncset.done $0x0  }
0x17d: {  	[sflag:s19] =	ssyncadd.s32 $0xFFFFF830  }
0x17e: {  	_ =	swait.ge [sflag:s19], $0x7D0  }
0x17f: {  	[sflag:s19] =	ssyncset.done $0x0  }
0x180: {  	[sflag:s19] =	ssyncadd.s32 $0xFFFFF830  }
0x181: {  	_ =	swait.ge [sflag:s19], $0x7D0  }
0x182: {  	[sflag:s19] =	ssyncset.done $0x0  }
0x183: {  	[sflag:s19] =	ssyncadd.s32 $0xFFFFF830  }
0x184: {  	_ =	swait.ge [sflag:s19], $0x7D0  }
0x185: {  	[sflag:s19] =	ssyncset.done $0x0  }
0x186: {  	[sflag:s19] =	ssyncadd.s32 $0xFFFFF830  }
0x187: {  	_ =	swait.ge [sflag:s19], $0x7D0  }
0x188: {  	[sflag:s19] =	ssyncset.done $0x0  }
0x189: {  	[sflag:s19] =	ssyncadd.s32 $0xFFFFF830  }
0x18a: {  	_ =	swait.ge [sflag:s19], $0x7D0  }
0x18b: {  	[sflag:s19] =	ssyncset.done $0x0  }
0x18c: {  	s21 =	simm.s32 $0x1000;
	s22 =	simm.s32 $0x12200;
	[sflag:s19] =	ssyncadd.s32 $0xFFFFF830  }
0x18d: {  	[tilespmem:s22], [sflag:$0x1] =	stream.indirect.gather [hbm4b:s4+s14], $0x10, s21, s14, $0xb8;
	[tilespmem:$0x1AF80] =	vst v63  }
0x18e: {  	s22 =	simm.s32 $0x1080  }
0x18f: {  	[tilespmem:s24], [sflag:$0x1] =	stream.indirect.gather [hbm4b:s4+s14], $0x10, s22, s14, $0xb8;
	[tilespmem:$0x1AF80] =	vst v63  }
0x190: {  	_ = 	snop  }
0x191: {  	[tilespmem:s0], [sflag:$0x1] =	stream.indirect.gather [hbm4b:s4+s14], $0x10, s25, s14, $0xb8;
	[tilespmem:$0x1AF80] =	vst v63  }
0x192: {  	_ = 	snop  }
0x193: {  	[tilespmem:s28], [sflag:$0x1] =	stream.indirect.gather [hbm4b:s4+s14], $0x10, s26, s14, $0xb8;
	[tilespmem:$0x1AF80] =	vst v63  }
0x194: {  	_ = 	snop  }
0x195: {  	[tilespmem:s30], [sflag:$0x1] =	stream.indirect.gather [hbm4b:s4+s14], $0x10, s29, s14, $0xb8;
	[tilespmem:$0x1AF80] =	vst v63  }
0x196: {  	_ = 	snop  }
0x197: {  	[tilespmem:s1], [sflag:$0x1] =	stream.indirect.gather [hbm4b:s4+s14], $0x10, s31, s14, $0xb8;
	[tilespmem:$0x1AF80] =	vst v63  }
0x198: {  	_ = 	snop  }
0x199: {  	[tilespmem:s16], [sflag:$0x1] =	stream.indirect.gather [hbm4b:s4+s14], $0x10, s13, s14, $0xb8;
	[tilespmem:$0x1AF80] =	vst v63  }
0x19a: {  	_ = 	snop  }
0x19b: {  	[tilespmem:s18], [sflag:$0x1] =	stream.indirect.gather [hbm4b:s4+s14], $0x10, s17, s14, $0xb8;
	[tilespmem:$0x1AF80] =	vst v63  }
0x19c: {  	_ =	swait.ge [sflag:s19], $0x7D0  }
0x19d: {  	[sflag:s19] =	ssyncset.done $0x0  }
0x19e: {  	[sflag:s19] =	ssyncadd.s32 $0xFFFFF830  }
0x19f: {  	_ =	swait.ge [sflag:s19], $0x7D0  }
0x1a0: {  	[sflag:s19] =	ssyncset.done $0x0  }
0x1a1: {  	[sflag:s19] =	ssyncadd.s32 $0xFFFFF830  }
0x1a2: {  	_ =	swait.ge [sflag:s19], $0x7D0  }
0x1a3: {  	[sflag:s19] =	ssyncset.done $0x0  }
0x1a4: {  	[sflag:s19] =	ssyncadd.s32 $0xFFFFF830  }
0x1a5: {  	_ =	swait.ge [sflag:s19], $0x7D0  }
0x1a6: {  	[sflag:s19] =	ssyncset.done $0x0  }
0x1a7: {  	[sflag:s19] =	ssyncadd.s32 $0xFFFFF830  }
0x1a8: {  	_ =	swait.ge [sflag:s19], $0x7D0  }
0x1a9: {  	[sflag:s19] =	ssyncset.done $0x0  }
0x1aa: {  	[sflag:s19] =	ssyncadd.s32 $0xFFFFF830  }
0x1ab: {  	_ =	swait.ge [sflag:s19], $0x7D0  }
0x1ac: {  	[sflag:s19] =	ssyncset.done $0x0  }
0x1ad: {  	[sflag:s19] =	ssyncadd.s32 $0xFFFFF830  }
0x1ae: {  	_ =	swait.ge [sflag:s19], $0x7D0  }
0x1af: {  	[sflag:s19] =	ssyncset.done $0x0  }
0x1b0: {  	[sflag:s19] =	ssyncadd.s32 $0xFFFFF830  }
0x1b1: {  	s20 =	sadd.s32 $0x1, s20;
	_ =	swait.ge [sflag:s19], $0x7D0  }
0x1b2: {  	p0 =	sne.s32 s20, s10;
	[sflag:s19] =	ssyncset.done $0x0  }
.Ltmp2:
0x1b3: {  	[sflag:s19] =	ssyncadd.s32 $0xFFFFF830;
	(pc) =	sbr.rel @p0 .LBB2_1-.Ltmp2, $4  }
0x1b4: {  	[hbm4b:s9+s3] =	stream.linear.scatter [tilespmem:s15], [sflag:$0x3], $0x13880, $0x38;
	[tilespmem:$0x1AF80] =	vst v63  }
0x1b5: {  	_ =	swait.ge [sflag:s11], $0x13880  }
0x1b6: {  	[sflag:s11] =	ssyncset.done $0x0  }
0x1b7: {  	[sflag:s11] =	ssyncadd.s32 $0xFFFEC780  }
0x1b8: {  	_ =	sfence.sel $0x180000  }
0x1b9: {  	[bflag:$0x0] =	sbarrier.arrive $0xFFFF  }
0x1ba: {  	_ =	strace $0x90000047  }
0x1bb: {  	s0 =	stileid.u32;
	[bflag:$0x2] =	sbarrier.arrive $0xFFFF  }
0x1bc: {  	p0 =	sne.s32 s0, $0x0;
	s0 =	rddreg [dreg:$0x2]  }
0x1bd: {  	s0 =	sadd.s32 @!p0 $0x100000, s0  }
0x1be: {  	[sflag:s0] =	ssyncadd.tile.s32 @!p0 $0x1;
	_ =	shalt  }
.Lfunc_end2:
_tile_overlayer_lowered:
.L_overlay_start_2:
0x1bf: {  	(tag) =	ssettag $0x2  }
0x1c0: {  	s0 =	rddreg [dreg:$0x0];
	s2 =	stileid.u32  }
0x1c1: {  	s1 =	rddreg [dreg:$0x1];
	p0 =	sne.s32 s2, $0x0  }
0x1c2: {  	s3 =	rddreg [dreg:$0x2];
	[bflag:$0x3] =	sbarrier.arrive $0xFFFF;
	s2 =	simm.s32 @!p0 $0x1C03  }
0x1c3: {  	[timem:s3], [sflag:s2] =	dma.local @!p0 [hbm:s0], s1  }
0x1c4: {  	s0 =	simm.s32 @!p0 $0x3  }
0x1c5: {  	_ =	swait.ge @!p0 [sflag:s0], s1  }
0x1c6: {  	s1 =	ssub.s32 @!p0 $0x0, s1;
	[sflag:s0] =	ssyncset.done @!p0 $0x0  }
0x1c7: {  	[sflag:s0] =	ssyncadd.s32 @!p0 s1  }
0x1c8: {  	[bflag:$0x3] =	sbarrier.arrive $0xFFFF  }
0x1c9: {  	_ =	shalt  }

// kernel: kernel.18.cloned.1.call-start
scs
__scs_entry_jumppad:
0x0: {  	(pc) =	sbr.rel $0x88, $3  }
0x1: {  	(tag) =	ssettag $0x0;
	lr =	simm.s32 $0x1  }
0x2: {  	[smem:$0x3F85] =	sst lr;
	_ =	strace $0xD0000000  }
0x3: {  	_ = 	snop  }
0x4: {  	_ = 	snop  }
0x5: {  	_ = 	snop  }
0x6: {  	_ = 	snop  }
0x7: {  	_ = 	snop  }
__scs_overlays_trampoline_lowered:
0x8: {  	[smem:$0x3F94] =	sst s0  }
0x9: {  	[smem:$0x3F95] =	sst s1  }
0xa: {  	[smem:$0x3F96] =	sst s2  }
0xb: {  	[smem:$0x3F97] =	sst s3  }
0xc: {  	[smem:$0x3F98] =	sst s4  }
0xd: {  	[smem:$0x3F99] =	sst s5  }
0xe: {  	[smem:$0x3F9A] =	sst s6  }
0xf: {  	[smem:$0x3F9B] =	sst s7  }
0x10: {  	[smem:$0x3F9C] =	sst s8  }
0x11: {  	[smem:$0x3F9D] =	sst s9;
	s0 =	simm.s32 @!p0 $0x0  }
0x12: {  	s1 =	sld [smem:$0x3F83];
	s0 =	simm.s32 @p0 $0x1  }
0x13: {  	[smem:$0x3F9E] =	sst s0;
	s0 =	simm.s32 @!p1 $0x0  }
0x14: {  	s2 =	sld [smem:$0x3F82];
	s0 =	simm.s32 @p1 $0x1  }
0x15: {  	[smem:$0x3F9F] =	sst s0;
	s0 =	simm.s32 @!p2 $0x0  }
0x16: {  	s3 =	sld [smem:$0x3FDB];
	s0 =	simm.s32 @p2 $0x1  }
0x17: {  	s4 =	simm.s32 $0x1BF5;
	[smem:$0x3FA1] =	sst s0  }
0x18: {  	s0 =	sld [smem:$0x3F84];
	_ =	swait.ge [sflag:s4], $0x0  }
0x19: {  	s7 =	sld [smem:$0x3F85]  }
0x1a: {  	s8 =	sadd.s32 $0xFFFFE003, lr  }
0x1b: {  	s9 =	sadd.s32 $0xFFFFFEF7, lr;
	s5 =	simm.s32 $0xFFFFFFFF;
	p2 =	slt.u32 s8, $0xFFFFF086  }
0x1c: {  	p1 =	slt.u32 s9, $0xF7A;
	s5 =	simm.s32 @!p2 $0x0  }
0x1d: {  	s5 =	simm.s32 @p1 $0x1;
	p0 =	seq.s32 s7, s2  }
0x1e: {  	s7 =	smul.u32 @!p0 $0xF7A, s2;
	p2 =	seq.s32 @!p0 s5, $0x0  }
0x1f: {  	s9 =	smul.u32 $0xF7A, s1;
	s8 =	simm.s32 @!p0 $0x1BF5;
	p2 =	por !p2, p0  }
0x20: {  	[sflag:s8] =	ssyncset.s32 @!p0 $0xFFFFF086;
	s6 =	sadd.s32 @!p0 s3, s7;
	s7 =	simm.s32 @!p0 $0x108  }
0x21: {  	s3 =	sadd.s32 s3, s9;
	s6 =	sadd.s32 @!p0 $0x88, s6;
	s7 =	simm.s32 @p2 $0x1082  }
0x22: {  	[simem:s7], [sflag:s8] =	dma.local @!p0 [hbm:s6], $0xF7A  }
0x23: {  	s9 =	sor.u32 $0xD0000000, s2;
	s6 =	simm.s32 $0x108;
	_ =	swait.ge @!p0 [sflag:s8], $0x0  }
0x24: {  	s3 =	sadd.s32 $0x88, s3;
	s6 =	simm.s32 @!p1 $0x1082;
	[sflag:s4] =	ssyncset.s32 $0xFFFFF086  }
0x25: {  	[simem:s6], [sflag:s4] =	dma.local [hbm:s3], $0xF7A  }
0x26: {  	[smem:$0x3F85] =	sst s1;
	(tag) =	ssettag s2;
	_ =	strace s9  }
0x27: {  	s1 =	sld [smem:$0x3F95]  }
0x28: {  	s2 =	sld [smem:$0x3F96]  }
0x29: {  	s4 =	sld [smem:$0x3F98]  }
0x2a: {  	p0 =	seq.s32 s5, $0x0;
	s5 =	sld [smem:$0x3F99]  }
0x2b: {  	s6 =	sld [smem:$0x3F9A]  }
0x2c: {  	s7 =	sld [smem:$0x3F9B]  }
0x2d: {  	s3 =	simm.s32 $0x108;
	s8 =	sld [smem:$0x3F9C]  }
0x2e: {  	s3 =	simm.s32 @!p0 $0x1082;
	s9 =	sld [smem:$0x3F9D]  }
0x2f: {  	lr =	sadd.s32 s0, s3;
	s0 =	sld [smem:$0x3F94]  }
0x30: {  	s3 =	sld [smem:$0x3F97]  }
0x31: {  	[smem:$0x3FA0] =	sst s10  }
0x32: {  	s10 =	sld [smem:$0x3F9E];
	_ =	sdelay $0x3  }
0x33: {  	p0 =	seq.s32 s10, $0x1;
	s10 =	sld [smem:$0x3FA0];
	_ =	sdelay $0x3  }
0x34: {  	[smem:$0x3FA0] =	sst s10  }
0x35: {  	s10 =	sld [smem:$0x3F9F];
	_ =	sdelay $0x3  }
0x36: {  	p1 =	seq.s32 s10, $0x1;
	s10 =	sld [smem:$0x3FA0];
	_ =	sdelay $0x3  }
0x37: {  	[smem:$0x3FA0] =	sst s10  }
0x38: {  	s10 =	sld [smem:$0x3FA1]  }
0x39: {  	_ = 	snop;
	(pc) =	sbr.ind lr, $3  }
0x3a: {  	_ = 	snop  }
0x3b: {  	_ = 	snop  }
0x3c: {  	p2 =	seq.s32 s10, $0x1;
	s10 =	sld [smem:$0x3FA0]  }
0x3d: {  	_ =	shalt  }
0x3e: {  	_ =	shalt  }
0x3f: {  	_ =	shalt  }
0x40: {  	_ =	shalt  }
0x41: {  	_ =	shalt  }
0x42: {  	_ =	shalt  }
0x43: {  	_ =	shalt  }
0x44: {  	_ =	shalt  }
0x45: {  	_ =	shalt  }
0x46: {  	_ =	shalt  }
0x47: {  	_ =	shalt  }
0x48: {  	_ =	shalt  }
0x49: {  	_ =	shalt  }
0x4a: {  	_ =	shalt  }
0x4b: {  	_ =	shalt  }
0x4c: {  	_ =	shalt  }
0x4d: {  	_ =	shalt  }
0x4e: {  	_ =	shalt  }
0x4f: {  	_ =	shalt  }
0x50: {  	_ =	shalt  }
0x51: {  	_ =	shalt  }
0x52: {  	_ =	shalt  }
0x53: {  	_ =	shalt  }
0x54: {  	_ =	shalt  }
0x55: {  	_ =	shalt  }
0x56: {  	_ =	shalt  }
0x57: {  	_ =	shalt  }
0x58: {  	_ =	shalt  }
0x59: {  	_ =	shalt  }
0x5a: {  	_ =	shalt  }
0x5b: {  	_ =	shalt  }
0x5c: {  	_ =	shalt  }
0x5d: {  	_ =	shalt  }
0x5e: {  	_ =	shalt  }
0x5f: {  	_ =	shalt  }
0x60: {  	_ =	shalt  }
0x61: {  	_ =	shalt  }
0x62: {  	_ =	shalt  }
0x63: {  	_ =	shalt  }
0x64: {  	_ =	shalt  }
0x65: {  	_ =	shalt  }
0x66: {  	_ =	shalt  }
0x67: {  	_ =	shalt  }
0x68: {  	_ =	shalt  }
0x69: {  	_ =	shalt  }
0x6a: {  	_ =	shalt  }
0x6b: {  	_ =	shalt  }
0x6c: {  	_ =	shalt  }
0x6d: {  	_ =	shalt  }
0x6e: {  	_ =	shalt  }
0x6f: {  	_ =	shalt  }
0x70: {  	_ =	shalt  }
0x71: {  	_ =	shalt  }
0x72: {  	_ =	shalt  }
0x73: {  	_ =	shalt  }
0x74: {  	_ =	shalt  }
0x75: {  	_ =	shalt  }
0x76: {  	_ =	shalt  }
0x77: {  	_ =	shalt  }
0x78: {  	_ =	shalt  }
0x79: {  	_ =	shalt  }
0x7a: {  	_ =	shalt  }
0x7b: {  	_ =	shalt  }
0x7c: {  	_ =	shalt  }
0x7d: {  	_ =	shalt  }
0x7e: {  	_ =	shalt  }
0x7f: {  	_ =	shalt  }
0x80: {  	_ =	shalt  }
0x81: {  	_ =	shalt  }
0x82: {  	_ =	shalt  }
0x83: {  	_ =	shalt  }
0x84: {  	_ =	shalt  }
0x85: {  	_ =	shalt  }
0x86: {  	_ =	shalt  }
0x87: {  	_ =	shalt  }
.Lfunc_end0:
.L_simem_size_0:
called_computation.1_lowered:
.L_overlay_start_0:
0x88: {  	s2 =	sld [smem:$0x3FD9]  }
0x89: {  	s3 =	sld [smem:$0x3FFE];
	_ =	sdelay $0x1  }
0x8a: {  	s1 =	srdreg.scid  }
0x8b: {  	s0 =	sand.u32 $0x1, s1  }
0x8c: {  	s16 =	sshll.u32 s0, $0xA;
	s2 =	sadd.s32 s3, s2  }
0x8d: {  	s2 =	sadd.s32 s2, s16  }
0x8e: {  	[smem:$0x3FAC] =	sst s2  }
0x8f: {  	_ = 	snop  }
0x90: {  	(tm) =	ssettm $0x1  }
0x91: {  	s17 =	sld [smem:$0x3FFB];
	_ =	sdelay $0x3  }
0x92: {  	_ =	strace s17  }
0x93: {  	s2 =	sld [smem:$0x3FFC];
	_ =	sdelay $0x3  }
0x94: {  	_ =	strace s2  }
0x95: {  	s2 =	sld [smem:$0x3FFD];
	_ =	sdelay $0x3  }
0x96: {  	_ =	strace s2  }
0x97: {  	_ =	strace $0x8FFFFFFF  }
0x98: {  	s18 =	sld [smem:$0x3FDB];
	_ =	sdelay $0x1  }
0x99: {  	s19 =	simm.s32 $_scs_section_size  }
0x9a: {  	s4 =	simm.s32 $_size__tile_overlayer_lowered;
	s5 =	simm.s32 $_tile_overlayer_lowered  }
0x9b: {  	s22 =	simm.s32 $0x1BFF;
	s21 =	sshll.u32 s5, $0x1;
	s2 =	sadd.s32 s19, s18  }
0x9c: {  	s6 =	simm.s32 $0x0;
	s20 =	sshll.u32 s4, $0x1;
	s4 =	sadd.s32 s21, s2  }
0x9d: {  	[timem:s6], [sflag:s22] =	dma.local [hbm:s4], s20  }
0x9e: {  	_ =	swait.ge [sflag:s22], s20  }
0x9f: {  	s3 =	ssub.s32 $0x0, s20;
	[sflag:s22] =	ssyncset.done $0x0  }
0xa0: {  	[sflag:s22] =	ssyncadd.s32 s3;
	_ =	sdelay $0x1  }
0xa1: {  	s23 =	simm.s32 $0x1B8B  }
0xa2: {  	_ =	swait.ge [sflag:s23], $0x1  }
0xa3: {  	[sflag:s23] =	ssyncset.done $0x0  }
0xa4: {  	s25 =	simm.s32 $0x1B8E;
	s24 =	sld [smem:$0x3FFE];
	[sflag:s23] =	ssyncadd.s32 $0xFFFFFFFF  }
0xa5: {  	s26 =	simm.s32 $execute0_lowered;
	[smem:$0x3FD2] =	sst s25  }
0xa6: {  	s4 =	sshll.u32 s26, $0x1;
	_ =	strace $0x80000049;
	[dreg:$0x1] =	wrdreg $0xFFFFFFFF  }
0xa7: {  	s28 =	simm.s32 $_size_execute0_lowered;
	s2 =	sadd.s32 s2, s4;
	[dreg:$0x0] =	wrdreg $0x0  }
0xa8: {  	s4 =	sshll.u32 s28, $0x1;
	[dreg:$0x2] =	wrdreg s2  }
0xa9: {  	[dreg:$0x3] =	wrdreg s4  }
0xaa: {  	[dreg:$0x4] =	wrdreg $0xC0  }
0xab: {  	_ =	task [dreg:s6], $0x5FFFF  }
0xac: {  	[dreg:$0x1] =	wrdreg $0xFFFFFFFF  }
0xad: {  	[dreg:$0x0] =	wrdreg $0x60  }
0xae: {  	[dreg:$0x2] =	wrdreg s24  }
0xaf: {  	[dreg:$0x3] =	wrdreg $0x174000  }
0xb0: {  	[dreg:$0x4] =	wrdreg $0x9  }
0xb1: {  	_ =	task.clear_ibuf [dreg:s6], $0x5FFFF;
	_ =	strace $0x90000049  }
0xb2: {  	s29 =	simm.s32 $0x9;
	_ =	strace $0x8000004B  }
0xb3: {  	_ =	swait.ge [sflag:s29], $0x1  }
0xb4: {  	[sflag:s29] =	ssyncadd.s32 $0xFFFFFFFF  }
0xb5: {  	_ =	strace $0x9000004B  }
0xb6: {  	_ =	sfence  }
0xb7: {  	s30 =	sld [smem:$0x0];
	_ =	sdelay $0x2  }
0xb8: {  	s31 =	sshll.u32 s1, $0xD;
	s1 =	sshrl.u32 s1, $0x2  }
0xb9: {  	s3 =	sand.u32 $0x4000, s31;
	s1 =	sadd.s32 s1, s30  }
0xba: {  	s0 =	sor.u32 s3, s0;
	s1 =	sshll.u32 s1, $0x11  }
0xbb: {  	s0 =	sor.u32 s1, s0  }
0xbc: {  	s0 =	sadd.s32 $0x8F2B, s0  }
0xbd: {  	[sflag:s0] =	ssyncadd.remote.s32 $0x1  }
0xbe: {  	_ =	sfence.sel $0xFFFF  }
0xbf: {  	[dreg:$0x0] =	wrdreg $0xFFFFFFFF;
	(pc) =	sbr.abs _section_cstart, $3  }
0xc0: {  	[dreg:$0x1] =	wrdreg $0xFFFFFFFF  }
0xc1: {  	_ =	task.clear_ibuf [dreg:s6], $0x2FFFF;
	_ =	strace $0x9FFFFFFF  }
0xc2: {  	(tm) =	ssettm $0x7FFFFFFF  }
0xc3: {  	_ =	shalt  }
tec
execute0_lowered:
.L_overlay_start_1:
0x0: {  	(tag) =	ssettag $0x1  }
0x1: {  	s0 =	srdreg.scid;
	s4 =	rddreg [dreg:$0x0]  }
0x2: {  	s3 =	stileid.u32;
	s2 =	rddreg [dreg:$0x1];
	s13 =	simm.s32 $0x3  }
0x3: {  	s14 =	simm.s32 $0x1400;
	s16 =	simm.s32 $0x1;
	s17 =	simm.s32 $0x5280  }
0x4: {  	s18 =	simm.s32 $0x7D;
	s15 =	simm.s32 $0x2;
	s19 =	simm.s32 $0x9100  }
0x5: {  	s22 =	simm.s32 $0xCF80;
	s28 =	simm.s32 $0x1200;
	s29 =	simm.s32 $0x12D40  }
0x6: {  	s30 =	simm.s32 $0x1280;
	s31 =	simm.s32 $0x13510;
	s20 =	simm.s32 $0x1380  }
0x7: {  	s21 =	simm.s32 $0x144B0;
	s0 =	sand.u32 $0x1, s0;
	s6 =	smul.u32 $0x2780, s3  }
0x8: {  	s23 =	simm.s32 $0x0;
	s1 =	sshll.u32 s0, $0x4;
	s7 =	smul.u32 $0x27800, s0  }
0x9: {  	s0 =	ssub.s32 $0x2, s0;
	s1 =	sor.u32 s3, s1;
	s3 =	simm.s32 $0x0  }
0xa: {  	s26 =	sshrl.u32 s0, $0x1;
	s5 =	smul.u32 $0x2710, s1;
	[smem:$0x7FF] =	sst s3  }
0xb: {  	s1 =	smul.u32 $0x1400, s1;
	s25 =	sadd.s32 s6, s7;
	s0 =	ssub.s32 s0, s26  }
0xc: {  	s6 =	sadd.s32 s6, s2;
	s26 =	simm.s32 $0x10E00;
	_ =	strace $0x8000004A  }
0xd: {  	s12 =	sadd.s32 s5, s4;
	s1 =	sshrl.u32 s1, $0x3;
	s5 =	sshrl.u32 s25, $0x3  }
0xe: {  	s1 =	sadd.s32 s4, s1;
	s8 =	sadd.s32 s5, s4;
	s5 =	sadd.s32 $0x17000, s12  }
0xf: {  	s9 =	sadd.s32 $0x177D0, s12;
	s10 =	sadd.s32 $0x17FA0, s12;
	s11 =	sadd.s32 $0x18770, s12  }
0x10: {  	s12 =	sadd.s32 $0x18F40, s12;
	s4 =	sadd.s32 $0xD000, s1;
	s7 =	sadd.s32 $0x6F000, s8  }
0x11: {  	v0 =	vimm.f32 $0.0e+00;
	s8 =	smax.u32 s0, $0x1;
	s1 =	simm.s32 $0x1300;
	s0 =	simm.s32 $0x13CE0  }
.LBB2_1:
0x12: {  	[tilespmem:s3], [sflag:$0x3] =	stream.linear.gather [hbm4b:s4+s3], $0x1400, $0x38;
	[tilespmem:$0x19B80] =	vst v63  }
0x13: {  	_ =	swait.ge [sflag:s13], $0x1400  }
0x14: {  	[sflag:s13] =	ssyncset.done $0x0  }
0x15: {  	s24 =	simm.s32 $0x40;
	s25 =	simm.s32 $0x0;
	[sflag:s13] =	ssyncadd.s32 $0xFFFFEC00  }
0x16: {  	[tilespmem:s14], [sflag:$0x1] =	stream.linear.gather [hbm4b:s5+s3], $0x3E80, $0x38;
	[tilespmem:$0x19B80] =	vst v63  }
.LBB2_2:
0x17: {  	p0 =	sne.s32 s24, $0x9DC0;
	[tilespmem:s25+$0x14C80] =	vst v0;
	s25 =	smov.u32 s24;
	s24 =	sadd.s32 $0x40, s24  }
.Ltmp0:
0x18: {  	(pc) =	sbr.rel @p0 .LBB2_2-.Ltmp0, $2  }
0x19: {  	_ =	sdelay $0x2  }
0x1a: {  	s25 =	sshra.s32 s25, $0x2  }
0x1b: {  	[tilespmem:s25+$0x14C80] =	vst v0;
	s24 =	simm.s32 $0x14C80  }
0x1c: {  	[spmem:s6] =	stream.linear.scatter [tilespmem:s24], [sflag:$0x3], $0x2780, $0x38;
	[tilespmem:$0x19B80] =	vst v63  }
0x1d: {  	_ =	swait.ge [sflag:s13], $0x2780  }
0x1e: {  	[sflag:s13] =	ssyncset.done $0x0  }
0x1f: {  	[sflag:s13] =	ssyncadd.s32 $0xFFFFD880  }
0x20: {  	[bflag:$0x0] =	sbarrier.arrive $0xFFFF  }
0x21: {  	_ =	swait.ge [sflag:s16], $0x3E80  }
0x22: {  	[sflag:s16] =	ssyncset.done $0x0  }
0x23: {  	[sflag:s16] =	ssyncadd.s32 $0xFFFFC180  }
0x24: {  	[tilespmem:s17], [sflag:$0x1] =	stream.linear.gather [hbm4b:s9+s3], $0x3E80, $0x38;
	[tilespmem:$0x19B80] =	vst v63  }
0x25: {  	_ = 	snop  }
0x26: {  	[spmem:s2] =	stream.indirect.scatter.add.f32 [tilespmem:s14], [sflag:$0x2], $0x10, s3, s18, $0xb8;
	[tilespmem:$0x19B80] =	vst v63  }
0x27: {  	s25 =	simm.s32 $0x1BD0;
	s24 =	simm.s32 $0x80  }
0x28: {  	[spmem:s2] =	stream.indirect.scatter.add.f32 [tilespmem:s25], [sflag:$0x2], $0x10, s24, s18, $0xb8;
	[tilespmem:$0x19B80] =	vst v63  }
0x29: {  	s24 =	simm.s32 $0x100;
	s25 =	simm.s32 $0x23A0  }
0x2a: {  	[spmem:s2] =	stream.indirect.scatter.add.f32 [tilespmem:s25], [sflag:$0x2], $0x10, s24, s18, $0xb8;
	[tilespmem:$0x19B80] =	vst v63  }
0x2b: {  	s24 =	simm.s32 $0x180;
	s25 =	simm.s32 $0x2B70  }
0x2c: {  	[spmem:s2] =	stream.indirect.scatter.add.f32 [tilespmem:s25], [sflag:$0x2], $0x10, s24, s18, $0xb8;
	[tilespmem:$0x19B80] =	vst v63  }
0x2d: {  	s24 =	simm.s32 $0x200;
	s25 =	simm.s32 $0x3340  }
0x2e: {  	[spmem:s2] =	stream.indirect.scatter.add.f32 [tilespmem:s25], [sflag:$0x2], $0x10, s24, s18, $0xb8;
	[tilespmem:$0x19B80] =	vst v63  }
0x2f: {  	s24 =	simm.s32 $0x280;
	s25 =	simm.s32 $0x3B10  }
0x30: {  	[spmem:s2] =	stream.indirect.scatter.add.f32 [tilespmem:s25], [sflag:$0x2], $0x10, s24, s18, $0xb8;
	[tilespmem:$0x19B80] =	vst v63  }
0x31: {  	s24 =	simm.s32 $0x300;
	s25 =	simm.s32 $0x42E0  }
0x32: {  	[spmem:s2] =	stream.indirect.scatter.add.f32 [tilespmem:s25], [sflag:$0x2], $0x10, s24, s18, $0xb8;
	[tilespmem:$0x19B80] =	vst v63  }
0x33: {  	s24 =	simm.s32 $0x380;
	s25 =	simm.s32 $0x4AB0  }
0x34: {  	[spmem:s2] =	stream.indirect.scatter.add.f32 [tilespmem:s25], [sflag:$0x2], $0x10, s24, s18, $0xb8;
	[tilespmem:$0x19B80] =	vst v63  }
0x35: {  	_ =	swait.ge [sflag:s15], $0x7D0  }
0x36: {  	[sflag:s15] =	ssyncset.done $0x0  }
0x37: {  	[sflag:s15] =	ssyncadd.s32 $0xFFFFF830  }
0x38: {  	_ =	swait.ge [sflag:s15], $0x7D0  }
0x39: {  	[sflag:s15] =	ssyncset.done $0x0  }
0x3a: {  	[sflag:s15] =	ssyncadd.s32 $0xFFFFF830  }
0x3b: {  	_ =	swait.ge [sflag:s15], $0x7D0  }
0x3c: {  	[sflag:s15] =	ssyncset.done $0x0  }
0x3d: {  	[sflag:s15] =	ssyncadd.s32 $0xFFFFF830  }
0x3e: {  	_ =	swait.ge [sflag:s15], $0x7D0  }
0x3f: {  	[sflag:s15] =	ssyncset.done $0x0  }
0x40: {  	[sflag:s15] =	ssyncadd.s32 $0xFFFFF830  }
0x41: {  	_ =	swait.ge [sflag:s15], $0x7D0  }
0x42: {  	[sflag:s15] =	ssyncset.done $0x0  }
0x43: {  	[sflag:s15] =	ssyncadd.s32 $0xFFFFF830  }
0x44: {  	_ =	swait.ge [sflag:s15], $0x7D0  }
0x45: {  	[sflag:s15] =	ssyncset.done $0x0  }
0x46: {  	[sflag:s15] =	ssyncadd.s32 $0xFFFFF830  }
0x47: {  	_ =	swait.ge [sflag:s15], $0x7D0  }
0x48: {  	[sflag:s15] =	ssyncset.done $0x0  }
0x49: {  	[sflag:s15] =	ssyncadd.s32 $0xFFFFF830  }
0x4a: {  	_ =	swait.ge [sflag:s15], $0x7D0  }
0x4b: {  	[sflag:s15] =	ssyncset.done $0x0  }
0x4c: {  	[sflag:s15] =	ssyncadd.s32 $0xFFFFF830  }
0x4d: {  	_ =	swait.ge [sflag:s16], $0x3E80  }
0x4e: {  	[sflag:s16] =	ssyncset.done $0x0  }
0x4f: {  	[sflag:s16] =	ssyncadd.s32 $0xFFFFC180  }
0x50: {  	[tilespmem:s19], [sflag:$0x1] =	stream.linear.gather [hbm4b:s10+s3], $0x3E80, $0x38;
	[tilespmem:$0x19B80] =	vst v63  }
0x51: {  	s25 =	simm.s32 $0x400  }
0x52: {  	[spmem:s2] =	stream.indirect.scatter.add.f32 [tilespmem:s17], [sflag:$0x2], $0x10, s25, s18, $0xb8;
	[tilespmem:$0x19B80] =	vst v63  }
0x53: {  	s24 =	simm.s32 $0x480;
	s25 =	simm.s32 $0x5A50  }
0x54: {  	[spmem:s2] =	stream.indirect.scatter.add.f32 [tilespmem:s25], [sflag:$0x2], $0x10, s24, s18, $0xb8;
	[tilespmem:$0x19B80] =	vst v63  }
0x55: {  	s24 =	simm.s32 $0x500;
	s25 =	simm.s32 $0x6220  }
0x56: {  	[spmem:s2] =	stream.indirect.scatter.add.f32 [tilespmem:s25], [sflag:$0x2], $0x10, s24, s18, $0xb8;
	[tilespmem:$0x19B80] =	vst v63  }
0x57: {  	s24 =	simm.s32 $0x580;
	s25 =	simm.s32 $0x69F0  }
0x58: {  	[spmem:s2] =	stream.indirect.scatter.add.f32 [tilespmem:s25], [sflag:$0x2], $0x10, s24, s18, $0xb8;
	[tilespmem:$0x19B80] =	vst v63  }
0x59: {  	s24 =	simm.s32 $0x600;
	s25 =	simm.s32 $0x71C0  }
0x5a: {  	[spmem:s2] =	stream.indirect.scatter.add.f32 [tilespmem:s25], [sflag:$0x2], $0x10, s24, s18, $0xb8;
	[tilespmem:$0x19B80] =	vst v63  }
0x5b: {  	s24 =	simm.s32 $0x680;
	s25 =	simm.s32 $0x7990  }
0x5c: {  	[spmem:s2] =	stream.indirect.scatter.add.f32 [tilespmem:s25], [sflag:$0x2], $0x10, s24, s18, $0xb8;
	[tilespmem:$0x19B80] =	vst v63  }
0x5d: {  	s24 =	simm.s32 $0x700;
	s25 =	simm.s32 $0x8160  }
0x5e: {  	[spmem:s2] =	stream.indirect.scatter.add.f32 [tilespmem:s25], [sflag:$0x2], $0x10, s24, s18, $0xb8;
	[tilespmem:$0x19B80] =	vst v63  }
0x5f: {  	s24 =	simm.s32 $0x780;
	s25 =	simm.s32 $0x8930  }
0x60: {  	[spmem:s2] =	stream.indirect.scatter.add.f32 [tilespmem:s25], [sflag:$0x2], $0x10, s24, s18, $0xb8;
	[tilespmem:$0x19B80] =	vst v63  }
0x61: {  	_ =	swait.ge [sflag:s15], $0x7D0  }
0x62: {  	[sflag:s15] =	ssyncset.done $0x0  }
0x63: {  	[sflag:s15] =	ssyncadd.s32 $0xFFFFF830  }
0x64: {  	_ =	swait.ge [sflag:s15], $0x7D0  }
0x65: {  	[sflag:s15] =	ssyncset.done $0x0  }
0x66: {  	[sflag:s15] =	ssyncadd.s32 $0xFFFFF830  }
0x67: {  	_ =	swait.ge [sflag:s15], $0x7D0  }
0x68: {  	[sflag:s15] =	ssyncset.done $0x0  }
0x69: {  	[sflag:s15] =	ssyncadd.s32 $0xFFFFF830  }
0x6a: {  	_ =	swait.ge [sflag:s15], $0x7D0  }
0x6b: {  	[sflag:s15] =	ssyncset.done $0x0  }
0x6c: {  	[sflag:s15] =	ssyncadd.s32 $0xFFFFF830  }
0x6d: {  	_ =	swait.ge [sflag:s15], $0x7D0  }
0x6e: {  	[sflag:s15] =	ssyncset.done $0x0  }
0x6f: {  	[sflag:s15] =	ssyncadd.s32 $0xFFFFF830  }
0x70: {  	_ =	swait.ge [sflag:s15], $0x7D0  }
0x71: {  	[sflag:s15] =	ssyncset.done $0x0  }
0x72: {  	[sflag:s15] =	ssyncadd.s32 $0xFFFFF830  }
0x73: {  	_ =	swait.ge [sflag:s15], $0x7D0  }
0x74: {  	[sflag:s15] =	ssyncset.done $0x0  }
0x75: {  	[sflag:s15] =	ssyncadd.s32 $0xFFFFF830  }
0x76: {  	_ =	swait.ge [sflag:s15], $0x7D0  }
0x77: {  	[sflag:s15] =	ssyncset.done $0x0  }
0x78: {  	[sflag:s15] =	ssyncadd.s32 $0xFFFFF830  }
0x79: {  	_ =	swait.ge [sflag:s16], $0x3E80  }
0x7a: {  	[sflag:s16] =	ssyncset.done $0x0  }
0x7b: {  	[sflag:s16] =	ssyncadd.s32 $0xFFFFC180  }
0x7c: {  	[tilespmem:s22], [sflag:$0x1] =	stream.linear.gather [hbm4b:s11+s3], $0x3E80, $0x38;
	[tilespmem:$0x19B80] =	vst v63  }
0x7d: {  	s25 =	simm.s32 $0x800  }
0x7e: {  	[spmem:s2] =	stream.indirect.scatter.add.f32 [tilespmem:s19], [sflag:$0x2], $0x10, s25, s18, $0xb8;
	[tilespmem:$0x19B80] =	vst v63  }
0x7f: {  	s24 =	simm.s32 $0x880;
	s25 =	simm.s32 $0x98D0  }
0x80: {  	[spmem:s2] =	stream.indirect.scatter.add.f32 [tilespmem:s25], [sflag:$0x2], $0x10, s24, s18, $0xb8;
	[tilespmem:$0x19B80] =	vst v63  }
0x81: {  	s24 =	simm.s32 $0x900;
	s25 =	simm.s32 $0xA0A0  }
0x82: {  	[spmem:s2] =	stream.indirect.scatter.add.f32 [tilespmem:s25], [sflag:$0x2], $0x10, s24, s18, $0xb8;
	[tilespmem:$0x19B80] =	vst v63  }
0x83: {  	s24 =	simm.s32 $0x980;
	s25 =	simm.s32 $0xA870  }
0x84: {  	[spmem:s2] =	stream.indirect.scatter.add.f32 [tilespmem:s25], [sflag:$0x2], $0x10, s24, s18, $0xb8;
	[tilespmem:$0x19B80] =	vst v63  }
0x85: {  	s24 =	simm.s32 $0xA00;
	s25 =	simm.s32 $0xB040  }
0x86: {  	[spmem:s2] =	stream.indirect.scatter.add.f32 [tilespmem:s25], [sflag:$0x2], $0x10, s24, s18, $0xb8;
	[tilespmem:$0x19B80] =	vst v63  }
0x87: {  	s24 =	simm.s32 $0xA80;
	s25 =	simm.s32 $0xB810  }
0x88: {  	[spmem:s2] =	stream.indirect.scatter.add.f32 [tilespmem:s25], [sflag:$0x2], $0x10, s24, s18, $0xb8;
	[tilespmem:$0x19B80] =	vst v63  }
0x89: {  	s24 =	simm.s32 $0xB00;
	s25 =	simm.s32 $0xBFE0  }
0x8a: {  	[spmem:s2] =	stream.indirect.scatter.add.f32 [tilespmem:s25], [sflag:$0x2], $0x10, s24, s18, $0xb8;
	[tilespmem:$0x19B80] =	vst v63  }
0x8b: {  	s24 =	simm.s32 $0xB80;
	s25 =	simm.s32 $0xC7B0  }
0x8c: {  	[spmem:s2] =	stream.indirect.scatter.add.f32 [tilespmem:s25], [sflag:$0x2], $0x10, s24, s18, $0xb8;
	[tilespmem:$0x19B80] =	vst v63  }
0x8d: {  	_ =	swait.ge [sflag:s15], $0x7D0  }
0x8e: {  	[sflag:s15] =	ssyncset.done $0x0  }
0x8f: {  	[sflag:s15] =	ssyncadd.s32 $0xFFFFF830  }
0x90: {  	_ =	swait.ge [sflag:s15], $0x7D0  }
0x91: {  	[sflag:s15] =	ssyncset.done $0x0  }
0x92: {  	[sflag:s15] =	ssyncadd.s32 $0xFFFFF830  }
0x93: {  	_ =	swait.ge [sflag:s15], $0x7D0  }
0x94: {  	[sflag:s15] =	ssyncset.done $0x0  }
0x95: {  	[sflag:s15] =	ssyncadd.s32 $0xFFFFF830  }
0x96: {  	_ =	swait.ge [sflag:s15], $0x7D0  }
0x97: {  	[sflag:s15] =	ssyncset.done $0x0  }
0x98: {  	[sflag:s15] =	ssyncadd.s32 $0xFFFFF830  }
0x99: {  	_ =	swait.ge [sflag:s15], $0x7D0  }
0x9a: {  	[sflag:s15] =	ssyncset.done $0x0  }
0x9b: {  	[sflag:s15] =	ssyncadd.s32 $0xFFFFF830  }
0x9c: {  	_ =	swait.ge [sflag:s15], $0x7D0  }
0x9d: {  	[sflag:s15] =	ssyncset.done $0x0  }
0x9e: {  	[sflag:s15] =	ssyncadd.s32 $0xFFFFF830  }
0x9f: {  	_ =	swait.ge [sflag:s15], $0x7D0  }
0xa0: {  	[sflag:s15] =	ssyncset.done $0x0  }
0xa1: {  	[sflag:s15] =	ssyncadd.s32 $0xFFFFF830  }
0xa2: {  	_ =	swait.ge [sflag:s15], $0x7D0  }
0xa3: {  	[sflag:s15] =	ssyncset.done $0x0  }
0xa4: {  	[sflag:s15] =	ssyncadd.s32 $0xFFFFF830  }
0xa5: {  	_ =	swait.ge [sflag:s16], $0x3E80  }
0xa6: {  	[sflag:s16] =	ssyncset.done $0x0  }
0xa7: {  	[sflag:s16] =	ssyncadd.s32 $0xFFFFC180  }
0xa8: {  	[tilespmem:s26], [sflag:$0x1] =	stream.linear.gather [hbm4b:s12+s3], $0x3E80, $0x38;
	[tilespmem:$0x19B80] =	vst v63  }
0xa9: {  	s25 =	simm.s32 $0xC00  }
0xaa: {  	[spmem:s2] =	stream.indirect.scatter.add.f32 [tilespmem:s22], [sflag:$0x2], $0x10, s25, s18, $0xb8;
	[tilespmem:$0x19B80] =	vst v63  }
0xab: {  	s24 =	simm.s32 $0xC80;
	s25 =	simm.s32 $0xD750  }
0xac: {  	[spmem:s2] =	stream.indirect.scatter.add.f32 [tilespmem:s25], [sflag:$0x2], $0x10, s24, s18, $0xb8;
	[tilespmem:$0x19B80] =	vst v63  }
0xad: {  	s24 =	simm.s32 $0xD00;
	s25 =	simm.s32 $0xDF20  }
0xae: {  	[spmem:s2] =	stream.indirect.scatter.add.f32 [tilespmem:s25], [sflag:$0x2], $0x10, s24, s18, $0xb8;
	[tilespmem:$0x19B80] =	vst v63  }
0xaf: {  	s24 =	simm.s32 $0xD80;
	s25 =	simm.s32 $0xE6F0  }
0xb0: {  	[spmem:s2] =	stream.indirect.scatter.add.f32 [tilespmem:s25], [sflag:$0x2], $0x10, s24, s18, $0xb8;
	[tilespmem:$0x19B80] =	vst v63  }
0xb1: {  	s24 =	simm.s32 $0xE00;
	s25 =	simm.s32 $0xEEC0  }
0xb2: {  	[spmem:s2] =	stream.indirect.scatter.add.f32 [tilespmem:s25], [sflag:$0x2], $0x10, s24, s18, $0xb8;
	[tilespmem:$0x19B80] =	vst v63  }
0xb3: {  	s24 =	simm.s32 $0xE80;
	s25 =	simm.s32 $0xF690  }
0xb4: {  	[spmem:s2] =	stream.indirect.scatter.add.f32 [tilespmem:s25], [sflag:$0x2], $0x10, s24, s18, $0xb8;
	[tilespmem:$0x19B80] =	vst v63  }
0xb5: {  	s24 =	simm.s32 $0xF00;
	s25 =	simm.s32 $0xFE60  }
0xb6: {  	[spmem:s2] =	stream.indirect.scatter.add.f32 [tilespmem:s25], [sflag:$0x2], $0x10, s24, s18, $0xb8;
	[tilespmem:$0x19B80] =	vst v63  }
0xb7: {  	s24 =	simm.s32 $0xF80;
	s25 =	simm.s32 $0x10630  }
0xb8: {  	[spmem:s2] =	stream.indirect.scatter.add.f32 [tilespmem:s25], [sflag:$0x2], $0x10, s24, s18, $0xb8;
	[tilespmem:$0x19B80] =	vst v63  }
0xb9: {  	_ =	swait.ge [sflag:s15], $0x7D0  }
0xba: {  	[sflag:s15] =	ssyncset.done $0x0  }
0xbb: {  	[sflag:s15] =	ssyncadd.s32 $0xFFFFF830  }
0xbc: {  	_ =	swait.ge [sflag:s15], $0x7D0  }
0xbd: {  	[sflag:s15] =	ssyncset.done $0x0  }
0xbe: {  	[sflag:s15] =	ssyncadd.s32 $0xFFFFF830  }
0xbf: {  	_ =	swait.ge [sflag:s15], $0x7D0  }
0xc0: {  	[sflag:s15] =	ssyncset.done $0x0  }
0xc1: {  	[sflag:s15] =	ssyncadd.s32 $0xFFFFF830  }
0xc2: {  	_ =	swait.ge [sflag:s15], $0x7D0  }
0xc3: {  	[sflag:s15] =	ssyncset.done $0x0  }
0xc4: {  	[sflag:s15] =	ssyncadd.s32 $0xFFFFF830  }
0xc5: {  	_ =	swait.ge [sflag:s15], $0x7D0  }
0xc6: {  	[sflag:s15] =	ssyncset.done $0x0  }
0xc7: {  	[sflag:s15] =	ssyncadd.s32 $0xFFFFF830  }
0xc8: {  	_ =	swait.ge [sflag:s15], $0x7D0  }
0xc9: {  	[sflag:s15] =	ssyncset.done $0x0  }
0xca: {  	[sflag:s15] =	ssyncadd.s32 $0xFFFFF830  }
0xcb: {  	_ =	swait.ge [sflag:s15], $0x7D0  }
0xcc: {  	[sflag:s15] =	ssyncset.done $0x0  }
0xcd: {  	[sflag:s15] =	ssyncadd.s32 $0xFFFFF830  }
0xce: {  	_ =	swait.ge [sflag:s15], $0x7D0  }
0xcf: {  	[sflag:s15] =	ssyncset.done $0x0  }
0xd0: {  	[sflag:s15] =	ssyncadd.s32 $0xFFFFF830  }
0xd1: {  	_ =	swait.ge [sflag:s16], $0x3E80  }
0xd2: {  	[sflag:s16] =	ssyncset.done $0x0  }
0xd3: {  	s25 =	simm.s32 $0x1000;
	[sflag:s16] =	ssyncadd.s32 $0xFFFFC180  }
0xd4: {  	[spmem:s2] =	stream.indirect.scatter.add.f32 [tilespmem:s26], [sflag:$0x2], $0x10, s25, s18, $0xb8;
	[tilespmem:$0x19B80] =	vst v63  }
0xd5: {  	s24 =	simm.s32 $0x1080;
	s25 =	simm.s32 $0x115D0  }
0xd6: {  	[spmem:s2] =	stream.indirect.scatter.add.f32 [tilespmem:s25], [sflag:$0x2], $0x10, s24, s18, $0xb8;
	[tilespmem:$0x19B80] =	vst v63  }
0xd7: {  	s24 =	simm.s32 $0x1100;
	s25 =	simm.s32 $0x11DA0  }
0xd8: {  	[spmem:s2] =	stream.indirect.scatter.add.f32 [tilespmem:s25], [sflag:$0x2], $0x10, s24, s18, $0xb8;
	[tilespmem:$0x19B80] =	vst v63  }
0xd9: {  	s24 =	simm.s32 $0x1180;
	s25 =	simm.s32 $0x12570  }
0xda: {  	[spmem:s2] =	stream.indirect.scatter.add.f32 [tilespmem:s25], [sflag:$0x2], $0x10, s24, s18, $0xb8;
	[tilespmem:$0x19B80] =	vst v63  }
0xdb: {  	_ = 	snop  }
0xdc: {  	[spmem:s2] =	stream.indirect.scatter.add.f32 [tilespmem:s29], [sflag:$0x2], $0x10, s28, s18, $0xb8;
	[tilespmem:$0x19B80] =	vst v63  }
0xdd: {  	_ = 	snop  }
0xde: {  	[spmem:s2] =	stream.indirect.scatter.add.f32 [tilespmem:s31], [sflag:$0x2], $0x10, s30, s18, $0xb8;
	[tilespmem:$0x19B80] =	vst v63  }
0xdf: {  	_ = 	snop  }
0xe0: {  	[spmem:s2] =	stream.indirect.scatter.add.f32 [tilespmem:s0], [sflag:$0x2], $0x10, s1, s18, $0xb8;
	[tilespmem:$0x19B80] =	vst v63  }
0xe1: {  	_ = 	snop  }
0xe2: {  	[spmem:s2] =	stream.indirect.scatter.add.f32 [tilespmem:s21], [sflag:$0x2], $0x10, s20, s18, $0xb8;
	[tilespmem:$0x19B80] =	vst v63  }
0xe3: {  	_ =	swait.ge [sflag:s15], $0x7D0  }
0xe4: {  	[sflag:s15] =	ssyncset.done $0x0  }
0xe5: {  	[sflag:s15] =	ssyncadd.s32 $0xFFFFF830  }
0xe6: {  	_ =	swait.ge [sflag:s15], $0x7D0  }
0xe7: {  	[sflag:s15] =	ssyncset.done $0x0  }
0xe8: {  	[sflag:s15] =	ssyncadd.s32 $0xFFFFF830  }
0xe9: {  	_ =	swait.ge [sflag:s15], $0x7D0  }
0xea: {  	[sflag:s15] =	ssyncset.done $0x0  }
0xeb: {  	[sflag:s15] =	ssyncadd.s32 $0xFFFFF830  }
0xec: {  	_ =	swait.ge [sflag:s15], $0x7D0  }
0xed: {  	[sflag:s15] =	ssyncset.done $0x0  }
0xee: {  	[sflag:s15] =	ssyncadd.s32 $0xFFFFF830  }
0xef: {  	_ =	swait.ge [sflag:s15], $0x7D0  }
0xf0: {  	[sflag:s15] =	ssyncset.done $0x0  }
0xf1: {  	[sflag:s15] =	ssyncadd.s32 $0xFFFFF830  }
0xf2: {  	_ =	swait.ge [sflag:s15], $0x7D0  }
0xf3: {  	[sflag:s15] =	ssyncset.done $0x0  }
0xf4: {  	[sflag:s15] =	ssyncadd.s32 $0xFFFFF830  }
0xf5: {  	_ =	swait.ge [sflag:s15], $0x7D0  }
0xf6: {  	[sflag:s15] =	ssyncset.done $0x0  }
0xf7: {  	[sflag:s15] =	ssyncadd.s32 $0xFFFFF830  }
0xf8: {  	s23 =	sadd.s32 $0x1, s23;
	_ =	swait.ge [sflag:s15], $0x7D0  }
0xf9: {  	p0 =	sne.s32 s23, s8;
	s25 =	stileid.u32;
	[sflag:s15] =	ssyncset.done $0x0  }
0xfa: {  	s24 =	sshll.u32 s25, $0x6;
	s25 =	sshrl.u32 s6, $0x3;
	[sflag:s15] =	ssyncadd.s32 $0xFFFFF830  }
.Ltmp1:
0xfb: {  	s24 =	sor.u32 $0x1C03, s24;
	[bflag:$0x0] =	sbarrier.arrive $0xFFFF;
	(pc) =	sbr.rel @p0 .LBB2_1-.Ltmp1, $4  }
0xfc: {  	[hbm:s7], [sflag:s24] =	dma.local [spmem:s25], $0x4F0  }
0xfd: {  	_ =	swait.ge [sflag:s13], $0x4F0  }
0xfe: {  	[sflag:s13] =	ssyncset.done $0x0  }
0xff: {  	[sflag:s13] =	ssyncadd.s32 $0xFFFFFB10  }
0x100: {  	_ =	sfence.sel $0x180000  }
0x101: {  	[bflag:$0x0] =	sbarrier.arrive $0xFFFF  }
0x102: {  	_ =	strace $0x9000004A  }
0x103: {  	s0 =	stileid.u32;
	[bflag:$0x2] =	sbarrier.arrive $0xFFFF  }
0x104: {  	p0 =	sne.s32 s0, $0x0;
	s0 =	rddreg [dreg:$0x2]  }
0x105: {  	s0 =	sadd.s32 @!p0 $0x100000, s0  }
0x106: {  	[sflag:s0] =	ssyncadd.tile.s32 @!p0 $0x1;
	_ =	shalt  }
.Lfunc_end2:
_tile_overlayer_lowered:
.L_overlay_start_2:
0x107: {  	(tag) =	ssettag $0x2  }
0x108: {  	s0 =	rddreg [dreg:$0x0];
	s2 =	stileid.u32  }
0x109: {  	s1 =	rddreg [dreg:$0x1];
	p0 =	sne.s32 s2, $0x0  }
0x10a: {  	s3 =	rddreg [dreg:$0x2];
	[bflag:$0x3] =	sbarrier.arrive $0xFFFF;
	s2 =	simm.s32 @!p0 $0x1C03  }
0x10b: {  	[timem:s3], [sflag:s2] =	dma.local @!p0 [hbm:s0], s1  }
0x10c: {  	s0 =	simm.s32 @!p0 $0x3  }
0x10d: {  	_ =	swait.ge @!p0 [sflag:s0], s1  }
0x10e: {  	s1 =	ssub.s32 @!p0 $0x0, s1;
	[sflag:s0] =	ssyncset.done @!p0 $0x0  }
0x10f: {  	[sflag:s0] =	ssyncadd.s32 @!p0 s1  }
0x110: {  	[bflag:$0x3] =	sbarrier.arrive $0xFFFF  }
0x111: {  	_ =	shalt  }

// kernel: kernel.21.cloned.1.call-start
scs
__scs_entry_jumppad:
0x0: {  	(pc) =	sbr.rel $0x88, $3  }
0x1: {  	(tag) =	ssettag $0x0;
	lr =	simm.s32 $0x1  }
0x2: {  	[smem:$0x3F85] =	sst lr;
	_ =	strace $0xD0000000  }
0x3: {  	_ = 	snop  }
0x4: {  	_ = 	snop  }
0x5: {  	_ = 	snop  }
0x6: {  	_ = 	snop  }
0x7: {  	_ = 	snop  }
__scs_overlays_trampoline_lowered:
0x8: {  	[smem:$0x3F94] =	sst s0  }
0x9: {  	[smem:$0x3F95] =	sst s1  }
0xa: {  	[smem:$0x3F96] =	sst s2  }
0xb: {  	[smem:$0x3F97] =	sst s3  }
0xc: {  	[smem:$0x3F98] =	sst s4  }
0xd: {  	[smem:$0x3F99] =	sst s5  }
0xe: {  	[smem:$0x3F9A] =	sst s6  }
0xf: {  	[smem:$0x3F9B] =	sst s7  }
0x10: {  	[smem:$0x3F9C] =	sst s8  }
0x11: {  	[smem:$0x3F9D] =	sst s9;
	s0 =	simm.s32 @!p0 $0x0  }
0x12: {  	s1 =	sld [smem:$0x3F83];
	s0 =	simm.s32 @p0 $0x1  }
0x13: {  	[smem:$0x3F9E] =	sst s0;
	s0 =	simm.s32 @!p1 $0x0  }
0x14: {  	s2 =	sld [smem:$0x3F82];
	s0 =	simm.s32 @p1 $0x1  }
0x15: {  	[smem:$0x3F9F] =	sst s0;
	s0 =	simm.s32 @!p2 $0x0  }
0x16: {  	s3 =	sld [smem:$0x3FDB];
	s0 =	simm.s32 @p2 $0x1  }
0x17: {  	s4 =	simm.s32 $0x1BF5;
	[smem:$0x3FA1] =	sst s0  }
0x18: {  	s0 =	sld [smem:$0x3F84];
	_ =	swait.ge [sflag:s4], $0x0  }
0x19: {  	s7 =	sld [smem:$0x3F85]  }
0x1a: {  	s8 =	sadd.s32 $0xFFFFE003, lr  }
0x1b: {  	s9 =	sadd.s32 $0xFFFFFEF7, lr;
	s5 =	simm.s32 $0xFFFFFFFF;
	p2 =	slt.u32 s8, $0xFFFFF086  }
0x1c: {  	p1 =	slt.u32 s9, $0xF7A;
	s5 =	simm.s32 @!p2 $0x0  }
0x1d: {  	s5 =	simm.s32 @p1 $0x1;
	p0 =	seq.s32 s7, s2  }
0x1e: {  	s7 =	smul.u32 @!p0 $0xF7A, s2;
	p2 =	seq.s32 @!p0 s5, $0x0  }
0x1f: {  	s9 =	smul.u32 $0xF7A, s1;
	s8 =	simm.s32 @!p0 $0x1BF5;
	p2 =	por !p2, p0  }
0x20: {  	[sflag:s8] =	ssyncset.s32 @!p0 $0xFFFFF086;
	s6 =	sadd.s32 @!p0 s3, s7;
	s7 =	simm.s32 @!p0 $0x108  }
0x21: {  	s3 =	sadd.s32 s3, s9;
	s6 =	sadd.s32 @!p0 $0x88, s6;
	s7 =	simm.s32 @p2 $0x1082  }
0x22: {  	[simem:s7], [sflag:s8] =	dma.local @!p0 [hbm:s6], $0xF7A  }
0x23: {  	s9 =	sor.u32 $0xD0000000, s2;
	s6 =	simm.s32 $0x108;
	_ =	swait.ge @!p0 [sflag:s8], $0x0  }
0x24: {  	s3 =	sadd.s32 $0x88, s3;
	s6 =	simm.s32 @!p1 $0x1082;
	[sflag:s4] =	ssyncset.s32 $0xFFFFF086  }
0x25: {  	[simem:s6], [sflag:s4] =	dma.local [hbm:s3], $0xF7A  }
0x26: {  	[smem:$0x3F85] =	sst s1;
	(tag) =	ssettag s2;
	_ =	strace s9  }
0x27: {  	s1 =	sld [smem:$0x3F95]  }
0x28: {  	s2 =	sld [smem:$0x3F96]  }
0x29: {  	s4 =	sld [smem:$0x3F98]  }
0x2a: {  	p0 =	seq.s32 s5, $0x0;
	s5 =	sld [smem:$0x3F99]  }
0x2b: {  	s6 =	sld [smem:$0x3F9A]  }
0x2c: {  	s7 =	sld [smem:$0x3F9B]  }
0x2d: {  	s3 =	simm.s32 $0x108;
	s8 =	sld [smem:$0x3F9C]  }
0x2e: {  	s3 =	simm.s32 @!p0 $0x1082;
	s9 =	sld [smem:$0x3F9D]  }
0x2f: {  	lr =	sadd.s32 s0, s3;
	s0 =	sld [smem:$0x3F94]  }
0x30: {  	s3 =	sld [smem:$0x3F97]  }
0x31: {  	[smem:$0x3FA0] =	sst s10  }
0x32: {  	s10 =	sld [smem:$0x3F9E];
	_ =	sdelay $0x3  }
0x33: {  	p0 =	seq.s32 s10, $0x1;
	s10 =	sld [smem:$0x3FA0];
	_ =	sdelay $0x3  }
0x34: {  	[smem:$0x3FA0] =	sst s10  }
0x35: {  	s10 =	sld [smem:$0x3F9F];
	_ =	sdelay $0x3  }
0x36: {  	p1 =	seq.s32 s10, $0x1;
	s10 =	sld [smem:$0x3FA0];
	_ =	sdelay $0x3  }
0x37: {  	[smem:$0x3FA0] =	sst s10  }
0x38: {  	s10 =	sld [smem:$0x3FA1]  }
0x39: {  	_ = 	snop;
	(pc) =	sbr.ind lr, $3  }
0x3a: {  	_ = 	snop  }
0x3b: {  	_ = 	snop  }
0x3c: {  	p2 =	seq.s32 s10, $0x1;
	s10 =	sld [smem:$0x3FA0]  }
0x3d: {  	_ =	shalt  }
0x3e: {  	_ =	shalt  }
0x3f: {  	_ =	shalt  }
0x40: {  	_ =	shalt  }
0x41: {  	_ =	shalt  }
0x42: {  	_ =	shalt  }
0x43: {  	_ =	shalt  }
0x44: {  	_ =	shalt  }
0x45: {  	_ =	shalt  }
0x46: {  	_ =	shalt  }
0x47: {  	_ =	shalt  }
0x48: {  	_ =	shalt  }
0x49: {  	_ =	shalt  }
0x4a: {  	_ =	shalt  }
0x4b: {  	_ =	shalt  }
0x4c: {  	_ =	shalt  }
0x4d: {  	_ =	shalt  }
0x4e: {  	_ =	shalt  }
0x4f: {  	_ =	shalt  }
0x50: {  	_ =	shalt  }
0x51: {  	_ =	shalt  }
0x52: {  	_ =	shalt  }
0x53: {  	_ =	shalt  }
0x54: {  	_ =	shalt  }
0x55: {  	_ =	shalt  }
0x56: {  	_ =	shalt  }
0x57: {  	_ =	shalt  }
0x58: {  	_ =	shalt  }
0x59: {  	_ =	shalt  }
0x5a: {  	_ =	shalt  }
0x5b: {  	_ =	shalt  }
0x5c: {  	_ =	shalt  }
0x5d: {  	_ =	shalt  }
0x5e: {  	_ =	shalt  }
0x5f: {  	_ =	shalt  }
0x60: {  	_ =	shalt  }
0x61: {  	_ =	shalt  }
0x62: {  	_ =	shalt  }
0x63: {  	_ =	shalt  }
0x64: {  	_ =	shalt  }
0x65: {  	_ =	shalt  }
0x66: {  	_ =	shalt  }
0x67: {  	_ =	shalt  }
0x68: {  	_ =	shalt  }
0x69: {  	_ =	shalt  }
0x6a: {  	_ =	shalt  }
0x6b: {  	_ =	shalt  }
0x6c: {  	_ =	shalt  }
0x6d: {  	_ =	shalt  }
0x6e: {  	_ =	shalt  }
0x6f: {  	_ =	shalt  }
0x70: {  	_ =	shalt  }
0x71: {  	_ =	shalt  }
0x72: {  	_ =	shalt  }
0x73: {  	_ =	shalt  }
0x74: {  	_ =	shalt  }
0x75: {  	_ =	shalt  }
0x76: {  	_ =	shalt  }
0x77: {  	_ =	shalt  }
0x78: {  	_ =	shalt  }
0x79: {  	_ =	shalt  }
0x7a: {  	_ =	shalt  }
0x7b: {  	_ =	shalt  }
0x7c: {  	_ =	shalt  }
0x7d: {  	_ =	shalt  }
0x7e: {  	_ =	shalt  }
0x7f: {  	_ =	shalt  }
0x80: {  	_ =	shalt  }
0x81: {  	_ =	shalt  }
0x82: {  	_ =	shalt  }
0x83: {  	_ =	shalt  }
0x84: {  	_ =	shalt  }
0x85: {  	_ =	shalt  }
0x86: {  	_ =	shalt  }
0x87: {  	_ =	shalt  }
.Lfunc_end0:
.L_simem_size_0:
called_computation.2_lowered:
.L_overlay_start_0:
0x88: {  	s2 =	sld [smem:$0x3FD9]  }
0x89: {  	s3 =	sld [smem:$0x3FFE];
	_ =	sdelay $0x1  }
0x8a: {  	s1 =	srdreg.scid  }
0x8b: {  	s0 =	sand.u32 $0x1, s1  }
0x8c: {  	s16 =	sshll.u32 s0, $0xA;
	s2 =	sadd.s32 s3, s2  }
0x8d: {  	s2 =	sadd.s32 s2, s16  }
0x8e: {  	[smem:$0x3FAC] =	sst s2  }
0x8f: {  	_ = 	snop  }
0x90: {  	(tm) =	ssettm $0x1  }
0x91: {  	s17 =	sld [smem:$0x3FFB];
	_ =	sdelay $0x3  }
0x92: {  	_ =	strace s17  }
0x93: {  	s2 =	sld [smem:$0x3FFC];
	_ =	sdelay $0x3  }
0x94: {  	_ =	strace s2  }
0x95: {  	s2 =	sld [smem:$0x3FFD];
	_ =	sdelay $0x3  }
0x96: {  	_ =	strace s2  }
0x97: {  	_ =	strace $0x8FFFFFFF  }
0x98: {  	s18 =	sld [smem:$0x3FDB];
	_ =	sdelay $0x1  }
0x99: {  	s19 =	simm.s32 $_scs_section_size  }
0x9a: {  	s4 =	simm.s32 $_size__tile_overlayer_lowered;
	s5 =	simm.s32 $_tile_overlayer_lowered  }
0x9b: {  	s22 =	simm.s32 $0x1BFF;
	s21 =	sshll.u32 s5, $0x1;
	s2 =	sadd.s32 s19, s18  }
0x9c: {  	s6 =	simm.s32 $0x0;
	s20 =	sshll.u32 s4, $0x1;
	s4 =	sadd.s32 s21, s2  }
0x9d: {  	[timem:s6], [sflag:s22] =	dma.local [hbm:s4], s20  }
0x9e: {  	_ =	swait.ge [sflag:s22], s20  }
0x9f: {  	s3 =	ssub.s32 $0x0, s20;
	[sflag:s22] =	ssyncset.done $0x0  }
0xa0: {  	[sflag:s22] =	ssyncadd.s32 s3;
	_ =	sdelay $0x1  }
0xa1: {  	s23 =	simm.s32 $0x1B8B  }
0xa2: {  	_ =	swait.ge [sflag:s23], $0x1  }
0xa3: {  	[sflag:s23] =	ssyncset.done $0x0  }
0xa4: {  	s25 =	simm.s32 $0x1B8E;
	s24 =	sld [smem:$0x3FFE];
	[sflag:s23] =	ssyncadd.s32 $0xFFFFFFFF  }
0xa5: {  	s26 =	simm.s32 $execute0_lowered;
	[smem:$0x3FD2] =	sst s25  }
0xa6: {  	s4 =	sshll.u32 s26, $0x1;
	_ =	strace $0x8000004C;
	[dreg:$0x1] =	wrdreg $0xFFFFFFFF  }
0xa7: {  	s28 =	simm.s32 $_size_execute0_lowered;
	s2 =	sadd.s32 s2, s4;
	[dreg:$0x0] =	wrdreg $0x0  }
0xa8: {  	s4 =	sshll.u32 s28, $0x1;
	[dreg:$0x2] =	wrdreg s2  }
0xa9: {  	[dreg:$0x3] =	wrdreg s4  }
0xaa: {  	[dreg:$0x4] =	wrdreg $0xC0  }
0xab: {  	_ =	task [dreg:s6], $0x5FFFF  }
0xac: {  	[dreg:$0x1] =	wrdreg $0xFFFFFFFF  }
0xad: {  	[dreg:$0x0] =	wrdreg $0x60  }
0xae: {  	[dreg:$0x2] =	wrdreg s24  }
0xaf: {  	[dreg:$0x3] =	wrdreg $0x9  }
0xb0: {  	_ =	task.clear_ibuf [dreg:s6], $0x4FFFF;
	_ =	strace $0x9000004C  }
0xb1: {  	s29 =	simm.s32 $0x9;
	_ =	strace $0x8000004E  }
0xb2: {  	_ =	swait.ge [sflag:s29], $0x1  }
0xb3: {  	[sflag:s29] =	ssyncadd.s32 $0xFFFFFFFF  }
0xb4: {  	_ =	strace $0x9000004E  }
0xb5: {  	_ =	sfence  }
0xb6: {  	s30 =	sld [smem:$0x0];
	_ =	sdelay $0x2  }
0xb7: {  	s31 =	sshll.u32 s1, $0xD;
	s1 =	sshrl.u32 s1, $0x2  }
0xb8: {  	s3 =	sand.u32 $0x4000, s31;
	s1 =	sadd.s32 s1, s30  }
0xb9: {  	s0 =	sor.u32 s3, s0;
	s1 =	sshll.u32 s1, $0x11  }
0xba: {  	s0 =	sor.u32 s1, s0  }
0xbb: {  	s0 =	sadd.s32 $0x8F2B, s0  }
0xbc: {  	[sflag:s0] =	ssyncadd.remote.s32 $0x1  }
0xbd: {  	_ =	sfence.sel $0xFFFF  }
0xbe: {  	[dreg:$0x0] =	wrdreg $0xFFFFFFFF;
	(pc) =	sbr.abs _section_cstart, $3  }
0xbf: {  	[dreg:$0x1] =	wrdreg $0xFFFFFFFF  }
0xc0: {  	_ =	task.clear_ibuf [dreg:s6], $0x2FFFF;
	_ =	strace $0x9FFFFFFF  }
0xc1: {  	(tm) =	ssettm $0x7FFFFFFF  }
tec
execute0_lowered:
.L_overlay_start_1:
0x0: {  	(tag) =	ssettag $0x1  }
0x1: {  	s0 =	srdreg.scid  }
0x2: {  	s4 =	rddreg [dreg:$0x0];
	s1 =	stileid.u32;
	s2 =	simm.s32 $0x0  }
0x3: {  	s10 =	simm.s32 $0x1;
	s3 =	sand.u32 $0x1, s0;
	s0 =	rddreg [dreg:$0x1]  }
0x4: {  	s11 =	simm.s32 $0x0;
	[smem:$0x7FF] =	sst s2;
	s9 =	smul.u32 $0x2710, s1  }
0x5: {  	s5 =	sshll.u32 s3, $0x4;
	_ =	strace $0x8000004D;
	s6 =	smul.u32 $0x27100, s3  }
0x6: {  	s7 =	ssub.s32 $0x2, s3;
	s3 =	sadd.s32 $0x12000, s4;
	s5 =	sor.u32 s1, s5  }
0x7: {  	s8 =	sshrl.u32 s7, $0x1;
	s5 =	smul.u32 $0x280, s5;
	s6 =	sadd.s32 s6, s4  }
0x8: {  	s7 =	ssub.s32 s7, s8;
	s8 =	simm.s32 $0x7D;
	s6 =	sadd.s32 s9, s6  }
0x9: {  	s9 =	simm.s32 $0x2;
	s5 =	sadd.s32 s5, s4;
	s6 =	sadd.s32 $0x17000, s6  }
0xa: {  	s4 =	sadd.s32 $0x8000, s5;
	s5 =	smax.u32 s7, $0x1;
	s7 =	simm.s32 $0x3  }
.LBB2_1:
0xb: {  	[tilespmem:s2], [sflag:$0x3] =	stream.linear.gather [hbm4b:s4+s2], $0x1400, $0x38;
	[tilespmem:$0x14C80] =	vst v63  }
0xc: {  	_ =	swait.ge [sflag:s7], $0x1400  }
0xd: {  	[sflag:s7] =	ssyncset.done $0x0  }
0xe: {  	s12 =	simm.s32 $0x1400;
	s13 =	simm.s32 $0x0;
	[sflag:s7] =	ssyncadd.s32 $0xFFFFEC00  }
0xf: {  	[tilespmem:s12], [sflag:$0x2] =	stream.indirect.gather [hbm4b:s3+s8], $0x10, s13, s8, $0xb8;
	[tilespmem:$0x14C80] =	vst v63  }
0x10: {  	s18 =	simm.s32 $0x1BD0;
	s14 =	simm.s32 $0x80  }
0x11: {  	[tilespmem:s18], [sflag:$0x2] =	stream.indirect.gather [hbm4b:s3+s8], $0x10, s14, s8, $0xb8;
	[tilespmem:$0x14C80] =	vst v63  }
0x12: {  	s19 =	simm.s32 $0x23A0;
	s20 =	simm.s32 $0x100  }
0x13: {  	[tilespmem:s19], [sflag:$0x2] =	stream.indirect.gather [hbm4b:s3+s8], $0x10, s20, s8, $0xb8;
	[tilespmem:$0x14C80] =	vst v63  }
0x14: {  	s21 =	simm.s32 $0x2B70;
	s22 =	simm.s32 $0x180  }
0x15: {  	[tilespmem:s21], [sflag:$0x2] =	stream.indirect.gather [hbm4b:s3+s8], $0x10, s22, s8, $0xb8;
	[tilespmem:$0x14C80] =	vst v63  }
0x16: {  	s23 =	simm.s32 $0x3340;
	s24 =	simm.s32 $0x200  }
0x17: {  	[tilespmem:s23], [sflag:$0x2] =	stream.indirect.gather [hbm4b:s3+s8], $0x10, s24, s8, $0xb8;
	[tilespmem:$0x14C80] =	vst v63  }
0x18: {  	s25 =	simm.s32 $0x3B10;
	s26 =	simm.s32 $0x280  }
0x19: {  	[tilespmem:s25], [sflag:$0x2] =	stream.indirect.gather [hbm4b:s3+s8], $0x10, s26, s8, $0xb8;
	[tilespmem:$0x14C80] =	vst v63  }
0x1a: {  	s28 =	simm.s32 $0x42E0;
	s29 =	simm.s32 $0x300  }
0x1b: {  	[tilespmem:s28], [sflag:$0x2] =	stream.indirect.gather [hbm4b:s3+s8], $0x10, s29, s8, $0xb8;
	[tilespmem:$0x14C80] =	vst v63  }
0x1c: {  	s30 =	simm.s32 $0x4AB0;
	s31 =	simm.s32 $0x380  }
0x1d: {  	[tilespmem:s30], [sflag:$0x2] =	stream.indirect.gather [hbm4b:s3+s8], $0x10, s31, s8, $0xb8;
	[tilespmem:$0x14C80] =	vst v63  }
0x1e: {  	_ =	swait.ge [sflag:s9], $0x7D0  }
0x1f: {  	[sflag:s9] =	ssyncset.done $0x0  }
0x20: {  	[sflag:s9] =	ssyncadd.s32 $0xFFFFF830  }
0x21: {  	_ =	swait.ge [sflag:s9], $0x7D0  }
0x22: {  	[sflag:s9] =	ssyncset.done $0x0  }
0x23: {  	[sflag:s9] =	ssyncadd.s32 $0xFFFFF830  }
0x24: {  	_ =	swait.ge [sflag:s9], $0x7D0  }
0x25: {  	[sflag:s9] =	ssyncset.done $0x0  }
0x26: {  	[sflag:s9] =	ssyncadd.s32 $0xFFFFF830  }
0x27: {  	_ =	swait.ge [sflag:s9], $0x7D0  }
0x28: {  	[sflag:s9] =	ssyncset.done $0x0  }
0x29: {  	[sflag:s9] =	ssyncadd.s32 $0xFFFFF830  }
0x2a: {  	_ =	swait.ge [sflag:s9], $0x7D0  }
0x2b: {  	[sflag:s9] =	ssyncset.done $0x0  }
0x2c: {  	[sflag:s9] =	ssyncadd.s32 $0xFFFFF830  }
0x2d: {  	_ =	swait.ge [sflag:s9], $0x7D0  }
0x2e: {  	[sflag:s9] =	ssyncset.done $0x0  }
0x2f: {  	[sflag:s9] =	ssyncadd.s32 $0xFFFFF830  }
0x30: {  	_ =	swait.ge [sflag:s9], $0x7D0  }
0x31: {  	[sflag:s9] =	ssyncset.done $0x0  }
0x32: {  	[sflag:s9] =	ssyncadd.s32 $0xFFFFF830  }
0x33: {  	_ =	swait.ge [sflag:s9], $0x7D0  }
0x34: {  	s15 =	sadd.s32 $0x7D0, s6;
	s16 =	smov.u32 s6;
	[sflag:s9] =	ssyncset.done $0x0  }
0x35: {  	s13 =	simm.s32 $0x1000;
	s14 =	simm.s32 $0x5280;
	[sflag:s9] =	ssyncadd.s32 $0xFFFFF830  }
.LBB2_2:
0x36: {  	[hbm4b:s16+s2] =	stream.linear.scatter [tilespmem:s12], [sflag:$0x1], $0x3E80, $0x38;
	[tilespmem:$0x14C80] =	vst v63  }
0x37: {  	s17 =	sshra.s32 s13, $0x2;
	p0 =	sne.s32 s13, $0x4000;
	s13 =	sadd.s32 $0x1000, s13  }
0x38: {  	[tilespmem:s14], [sflag:$0x2] =	stream.indirect.gather [hbm4b:s3+s8], $0x10, s17, s8, $0xb8;
	[tilespmem:$0x14C80] =	vst v63  }
0x39: {  	s16 =	sadd.s32 $0x7D0, s14;
	s12 =	smov.u32 s14;
	s18 =	sadd.s32 $0x80, s17  }
0x3a: {  	[tilespmem:s16], [sflag:$0x2] =	stream.indirect.gather [hbm4b:s3+s8], $0x10, s18, s8, $0xb8;
	[tilespmem:$0x14C80] =	vst v63  }
0x3b: {  	s19 =	sadd.s32 $0x100, s17;
	s18 =	sadd.s32 $0xFA0, s14;
	s16 =	smov.u32 s15  }
0x3c: {  	[tilespmem:s18], [sflag:$0x2] =	stream.indirect.gather [hbm4b:s3+s8], $0x10, s19, s8, $0xb8;
	[tilespmem:$0x14C80] =	vst v63  }
0x3d: {  	s18 =	sadd.s32 $0x1770, s14;
	s19 =	sadd.s32 $0x180, s17  }
0x3e: {  	[tilespmem:s18], [sflag:$0x2] =	stream.indirect.gather [hbm4b:s3+s8], $0x10, s19, s8, $0xb8;
	[tilespmem:$0x14C80] =	vst v63  }
0x3f: {  	s18 =	sadd.s32 $0x1F40, s14;
	s19 =	sadd.s32 $0x200, s17  }
0x40: {  	[tilespmem:s18], [sflag:$0x2] =	stream.indirect.gather [hbm4b:s3+s8], $0x10, s19, s8, $0xb8;
	[tilespmem:$0x14C80] =	vst v63  }
0x41: {  	s18 =	sadd.s32 $0x2710, s14;
	s19 =	sadd.s32 $0x280, s17  }
0x42: {  	[tilespmem:s18], [sflag:$0x2] =	stream.indirect.gather [hbm4b:s3+s8], $0x10, s19, s8, $0xb8;
	[tilespmem:$0x14C80] =	vst v63  }
0x43: {  	s18 =	sadd.s32 $0x2EE0, s14;
	s19 =	sadd.s32 $0x300, s17  }
0x44: {  	[tilespmem:s18], [sflag:$0x2] =	stream.indirect.gather [hbm4b:s3+s8], $0x10, s19, s8, $0xb8;
	[tilespmem:$0x14C80] =	vst v63  }
0x45: {  	s17 =	sadd.s32 $0x380, s17;
	s18 =	sadd.s32 $0x36B0, s14  }
0x46: {  	[tilespmem:s18], [sflag:$0x2] =	stream.indirect.gather [hbm4b:s3+s8], $0x10, s17, s8, $0xb8;
	[tilespmem:$0x14C80] =	vst v63  }
0x47: {  	_ =	swait.ge [sflag:s9], $0x7D0  }
0x48: {  	[sflag:s9] =	ssyncset.done $0x0  }
0x49: {  	[sflag:s9] =	ssyncadd.s32 $0xFFFFF830  }
0x4a: {  	_ =	swait.ge [sflag:s9], $0x7D0  }
0x4b: {  	[sflag:s9] =	ssyncset.done $0x0  }
0x4c: {  	[sflag:s9] =	ssyncadd.s32 $0xFFFFF830  }
0x4d: {  	_ =	swait.ge [sflag:s9], $0x7D0  }
0x4e: {  	[sflag:s9] =	ssyncset.done $0x0  }
0x4f: {  	[sflag:s9] =	ssyncadd.s32 $0xFFFFF830  }
0x50: {  	_ =	swait.ge [sflag:s9], $0x7D0  }
0x51: {  	[sflag:s9] =	ssyncset.done $0x0  }
0x52: {  	[sflag:s9] =	ssyncadd.s32 $0xFFFFF830  }
0x53: {  	_ =	swait.ge [sflag:s9], $0x7D0  }
0x54: {  	[sflag:s9] =	ssyncset.done $0x0  }
0x55: {  	[sflag:s9] =	ssyncadd.s32 $0xFFFFF830  }
0x56: {  	_ =	swait.ge [sflag:s9], $0x7D0  }
0x57: {  	[sflag:s9] =	ssyncset.done $0x0  }
0x58: {  	[sflag:s9] =	ssyncadd.s32 $0xFFFFF830  }
0x59: {  	_ =	swait.ge [sflag:s9], $0x7D0  }
.Ltmp0:
0x5a: {  	[sflag:s9] =	ssyncset.done $0x0;
	(pc) =	sbr.rel @p0 .LBB2_2-.Ltmp0, $4  }
0x5b: {  	[sflag:s9] =	ssyncadd.s32 $0xFFFFF830  }
0x5c: {  	_ =	swait.ge [sflag:s9], $0x7D0  }
0x5d: {  	[sflag:s9] =	ssyncset.done $0x0  }
0x5e: {  	s15 =	sadd.s32 $0x7D0, s15;
	s14 =	sadd.s32 $0x3E80, s14;
	[sflag:s9] =	ssyncadd.s32 $0xFFFFF830  }
0x5f: {  	[hbm4b:s16+s2] =	stream.linear.scatter [tilespmem:s12], [sflag:$0x1], $0x3E80, $0x38;
	[tilespmem:$0x14C80] =	vst v63  }
0x60: {  	_ =	swait.ge [sflag:s10], $0x3E80  }
0x61: {  	[sflag:s10] =	ssyncset.done $0x0  }
0x62: {  	[sflag:s10] =	ssyncadd.s32 $0xFFFFC180  }
0x63: {  	_ =	swait.ge [sflag:s10], $0x3E80  }
0x64: {  	[sflag:s10] =	ssyncset.done $0x0  }
0x65: {  	[sflag:s10] =	ssyncadd.s32 $0xFFFFC180  }
0x66: {  	_ =	swait.ge [sflag:s10], $0x3E80  }
0x67: {  	[sflag:s10] =	ssyncset.done $0x0  }
0x68: {  	s11 =	sadd.s32 $0x1, s11;
	[sflag:s10] =	ssyncadd.s32 $0xFFFFC180  }
0x69: {  	p0 =	sne.s32 s11, s5;
	_ =	swait.ge [sflag:s10], $0x3E80  }
.Ltmp1:
0x6a: {  	[sflag:s10] =	ssyncset.done $0x0;
	(pc) =	sbr.rel @p0 .LBB2_1-.Ltmp1, $4  }
0x6b: {  	[sflag:s10] =	ssyncadd.s32 $0xFFFFC180  }
0x6c: {  	_ =	swait.ge [sflag:s10], $0x3E80  }
0x6d: {  	[sflag:s10] =	ssyncset.done $0x0  }
0x6e: {  	[sflag:s10] =	ssyncadd.s32 $0xFFFFC180  }
0x6f: {  	_ =	sfence.sel $0x180000  }
0x70: {  	[bflag:$0x0] =	sbarrier.arrive $0xFFFF  }
0x71: {  	p0 =	sne.s32 s1, $0x0;
	_ =	strace $0x9000004D  }
0x72: {  	s0 =	sadd.s32 @!p0 $0x100000, s0;
	[bflag:$0x2] =	sbarrier.arrive $0xFFFF  }
0x73: {  	[sflag:s0] =	ssyncadd.tile.s32 @!p0 $0x1;
	_ =	shalt  }
.Lfunc_end2:
_tile_overlayer_lowered:
.L_overlay_start_2:
0x74: {  	(tag) =	ssettag $0x2  }
0x75: {  	s0 =	rddreg [dreg:$0x0];
	s2 =	stileid.u32  }
0x76: {  	s1 =	rddreg [dreg:$0x1];
	p0 =	sne.s32 s2, $0x0  }
0x77: {  	s3 =	rddreg [dreg:$0x2];
	[bflag:$0x3] =	sbarrier.arrive $0xFFFF;
	s2 =	simm.s32 @!p0 $0x1C03  }
0x78: {  	[timem:s3], [sflag:s2] =	dma.local @!p0 [hbm:s0], s1  }
0x79: {  	s0 =	simm.s32 @!p0 $0x3  }
0x7a: {  	_ =	swait.ge @!p0 [sflag:s0], s1  }
0x7b: {  	s1 =	ssub.s32 @!p0 $0x0, s1;
	[sflag:s0] =	ssyncset.done @!p0 $0x0  }
0x7c: {  	[sflag:s0] =	ssyncadd.s32 @!p0 s1  }
0x7d: {  	[bflag:$0x3] =	sbarrier.arrive $0xFFFF  }
0x7e: {  	_ =	shalt  }

// kernel: kernel.24.cloned.1.call-start
scs
__scs_entry_jumppad:
0x0: {  	(pc) =	sbr.rel $0x88, $3  }
0x1: {  	(tag) =	ssettag $0x0;
	lr =	simm.s32 $0x1  }
0x2: {  	[smem:$0x3F85] =	sst lr;
	_ =	strace $0xD0000000  }
0x3: {  	_ = 	snop  }
0x4: {  	_ = 	snop  }
0x5: {  	_ = 	snop  }
0x6: {  	_ = 	snop  }
0x7: {  	_ = 	snop  }
__scs_overlays_trampoline_lowered:
0x8: {  	[smem:$0x3F94] =	sst s0  }
0x9: {  	[smem:$0x3F95] =	sst s1  }
0xa: {  	[smem:$0x3F96] =	sst s2  }
0xb: {  	[smem:$0x3F97] =	sst s3  }
0xc: {  	[smem:$0x3F98] =	sst s4  }
0xd: {  	[smem:$0x3F99] =	sst s5  }
0xe: {  	[smem:$0x3F9A] =	sst s6  }
0xf: {  	[smem:$0x3F9B] =	sst s7  }
0x10: {  	[smem:$0x3F9C] =	sst s8  }
0x11: {  	[smem:$0x3F9D] =	sst s9;
	s0 =	simm.s32 @!p0 $0x0  }
0x12: {  	s1 =	sld [smem:$0x3F83];
	s0 =	simm.s32 @p0 $0x1  }
0x13: {  	[smem:$0x3F9E] =	sst s0;
	s0 =	simm.s32 @!p1 $0x0  }
0x14: {  	s2 =	sld [smem:$0x3F82];
	s0 =	simm.s32 @p1 $0x1  }
0x15: {  	[smem:$0x3F9F] =	sst s0;
	s0 =	simm.s32 @!p2 $0x0  }
0x16: {  	s3 =	sld [smem:$0x3FDB];
	s0 =	simm.s32 @p2 $0x1  }
0x17: {  	s4 =	simm.s32 $0x1BF5;
	[smem:$0x3FA1] =	sst s0  }
0x18: {  	s0 =	sld [smem:$0x3F84];
	_ =	swait.ge [sflag:s4], $0x0  }
0x19: {  	s7 =	sld [smem:$0x3F85]  }
0x1a: {  	s8 =	sadd.s32 $0xFFFFE003, lr  }
0x1b: {  	s9 =	sadd.s32 $0xFFFFFEF7, lr;
	s5 =	simm.s32 $0xFFFFFFFF;
	p2 =	slt.u32 s8, $0xFFFFF086  }
0x1c: {  	p1 =	slt.u32 s9, $0xF7A;
	s5 =	simm.s32 @!p2 $0x0  }
0x1d: {  	s5 =	simm.s32 @p1 $0x1;
	p0 =	seq.s32 s7, s2  }
0x1e: {  	s7 =	smul.u32 @!p0 $0xF7A, s2;
	p2 =	seq.s32 @!p0 s5, $0x0  }
0x1f: {  	s9 =	smul.u32 $0xF7A, s1;
	s8 =	simm.s32 @!p0 $0x1BF5;
	p2 =	por !p2, p0  }
0x20: {  	[sflag:s8] =	ssyncset.s32 @!p0 $0xFFFFF086;
	s6 =	sadd.s32 @!p0 s3, s7;
	s7 =	simm.s32 @!p0 $0x108  }
0x21: {  	s3 =	sadd.s32 s3, s9;
	s6 =	sadd.s32 @!p0 $0x88, s6;
	s7 =	simm.s32 @p2 $0x1082  }
0x22: {  	[simem:s7], [sflag:s8] =	dma.local @!p0 [hbm:s6], $0xF7A  }
0x23: {  	s9 =	sor.u32 $0xD0000000, s2;
	s6 =	simm.s32 $0x108;
	_ =	swait.ge @!p0 [sflag:s8], $0x0  }
0x24: {  	s3 =	sadd.s32 $0x88, s3;
	s6 =	simm.s32 @!p1 $0x1082;
	[sflag:s4] =	ssyncset.s32 $0xFFFFF086  }
0x25: {  	[simem:s6], [sflag:s4] =	dma.local [hbm:s3], $0xF7A  }
0x26: {  	[smem:$0x3F85] =	sst s1;
	(tag) =	ssettag s2;
	_ =	strace s9  }
0x27: {  	s1 =	sld [smem:$0x3F95]  }
0x28: {  	s2 =	sld [smem:$0x3F96]  }
0x29: {  	s4 =	sld [smem:$0x3F98]  }
0x2a: {  	p0 =	seq.s32 s5, $0x0;
	s5 =	sld [smem:$0x3F99]  }
0x2b: {  	s6 =	sld [smem:$0x3F9A]  }
0x2c: {  	s7 =	sld [smem:$0x3F9B]  }
0x2d: {  	s3 =	simm.s32 $0x108;
	s8 =	sld [smem:$0x3F9C]  }
0x2e: {  	s3 =	simm.s32 @!p0 $0x1082;
	s9 =	sld [smem:$0x3F9D]  }
0x2f: {  	lr =	sadd.s32 s0, s3;
	s0 =	sld [smem:$0x3F94]  }
0x30: {  	s3 =	sld [smem:$0x3F97]  }
0x31: {  	[smem:$0x3FA0] =	sst s10  }
0x32: {  	s10 =	sld [smem:$0x3F9E];
	_ =	sdelay $0x3  }
0x33: {  	p0 =	seq.s32 s10, $0x1;
	s10 =	sld [smem:$0x3FA0];
	_ =	sdelay $0x3  }
0x34: {  	[smem:$0x3FA0] =	sst s10  }
0x35: {  	s10 =	sld [smem:$0x3F9F];
	_ =	sdelay $0x3  }
0x36: {  	p1 =	seq.s32 s10, $0x1;
	s10 =	sld [smem:$0x3FA0];
	_ =	sdelay $0x3  }
0x37: {  	[smem:$0x3FA0] =	sst s10  }
0x38: {  	s10 =	sld [smem:$0x3FA1]  }
0x39: {  	_ = 	snop;
	(pc) =	sbr.ind lr, $3  }
0x3a: {  	_ = 	snop  }
0x3b: {  	_ = 	snop  }
0x3c: {  	p2 =	seq.s32 s10, $0x1;
	s10 =	sld [smem:$0x3FA0]  }
0x3d: {  	_ =	shalt  }
0x3e: {  	_ =	shalt  }
0x3f: {  	_ =	shalt  }
0x40: {  	_ =	shalt  }
0x41: {  	_ =	shalt  }
0x42: {  	_ =	shalt  }
0x43: {  	_ =	shalt  }
0x44: {  	_ =	shalt  }
0x45: {  	_ =	shalt  }
0x46: {  	_ =	shalt  }
0x47: {  	_ =	shalt  }
0x48: {  	_ =	shalt  }
0x49: {  	_ =	shalt  }
0x4a: {  	_ =	shalt  }
0x4b: {  	_ =	shalt  }
0x4c: {  	_ =	shalt  }
0x4d: {  	_ =	shalt  }
0x4e: {  	_ =	shalt  }
0x4f: {  	_ =	shalt  }
0x50: {  	_ =	shalt  }
0x51: {  	_ =	shalt  }
0x52: {  	_ =	shalt  }
0x53: {  	_ =	shalt  }
0x54: {  	_ =	shalt  }
0x55: {  	_ =	shalt  }
0x56: {  	_ =	shalt  }
0x57: {  	_ =	shalt  }
0x58: {  	_ =	shalt  }
0x59: {  	_ =	shalt  }
0x5a: {  	_ =	shalt  }
0x5b: {  	_ =	shalt  }
0x5c: {  	_ =	shalt  }
0x5d: {  	_ =	shalt  }
0x5e: {  	_ =	shalt  }
0x5f: {  	_ =	shalt  }
0x60: {  	_ =	shalt  }
0x61: {  	_ =	shalt  }
0x62: {  	_ =	shalt  }
0x63: {  	_ =	shalt  }
0x64: {  	_ =	shalt  }
0x65: {  	_ =	shalt  }
0x66: {  	_ =	shalt  }
0x67: {  	_ =	shalt  }
0x68: {  	_ =	shalt  }
0x69: {  	_ =	shalt  }
0x6a: {  	_ =	shalt  }
0x6b: {  	_ =	shalt  }
0x6c: {  	_ =	shalt  }
0x6d: {  	_ =	shalt  }
0x6e: {  	_ =	shalt  }
0x6f: {  	_ =	shalt  }
0x70: {  	_ =	shalt  }
0x71: {  	_ =	shalt  }
0x72: {  	_ =	shalt  }
0x73: {  	_ =	shalt  }
0x74: {  	_ =	shalt  }
0x75: {  	_ =	shalt  }
0x76: {  	_ =	shalt  }
0x77: {  	_ =	shalt  }
0x78: {  	_ =	shalt  }
0x79: {  	_ =	shalt  }
0x7a: {  	_ =	shalt  }
0x7b: {  	_ =	shalt  }
0x7c: {  	_ =	shalt  }
0x7d: {  	_ =	shalt  }
0x7e: {  	_ =	shalt  }
0x7f: {  	_ =	shalt  }
0x80: {  	_ =	shalt  }
0x81: {  	_ =	shalt  }
0x82: {  	_ =	shalt  }
0x83: {  	_ =	shalt  }
0x84: {  	_ =	shalt  }
0x85: {  	_ =	shalt  }
0x86: {  	_ =	shalt  }
0x87: {  	_ =	shalt  }
.Lfunc_end0:
.L_simem_size_0:
called_computation.3_lowered:
.L_overlay_start_0:
0x88: {  	s2 =	sld [smem:$0x3FD9]  }
0x89: {  	s3 =	sld [smem:$0x3FFE];
	_ =	sdelay $0x1  }
0x8a: {  	s1 =	srdreg.scid  }
0x8b: {  	s0 =	sand.u32 $0x1, s1  }
0x8c: {  	s16 =	sshll.u32 s0, $0xA;
	s2 =	sadd.s32 s3, s2  }
0x8d: {  	s2 =	sadd.s32 s2, s16  }
0x8e: {  	[smem:$0x3FAC] =	sst s2  }
0x8f: {  	_ = 	snop  }
0x90: {  	(tm) =	ssettm $0x1  }
0x91: {  	s17 =	sld [smem:$0x3FFB];
	_ =	sdelay $0x3  }
0x92: {  	_ =	strace s17  }
0x93: {  	s2 =	sld [smem:$0x3FFC];
	_ =	sdelay $0x3  }
0x94: {  	_ =	strace s2  }
0x95: {  	s2 =	sld [smem:$0x3FFD];
	_ =	sdelay $0x3  }
0x96: {  	_ =	strace s2  }
0x97: {  	_ =	strace $0x8FFFFFFF  }
0x98: {  	s18 =	sld [smem:$0x3FDB];
	_ =	sdelay $0x1  }
0x99: {  	s19 =	simm.s32 $_scs_section_size  }
0x9a: {  	s4 =	simm.s32 $_size__tile_overlayer_lowered;
	s5 =	simm.s32 $_tile_overlayer_lowered  }
0x9b: {  	s22 =	simm.s32 $0x1BFF;
	s21 =	sshll.u32 s5, $0x1;
	s2 =	sadd.s32 s19, s18  }
0x9c: {  	s6 =	simm.s32 $0x0;
	s20 =	sshll.u32 s4, $0x1;
	s4 =	sadd.s32 s21, s2  }
0x9d: {  	[timem:s6], [sflag:s22] =	dma.local [hbm:s4], s20  }
0x9e: {  	_ =	swait.ge [sflag:s22], s20  }
0x9f: {  	s3 =	ssub.s32 $0x0, s20;
	[sflag:s22] =	ssyncset.done $0x0  }
0xa0: {  	[sflag:s22] =	ssyncadd.s32 s3;
	_ =	sdelay $0x1  }
0xa1: {  	s23 =	simm.s32 $0x1B8B  }
0xa2: {  	_ =	swait.ge [sflag:s23], $0x1  }
0xa3: {  	[sflag:s23] =	ssyncset.done $0x0  }
0xa4: {  	s25 =	simm.s32 $0x1B8E;
	s24 =	sld [smem:$0x3FFE];
	[sflag:s23] =	ssyncadd.s32 $0xFFFFFFFF  }
0xa5: {  	s26 =	simm.s32 $execute0_lowered;
	[smem:$0x3FD2] =	sst s25  }
0xa6: {  	s4 =	sshll.u32 s26, $0x1;
	_ =	strace $0x8000004F;
	[dreg:$0x1] =	wrdreg $0xFFFFFFFF  }
0xa7: {  	s28 =	simm.s32 $_size_execute0_lowered;
	s2 =	sadd.s32 s2, s4;
	[dreg:$0x0] =	wrdreg $0x0  }
0xa8: {  	s4 =	sshll.u32 s28, $0x1;
	[dreg:$0x2] =	wrdreg s2  }
0xa9: {  	[dreg:$0x3] =	wrdreg s4  }
0xaa: {  	[dreg:$0x4] =	wrdreg $0xC0  }
0xab: {  	_ =	task [dreg:s6], $0x5FFFF  }
0xac: {  	[dreg:$0x1] =	wrdreg $0xFFFFFFFF  }
0xad: {  	[dreg:$0x0] =	wrdreg $0x60  }
0xae: {  	[dreg:$0x2] =	wrdreg s24  }
0xaf: {  	[dreg:$0x3] =	wrdreg $0x174000  }
0xb0: {  	[dreg:$0x4] =	wrdreg $0x9  }
0xb1: {  	_ =	task.clear_ibuf [dreg:s6], $0x5FFFF;
	_ =	strace $0x9000004F  }
0xb2: {  	s29 =	simm.s32 $0x9;
	_ =	strace $0x80000051  }
0xb3: {  	_ =	swait.ge [sflag:s29], $0x1  }
0xb4: {  	[sflag:s29] =	ssyncadd.s32 $0xFFFFFFFF  }
0xb5: {  	_ =	strace $0x90000051  }
0xb6: {  	_ =	sfence  }
0xb7: {  	s30 =	sld [smem:$0x0];
	_ =	sdelay $0x2  }
0xb8: {  	s31 =	sshll.u32 s1, $0xD;
	s1 =	sshrl.u32 s1, $0x2  }
0xb9: {  	s3 =	sand.u32 $0x4000, s31;
	s1 =	sadd.s32 s1, s30  }
0xba: {  	s0 =	sor.u32 s3, s0;
	s1 =	sshll.u32 s1, $0x11  }
0xbb: {  	s0 =	sor.u32 s1, s0  }
0xbc: {  	s0 =	sadd.s32 $0x8F2B, s0  }
0xbd: {  	[sflag:s0] =	ssyncadd.remote.s32 $0x1  }
0xbe: {  	_ =	sfence.sel $0xFFFF  }
0xbf: {  	[dreg:$0x0] =	wrdreg $0xFFFFFFFF;
	(pc) =	sbr.abs _section_cstart, $3  }
0xc0: {  	[dreg:$0x1] =	wrdreg $0xFFFFFFFF  }
0xc1: {  	_ =	task.clear_ibuf [dreg:s6], $0x2FFFF;
	_ =	strace $0x9FFFFFFF  }
0xc2: {  	(tm) =	ssettm $0x7FFFFFFF  }
0xc3: {  	_ =	shalt  }
tec
execute0_lowered:
.L_overlay_start_1:
0x0: {  	(tag) =	ssettag $0x1  }
0x1: {  	s0 =	srdreg.scid;
	s4 =	rddreg [dreg:$0x0]  }
0x2: {  	s3 =	stileid.u32;
	s2 =	rddreg [dreg:$0x1];
	s13 =	simm.s32 $0x3  }
0x3: {  	s14 =	simm.s32 $0x1400;
	s16 =	simm.s32 $0x1;
	s17 =	simm.s32 $0x5280  }
0x4: {  	s18 =	simm.s32 $0x7D;
	s15 =	simm.s32 $0x2;
	s19 =	simm.s32 $0x9100  }
0x5: {  	s22 =	simm.s32 $0xCF80;
	s28 =	simm.s32 $0x1200;
	s29 =	simm.s32 $0x12D40  }
0x6: {  	s30 =	simm.s32 $0x1280;
	s31 =	simm.s32 $0x13510;
	s20 =	simm.s32 $0x1380  }
0x7: {  	s21 =	simm.s32 $0x144B0;
	s0 =	sand.u32 $0x1, s0;
	s6 =	smul.u32 $0x2780, s3  }
0x8: {  	s23 =	simm.s32 $0x0;
	s1 =	sshll.u32 s0, $0x4;
	s7 =	smul.u32 $0x27800, s0  }
0x9: {  	s0 =	ssub.s32 $0x2, s0;
	s1 =	sor.u32 s3, s1;
	s3 =	simm.s32 $0x0  }
0xa: {  	s26 =	sshrl.u32 s0, $0x1;
	s5 =	smul.u32 $0x2710, s1;
	[smem:$0x7FF] =	sst s3  }
0xb: {  	s1 =	smul.u32 $0x1400, s1;
	s25 =	sadd.s32 s6, s7;
	s0 =	ssub.s32 s0, s26  }
0xc: {  	s6 =	sadd.s32 s6, s2;
	s26 =	simm.s32 $0x10E00;
	_ =	strace $0x80000050  }
0xd: {  	s12 =	sadd.s32 s5, s4;
	s1 =	sshrl.u32 s1, $0x3;
	s5 =	sshrl.u32 s25, $0x3  }
0xe: {  	s1 =	sadd.s32 s4, s1;
	s8 =	sadd.s32 s5, s4;
	s5 =	sadd.s32 $0x17000, s12  }
0xf: {  	s9 =	sadd.s32 $0x177D0, s12;
	s10 =	sadd.s32 $0x17FA0, s12;
	s11 =	sadd.s32 $0x18770, s12  }
0x10: {  	s12 =	sadd.s32 $0x18F40, s12;
	s4 =	sadd.s32 $0xD000, s1;
	s7 =	sadd.s32 $0x65200, s8  }
0x11: {  	v0 =	vimm.f32 $0.0e+00;
	s8 =	smax.u32 s0, $0x1;
	s1 =	simm.s32 $0x1300;
	s0 =	simm.s32 $0x13CE0  }
.LBB2_1:
0x12: {  	[tilespmem:s3], [sflag:$0x3] =	stream.linear.gather [hbm4b:s4+s3], $0x1400, $0x38;
	[tilespmem:$0x19B80] =	vst v63  }
0x13: {  	_ =	swait.ge [sflag:s13], $0x1400  }
0x14: {  	[sflag:s13] =	ssyncset.done $0x0  }
0x15: {  	s24 =	simm.s32 $0x40;
	s25 =	simm.s32 $0x0;
	[sflag:s13] =	ssyncadd.s32 $0xFFFFEC00  }
0x16: {  	[tilespmem:s14], [sflag:$0x1] =	stream.linear.gather [hbm4b:s5+s3], $0x3E80, $0x38;
	[tilespmem:$0x19B80] =	vst v63  }
.LBB2_2:
0x17: {  	p0 =	sne.s32 s24, $0x9DC0;
	[tilespmem:s25+$0x14C80] =	vst v0;
	s25 =	smov.u32 s24;
	s24 =	sadd.s32 $0x40, s24  }
.Ltmp0:
0x18: {  	(pc) =	sbr.rel @p0 .LBB2_2-.Ltmp0, $2  }
0x19: {  	_ =	sdelay $0x2  }
0x1a: {  	s25 =	sshra.s32 s25, $0x2  }
0x1b: {  	[tilespmem:s25+$0x14C80] =	vst v0;
	s24 =	simm.s32 $0x14C80  }
0x1c: {  	[spmem:s6] =	stream.linear.scatter [tilespmem:s24], [sflag:$0x3], $0x2780, $0x38;
	[tilespmem:$0x19B80] =	vst v63  }
0x1d: {  	_ =	swait.ge [sflag:s13], $0x2780  }
0x1e: {  	[sflag:s13] =	ssyncset.done $0x0  }
0x1f: {  	[sflag:s13] =	ssyncadd.s32 $0xFFFFD880  }
0x20: {  	[bflag:$0x0] =	sbarrier.arrive $0xFFFF  }
0x21: {  	_ =	swait.ge [sflag:s16], $0x3E80  }
0x22: {  	[sflag:s16] =	ssyncset.done $0x0  }
0x23: {  	[sflag:s16] =	ssyncadd.s32 $0xFFFFC180  }
0x24: {  	[tilespmem:s17], [sflag:$0x1] =	stream.linear.gather [hbm4b:s9+s3], $0x3E80, $0x38;
	[tilespmem:$0x19B80] =	vst v63  }
0x25: {  	_ = 	snop  }
0x26: {  	[spmem:s2] =	stream.indirect.scatter.add.f32 [tilespmem:s14], [sflag:$0x2], $0x10, s3, s18, $0xb8;
	[tilespmem:$0x19B80] =	vst v63  }
0x27: {  	s25 =	simm.s32 $0x1BD0;
	s24 =	simm.s32 $0x80  }
0x28: {  	[spmem:s2] =	stream.indirect.scatter.add.f32 [tilespmem:s25], [sflag:$0x2], $0x10, s24, s18, $0xb8;
	[tilespmem:$0x19B80] =	vst v63  }
0x29: {  	s24 =	simm.s32 $0x100;
	s25 =	simm.s32 $0x23A0  }
0x2a: {  	[spmem:s2] =	stream.indirect.scatter.add.f32 [tilespmem:s25], [sflag:$0x2], $0x10, s24, s18, $0xb8;
	[tilespmem:$0x19B80] =	vst v63  }
0x2b: {  	s24 =	simm.s32 $0x180;
	s25 =	simm.s32 $0x2B70  }
0x2c: {  	[spmem:s2] =	stream.indirect.scatter.add.f32 [tilespmem:s25], [sflag:$0x2], $0x10, s24, s18, $0xb8;
	[tilespmem:$0x19B80] =	vst v63  }
0x2d: {  	s24 =	simm.s32 $0x200;
	s25 =	simm.s32 $0x3340  }
0x2e: {  	[spmem:s2] =	stream.indirect.scatter.add.f32 [tilespmem:s25], [sflag:$0x2], $0x10, s24, s18, $0xb8;
	[tilespmem:$0x19B80] =	vst v63  }
0x2f: {  	s24 =	simm.s32 $0x280;
	s25 =	simm.s32 $0x3B10  }
0x30: {  	[spmem:s2] =	stream.indirect.scatter.add.f32 [tilespmem:s25], [sflag:$0x2], $0x10, s24, s18, $0xb8;
	[tilespmem:$0x19B80] =	vst v63  }
0x31: {  	s24 =	simm.s32 $0x300;
	s25 =	simm.s32 $0x42E0  }
0x32: {  	[spmem:s2] =	stream.indirect.scatter.add.f32 [tilespmem:s25], [sflag:$0x2], $0x10, s24, s18, $0xb8;
	[tilespmem:$0x19B80] =	vst v63  }
0x33: {  	s24 =	simm.s32 $0x380;
	s25 =	simm.s32 $0x4AB0  }
0x34: {  	[spmem:s2] =	stream.indirect.scatter.add.f32 [tilespmem:s25], [sflag:$0x2], $0x10, s24, s18, $0xb8;
	[tilespmem:$0x19B80] =	vst v63  }
0x35: {  	_ =	swait.ge [sflag:s15], $0x7D0  }
0x36: {  	[sflag:s15] =	ssyncset.done $0x0  }
0x37: {  	[sflag:s15] =	ssyncadd.s32 $0xFFFFF830  }
0x38: {  	_ =	swait.ge [sflag:s15], $0x7D0  }
0x39: {  	[sflag:s15] =	ssyncset.done $0x0  }
0x3a: {  	[sflag:s15] =	ssyncadd.s32 $0xFFFFF830  }
0x3b: {  	_ =	swait.ge [sflag:s15], $0x7D0  }
0x3c: {  	[sflag:s15] =	ssyncset.done $0x0  }
0x3d: {  	[sflag:s15] =	ssyncadd.s32 $0xFFFFF830  }
0x3e: {  	_ =	swait.ge [sflag:s15], $0x7D0  }
0x3f: {  	[sflag:s15] =	ssyncset.done $0x0  }
0x40: {  	[sflag:s15] =	ssyncadd.s32 $0xFFFFF830  }
0x41: {  	_ =	swait.ge [sflag:s15], $0x7D0  }
0x42: {  	[sflag:s15] =	ssyncset.done $0x0  }
0x43: {  	[sflag:s15] =	ssyncadd.s32 $0xFFFFF830  }
0x44: {  	_ =	swait.ge [sflag:s15], $0x7D0  }
0x45: {  	[sflag:s15] =	ssyncset.done $0x0  }
0x46: {  	[sflag:s15] =	ssyncadd.s32 $0xFFFFF830  }
0x47: {  	_ =	swait.ge [sflag:s15], $0x7D0  }
0x48: {  	[sflag:s15] =	ssyncset.done $0x0  }
0x49: {  	[sflag:s15] =	ssyncadd.s32 $0xFFFFF830  }
0x4a: {  	_ =	swait.ge [sflag:s15], $0x7D0  }
0x4b: {  	[sflag:s15] =	ssyncset.done $0x0  }
0x4c: {  	[sflag:s15] =	ssyncadd.s32 $0xFFFFF830  }
0x4d: {  	_ =	swait.ge [sflag:s16], $0x3E80  }
0x4e: {  	[sflag:s16] =	ssyncset.done $0x0  }
0x4f: {  	[sflag:s16] =	ssyncadd.s32 $0xFFFFC180  }
0x50: {  	[tilespmem:s19], [sflag:$0x1] =	stream.linear.gather [hbm4b:s10+s3], $0x3E80, $0x38;
	[tilespmem:$0x19B80] =	vst v63  }
0x51: {  	s25 =	simm.s32 $0x400  }
0x52: {  	[spmem:s2] =	stream.indirect.scatter.add.f32 [tilespmem:s17], [sflag:$0x2], $0x10, s25, s18, $0xb8;
	[tilespmem:$0x19B80] =	vst v63  }
0x53: {  	s24 =	simm.s32 $0x480;
	s25 =	simm.s32 $0x5A50  }
0x54: {  	[spmem:s2] =	stream.indirect.scatter.add.f32 [tilespmem:s25], [sflag:$0x2], $0x10, s24, s18, $0xb8;
	[tilespmem:$0x19B80] =	vst v63  }
0x55: {  	s24 =	simm.s32 $0x500;
	s25 =	simm.s32 $0x6220  }
0x56: {  	[spmem:s2] =	stream.indirect.scatter.add.f32 [tilespmem:s25], [sflag:$0x2], $0x10, s24, s18, $0xb8;
	[tilespmem:$0x19B80] =	vst v63  }
0x57: {  	s24 =	simm.s32 $0x580;
	s25 =	simm.s32 $0x69F0  }
0x58: {  	[spmem:s2] =	stream.indirect.scatter.add.f32 [tilespmem:s25], [sflag:$0x2], $0x10, s24, s18, $0xb8;
	[tilespmem:$0x19B80] =	vst v63  }
0x59: {  	s24 =	simm.s32 $0x600;
	s25 =	simm.s32 $0x71C0  }
0x5a: {  	[spmem:s2] =	stream.indirect.scatter.add.f32 [tilespmem:s25], [sflag:$0x2], $0x10, s24, s18, $0xb8;
	[tilespmem:$0x19B80] =	vst v63  }
0x5b: {  	s24 =	simm.s32 $0x680;
	s25 =	simm.s32 $0x7990  }
0x5c: {  	[spmem:s2] =	stream.indirect.scatter.add.f32 [tilespmem:s25], [sflag:$0x2], $0x10, s24, s18, $0xb8;
	[tilespmem:$0x19B80] =	vst v63  }
0x5d: {  	s24 =	simm.s32 $0x700;
	s25 =	simm.s32 $0x8160  }
0x5e: {  	[spmem:s2] =	stream.indirect.scatter.add.f32 [tilespmem:s25], [sflag:$0x2], $0x10, s24, s18, $0xb8;
	[tilespmem:$0x19B80] =	vst v63  }
0x5f: {  	s24 =	simm.s32 $0x780;
	s25 =	simm.s32 $0x8930  }
0x60: {  	[spmem:s2] =	stream.indirect.scatter.add.f32 [tilespmem:s25], [sflag:$0x2], $0x10, s24, s18, $0xb8;
	[tilespmem:$0x19B80] =	vst v63  }
0x61: {  	_ =	swait.ge [sflag:s15], $0x7D0  }
0x62: {  	[sflag:s15] =	ssyncset.done $0x0  }
0x63: {  	[sflag:s15] =	ssyncadd.s32 $0xFFFFF830  }
0x64: {  	_ =	swait.ge [sflag:s15], $0x7D0  }
0x65: {  	[sflag:s15] =	ssyncset.done $0x0  }
0x66: {  	[sflag:s15] =	ssyncadd.s32 $0xFFFFF830  }
0x67: {  	_ =	swait.ge [sflag:s15], $0x7D0  }
0x68: {  	[sflag:s15] =	ssyncset.done $0x0  }
0x69: {  	[sflag:s15] =	ssyncadd.s32 $0xFFFFF830  }
0x6a: {  	_ =	swait.ge [sflag:s15], $0x7D0  }
0x6b: {  	[sflag:s15] =	ssyncset.done $0x0  }
0x6c: {  	[sflag:s15] =	ssyncadd.s32 $0xFFFFF830  }
0x6d: {  	_ =	swait.ge [sflag:s15], $0x7D0  }
0x6e: {  	[sflag:s15] =	ssyncset.done $0x0  }
0x6f: {  	[sflag:s15] =	ssyncadd.s32 $0xFFFFF830  }
0x70: {  	_ =	swait.ge [sflag:s15], $0x7D0  }
0x71: {  	[sflag:s15] =	ssyncset.done $0x0  }
0x72: {  	[sflag:s15] =	ssyncadd.s32 $0xFFFFF830  }
0x73: {  	_ =	swait.ge [sflag:s15], $0x7D0  }
0x74: {  	[sflag:s15] =	ssyncset.done $0x0  }
0x75: {  	[sflag:s15] =	ssyncadd.s32 $0xFFFFF830  }
0x76: {  	_ =	swait.ge [sflag:s15], $0x7D0  }
0x77: {  	[sflag:s15] =	ssyncset.done $0x0  }
0x78: {  	[sflag:s15] =	ssyncadd.s32 $0xFFFFF830  }
0x79: {  	_ =	swait.ge [sflag:s16], $0x3E80  }
0x7a: {  	[sflag:s16] =	ssyncset.done $0x0  }
0x7b: {  	[sflag:s16] =	ssyncadd.s32 $0xFFFFC180  }
0x7c: {  	[tilespmem:s22], [sflag:$0x1] =	stream.linear.gather [hbm4b:s11+s3], $0x3E80, $0x38;
	[tilespmem:$0x19B80] =	vst v63  }
0x7d: {  	s25 =	simm.s32 $0x800  }
0x7e: {  	[spmem:s2] =	stream.indirect.scatter.add.f32 [tilespmem:s19], [sflag:$0x2], $0x10, s25, s18, $0xb8;
	[tilespmem:$0x19B80] =	vst v63  }
0x7f: {  	s24 =	simm.s32 $0x880;
	s25 =	simm.s32 $0x98D0  }
0x80: {  	[spmem:s2] =	stream.indirect.scatter.add.f32 [tilespmem:s25], [sflag:$0x2], $0x10, s24, s18, $0xb8;
	[tilespmem:$0x19B80] =	vst v63  }
0x81: {  	s24 =	simm.s32 $0x900;
	s25 =	simm.s32 $0xA0A0  }
0x82: {  	[spmem:s2] =	stream.indirect.scatter.add.f32 [tilespmem:s25], [sflag:$0x2], $0x10, s24, s18, $0xb8;
	[tilespmem:$0x19B80] =	vst v63  }
0x83: {  	s24 =	simm.s32 $0x980;
	s25 =	simm.s32 $0xA870  }
0x84: {  	[spmem:s2] =	stream.indirect.scatter.add.f32 [tilespmem:s25], [sflag:$0x2], $0x10, s24, s18, $0xb8;
	[tilespmem:$0x19B80] =	vst v63  }
0x85: {  	s24 =	simm.s32 $0xA00;
	s25 =	simm.s32 $0xB040  }
0x86: {  	[spmem:s2] =	stream.indirect.scatter.add.f32 [tilespmem:s25], [sflag:$0x2], $0x10, s24, s18, $0xb8;
	[tilespmem:$0x19B80] =	vst v63  }
0x87: {  	s24 =	simm.s32 $0xA80;
	s25 =	simm.s32 $0xB810  }
0x88: {  	[spmem:s2] =	stream.indirect.scatter.add.f32 [tilespmem:s25], [sflag:$0x2], $0x10, s24, s18, $0xb8;
	[tilespmem:$0x19B80] =	vst v63  }
0x89: {  	s24 =	simm.s32 $0xB00;
	s25 =	simm.s32 $0xBFE0  }
0x8a: {  	[spmem:s2] =	stream.indirect.scatter.add.f32 [tilespmem:s25], [sflag:$0x2], $0x10, s24, s18, $0xb8;
	[tilespmem:$0x19B80] =	vst v63  }
0x8b: {  	s24 =	simm.s32 $0xB80;
	s25 =	simm.s32 $0xC7B0  }
0x8c: {  	[spmem:s2] =	stream.indirect.scatter.add.f32 [tilespmem:s25], [sflag:$0x2], $0x10, s24, s18, $0xb8;
	[tilespmem:$0x19B80] =	vst v63  }
0x8d: {  	_ =	swait.ge [sflag:s15], $0x7D0  }
0x8e: {  	[sflag:s15] =	ssyncset.done $0x0  }
0x8f: {  	[sflag:s15] =	ssyncadd.s32 $0xFFFFF830  }
0x90: {  	_ =	swait.ge [sflag:s15], $0x7D0  }
0x91: {  	[sflag:s15] =	ssyncset.done $0x0  }
0x92: {  	[sflag:s15] =	ssyncadd.s32 $0xFFFFF830  }
0x93: {  	_ =	swait.ge [sflag:s15], $0x7D0  }
0x94: {  	[sflag:s15] =	ssyncset.done $0x0  }
0x95: {  	[sflag:s15] =	ssyncadd.s32 $0xFFFFF830  }
0x96: {  	_ =	swait.ge [sflag:s15], $0x7D0  }
0x97: {  	[sflag:s15] =	ssyncset.done $0x0  }
0x98: {  	[sflag:s15] =	ssyncadd.s32 $0xFFFFF830  }
0x99: {  	_ =	swait.ge [sflag:s15], $0x7D0  }
0x9a: {  	[sflag:s15] =	ssyncset.done $0x0  }
0x9b: {  	[sflag:s15] =	ssyncadd.s32 $0xFFFFF830  }
0x9c: {  	_ =	swait.ge [sflag:s15], $0x7D0  }
0x9d: {  	[sflag:s15] =	ssyncset.done $0x0  }
0x9e: {  	[sflag:s15] =	ssyncadd.s32 $0xFFFFF830  }
0x9f: {  	_ =	swait.ge [sflag:s15], $0x7D0  }
0xa0: {  	[sflag:s15] =	ssyncset.done $0x0  }
0xa1: {  	[sflag:s15] =	ssyncadd.s32 $0xFFFFF830  }
0xa2: {  	_ =	swait.ge [sflag:s15], $0x7D0  }
0xa3: {  	[sflag:s15] =	ssyncset.done $0x0  }
0xa4: {  	[sflag:s15] =	ssyncadd.s32 $0xFFFFF830  }
0xa5: {  	_ =	swait.ge [sflag:s16], $0x3E80  }
0xa6: {  	[sflag:s16] =	ssyncset.done $0x0  }
0xa7: {  	[sflag:s16] =	ssyncadd.s32 $0xFFFFC180  }
0xa8: {  	[tilespmem:s26], [sflag:$0x1] =	stream.linear.gather [hbm4b:s12+s3], $0x3E80, $0x38;
	[tilespmem:$0x19B80] =	vst v63  }
0xa9: {  	s25 =	simm.s32 $0xC00  }
0xaa: {  	[spmem:s2] =	stream.indirect.scatter.add.f32 [tilespmem:s22], [sflag:$0x2], $0x10, s25, s18, $0xb8;
	[tilespmem:$0x19B80] =	vst v63  }
0xab: {  	s24 =	simm.s32 $0xC80;
	s25 =	simm.s32 $0xD750  }
0xac: {  	[spmem:s2] =	stream.indirect.scatter.add.f32 [tilespmem:s25], [sflag:$0x2], $0x10, s24, s18, $0xb8;
	[tilespmem:$0x19B80] =	vst v63  }
0xad: {  	s24 =	simm.s32 $0xD00;
	s25 =	simm.s32 $0xDF20  }
0xae: {  	[spmem:s2] =	stream.indirect.scatter.add.f32 [tilespmem:s25], [sflag:$0x2], $0x10, s24, s18, $0xb8;
	[tilespmem:$0x19B80] =	vst v63  }
0xaf: {  	s24 =	simm.s32 $0xD80;
	s25 =	simm.s32 $0xE6F0  }
0xb0: {  	[spmem:s2] =	stream.indirect.scatter.add.f32 [tilespmem:s25], [sflag:$0x2], $0x10, s24, s18, $0xb8;
	[tilespmem:$0x19B80] =	vst v63  }
0xb1: {  	s24 =	simm.s32 $0xE00;
	s25 =	simm.s32 $0xEEC0  }
0xb2: {  	[spmem:s2] =	stream.indirect.scatter.add.f32 [tilespmem:s25], [sflag:$0x2], $0x10, s24, s18, $0xb8;
	[tilespmem:$0x19B80] =	vst v63  }
0xb3: {  	s24 =	simm.s32 $0xE80;
	s25 =	simm.s32 $0xF690  }
0xb4: {  	[spmem:s2] =	stream.indirect.scatter.add.f32 [tilespmem:s25], [sflag:$0x2], $0x10, s24, s18, $0xb8;
	[tilespmem:$0x19B80] =	vst v63  }
0xb5: {  	s24 =	simm.s32 $0xF00;
	s25 =	simm.s32 $0xFE60  }
0xb6: {  	[spmem:s2] =	stream.indirect.scatter.add.f32 [tilespmem:s25], [sflag:$0x2], $0x10, s24, s18, $0xb8;
	[tilespmem:$0x19B80] =	vst v63  }
0xb7: {  	s24 =	simm.s32 $0xF80;
	s25 =	simm.s32 $0x10630  }
0xb8: {  	[spmem:s2] =	stream.indirect.scatter.add.f32 [tilespmem:s25], [sflag:$0x2], $0x10, s24, s18, $0xb8;
	[tilespmem:$0x19B80] =	vst v63  }
0xb9: {  	_ =	swait.ge [sflag:s15], $0x7D0  }
0xba: {  	[sflag:s15] =	ssyncset.done $0x0  }
0xbb: {  	[sflag:s15] =	ssyncadd.s32 $0xFFFFF830  }
0xbc: {  	_ =	swait.ge [sflag:s15], $0x7D0  }
0xbd: {  	[sflag:s15] =	ssyncset.done $0x0  }
0xbe: {  	[sflag:s15] =	ssyncadd.s32 $0xFFFFF830  }
0xbf: {  	_ =	swait.ge [sflag:s15], $0x7D0  }
0xc0: {  	[sflag:s15] =	ssyncset.done $0x0  }
0xc1: {  	[sflag:s15] =	ssyncadd.s32 $0xFFFFF830  }
0xc2: {  	_ =	swait.ge [sflag:s15], $0x7D0  }
0xc3: {  	[sflag:s15] =	ssyncset.done $0x0  }
0xc4: {  	[sflag:s15] =	ssyncadd.s32 $0xFFFFF830  }
0xc5: {  	_ =	swait.ge [sflag:s15], $0x7D0  }
0xc6: {  	[sflag:s15] =	ssyncset.done $0x0  }
0xc7: {  	[sflag:s15] =	ssyncadd.s32 $0xFFFFF830  }
0xc8: {  	_ =	swait.ge [sflag:s15], $0x7D0  }
0xc9: {  	[sflag:s15] =	ssyncset.done $0x0  }
0xca: {  	[sflag:s15] =	ssyncadd.s32 $0xFFFFF830  }
0xcb: {  	_ =	swait.ge [sflag:s15], $0x7D0  }
0xcc: {  	[sflag:s15] =	ssyncset.done $0x0  }
0xcd: {  	[sflag:s15] =	ssyncadd.s32 $0xFFFFF830  }
0xce: {  	_ =	swait.ge [sflag:s15], $0x7D0  }
0xcf: {  	[sflag:s15] =	ssyncset.done $0x0  }
0xd0: {  	[sflag:s15] =	ssyncadd.s32 $0xFFFFF830  }
0xd1: {  	_ =	swait.ge [sflag:s16], $0x3E80  }
0xd2: {  	[sflag:s16] =	ssyncset.done $0x0  }
0xd3: {  	s25 =	simm.s32 $0x1000;
	[sflag:s16] =	ssyncadd.s32 $0xFFFFC180  }
0xd4: {  	[spmem:s2] =	stream.indirect.scatter.add.f32 [tilespmem:s26], [sflag:$0x2], $0x10, s25, s18, $0xb8;
	[tilespmem:$0x19B80] =	vst v63  }
0xd5: {  	s24 =	simm.s32 $0x1080;
	s25 =	simm.s32 $0x115D0  }
0xd6: {  	[spmem:s2] =	stream.indirect.scatter.add.f32 [tilespmem:s25], [sflag:$0x2], $0x10, s24, s18, $0xb8;
	[tilespmem:$0x19B80] =	vst v63  }
0xd7: {  	s24 =	simm.s32 $0x1100;
	s25 =	simm.s32 $0x11DA0  }
0xd8: {  	[spmem:s2] =	stream.indirect.scatter.add.f32 [tilespmem:s25], [sflag:$0x2], $0x10, s24, s18, $0xb8;
	[tilespmem:$0x19B80] =	vst v63  }
0xd9: {  	s24 =	simm.s32 $0x1180;
	s25 =	simm.s32 $0x12570  }
0xda: {  	[spmem:s2] =	stream.indirect.scatter.add.f32 [tilespmem:s25], [sflag:$0x2], $0x10, s24, s18, $0xb8;
	[tilespmem:$0x19B80] =	vst v63  }
0xdb: {  	_ = 	snop  }
0xdc: {  	[spmem:s2] =	stream.indirect.scatter.add.f32 [tilespmem:s29], [sflag:$0x2], $0x10, s28, s18, $0xb8;
	[tilespmem:$0x19B80] =	vst v63  }
0xdd: {  	_ = 	snop  }
0xde: {  	[spmem:s2] =	stream.indirect.scatter.add.f32 [tilespmem:s31], [sflag:$0x2], $0x10, s30, s18, $0xb8;
	[tilespmem:$0x19B80] =	vst v63  }
0xdf: {  	_ = 	snop  }
0xe0: {  	[spmem:s2] =	stream.indirect.scatter.add.f32 [tilespmem:s0], [sflag:$0x2], $0x10, s1, s18, $0xb8;
	[tilespmem:$0x19B80] =	vst v63  }
0xe1: {  	_ = 	snop  }
0xe2: {  	[spmem:s2] =	stream.indirect.scatter.add.f32 [tilespmem:s21], [sflag:$0x2], $0x10, s20, s18, $0xb8;
	[tilespmem:$0x19B80] =	vst v63  }
0xe3: {  	_ =	swait.ge [sflag:s15], $0x7D0  }
0xe4: {  	[sflag:s15] =	ssyncset.done $0x0  }
0xe5: {  	[sflag:s15] =	ssyncadd.s32 $0xFFFFF830  }
0xe6: {  	_ =	swait.ge [sflag:s15], $0x7D0  }
0xe7: {  	[sflag:s15] =	ssyncset.done $0x0  }
0xe8: {  	[sflag:s15] =	ssyncadd.s32 $0xFFFFF830  }
0xe9: {  	_ =	swait.ge [sflag:s15], $0x7D0  }
0xea: {  	[sflag:s15] =	ssyncset.done $0x0  }
0xeb: {  	[sflag:s15] =	ssyncadd.s32 $0xFFFFF830  }
0xec: {  	_ =	swait.ge [sflag:s15], $0x7D0  }
0xed: {  	[sflag:s15] =	ssyncset.done $0x0  }
0xee: {  	[sflag:s15] =	ssyncadd.s32 $0xFFFFF830  }
0xef: {  	_ =	swait.ge [sflag:s15], $0x7D0  }
0xf0: {  	[sflag:s15] =	ssyncset.done $0x0  }
0xf1: {  	[sflag:s15] =	ssyncadd.s32 $0xFFFFF830  }
0xf2: {  	_ =	swait.ge [sflag:s15], $0x7D0  }
0xf3: {  	[sflag:s15] =	ssyncset.done $0x0  }
0xf4: {  	[sflag:s15] =	ssyncadd.s32 $0xFFFFF830  }
0xf5: {  	_ =	swait.ge [sflag:s15], $0x7D0  }
0xf6: {  	[sflag:s15] =	ssyncset.done $0x0  }
0xf7: {  	[sflag:s15] =	ssyncadd.s32 $0xFFFFF830  }
0xf8: {  	s23 =	sadd.s32 $0x1, s23;
	_ =	swait.ge [sflag:s15], $0x7D0  }
0xf9: {  	p0 =	sne.s32 s23, s8;
	s25 =	stileid.u32;
	[sflag:s15] =	ssyncset.done $0x0  }
0xfa: {  	s24 =	sshll.u32 s25, $0x6;
	s25 =	sshrl.u32 s6, $0x3;
	[sflag:s15] =	ssyncadd.s32 $0xFFFFF830  }
.Ltmp1:
0xfb: {  	s24 =	sor.u32 $0x1C03, s24;
	[bflag:$0x0] =	sbarrier.arrive $0xFFFF;
	(pc) =	sbr.rel @p0 .LBB2_1-.Ltmp1, $4  }
0xfc: {  	[hbm:s7], [sflag:s24] =	dma.local [spmem:s25], $0x4F0  }
0xfd: {  	_ =	swait.ge [sflag:s13], $0x4F0  }
0xfe: {  	[sflag:s13] =	ssyncset.done $0x0  }
0xff: {  	[sflag:s13] =	ssyncadd.s32 $0xFFFFFB10  }
0x100: {  	_ =	sfence.sel $0x180000  }
0x101: {  	[bflag:$0x0] =	sbarrier.arrive $0xFFFF  }
0x102: {  	_ =	strace $0x90000050  }
0x103: {  	s0 =	stileid.u32;
	[bflag:$0x2] =	sbarrier.arrive $0xFFFF  }
0x104: {  	p0 =	sne.s32 s0, $0x0;
	s0 =	rddreg [dreg:$0x2]  }
0x105: {  	s0 =	sadd.s32 @!p0 $0x100000, s0  }
0x106: {  	[sflag:s0] =	ssyncadd.tile.s32 @!p0 $0x1;
	_ =	shalt  }
.Lfunc_end2:
_tile_overlayer_lowered:
.L_overlay_start_2:
0x107: {  	(tag) =	ssettag $0x2  }
0x108: {  	s0 =	rddreg [dreg:$0x0];
	s2 =	stileid.u32  }
0x109: {  	s1 =	rddreg [dreg:$0x1];
	p0 =	sne.s32 s2, $0x0  }
0x10a: {  	s3 =	rddreg [dreg:$0x2];
	[bflag:$0x3] =	sbarrier.arrive $0xFFFF;
	s2 =	simm.s32 @!p0 $0x1C03  }
0x10b: {  	[timem:s3], [sflag:s2] =	dma.local @!p0 [hbm:s0], s1  }
0x10c: {  	s0 =	simm.s32 @!p0 $0x3  }
0x10d: {  	_ =	swait.ge @!p0 [sflag:s0], s1  }
0x10e: {  	s1 =	ssub.s32 @!p0 $0x0, s1;
	[sflag:s0] =	ssyncset.done @!p0 $0x0  }
0x10f: {  	[sflag:s0] =	ssyncadd.s32 @!p0 s1  }
0x110: {  	[bflag:$0x3] =	sbarrier.arrive $0xFFFF  }
0x111: {  	_ =	shalt  }

// kernel: kernel.27.cloned.1.call-start
scs
__scs_entry_jumppad:
0x0: {  	(pc) =	sbr.rel $0x88, $3  }
0x1: {  	(tag) =	ssettag $0x0;
	lr =	simm.s32 $0x1  }
0x2: {  	[smem:$0x3F85] =	sst lr;
	_ =	strace $0xD0000000  }
0x3: {  	_ = 	snop  }
0x4: {  	_ = 	snop  }
0x5: {  	_ = 	snop  }
0x6: {  	_ = 	snop  }
0x7: {  	_ = 	snop  }
__scs_overlays_trampoline_lowered:
0x8: {  	[smem:$0x3F94] =	sst s0  }
0x9: {  	[smem:$0x3F95] =	sst s1  }
0xa: {  	[smem:$0x3F96] =	sst s2  }
0xb: {  	[smem:$0x3F97] =	sst s3  }
0xc: {  	[smem:$0x3F98] =	sst s4  }
0xd: {  	[smem:$0x3F99] =	sst s5  }
0xe: {  	[smem:$0x3F9A] =	sst s6  }
0xf: {  	[smem:$0x3F9B] =	sst s7  }
0x10: {  	[smem:$0x3F9C] =	sst s8  }
0x11: {  	[smem:$0x3F9D] =	sst s9;
	s0 =	simm.s32 @!p0 $0x0  }
0x12: {  	s1 =	sld [smem:$0x3F83];
	s0 =	simm.s32 @p0 $0x1  }
0x13: {  	[smem:$0x3F9E] =	sst s0;
	s0 =	simm.s32 @!p1 $0x0  }
0x14: {  	s2 =	sld [smem:$0x3F82];
	s0 =	simm.s32 @p1 $0x1  }
0x15: {  	[smem:$0x3F9F] =	sst s0;
	s0 =	simm.s32 @!p2 $0x0  }
0x16: {  	s3 =	sld [smem:$0x3FDB];
	s0 =	simm.s32 @p2 $0x1  }
0x17: {  	s4 =	simm.s32 $0x1BF5;
	[smem:$0x3FA1] =	sst s0  }
0x18: {  	s0 =	sld [smem:$0x3F84];
	_ =	swait.ge [sflag:s4], $0x0  }
0x19: {  	s7 =	sld [smem:$0x3F85]  }
0x1a: {  	s8 =	sadd.s32 $0xFFFFE003, lr  }
0x1b: {  	s9 =	sadd.s32 $0xFFFFFEF7, lr;
	s5 =	simm.s32 $0xFFFFFFFF;
	p2 =	slt.u32 s8, $0xFFFFF086  }
0x1c: {  	p1 =	slt.u32 s9, $0xF7A;
	s5 =	simm.s32 @!p2 $0x0  }
0x1d: {  	s5 =	simm.s32 @p1 $0x1;
	p0 =	seq.s32 s7, s2  }
0x1e: {  	s7 =	smul.u32 @!p0 $0xF7A, s2;
	p2 =	seq.s32 @!p0 s5, $0x0  }
0x1f: {  	s9 =	smul.u32 $0xF7A, s1;
	s8 =	simm.s32 @!p0 $0x1BF5;
	p2 =	por !p2, p0  }
0x20: {  	[sflag:s8] =	ssyncset.s32 @!p0 $0xFFFFF086;
	s6 =	sadd.s32 @!p0 s3, s7;
	s7 =	simm.s32 @!p0 $0x108  }
0x21: {  	s3 =	sadd.s32 s3, s9;
	s6 =	sadd.s32 @!p0 $0x88, s6;
	s7 =	simm.s32 @p2 $0x1082  }
0x22: {  	[simem:s7], [sflag:s8] =	dma.local @!p0 [hbm:s6], $0xF7A  }
0x23: {  	s9 =	sor.u32 $0xD0000000, s2;
	s6 =	simm.s32 $0x108;
	_ =	swait.ge @!p0 [sflag:s8], $0x0  }
0x24: {  	s3 =	sadd.s32 $0x88, s3;
	s6 =	simm.s32 @!p1 $0x1082;
	[sflag:s4] =	ssyncset.s32 $0xFFFFF086  }
0x25: {  	[simem:s6], [sflag:s4] =	dma.local [hbm:s3], $0xF7A  }
0x26: {  	[smem:$0x3F85] =	sst s1;
	(tag) =	ssettag s2;
	_ =	strace s9  }
0x27: {  	s1 =	sld [smem:$0x3F95]  }
0x28: {  	s2 =	sld [smem:$0x3F96]  }
0x29: {  	s4 =	sld [smem:$0x3F98]  }
0x2a: {  	p0 =	seq.s32 s5, $0x0;
	s5 =	sld [smem:$0x3F99]  }
0x2b: {  	s6 =	sld [smem:$0x3F9A]  }
0x2c: {  	s7 =	sld [smem:$0x3F9B]  }
0x2d: {  	s3 =	simm.s32 $0x108;
	s8 =	sld [smem:$0x3F9C]  }
0x2e: {  	s3 =	simm.s32 @!p0 $0x1082;
	s9 =	sld [smem:$0x3F9D]  }
0x2f: {  	lr =	sadd.s32 s0, s3;
	s0 =	sld [smem:$0x3F94]  }
0x30: {  	s3 =	sld [smem:$0x3F97]  }
0x31: {  	[smem:$0x3FA0] =	sst s10  }
0x32: {  	s10 =	sld [smem:$0x3F9E];
	_ =	sdelay $0x3  }
0x33: {  	p0 =	seq.s32 s10, $0x1;
	s10 =	sld [smem:$0x3FA0];
	_ =	sdelay $0x3  }
0x34: {  	[smem:$0x3FA0] =	sst s10  }
0x35: {  	s10 =	sld [smem:$0x3F9F];
	_ =	sdelay $0x3  }
0x36: {  	p1 =	seq.s32 s10, $0x1;
	s10 =	sld [smem:$0x3FA0];
	_ =	sdelay $0x3  }
0x37: {  	[smem:$0x3FA0] =	sst s10  }
0x38: {  	s10 =	sld [smem:$0x3FA1]  }
0x39: {  	_ = 	snop;
	(pc) =	sbr.ind lr, $3  }
0x3a: {  	_ = 	snop  }
0x3b: {  	_ = 	snop  }
0x3c: {  	p2 =	seq.s32 s10, $0x1;
	s10 =	sld [smem:$0x3FA0]  }
0x3d: {  	_ =	shalt  }
0x3e: {  	_ =	shalt  }
0x3f: {  	_ =	shalt  }
0x40: {  	_ =	shalt  }
0x41: {  	_ =	shalt  }
0x42: {  	_ =	shalt  }
0x43: {  	_ =	shalt  }
0x44: {  	_ =	shalt  }
0x45: {  	_ =	shalt  }
0x46: {  	_ =	shalt  }
0x47: {  	_ =	shalt  }
0x48: {  	_ =	shalt  }
0x49: {  	_ =	shalt  }
0x4a: {  	_ =	shalt  }
0x4b: {  	_ =	shalt  }
0x4c: {  	_ =	shalt  }
0x4d: {  	_ =	shalt  }
0x4e: {  	_ =	shalt  }
0x4f: {  	_ =	shalt  }
0x50: {  	_ =	shalt  }
0x51: {  	_ =	shalt  }
0x52: {  	_ =	shalt  }
0x53: {  	_ =	shalt  }
0x54: {  	_ =	shalt  }
0x55: {  	_ =	shalt  }
0x56: {  	_ =	shalt  }
0x57: {  	_ =	shalt  }
0x58: {  	_ =	shalt  }
0x59: {  	_ =	shalt  }
0x5a: {  	_ =	shalt  }
0x5b: {  	_ =	shalt  }
0x5c: {  	_ =	shalt  }
0x5d: {  	_ =	shalt  }
0x5e: {  	_ =	shalt  }
0x5f: {  	_ =	shalt  }
0x60: {  	_ =	shalt  }
0x61: {  	_ =	shalt  }
0x62: {  	_ =	shalt  }
0x63: {  	_ =	shalt  }
0x64: {  	_ =	shalt  }
0x65: {  	_ =	shalt  }
0x66: {  	_ =	shalt  }
0x67: {  	_ =	shalt  }
0x68: {  	_ =	shalt  }
0x69: {  	_ =	shalt  }
0x6a: {  	_ =	shalt  }
0x6b: {  	_ =	shalt  }
0x6c: {  	_ =	shalt  }
0x6d: {  	_ =	shalt  }
0x6e: {  	_ =	shalt  }
0x6f: {  	_ =	shalt  }
0x70: {  	_ =	shalt  }
0x71: {  	_ =	shalt  }
0x72: {  	_ =	shalt  }
0x73: {  	_ =	shalt  }
0x74: {  	_ =	shalt  }
0x75: {  	_ =	shalt  }
0x76: {  	_ =	shalt  }
0x77: {  	_ =	shalt  }
0x78: {  	_ =	shalt  }
0x79: {  	_ =	shalt  }
0x7a: {  	_ =	shalt  }
0x7b: {  	_ =	shalt  }
0x7c: {  	_ =	shalt  }
0x7d: {  	_ =	shalt  }
0x7e: {  	_ =	shalt  }
0x7f: {  	_ =	shalt  }
0x80: {  	_ =	shalt  }
0x81: {  	_ =	shalt  }
0x82: {  	_ =	shalt  }
0x83: {  	_ =	shalt  }
0x84: {  	_ =	shalt  }
0x85: {  	_ =	shalt  }
0x86: {  	_ =	shalt  }
0x87: {  	_ =	shalt  }
.Lfunc_end0:
.L_simem_size_0:
called_computation.4_lowered:
.L_overlay_start_0:
0x88: {  	s2 =	sld [smem:$0x3FD9]  }
0x89: {  	s3 =	sld [smem:$0x3FFE];
	_ =	sdelay $0x1  }
0x8a: {  	s1 =	srdreg.scid  }
0x8b: {  	s0 =	sand.u32 $0x1, s1  }
0x8c: {  	s16 =	sshll.u32 s0, $0xA;
	s2 =	sadd.s32 s3, s2  }
0x8d: {  	s2 =	sadd.s32 s2, s16  }
0x8e: {  	[smem:$0x3FAC] =	sst s2  }
0x8f: {  	_ = 	snop  }
0x90: {  	(tm) =	ssettm $0x1  }
0x91: {  	s17 =	sld [smem:$0x3FFB];
	_ =	sdelay $0x3  }
0x92: {  	_ =	strace s17  }
0x93: {  	s2 =	sld [smem:$0x3FFC];
	_ =	sdelay $0x3  }
0x94: {  	_ =	strace s2  }
0x95: {  	s2 =	sld [smem:$0x3FFD];
	_ =	sdelay $0x3  }
0x96: {  	_ =	strace s2  }
0x97: {  	_ =	strace $0x8FFFFFFF  }
0x98: {  	s18 =	sld [smem:$0x3FDB];
	_ =	sdelay $0x1  }
0x99: {  	s19 =	simm.s32 $_scs_section_size  }
0x9a: {  	s4 =	simm.s32 $_size__tile_overlayer_lowered;
	s5 =	simm.s32 $_tile_overlayer_lowered  }
0x9b: {  	s22 =	simm.s32 $0x1BFF;
	s21 =	sshll.u32 s5, $0x1;
	s2 =	sadd.s32 s19, s18  }
0x9c: {  	s6 =	simm.s32 $0x0;
	s20 =	sshll.u32 s4, $0x1;
	s4 =	sadd.s32 s21, s2  }
0x9d: {  	[timem:s6], [sflag:s22] =	dma.local [hbm:s4], s20  }
0x9e: {  	_ =	swait.ge [sflag:s22], s20  }
0x9f: {  	s3 =	ssub.s32 $0x0, s20;
	[sflag:s22] =	ssyncset.done $0x0  }
0xa0: {  	[sflag:s22] =	ssyncadd.s32 s3;
	_ =	sdelay $0x1  }
0xa1: {  	s23 =	simm.s32 $0x1B8B  }
0xa2: {  	_ =	swait.ge [sflag:s23], $0x1  }
0xa3: {  	[sflag:s23] =	ssyncset.done $0x0  }
0xa4: {  	s25 =	simm.s32 $0x1B8E;
	s24 =	sld [smem:$0x3FFE];
	[sflag:s23] =	ssyncadd.s32 $0xFFFFFFFF  }
0xa5: {  	s26 =	simm.s32 $execute0_lowered;
	[smem:$0x3FD2] =	sst s25  }
0xa6: {  	s4 =	sshll.u32 s26, $0x1;
	_ =	strace $0x80000052;
	[dreg:$0x1] =	wrdreg $0xFFFFFFFF  }
0xa7: {  	s28 =	simm.s32 $_size_execute0_lowered;
	s2 =	sadd.s32 s2, s4;
	[dreg:$0x0] =	wrdreg $0x0  }
0xa8: {  	s4 =	sshll.u32 s28, $0x1;
	[dreg:$0x2] =	wrdreg s2  }
0xa9: {  	[dreg:$0x3] =	wrdreg s4  }
0xaa: {  	[dreg:$0x4] =	wrdreg $0xC0  }
0xab: {  	_ =	task [dreg:s6], $0x5FFFF  }
0xac: {  	[dreg:$0x1] =	wrdreg $0xFFFFFFFF  }
0xad: {  	[dreg:$0x0] =	wrdreg $0x60  }
0xae: {  	[dreg:$0x2] =	wrdreg s24  }
0xaf: {  	[dreg:$0x3] =	wrdreg $0x9  }
0xb0: {  	_ =	task.clear_ibuf [dreg:s6], $0x4FFFF;
	_ =	strace $0x90000052  }
0xb1: {  	s29 =	simm.s32 $0x9;
	_ =	strace $0x80000054  }
0xb2: {  	_ =	swait.ge [sflag:s29], $0x1  }
0xb3: {  	[sflag:s29] =	ssyncadd.s32 $0xFFFFFFFF  }
0xb4: {  	_ =	strace $0x90000054  }
0xb5: {  	_ =	sfence  }
0xb6: {  	s30 =	sld [smem:$0x0];
	_ =	sdelay $0x2  }
0xb7: {  	s31 =	sshll.u32 s1, $0xD;
	s1 =	sshrl.u32 s1, $0x2  }
0xb8: {  	s3 =	sand.u32 $0x4000, s31;
	s1 =	sadd.s32 s1, s30  }
0xb9: {  	s0 =	sor.u32 s3, s0;
	s1 =	sshll.u32 s1, $0x11  }
0xba: {  	s0 =	sor.u32 s1, s0  }
0xbb: {  	s0 =	sadd.s32 $0x8F2B, s0  }
0xbc: {  	[sflag:s0] =	ssyncadd.remote.s32 $0x1  }
0xbd: {  	_ =	sfence.sel $0xFFFF  }
0xbe: {  	[dreg:$0x0] =	wrdreg $0xFFFFFFFF;
	(pc) =	sbr.abs _section_cstart, $3  }
0xbf: {  	[dreg:$0x1] =	wrdreg $0xFFFFFFFF  }
0xc0: {  	_ =	task.clear_ibuf [dreg:s6], $0x2FFFF;
	_ =	strace $0x9FFFFFFF  }
0xc1: {  	(tm) =	ssettm $0x7FFFFFFF  }
tec
execute0_lowered:
.L_overlay_start_1:
0x0: {  	(tag) =	ssettag $0x1  }
0x1: {  	s0 =	srdreg.scid  }
0x2: {  	s4 =	rddreg [dreg:$0x0];
	s1 =	stileid.u32;
	s2 =	simm.s32 $0x0  }
0x3: {  	s10 =	simm.s32 $0x1;
	s3 =	sand.u32 $0x1, s0;
	s0 =	rddreg [dreg:$0x1]  }
0x4: {  	s11 =	simm.s32 $0x0;
	[smem:$0x7FF] =	sst s2;
	s9 =	smul.u32 $0x2710, s1  }
0x5: {  	s5 =	sshll.u32 s3, $0x4;
	_ =	strace $0x80000053;
	s6 =	smul.u32 $0x27100, s3  }
0x6: {  	s7 =	ssub.s32 $0x2, s3;
	s3 =	sadd.s32 $0x12000, s4;
	s5 =	sor.u32 s1, s5  }
0x7: {  	s8 =	sshrl.u32 s7, $0x1;
	s5 =	smul.u32 $0x280, s5;
	s6 =	sadd.s32 s6, s4  }
0x8: {  	s7 =	ssub.s32 s7, s8;
	s8 =	simm.s32 $0x7D;
	s6 =	sadd.s32 s9, s6  }
0x9: {  	s9 =	simm.s32 $0x2;
	s5 =	sadd.s32 s5, s4;
	s6 =	sadd.s32 $0x17000, s6  }
0xa: {  	s4 =	sadd.s32 $0x8000, s5;
	s5 =	smax.u32 s7, $0x1;
	s7 =	simm.s32 $0x3  }
.LBB2_1:
0xb: {  	[tilespmem:s2], [sflag:$0x3] =	stream.linear.gather [hbm4b:s4+s2], $0x1400, $0x38;
	[tilespmem:$0x14C80] =	vst v63  }
0xc: {  	_ =	swait.ge [sflag:s7], $0x1400  }
0xd: {  	[sflag:s7] =	ssyncset.done $0x0  }
0xe: {  	s12 =	simm.s32 $0x1400;
	s13 =	simm.s32 $0x0;
	[sflag:s7] =	ssyncadd.s32 $0xFFFFEC00  }
0xf: {  	[tilespmem:s12], [sflag:$0x2] =	stream.indirect.gather [hbm4b:s3+s8], $0x10, s13, s8, $0xb8;
	[tilespmem:$0x14C80] =	vst v63  }
0x10: {  	s18 =	simm.s32 $0x1BD0;
	s14 =	simm.s32 $0x80  }
0x11: {  	[tilespmem:s18], [sflag:$0x2] =	stream.indirect.gather [hbm4b:s3+s8], $0x10, s14, s8, $0xb8;
	[tilespmem:$0x14C80] =	vst v63  }
0x12: {  	s19 =	simm.s32 $0x23A0;
	s20 =	simm.s32 $0x100  }
0x13: {  	[tilespmem:s19], [sflag:$0x2] =	stream.indirect.gather [hbm4b:s3+s8], $0x10, s20, s8, $0xb8;
	[tilespmem:$0x14C80] =	vst v63  }
0x14: {  	s21 =	simm.s32 $0x2B70;
	s22 =	simm.s32 $0x180  }
0x15: {  	[tilespmem:s21], [sflag:$0x2] =	stream.indirect.gather [hbm4b:s3+s8], $0x10, s22, s8, $0xb8;
	[tilespmem:$0x14C80] =	vst v63  }
0x16: {  	s23 =	simm.s32 $0x3340;
	s24 =	simm.s32 $0x200  }
0x17: {  	[tilespmem:s23], [sflag:$0x2] =	stream.indirect.gather [hbm4b:s3+s8], $0x10, s24, s8, $0xb8;
	[tilespmem:$0x14C80] =	vst v63  }
0x18: {  	s25 =	simm.s32 $0x3B10;
	s26 =	simm.s32 $0x280  }
0x19: {  	[tilespmem:s25], [sflag:$0x2] =	stream.indirect.gather [hbm4b:s3+s8], $0x10, s26, s8, $0xb8;
	[tilespmem:$0x14C80] =	vst v63  }
0x1a: {  	s28 =	simm.s32 $0x42E0;
	s29 =	simm.s32 $0x300  }
0x1b: {  	[tilespmem:s28], [sflag:$0x2] =	stream.indirect.gather [hbm4b:s3+s8], $0x10, s29, s8, $0xb8;
	[tilespmem:$0x14C80] =	vst v63  }
0x1c: {  	s30 =	simm.s32 $0x4AB0;
	s31 =	simm.s32 $0x380  }
0x1d: {  	[tilespmem:s30], [sflag:$0x2] =	stream.indirect.gather [hbm4b:s3+s8], $0x10, s31, s8, $0xb8;
	[tilespmem:$0x14C80] =	vst v63  }
0x1e: {  	_ =	swait.ge [sflag:s9], $0x7D0  }
0x1f: {  	[sflag:s9] =	ssyncset.done $0x0  }
0x20: {  	[sflag:s9] =	ssyncadd.s32 $0xFFFFF830  }
0x21: {  	_ =	swait.ge [sflag:s9], $0x7D0  }
0x22: {  	[sflag:s9] =	ssyncset.done $0x0  }
0x23: {  	[sflag:s9] =	ssyncadd.s32 $0xFFFFF830  }
0x24: {  	_ =	swait.ge [sflag:s9], $0x7D0  }
0x25: {  	[sflag:s9] =	ssyncset.done $0x0  }
0x26: {  	[sflag:s9] =	ssyncadd.s32 $0xFFFFF830  }
0x27: {  	_ =	swait.ge [sflag:s9], $0x7D0  }
0x28: {  	[sflag:s9] =	ssyncset.done $0x0  }
0x29: {  	[sflag:s9] =	ssyncadd.s32 $0xFFFFF830  }
0x2a: {  	_ =	swait.ge [sflag:s9], $0x7D0  }
0x2b: {  	[sflag:s9] =	ssyncset.done $0x0  }
0x2c: {  	[sflag:s9] =	ssyncadd.s32 $0xFFFFF830  }
0x2d: {  	_ =	swait.ge [sflag:s9], $0x7D0  }
0x2e: {  	[sflag:s9] =	ssyncset.done $0x0  }
0x2f: {  	[sflag:s9] =	ssyncadd.s32 $0xFFFFF830  }
0x30: {  	_ =	swait.ge [sflag:s9], $0x7D0  }
0x31: {  	[sflag:s9] =	ssyncset.done $0x0  }
0x32: {  	[sflag:s9] =	ssyncadd.s32 $0xFFFFF830  }
0x33: {  	_ =	swait.ge [sflag:s9], $0x7D0  }
0x34: {  	s15 =	sadd.s32 $0x7D0, s6;
	s16 =	smov.u32 s6;
	[sflag:s9] =	ssyncset.done $0x0  }
0x35: {  	s13 =	simm.s32 $0x1000;
	s14 =	simm.s32 $0x5280;
	[sflag:s9] =	ssyncadd.s32 $0xFFFFF830  }
.LBB2_2:
0x36: {  	[hbm4b:s16+s2] =	stream.linear.scatter [tilespmem:s12], [sflag:$0x1], $0x3E80, $0x38;
	[tilespmem:$0x14C80] =	vst v63  }
0x37: {  	s17 =	sshra.s32 s13, $0x2;
	p0 =	sne.s32 s13, $0x4000;
	s13 =	sadd.s32 $0x1000, s13  }
0x38: {  	[tilespmem:s14], [sflag:$0x2] =	stream.indirect.gather [hbm4b:s3+s8], $0x10, s17, s8, $0xb8;
	[tilespmem:$0x14C80] =	vst v63  }
0x39: {  	s16 =	sadd.s32 $0x7D0, s14;
	s12 =	smov.u32 s14;
	s18 =	sadd.s32 $0x80, s17  }
0x3a: {  	[tilespmem:s16], [sflag:$0x2] =	stream.indirect.gather [hbm4b:s3+s8], $0x10, s18, s8, $0xb8;
	[tilespmem:$0x14C80] =	vst v63  }
0x3b: {  	s19 =	sadd.s32 $0x100, s17;
	s18 =	sadd.s32 $0xFA0, s14;
	s16 =	smov.u32 s15  }
0x3c: {  	[tilespmem:s18], [sflag:$0x2] =	stream.indirect.gather [hbm4b:s3+s8], $0x10, s19, s8, $0xb8;
	[tilespmem:$0x14C80] =	vst v63  }
0x3d: {  	s18 =	sadd.s32 $0x1770, s14;
	s19 =	sadd.s32 $0x180, s17  }
0x3e: {  	[tilespmem:s18], [sflag:$0x2] =	stream.indirect.gather [hbm4b:s3+s8], $0x10, s19, s8, $0xb8;
	[tilespmem:$0x14C80] =	vst v63  }
0x3f: {  	s18 =	sadd.s32 $0x1F40, s14;
	s19 =	sadd.s32 $0x200, s17  }
0x40: {  	[tilespmem:s18], [sflag:$0x2] =	stream.indirect.gather [hbm4b:s3+s8], $0x10, s19, s8, $0xb8;
	[tilespmem:$0x14C80] =	vst v63  }
0x41: {  	s18 =	sadd.s32 $0x2710, s14;
	s19 =	sadd.s32 $0x280, s17  }
0x42: {  	[tilespmem:s18], [sflag:$0x2] =	stream.indirect.gather [hbm4b:s3+s8], $0x10, s19, s8, $0xb8;
	[tilespmem:$0x14C80] =	vst v63  }
0x43: {  	s18 =	sadd.s32 $0x2EE0, s14;
	s19 =	sadd.s32 $0x300, s17  }
0x44: {  	[tilespmem:s18], [sflag:$0x2] =	stream.indirect.gather [hbm4b:s3+s8], $0x10, s19, s8, $0xb8;
	[tilespmem:$0x14C80] =	vst v63  }
0x45: {  	s17 =	sadd.s32 $0x380, s17;
	s18 =	sadd.s32 $0x36B0, s14  }
0x46: {  	[tilespmem:s18], [sflag:$0x2] =	stream.indirect.gather [hbm4b:s3+s8], $0x10, s17, s8, $0xb8;
	[tilespmem:$0x14C80] =	vst v63  }
0x47: {  	_ =	swait.ge [sflag:s9], $0x7D0  }
0x48: {  	[sflag:s9] =	ssyncset.done $0x0  }
0x49: {  	[sflag:s9] =	ssyncadd.s32 $0xFFFFF830  }
0x4a: {  	_ =	swait.ge [sflag:s9], $0x7D0  }
0x4b: {  	[sflag:s9] =	ssyncset.done $0x0  }
0x4c: {  	[sflag:s9] =	ssyncadd.s32 $0xFFFFF830  }
0x4d: {  	_ =	swait.ge [sflag:s9], $0x7D0  }
0x4e: {  	[sflag:s9] =	ssyncset.done $0x0  }
0x4f: {  	[sflag:s9] =	ssyncadd.s32 $0xFFFFF830  }
0x50: {  	_ =	swait.ge [sflag:s9], $0x7D0  }
0x51: {  	[sflag:s9] =	ssyncset.done $0x0  }
0x52: {  	[sflag:s9] =	ssyncadd.s32 $0xFFFFF830  }
0x53: {  	_ =	swait.ge [sflag:s9], $0x7D0  }
0x54: {  	[sflag:s9] =	ssyncset.done $0x0  }
0x55: {  	[sflag:s9] =	ssyncadd.s32 $0xFFFFF830  }
0x56: {  	_ =	swait.ge [sflag:s9], $0x7D0  }
0x57: {  	[sflag:s9] =	ssyncset.done $0x0  }
0x58: {  	[sflag:s9] =	ssyncadd.s32 $0xFFFFF830  }
0x59: {  	_ =	swait.ge [sflag:s9], $0x7D0  }
.Ltmp0:
0x5a: {  	[sflag:s9] =	ssyncset.done $0x0;
	(pc) =	sbr.rel @p0 .LBB2_2-.Ltmp0, $4  }
0x5b: {  	[sflag:s9] =	ssyncadd.s32 $0xFFFFF830  }
0x5c: {  	_ =	swait.ge [sflag:s9], $0x7D0  }
0x5d: {  	[sflag:s9] =	ssyncset.done $0x0  }
0x5e: {  	s15 =	sadd.s32 $0x7D0, s15;
	s14 =	sadd.s32 $0x3E80, s14;
	[sflag:s9] =	ssyncadd.s32 $0xFFFFF830  }
0x5f: {  	[hbm4b:s16+s2] =	stream.linear.scatter [tilespmem:s12], [sflag:$0x1], $0x3E80, $0x38;
	[tilespmem:$0x14C80] =	vst v63  }
0x60: {  	_ =	swait.ge [sflag:s10], $0x3E80  }
0x61: {  	[sflag:s10] =	ssyncset.done $0x0  }
0x62: {  	[sflag:s10] =	ssyncadd.s32 $0xFFFFC180  }
0x63: {  	_ =	swait.ge [sflag:s10], $0x3E80  }
0x64: {  	[sflag:s10] =	ssyncset.done $0x0  }
0x65: {  	[sflag:s10] =	ssyncadd.s32 $0xFFFFC180  }
0x66: {  	_ =	swait.ge [sflag:s10], $0x3E80  }
0x67: {  	[sflag:s10] =	ssyncset.done $0x0  }
0x68: {  	s11 =	sadd.s32 $0x1, s11;
	[sflag:s10] =	ssyncadd.s32 $0xFFFFC180  }
0x69: {  	p0 =	sne.s32 s11, s5;
	_ =	swait.ge [sflag:s10], $0x3E80  }
.Ltmp1:
0x6a: {  	[sflag:s10] =	ssyncset.done $0x0;
	(pc) =	sbr.rel @p0 .LBB2_1-.Ltmp1, $4  }
0x6b: {  	[sflag:s10] =	ssyncadd.s32 $0xFFFFC180  }
0x6c: {  	_ =	swait.ge [sflag:s10], $0x3E80  }
0x6d: {  	[sflag:s10] =	ssyncset.done $0x0  }
0x6e: {  	[sflag:s10] =	ssyncadd.s32 $0xFFFFC180  }
0x6f: {  	_ =	sfence.sel $0x180000  }
0x70: {  	[bflag:$0x0] =	sbarrier.arrive $0xFFFF  }
0x71: {  	p0 =	sne.s32 s1, $0x0;
	_ =	strace $0x90000053  }
0x72: {  	s0 =	sadd.s32 @!p0 $0x100000, s0;
	[bflag:$0x2] =	sbarrier.arrive $0xFFFF  }
0x73: {  	[sflag:s0] =	ssyncadd.tile.s32 @!p0 $0x1;
	_ =	shalt  }
.Lfunc_end2:
_tile_overlayer_lowered:
.L_overlay_start_2:
0x74: {  	(tag) =	ssettag $0x2  }
0x75: {  	s0 =	rddreg [dreg:$0x0];
	s2 =	stileid.u32  }
0x76: {  	s1 =	rddreg [dreg:$0x1];
	p0 =	sne.s32 s2, $0x0  }
0x77: {  	s3 =	rddreg [dreg:$0x2];
	[bflag:$0x3] =	sbarrier.arrive $0xFFFF;
	s2 =	simm.s32 @!p0 $0x1C03  }
0x78: {  	[timem:s3], [sflag:s2] =	dma.local @!p0 [hbm:s0], s1  }
0x79: {  	s0 =	simm.s32 @!p0 $0x3  }
0x7a: {  	_ =	swait.ge @!p0 [sflag:s0], s1  }
0x7b: {  	s1 =	ssub.s32 @!p0 $0x0, s1;
	[sflag:s0] =	ssyncset.done @!p0 $0x0  }
0x7c: {  	[sflag:s0] =	ssyncadd.s32 @!p0 s1  }
0x7d: {  	[bflag:$0x3] =	sbarrier.arrive $0xFFFF  }
0x7e: {  	_ =	shalt  }

// kernel: kernel.30.cloned.1.call-start
scs
__scs_entry_jumppad:
0x0: {  	(pc) =	sbr.rel $0x88, $3  }
0x1: {  	(tag) =	ssettag $0x0;
	lr =	simm.s32 $0x1  }
0x2: {  	[smem:$0x3F85] =	sst lr;
	_ =	strace $0xD0000000  }
0x3: {  	_ = 	snop  }
0x4: {  	_ = 	snop  }
0x5: {  	_ = 	snop  }
0x6: {  	_ = 	snop  }
0x7: {  	_ = 	snop  }
__scs_overlays_trampoline_lowered:
0x8: {  	[smem:$0x3F94] =	sst s0  }
0x9: {  	[smem:$0x3F95] =	sst s1  }
0xa: {  	[smem:$0x3F96] =	sst s2  }
0xb: {  	[smem:$0x3F97] =	sst s3  }
0xc: {  	[smem:$0x3F98] =	sst s4  }
0xd: {  	[smem:$0x3F99] =	sst s5  }
0xe: {  	[smem:$0x3F9A] =	sst s6  }
0xf: {  	[smem:$0x3F9B] =	sst s7  }
0x10: {  	[smem:$0x3F9C] =	sst s8  }
0x11: {  	[smem:$0x3F9D] =	sst s9;
	s0 =	simm.s32 @!p0 $0x0  }
0x12: {  	s1 =	sld [smem:$0x3F83];
	s0 =	simm.s32 @p0 $0x1  }
0x13: {  	[smem:$0x3F9E] =	sst s0;
	s0 =	simm.s32 @!p1 $0x0  }
0x14: {  	s2 =	sld [smem:$0x3F82];
	s0 =	simm.s32 @p1 $0x1  }
0x15: {  	[smem:$0x3F9F] =	sst s0;
	s0 =	simm.s32 @!p2 $0x0  }
0x16: {  	s3 =	sld [smem:$0x3FDB];
	s0 =	simm.s32 @p2 $0x1  }
0x17: {  	s4 =	simm.s32 $0x1BF5;
	[smem:$0x3FA1] =	sst s0  }
0x18: {  	s0 =	sld [smem:$0x3F84];
	_ =	swait.ge [sflag:s4], $0x0  }
0x19: {  	s7 =	sld [smem:$0x3F85]  }
0x1a: {  	s8 =	sadd.s32 $0xFFFFE003, lr  }
0x1b: {  	s9 =	sadd.s32 $0xFFFFFEF7, lr;
	s5 =	simm.s32 $0xFFFFFFFF;
	p2 =	slt.u32 s8, $0xFFFFF086  }
0x1c: {  	p1 =	slt.u32 s9, $0xF7A;
	s5 =	simm.s32 @!p2 $0x0  }
0x1d: {  	s5 =	simm.s32 @p1 $0x1;
	p0 =	seq.s32 s7, s2  }
0x1e: {  	s7 =	smul.u32 @!p0 $0xF7A, s2;
	p2 =	seq.s32 @!p0 s5, $0x0  }
0x1f: {  	s9 =	smul.u32 $0xF7A, s1;
	s8 =	simm.s32 @!p0 $0x1BF5;
	p2 =	por !p2, p0  }
0x20: {  	[sflag:s8] =	ssyncset.s32 @!p0 $0xFFFFF086;
	s6 =	sadd.s32 @!p0 s3, s7;
	s7 =	simm.s32 @!p0 $0x108  }
0x21: {  	s3 =	sadd.s32 s3, s9;
	s6 =	sadd.s32 @!p0 $0x88, s6;
	s7 =	simm.s32 @p2 $0x1082  }
0x22: {  	[simem:s7], [sflag:s8] =	dma.local @!p0 [hbm:s6], $0xF7A  }
0x23: {  	s9 =	sor.u32 $0xD0000000, s2;
	s6 =	simm.s32 $0x108;
	_ =	swait.ge @!p0 [sflag:s8], $0x0  }
0x24: {  	s3 =	sadd.s32 $0x88, s3;
	s6 =	simm.s32 @!p1 $0x1082;
	[sflag:s4] =	ssyncset.s32 $0xFFFFF086  }
0x25: {  	[simem:s6], [sflag:s4] =	dma.local [hbm:s3], $0xF7A  }
0x26: {  	[smem:$0x3F85] =	sst s1;
	(tag) =	ssettag s2;
	_ =	strace s9  }
0x27: {  	s1 =	sld [smem:$0x3F95]  }
0x28: {  	s2 =	sld [smem:$0x3F96]  }
0x29: {  	s4 =	sld [smem:$0x3F98]  }
0x2a: {  	p0 =	seq.s32 s5, $0x0;
	s5 =	sld [smem:$0x3F99]  }
0x2b: {  	s6 =	sld [smem:$0x3F9A]  }
0x2c: {  	s7 =	sld [smem:$0x3F9B]  }
0x2d: {  	s3 =	simm.s32 $0x108;
	s8 =	sld [smem:$0x3F9C]  }
0x2e: {  	s3 =	simm.s32 @!p0 $0x1082;
	s9 =	sld [smem:$0x3F9D]  }
0x2f: {  	lr =	sadd.s32 s0, s3;
	s0 =	sld [smem:$0x3F94]  }
0x30: {  	s3 =	sld [smem:$0x3F97]  }
0x31: {  	[smem:$0x3FA0] =	sst s10  }
0x32: {  	s10 =	sld [smem:$0x3F9E];
	_ =	sdelay $0x3  }
0x33: {  	p0 =	seq.s32 s10, $0x1;
	s10 =	sld [smem:$0x3FA0];
	_ =	sdelay $0x3  }
0x34: {  	[smem:$0x3FA0] =	sst s10  }
0x35: {  	s10 =	sld [smem:$0x3F9F];
	_ =	sdelay $0x3  }
0x36: {  	p1 =	seq.s32 s10, $0x1;
	s10 =	sld [smem:$0x3FA0];
	_ =	sdelay $0x3  }
0x37: {  	[smem:$0x3FA0] =	sst s10  }
0x38: {  	s10 =	sld [smem:$0x3FA1]  }
0x39: {  	_ = 	snop;
	(pc) =	sbr.ind lr, $3  }
0x3a: {  	_ = 	snop  }
0x3b: {  	_ = 	snop  }
0x3c: {  	p2 =	seq.s32 s10, $0x1;
	s10 =	sld [smem:$0x3FA0]  }
0x3d: {  	_ =	shalt  }
0x3e: {  	_ =	shalt  }
0x3f: {  	_ =	shalt  }
0x40: {  	_ =	shalt  }
0x41: {  	_ =	shalt  }
0x42: {  	_ =	shalt  }
0x43: {  	_ =	shalt  }
0x44: {  	_ =	shalt  }
0x45: {  	_ =	shalt  }
0x46: {  	_ =	shalt  }
0x47: {  	_ =	shalt  }
0x48: {  	_ =	shalt  }
0x49: {  	_ =	shalt  }
0x4a: {  	_ =	shalt  }
0x4b: {  	_ =	shalt  }
0x4c: {  	_ =	shalt  }
0x4d: {  	_ =	shalt  }
0x4e: {  	_ =	shalt  }
0x4f: {  	_ =	shalt  }
0x50: {  	_ =	shalt  }
0x51: {  	_ =	shalt  }
0x52: {  	_ =	shalt  }
0x53: {  	_ =	shalt  }
0x54: {  	_ =	shalt  }
0x55: {  	_ =	shalt  }
0x56: {  	_ =	shalt  }
0x57: {  	_ =	shalt  }
0x58: {  	_ =	shalt  }
0x59: {  	_ =	shalt  }
0x5a: {  	_ =	shalt  }
0x5b: {  	_ =	shalt  }
0x5c: {  	_ =	shalt  }
0x5d: {  	_ =	shalt  }
0x5e: {  	_ =	shalt  }
0x5f: {  	_ =	shalt  }
0x60: {  	_ =	shalt  }
0x61: {  	_ =	shalt  }
0x62: {  	_ =	shalt  }
0x63: {  	_ =	shalt  }
0x64: {  	_ =	shalt  }
0x65: {  	_ =	shalt  }
0x66: {  	_ =	shalt  }
0x67: {  	_ =	shalt  }
0x68: {  	_ =	shalt  }
0x69: {  	_ =	shalt  }
0x6a: {  	_ =	shalt  }
0x6b: {  	_ =	shalt  }
0x6c: {  	_ =	shalt  }
0x6d: {  	_ =	shalt  }
0x6e: {  	_ =	shalt  }
0x6f: {  	_ =	shalt  }
0x70: {  	_ =	shalt  }
0x71: {  	_ =	shalt  }
0x72: {  	_ =	shalt  }
0x73: {  	_ =	shalt  }
0x74: {  	_ =	shalt  }
0x75: {  	_ =	shalt  }
0x76: {  	_ =	shalt  }
0x77: {  	_ =	shalt  }
0x78: {  	_ =	shalt  }
0x79: {  	_ =	shalt  }
0x7a: {  	_ =	shalt  }
0x7b: {  	_ =	shalt  }
0x7c: {  	_ =	shalt  }
0x7d: {  	_ =	shalt  }
0x7e: {  	_ =	shalt  }
0x7f: {  	_ =	shalt  }
0x80: {  	_ =	shalt  }
0x81: {  	_ =	shalt  }
0x82: {  	_ =	shalt  }
0x83: {  	_ =	shalt  }
0x84: {  	_ =	shalt  }
0x85: {  	_ =	shalt  }
0x86: {  	_ =	shalt  }
0x87: {  	_ =	shalt  }
.Lfunc_end0:
.L_simem_size_0:
called_computation.5_lowered:
.L_overlay_start_0:
0x88: {  	s2 =	sld [smem:$0x3FD9]  }
0x89: {  	s3 =	sld [smem:$0x3FFE];
	_ =	sdelay $0x1  }
0x8a: {  	s1 =	srdreg.scid  }
0x8b: {  	s0 =	sand.u32 $0x1, s1  }
0x8c: {  	s16 =	sshll.u32 s0, $0xA;
	s2 =	sadd.s32 s3, s2  }
0x8d: {  	s2 =	sadd.s32 s2, s16  }
0x8e: {  	[smem:$0x3FAC] =	sst s2  }
0x8f: {  	_ = 	snop  }
0x90: {  	(tm) =	ssettm $0x1  }
0x91: {  	s17 =	sld [smem:$0x3FFB];
	_ =	sdelay $0x3  }
0x92: {  	_ =	strace s17  }
0x93: {  	s2 =	sld [smem:$0x3FFC];
	_ =	sdelay $0x3  }
0x94: {  	_ =	strace s2  }
0x95: {  	s2 =	sld [smem:$0x3FFD];
	_ =	sdelay $0x3  }
0x96: {  	_ =	strace s2  }
0x97: {  	_ =	strace $0x8FFFFFFF  }
0x98: {  	s18 =	sld [smem:$0x3FDB];
	_ =	sdelay $0x1  }
0x99: {  	s19 =	simm.s32 $_scs_section_size  }
0x9a: {  	s4 =	simm.s32 $_size__tile_overlayer_lowered;
	s5 =	simm.s32 $_tile_overlayer_lowered  }
0x9b: {  	s22 =	simm.s32 $0x1BFF;
	s21 =	sshll.u32 s5, $0x1;
	s2 =	sadd.s32 s19, s18  }
0x9c: {  	s6 =	simm.s32 $0x0;
	s20 =	sshll.u32 s4, $0x1;
	s4 =	sadd.s32 s21, s2  }
0x9d: {  	[timem:s6], [sflag:s22] =	dma.local [hbm:s4], s20  }
0x9e: {  	_ =	swait.ge [sflag:s22], s20  }
0x9f: {  	s3 =	ssub.s32 $0x0, s20;
	[sflag:s22] =	ssyncset.done $0x0  }
0xa0: {  	[sflag:s22] =	ssyncadd.s32 s3;
	_ =	sdelay $0x1  }
0xa1: {  	s23 =	simm.s32 $0x1B8B  }
0xa2: {  	_ =	swait.ge [sflag:s23], $0x1  }
0xa3: {  	[sflag:s23] =	ssyncset.done $0x0  }
0xa4: {  	s25 =	simm.s32 $0x1B8E;
	s24 =	sld [smem:$0x3FFE];
	[sflag:s23] =	ssyncadd.s32 $0xFFFFFFFF  }
0xa5: {  	s26 =	simm.s32 $execute0_lowered;
	[smem:$0x3FD2] =	sst s25  }
0xa6: {  	s4 =	sshll.u32 s26, $0x1;
	_ =	strace $0x80000055;
	[dreg:$0x1] =	wrdreg $0xFFFFFFFF  }
0xa7: {  	s28 =	simm.s32 $_size_execute0_lowered;
	s2 =	sadd.s32 s2, s4;
	[dreg:$0x0] =	wrdreg $0x0  }
0xa8: {  	s4 =	sshll.u32 s28, $0x1;
	[dreg:$0x2] =	wrdreg s2  }
0xa9: {  	[dreg:$0x3] =	wrdreg s4  }
0xaa: {  	[dreg:$0x4] =	wrdreg $0xC0  }
0xab: {  	_ =	task [dreg:s6], $0x5FFFF  }
0xac: {  	[dreg:$0x1] =	wrdreg $0xFFFFFFFF  }
0xad: {  	[dreg:$0x0] =	wrdreg $0x60  }
0xae: {  	[dreg:$0x2] =	wrdreg s24  }
0xaf: {  	[dreg:$0x3] =	wrdreg $0x174000  }
0xb0: {  	[dreg:$0x4] =	wrdreg $0x9  }
0xb1: {  	_ =	task.clear_ibuf [dreg:s6], $0x5FFFF;
	_ =	strace $0x90000055  }
0xb2: {  	s29 =	simm.s32 $0x9;
	_ =	strace $0x80000057  }
0xb3: {  	_ =	swait.ge [sflag:s29], $0x1  }
0xb4: {  	[sflag:s29] =	ssyncadd.s32 $0xFFFFFFFF  }
0xb5: {  	_ =	strace $0x90000057  }
0xb6: {  	_ =	sfence  }
0xb7: {  	s30 =	sld [smem:$0x0];
	_ =	sdelay $0x2  }
0xb8: {  	s31 =	sshll.u32 s1, $0xD;
	s1 =	sshrl.u32 s1, $0x2  }
0xb9: {  	s3 =	sand.u32 $0x4000, s31;
	s1 =	sadd.s32 s1, s30  }
0xba: {  	s0 =	sor.u32 s3, s0;
	s1 =	sshll.u32 s1, $0x11  }
0xbb: {  	s0 =	sor.u32 s1, s0  }
0xbc: {  	s0 =	sadd.s32 $0x8F2B, s0  }
0xbd: {  	[sflag:s0] =	ssyncadd.remote.s32 $0x1  }
0xbe: {  	_ =	sfence.sel $0xFFFF  }
0xbf: {  	[dreg:$0x0] =	wrdreg $0xFFFFFFFF;
	(pc) =	sbr.abs _section_cstart, $3  }
0xc0: {  	[dreg:$0x1] =	wrdreg $0xFFFFFFFF  }
0xc1: {  	_ =	task.clear_ibuf [dreg:s6], $0x2FFFF;
	_ =	strace $0x9FFFFFFF  }
0xc2: {  	(tm) =	ssettm $0x7FFFFFFF  }
0xc3: {  	_ =	shalt  }
tec
execute0_lowered:
.L_overlay_start_1:
0x0: {  	(tag) =	ssettag $0x1  }
0x1: {  	s0 =	srdreg.scid;
	s4 =	rddreg [dreg:$0x0]  }
0x2: {  	s3 =	stileid.u32;
	s2 =	rddreg [dreg:$0x1];
	s13 =	simm.s32 $0x3  }
0x3: {  	s14 =	simm.s32 $0x1400;
	s16 =	simm.s32 $0x1;
	s17 =	simm.s32 $0x5280  }
0x4: {  	s18 =	simm.s32 $0x7D;
	s15 =	simm.s32 $0x2;
	s19 =	simm.s32 $0x9100  }
0x5: {  	s22 =	simm.s32 $0xCF80;
	s28 =	simm.s32 $0x1200;
	s29 =	simm.s32 $0x12D40  }
0x6: {  	s30 =	simm.s32 $0x1280;
	s31 =	simm.s32 $0x13510;
	s20 =	simm.s32 $0x1380  }
0x7: {  	s21 =	simm.s32 $0x144B0;
	s0 =	sand.u32 $0x1, s0;
	s6 =	smul.u32 $0x2780, s3  }
0x8: {  	s23 =	simm.s32 $0x0;
	s1 =	sshll.u32 s0, $0x4;
	s7 =	smul.u32 $0x27800, s0  }
0x9: {  	s0 =	ssub.s32 $0x2, s0;
	s1 =	sor.u32 s3, s1;
	s3 =	simm.s32 $0x0  }
0xa: {  	s26 =	sshrl.u32 s0, $0x1;
	s5 =	smul.u32 $0x2710, s1;
	[smem:$0x7FF] =	sst s3  }
0xb: {  	s1 =	smul.u32 $0x1400, s1;
	s25 =	sadd.s32 s6, s7;
	s0 =	ssub.s32 s0, s26  }
0xc: {  	s6 =	sadd.s32 s6, s2;
	s26 =	simm.s32 $0x10E00;
	_ =	strace $0x80000056  }
0xd: {  	s12 =	sadd.s32 s5, s4;
	s1 =	sshrl.u32 s1, $0x3;
	s5 =	sshrl.u32 s25, $0x3  }
0xe: {  	s1 =	sadd.s32 s4, s1;
	s8 =	sadd.s32 s5, s4;
	s5 =	sadd.s32 $0x17000, s12  }
0xf: {  	s9 =	sadd.s32 $0x177D0, s12;
	s10 =	sadd.s32 $0x17FA0, s12;
	s11 =	sadd.s32 $0x18770, s12  }
0x10: {  	s12 =	sadd.s32 $0x18F40, s12;
	s4 =	sadd.s32 $0xD000, s1;
	s7 =	sadd.s32 $0x65200, s8  }
0x11: {  	v0 =	vimm.f32 $0.0e+00;
	s8 =	smax.u32 s0, $0x1;
	s1 =	simm.s32 $0x1300;
	s0 =	simm.s32 $0x13CE0  }
.LBB2_1:
0x12: {  	[tilespmem:s3], [sflag:$0x3] =	stream.linear.gather [hbm4b:s4+s3], $0x1400, $0x38;
	[tilespmem:$0x19B80] =	vst v63  }
0x13: {  	_ =	swait.ge [sflag:s13], $0x1400  }
0x14: {  	[sflag:s13] =	ssyncset.done $0x0  }
0x15: {  	s24 =	simm.s32 $0x40;
	s25 =	simm.s32 $0x0;
	[sflag:s13] =	ssyncadd.s32 $0xFFFFEC00  }
0x16: {  	[tilespmem:s14], [sflag:$0x1] =	stream.linear.gather [hbm4b:s5+s3], $0x3E80, $0x38;
	[tilespmem:$0x19B80] =	vst v63  }
.LBB2_2:
0x17: {  	p0 =	sne.s32 s24, $0x9DC0;
	[tilespmem:s25+$0x14C80] =	vst v0;
	s25 =	smov.u32 s24;
	s24 =	sadd.s32 $0x40, s24  }
.Ltmp0:
0x18: {  	(pc) =	sbr.rel @p0 .LBB2_2-.Ltmp0, $2  }
0x19: {  	_ =	sdelay $0x2  }
0x1a: {  	s25 =	sshra.s32 s25, $0x2  }
0x1b: {  	[tilespmem:s25+$0x14C80] =	vst v0;
	s24 =	simm.s32 $0x14C80  }
0x1c: {  	[spmem:s6] =	stream.linear.scatter [tilespmem:s24], [sflag:$0x3], $0x2780, $0x38;
	[tilespmem:$0x19B80] =	vst v63  }
0x1d: {  	_ =	swait.ge [sflag:s13], $0x2780  }
0x1e: {  	[sflag:s13] =	ssyncset.done $0x0  }
0x1f: {  	[sflag:s13] =	ssyncadd.s32 $0xFFFFD880  }
0x20: {  	[bflag:$0x0] =	sbarrier.arrive $0xFFFF  }
0x21: {  	_ =	swait.ge [sflag:s16], $0x3E80  }
0x22: {  	[sflag:s16] =	ssyncset.done $0x0  }
0x23: {  	[sflag:s16] =	ssyncadd.s32 $0xFFFFC180  }
0x24: {  	[tilespmem:s17], [sflag:$0x1] =	stream.linear.gather [hbm4b:s9+s3], $0x3E80, $0x38;
	[tilespmem:$0x19B80] =	vst v63  }
0x25: {  	_ = 	snop  }
0x26: {  	[spmem:s2] =	stream.indirect.scatter.add.f32 [tilespmem:s14], [sflag:$0x2], $0x10, s3, s18, $0xb8;
	[tilespmem:$0x19B80] =	vst v63  }
0x27: {  	s25 =	simm.s32 $0x1BD0;
	s24 =	simm.s32 $0x80  }
0x28: {  	[spmem:s2] =	stream.indirect.scatter.add.f32 [tilespmem:s25], [sflag:$0x2], $0x10, s24, s18, $0xb8;
	[tilespmem:$0x19B80] =	vst v63  }
0x29: {  	s24 =	simm.s32 $0x100;
	s25 =	simm.s32 $0x23A0  }
0x2a: {  	[spmem:s2] =	stream.indirect.scatter.add.f32 [tilespmem:s25], [sflag:$0x2], $0x10, s24, s18, $0xb8;
	[tilespmem:$0x19B80] =	vst v63  }
0x2b: {  	s24 =	simm.s32 $0x180;
	s25 =	simm.s32 $0x2B70  }
0x2c: {  	[spmem:s2] =	stream.indirect.scatter.add.f32 [tilespmem:s25], [sflag:$0x2], $0x10, s24, s18, $0xb8;
	[tilespmem:$0x19B80] =	vst v63  }
0x2d: {  	s24 =	simm.s32 $0x200;
	s25 =	simm.s32 $0x3340  }
0x2e: {  	[spmem:s2] =	stream.indirect.scatter.add.f32 [tilespmem:s25], [sflag:$0x2], $0x10, s24, s18, $0xb8;
	[tilespmem:$0x19B80] =	vst v63  }
0x2f: {  	s24 =	simm.s32 $0x280;
	s25 =	simm.s32 $0x3B10  }
0x30: {  	[spmem:s2] =	stream.indirect.scatter.add.f32 [tilespmem:s25], [sflag:$0x2], $0x10, s24, s18, $0xb8;
	[tilespmem:$0x19B80] =	vst v63  }
0x31: {  	s24 =	simm.s32 $0x300;
	s25 =	simm.s32 $0x42E0  }
0x32: {  	[spmem:s2] =	stream.indirect.scatter.add.f32 [tilespmem:s25], [sflag:$0x2], $0x10, s24, s18, $0xb8;
	[tilespmem:$0x19B80] =	vst v63  }
0x33: {  	s24 =	simm.s32 $0x380;
	s25 =	simm.s32 $0x4AB0  }
0x34: {  	[spmem:s2] =	stream.indirect.scatter.add.f32 [tilespmem:s25], [sflag:$0x2], $0x10, s24, s18, $0xb8;
	[tilespmem:$0x19B80] =	vst v63  }
0x35: {  	_ =	swait.ge [sflag:s15], $0x7D0  }
0x36: {  	[sflag:s15] =	ssyncset.done $0x0  }
0x37: {  	[sflag:s15] =	ssyncadd.s32 $0xFFFFF830  }
0x38: {  	_ =	swait.ge [sflag:s15], $0x7D0  }
0x39: {  	[sflag:s15] =	ssyncset.done $0x0  }
0x3a: {  	[sflag:s15] =	ssyncadd.s32 $0xFFFFF830  }
0x3b: {  	_ =	swait.ge [sflag:s15], $0x7D0  }
0x3c: {  	[sflag:s15] =	ssyncset.done $0x0  }
0x3d: {  	[sflag:s15] =	ssyncadd.s32 $0xFFFFF830  }
0x3e: {  	_ =	swait.ge [sflag:s15], $0x7D0  }
0x3f: {  	[sflag:s15] =	ssyncset.done $0x0  }
0x40: {  	[sflag:s15] =	ssyncadd.s32 $0xFFFFF830  }
0x41: {  	_ =	swait.ge [sflag:s15], $0x7D0  }
0x42: {  	[sflag:s15] =	ssyncset.done $0x0  }
0x43: {  	[sflag:s15] =	ssyncadd.s32 $0xFFFFF830  }
0x44: {  	_ =	swait.ge [sflag:s15], $0x7D0  }
0x45: {  	[sflag:s15] =	ssyncset.done $0x0  }
0x46: {  	[sflag:s15] =	ssyncadd.s32 $0xFFFFF830  }
0x47: {  	_ =	swait.ge [sflag:s15], $0x7D0  }
0x48: {  	[sflag:s15] =	ssyncset.done $0x0  }
0x49: {  	[sflag:s15] =	ssyncadd.s32 $0xFFFFF830  }
0x4a: {  	_ =	swait.ge [sflag:s15], $0x7D0  }
0x4b: {  	[sflag:s15] =	ssyncset.done $0x0  }
0x4c: {  	[sflag:s15] =	ssyncadd.s32 $0xFFFFF830  }
0x4d: {  	_ =	swait.ge [sflag:s16], $0x3E80  }
0x4e: {  	[sflag:s16] =	ssyncset.done $0x0  }
0x4f: {  	[sflag:s16] =	ssyncadd.s32 $0xFFFFC180  }
0x50: {  	[tilespmem:s19], [sflag:$0x1] =	stream.linear.gather [hbm4b:s10+s3], $0x3E80, $0x38;
	[tilespmem:$0x19B80] =	vst v63  }
0x51: {  	s25 =	simm.s32 $0x400  }
0x52: {  	[spmem:s2] =	stream.indirect.scatter.add.f32 [tilespmem:s17], [sflag:$0x2], $0x10, s25, s18, $0xb8;
	[tilespmem:$0x19B80] =	vst v63  }
0x53: {  	s24 =	simm.s32 $0x480;
	s25 =	simm.s32 $0x5A50  }
0x54: {  	[spmem:s2] =	stream.indirect.scatter.add.f32 [tilespmem:s25], [sflag:$0x2], $0x10, s24, s18, $0xb8;
	[tilespmem:$0x19B80] =	vst v63  }
0x55: {  	s24 =	simm.s32 $0x500;
	s25 =	simm.s32 $0x6220  }
0x56: {  	[spmem:s2] =	stream.indirect.scatter.add.f32 [tilespmem:s25], [sflag:$0x2], $0x10, s24, s18, $0xb8;
	[tilespmem:$0x19B80] =	vst v63  }
0x57: {  	s24 =	simm.s32 $0x580;
	s25 =	simm.s32 $0x69F0  }
0x58: {  	[spmem:s2] =	stream.indirect.scatter.add.f32 [tilespmem:s25], [sflag:$0x2], $0x10, s24, s18, $0xb8;
	[tilespmem:$0x19B80] =	vst v63  }
0x59: {  	s24 =	simm.s32 $0x600;
	s25 =	simm.s32 $0x71C0  }
0x5a: {  	[spmem:s2] =	stream.indirect.scatter.add.f32 [tilespmem:s25], [sflag:$0x2], $0x10, s24, s18, $0xb8;
	[tilespmem:$0x19B80] =	vst v63  }
0x5b: {  	s24 =	simm.s32 $0x680;
	s25 =	simm.s32 $0x7990  }
0x5c: {  	[spmem:s2] =	stream.indirect.scatter.add.f32 [tilespmem:s25], [sflag:$0x2], $0x10, s24, s18, $0xb8;
	[tilespmem:$0x19B80] =	vst v63  }
0x5d: {  	s24 =	simm.s32 $0x700;
	s25 =	simm.s32 $0x8160  }
0x5e: {  	[spmem:s2] =	stream.indirect.scatter.add.f32 [tilespmem:s25], [sflag:$0x2], $0x10, s24, s18, $0xb8;
	[tilespmem:$0x19B80] =	vst v63  }
0x5f: {  	s24 =	simm.s32 $0x780;
	s25 =	simm.s32 $0x8930  }
0x60: {  	[spmem:s2] =	stream.indirect.scatter.add.f32 [tilespmem:s25], [sflag:$0x2], $0x10, s24, s18, $0xb8;
	[tilespmem:$0x19B80] =	vst v63  }
0x61: {  	_ =	swait.ge [sflag:s15], $0x7D0  }
0x62: {  	[sflag:s15] =	ssyncset.done $0x0  }
0x63: {  	[sflag:s15] =	ssyncadd.s32 $0xFFFFF830  }
0x64: {  	_ =	swait.ge [sflag:s15], $0x7D0  }
0x65: {  	[sflag:s15] =	ssyncset.done $0x0  }
0x66: {  	[sflag:s15] =	ssyncadd.s32 $0xFFFFF830  }
0x67: {  	_ =	swait.ge [sflag:s15], $0x7D0  }
0x68: {  	[sflag:s15] =	ssyncset.done $0x0  }
0x69: {  	[sflag:s15] =	ssyncadd.s32 $0xFFFFF830  }
0x6a: {  	_ =	swait.ge [sflag:s15], $0x7D0  }
0x6b: {  	[sflag:s15] =	ssyncset.done $0x0  }
0x6c: {  	[sflag:s15] =	ssyncadd.s32 $0xFFFFF830  }
0x6d: {  	_ =	swait.ge [sflag:s15], $0x7D0  }
0x6e: {  	[sflag:s15] =	ssyncset.done $0x0  }
0x6f: {  	[sflag:s15] =	ssyncadd.s32 $0xFFFFF830  }
0x70: {  	_ =	swait.ge [sflag:s15], $0x7D0  }
0x71: {  	[sflag:s15] =	ssyncset.done $0x0  }
0x72: {  	[sflag:s15] =	ssyncadd.s32 $0xFFFFF830  }
0x73: {  	_ =	swait.ge [sflag:s15], $0x7D0  }
0x74: {  	[sflag:s15] =	ssyncset.done $0x0  }
0x75: {  	[sflag:s15] =	ssyncadd.s32 $0xFFFFF830  }
0x76: {  	_ =	swait.ge [sflag:s15], $0x7D0  }
0x77: {  	[sflag:s15] =	ssyncset.done $0x0  }
0x78: {  	[sflag:s15] =	ssyncadd.s32 $0xFFFFF830  }
0x79: {  	_ =	swait.ge [sflag:s16], $0x3E80  }
0x7a: {  	[sflag:s16] =	ssyncset.done $0x0  }
0x7b: {  	[sflag:s16] =	ssyncadd.s32 $0xFFFFC180  }
0x7c: {  	[tilespmem:s22], [sflag:$0x1] =	stream.linear.gather [hbm4b:s11+s3], $0x3E80, $0x38;
	[tilespmem:$0x19B80] =	vst v63  }
0x7d: {  	s25 =	simm.s32 $0x800  }
0x7e: {  	[spmem:s2] =	stream.indirect.scatter.add.f32 [tilespmem:s19], [sflag:$0x2], $0x10, s25, s18, $0xb8;
	[tilespmem:$0x19B80] =	vst v63  }
0x7f: {  	s24 =	simm.s32 $0x880;
	s25 =	simm.s32 $0x98D0  }
0x80: {  	[spmem:s2] =	stream.indirect.scatter.add.f32 [tilespmem:s25], [sflag:$0x2], $0x10, s24, s18, $0xb8;
	[tilespmem:$0x19B80] =	vst v63  }
0x81: {  	s24 =	simm.s32 $0x900;
	s25 =	simm.s32 $0xA0A0  }
0x82: {  	[spmem:s2] =	stream.indirect.scatter.add.f32 [tilespmem:s25], [sflag:$0x2], $0x10, s24, s18, $0xb8;
	[tilespmem:$0x19B80] =	vst v63  }
0x83: {  	s24 =	simm.s32 $0x980;
	s25 =	simm.s32 $0xA870  }
0x84: {  	[spmem:s2] =	stream.indirect.scatter.add.f32 [tilespmem:s25], [sflag:$0x2], $0x10, s24, s18, $0xb8;
	[tilespmem:$0x19B80] =	vst v63  }
0x85: {  	s24 =	simm.s32 $0xA00;
	s25 =	simm.s32 $0xB040  }
0x86: {  	[spmem:s2] =	stream.indirect.scatter.add.f32 [tilespmem:s25], [sflag:$0x2], $0x10, s24, s18, $0xb8;
	[tilespmem:$0x19B80] =	vst v63  }
0x87: {  	s24 =	simm.s32 $0xA80;
	s25 =	simm.s32 $0xB810  }
0x88: {  	[spmem:s2] =	stream.indirect.scatter.add.f32 [tilespmem:s25], [sflag:$0x2], $0x10, s24, s18, $0xb8;
	[tilespmem:$0x19B80] =	vst v63  }
0x89: {  	s24 =	simm.s32 $0xB00;
	s25 =	simm.s32 $0xBFE0  }
0x8a: {  	[spmem:s2] =	stream.indirect.scatter.add.f32 [tilespmem:s25], [sflag:$0x2], $0x10, s24, s18, $0xb8;
	[tilespmem:$0x19B80] =	vst v63  }
0x8b: {  	s24 =	simm.s32 $0xB80;
	s25 =	simm.s32 $0xC7B0  }
0x8c: {  	[spmem:s2] =	stream.indirect.scatter.add.f32 [tilespmem:s25], [sflag:$0x2], $0x10, s24, s18, $0xb8;
	[tilespmem:$0x19B80] =	vst v63  }
0x8d: {  	_ =	swait.ge [sflag:s15], $0x7D0  }
0x8e: {  	[sflag:s15] =	ssyncset.done $0x0  }
0x8f: {  	[sflag:s15] =	ssyncadd.s32 $0xFFFFF830  }
0x90: {  	_ =	swait.ge [sflag:s15], $0x7D0  }
0x91: {  	[sflag:s15] =	ssyncset.done $0x0  }
0x92: {  	[sflag:s15] =	ssyncadd.s32 $0xFFFFF830  }
0x93: {  	_ =	swait.ge [sflag:s15], $0x7D0  }
0x94: {  	[sflag:s15] =	ssyncset.done $0x0  }
0x95: {  	[sflag:s15] =	ssyncadd.s32 $0xFFFFF830  }
0x96: {  	_ =	swait.ge [sflag:s15], $0x7D0  }
0x97: {  	[sflag:s15] =	ssyncset.done $0x0  }
0x98: {  	[sflag:s15] =	ssyncadd.s32 $0xFFFFF830  }
0x99: {  	_ =	swait.ge [sflag:s15], $0x7D0  }
0x9a: {  	[sflag:s15] =	ssyncset.done $0x0  }
0x9b: {  	[sflag:s15] =	ssyncadd.s32 $0xFFFFF830  }
0x9c: {  	_ =	swait.ge [sflag:s15], $0x7D0  }
0x9d: {  	[sflag:s15] =	ssyncset.done $0x0  }
0x9e: {  	[sflag:s15] =	ssyncadd.s32 $0xFFFFF830  }
0x9f: {  	_ =	swait.ge [sflag:s15], $0x7D0  }
0xa0: {  	[sflag:s15] =	ssyncset.done $0x0  }
0xa1: {  	[sflag:s15] =	ssyncadd.s32 $0xFFFFF830  }
0xa2: {  	_ =	swait.ge [sflag:s15], $0x7D0  }
0xa3: {  	[sflag:s15] =	ssyncset.done $0x0  }
0xa4: {  	[sflag:s15] =	ssyncadd.s32 $0xFFFFF830  }
0xa5: {  	_ =	swait.ge [sflag:s16], $0x3E80  }
0xa6: {  	[sflag:s16] =	ssyncset.done $0x0  }
0xa7: {  	[sflag:s16] =	ssyncadd.s32 $0xFFFFC180  }
0xa8: {  	[tilespmem:s26], [sflag:$0x1] =	stream.linear.gather [hbm4b:s12+s3], $0x3E80, $0x38;
	[tilespmem:$0x19B80] =	vst v63  }
0xa9: {  	s25 =	simm.s32 $0xC00  }
0xaa: {  	[spmem:s2] =	stream.indirect.scatter.add.f32 [tilespmem:s22], [sflag:$0x2], $0x10, s25, s18, $0xb8;
	[tilespmem:$0x19B80] =	vst v63  }
0xab: {  	s24 =	simm.s32 $0xC80;
	s25 =	simm.s32 $0xD750  }
0xac: {  	[spmem:s2] =	stream.indirect.scatter.add.f32 [tilespmem:s25], [sflag:$0x2], $0x10, s24, s18, $0xb8;
	[tilespmem:$0x19B80] =	vst v63  }
0xad: {  	s24 =	simm.s32 $0xD00;
	s25 =	simm.s32 $0xDF20  }
0xae: {  	[spmem:s2] =	stream.indirect.scatter.add.f32 [tilespmem:s25], [sflag:$0x2], $0x10, s24, s18, $0xb8;
	[tilespmem:$0x19B80] =	vst v63  }
0xaf: {  	s24 =	simm.s32 $0xD80;
	s25 =	simm.s32 $0xE6F0  }
0xb0: {  	[spmem:s2] =	stream.indirect.scatter.add.f32 [tilespmem:s25], [sflag:$0x2], $0x10, s24, s18, $0xb8;
	[tilespmem:$0x19B80] =	vst v63  }
0xb1: {  	s24 =	simm.s32 $0xE00;
	s25 =	simm.s32 $0xEEC0  }
0xb2: {  	[spmem:s2] =	stream.indirect.scatter.add.f32 [tilespmem:s25], [sflag:$0x2], $0x10, s24, s18, $0xb8;
	[tilespmem:$0x19B80] =	vst v63  }
0xb3: {  	s24 =	simm.s32 $0xE80;
	s25 =	simm.s32 $0xF690  }
0xb4: {  	[spmem:s2] =	stream.indirect.scatter.add.f32 [tilespmem:s25], [sflag:$0x2], $0x10, s24, s18, $0xb8;
	[tilespmem:$0x19B80] =	vst v63  }
0xb5: {  	s24 =	simm.s32 $0xF00;
	s25 =	simm.s32 $0xFE60  }
0xb6: {  	[spmem:s2] =	stream.indirect.scatter.add.f32 [tilespmem:s25], [sflag:$0x2], $0x10, s24, s18, $0xb8;
	[tilespmem:$0x19B80] =	vst v63  }
0xb7: {  	s24 =	simm.s32 $0xF80;
	s25 =	simm.s32 $0x10630  }
0xb8: {  	[spmem:s2] =	stream.indirect.scatter.add.f32 [tilespmem:s25], [sflag:$0x2], $0x10, s24, s18, $0xb8;
	[tilespmem:$0x19B80] =	vst v63  }
0xb9: {  	_ =	swait.ge [sflag:s15], $0x7D0  }
0xba: {  	[sflag:s15] =	ssyncset.done $0x0  }
0xbb: {  	[sflag:s15] =	ssyncadd.s32 $0xFFFFF830  }
0xbc: {  	_ =	swait.ge [sflag:s15], $0x7D0  }
0xbd: {  	[sflag:s15] =	ssyncset.done $0x0  }
0xbe: {  	[sflag:s15] =	ssyncadd.s32 $0xFFFFF830  }
0xbf: {  	_ =	swait.ge [sflag:s15], $0x7D0  }
0xc0: {  	[sflag:s15] =	ssyncset.done $0x0  }
0xc1: {  	[sflag:s15] =	ssyncadd.s32 $0xFFFFF830  }
0xc2: {  	_ =	swait.ge [sflag:s15], $0x7D0  }
0xc3: {  	[sflag:s15] =	ssyncset.done $0x0  }
0xc4: {  	[sflag:s15] =	ssyncadd.s32 $0xFFFFF830  }
0xc5: {  	_ =	swait.ge [sflag:s15], $0x7D0  }
0xc6: {  	[sflag:s15] =	ssyncset.done $0x0  }
0xc7: {  	[sflag:s15] =	ssyncadd.s32 $0xFFFFF830  }
0xc8: {  	_ =	swait.ge [sflag:s15], $0x7D0  }
0xc9: {  	[sflag:s15] =	ssyncset.done $0x0  }
0xca: {  	[sflag:s15] =	ssyncadd.s32 $0xFFFFF830  }
0xcb: {  	_ =	swait.ge [sflag:s15], $0x7D0  }
0xcc: {  	[sflag:s15] =	ssyncset.done $0x0  }
0xcd: {  	[sflag:s15] =	ssyncadd.s32 $0xFFFFF830  }
0xce: {  	_ =	swait.ge [sflag:s15], $0x7D0  }
0xcf: {  	[sflag:s15] =	ssyncset.done $0x0  }
0xd0: {  	[sflag:s15] =	ssyncadd.s32 $0xFFFFF830  }
0xd1: {  	_ =	swait.ge [sflag:s16], $0x3E80  }
0xd2: {  	[sflag:s16] =	ssyncset.done $0x0  }
0xd3: {  	s25 =	simm.s32 $0x1000;
	[sflag:s16] =	ssyncadd.s32 $0xFFFFC180  }
0xd4: {  	[spmem:s2] =	stream.indirect.scatter.add.f32 [tilespmem:s26], [sflag:$0x2], $0x10, s25, s18, $0xb8;
	[tilespmem:$0x19B80] =	vst v63  }
0xd5: {  	s24 =	simm.s32 $0x1080;
	s25 =	simm.s32 $0x115D0  }
0xd6: {  	[spmem:s2] =	stream.indirect.scatter.add.f32 [tilespmem:s25], [sflag:$0x2], $0x10, s24, s18, $0xb8;
	[tilespmem:$0x19B80] =	vst v63  }
0xd7: {  	s24 =	simm.s32 $0x1100;
	s25 =	simm.s32 $0x11DA0  }
0xd8: {  	[spmem:s2] =	stream.indirect.scatter.add.f32 [tilespmem:s25], [sflag:$0x2], $0x10, s24, s18, $0xb8;
	[tilespmem:$0x19B80] =	vst v63  }
0xd9: {  	s24 =	simm.s32 $0x1180;
	s25 =	simm.s32 $0x12570  }
0xda: {  	[spmem:s2] =	stream.indirect.scatter.add.f32 [tilespmem:s25], [sflag:$0x2], $0x10, s24, s18, $0xb8;
	[tilespmem:$0x19B80] =	vst v63  }
0xdb: {  	_ = 	snop  }
0xdc: {  	[spmem:s2] =	stream.indirect.scatter.add.f32 [tilespmem:s29], [sflag:$0x2], $0x10, s28, s18, $0xb8;
	[tilespmem:$0x19B80] =	vst v63  }
0xdd: {  	_ = 	snop  }
0xde: {  	[spmem:s2] =	stream.indirect.scatter.add.f32 [tilespmem:s31], [sflag:$0x2], $0x10, s30, s18, $0xb8;
	[tilespmem:$0x19B80] =	vst v63  }
0xdf: {  	_ = 	snop  }
0xe0: {  	[spmem:s2] =	stream.indirect.scatter.add.f32 [tilespmem:s0], [sflag:$0x2], $0x10, s1, s18, $0xb8;
	[tilespmem:$0x19B80] =	vst v63  }
0xe1: {  	_ = 	snop  }
0xe2: {  	[spmem:s2] =	stream.indirect.scatter.add.f32 [tilespmem:s21], [sflag:$0x2], $0x10, s20, s18, $0xb8;
	[tilespmem:$0x19B80] =	vst v63  }
0xe3: {  	_ =	swait.ge [sflag:s15], $0x7D0  }
0xe4: {  	[sflag:s15] =	ssyncset.done $0x0  }
0xe5: {  	[sflag:s15] =	ssyncadd.s32 $0xFFFFF830  }
0xe6: {  	_ =	swait.ge [sflag:s15], $0x7D0  }
0xe7: {  	[sflag:s15] =	ssyncset.done $0x0  }
0xe8: {  	[sflag:s15] =	ssyncadd.s32 $0xFFFFF830  }
0xe9: {  	_ =	swait.ge [sflag:s15], $0x7D0  }
0xea: {  	[sflag:s15] =	ssyncset.done $0x0  }
0xeb: {  	[sflag:s15] =	ssyncadd.s32 $0xFFFFF830  }
0xec: {  	_ =	swait.ge [sflag:s15], $0x7D0  }
0xed: {  	[sflag:s15] =	ssyncset.done $0x0  }
0xee: {  	[sflag:s15] =	ssyncadd.s32 $0xFFFFF830  }
0xef: {  	_ =	swait.ge [sflag:s15], $0x7D0  }
0xf0: {  	[sflag:s15] =	ssyncset.done $0x0  }
0xf1: {  	[sflag:s15] =	ssyncadd.s32 $0xFFFFF830  }
0xf2: {  	_ =	swait.ge [sflag:s15], $0x7D0  }
0xf3: {  	[sflag:s15] =	ssyncset.done $0x0  }
0xf4: {  	[sflag:s15] =	ssyncadd.s32 $0xFFFFF830  }
0xf5: {  	_ =	swait.ge [sflag:s15], $0x7D0  }
0xf6: {  	[sflag:s15] =	ssyncset.done $0x0  }
0xf7: {  	[sflag:s15] =	ssyncadd.s32 $0xFFFFF830  }
0xf8: {  	s23 =	sadd.s32 $0x1, s23;
	_ =	swait.ge [sflag:s15], $0x7D0  }
0xf9: {  	p0 =	sne.s32 s23, s8;
	s25 =	stileid.u32;
	[sflag:s15] =	ssyncset.done $0x0  }
0xfa: {  	s24 =	sshll.u32 s25, $0x6;
	s25 =	sshrl.u32 s6, $0x3;
	[sflag:s15] =	ssyncadd.s32 $0xFFFFF830  }
.Ltmp1:
0xfb: {  	s24 =	sor.u32 $0x1C03, s24;
	[bflag:$0x0] =	sbarrier.arrive $0xFFFF;
	(pc) =	sbr.rel @p0 .LBB2_1-.Ltmp1, $4  }
0xfc: {  	[hbm:s7], [sflag:s24] =	dma.local [spmem:s25], $0x4F0  }
0xfd: {  	_ =	swait.ge [sflag:s13], $0x4F0  }
0xfe: {  	[sflag:s13] =	ssyncset.done $0x0  }
0xff: {  	[sflag:s13] =	ssyncadd.s32 $0xFFFFFB10  }
0x100: {  	_ =	sfence.sel $0x180000  }
0x101: {  	[bflag:$0x0] =	sbarrier.arrive $0xFFFF  }
0x102: {  	_ =	strace $0x90000056  }
0x103: {  	s0 =	stileid.u32;
	[bflag:$0x2] =	sbarrier.arrive $0xFFFF  }
0x104: {  	p0 =	sne.s32 s0, $0x0;
	s0 =	rddreg [dreg:$0x2]  }
0x105: {  	s0 =	sadd.s32 @!p0 $0x100000, s0  }
0x106: {  	[sflag:s0] =	ssyncadd.tile.s32 @!p0 $0x1;
	_ =	shalt  }
.Lfunc_end2:
_tile_overlayer_lowered:
.L_overlay_start_2:
0x107: {  	(tag) =	ssettag $0x2  }
0x108: {  	s0 =	rddreg [dreg:$0x0];
	s2 =	stileid.u32  }
0x109: {  	s1 =	rddreg [dreg:$0x1];
	p0 =	sne.s32 s2, $0x0  }
0x10a: {  	s3 =	rddreg [dreg:$0x2];
	[bflag:$0x3] =	sbarrier.arrive $0xFFFF;
	s2 =	simm.s32 @!p0 $0x1C03  }
0x10b: {  	[timem:s3], [sflag:s2] =	dma.local @!p0 [hbm:s0], s1  }
0x10c: {  	s0 =	simm.s32 @!p0 $0x3  }
0x10d: {  	_ =	swait.ge @!p0 [sflag:s0], s1  }
0x10e: {  	s1 =	ssub.s32 @!p0 $0x0, s1;
	[sflag:s0] =	ssyncset.done @!p0 $0x0  }
0x10f: {  	[sflag:s0] =	ssyncadd.s32 @!p0 s1  }
0x110: {  	[bflag:$0x3] =	sbarrier.arrive $0xFFFF  }
0x111: {  	_ =	shalt  }

</sc_bundles>
